<compile_context>
chip_gen: v7x
topology: tpu7x:2x2x1
jax: 0.10.2.dev20260603
libtpu: 0.0.44.dev20260713+nightly
codegen_flags: <defaults>
</compile_context>

<pallas_src>
import functools

import jax
import jax.numpy as jnp
import numpy as np
from jax import lax
from jax.experimental import pallas as pl
from jax.experimental.pallas import tpu as pltpu
from jax.experimental.pallas import tpu_sc as plsc

N = 10000
E = 160000
B = 100
NSP = 4
NPS = 4
NRAD = 8
CUT = 5.0
HID = 256
Y00 = 0.28209479177

CH = 128
NCHUNK_A = 40
EP = 32 * NCHUNK_A * CH
EB = 4096
FW = 80
ACC_ROWS = 20480
HALF = N * NSP // 2
NSB = 10
NB = NSB * (N // B)


def _sc_gather(itable, ptable, i_pad, j_pad):
    mesh = plsc.VectorSubcoreMesh(core_axis_name="c", subcore_axis_name="s")

    KG = 8

    @functools.partial(
        pl.kernel,
        out_type=(jax.ShapeDtypeStruct((EP, 16), jnp.float32),
                  jax.ShapeDtypeStruct((EP, 16), jnp.float32)),
        mesh=mesh,
        scratch_types=[
            pltpu.VMEM((KG, CH), jnp.int32),
            pltpu.VMEM((KG, CH, 16), jnp.float32),
            pltpu.SemaphoreType.DMA,
            pltpu.VMEM((KG, CH), jnp.int32),
            pltpu.VMEM((KG, CH, 16), jnp.float32),
            pltpu.SemaphoreType.DMA,
            pltpu.SemaphoreType.DMA,
        ],
        compiler_params=pltpu.CompilerParams(use_tc_tiling_on_sc=False),
    )
    def gather_k(itab, ptab, iidx, jidx, gi_out, gj_out,
                 idxa, rowsa, sema, idxb, rowsb, semb, semo):
        c = lax.axis_index("c")
        s = lax.axis_index("s")
        wid = s * 2 + c

        def body(grp, carry):
            base0 = wid * (NCHUNK_A * CH) + grp * (KG * CH)
            cps = []
            for k in range(KG):
                cps.append(pltpu.async_copy(
                    iidx.at[pl.ds(base0 + k * CH, CH)], idxa.at[k], sema))
                cps.append(pltpu.async_copy(
                    jidx.at[pl.ds(base0 + k * CH, CH)], idxb.at[k], semb))
            for cp in cps:
                cp.wait()
            cps = []
            for k in range(KG):
                cps.append(pltpu.async_copy(
                    itab.at[idxa.at[k]], rowsa.at[k], sema))
                cps.append(pltpu.async_copy(
                    ptab.at[idxb.at[k]], rowsb.at[k], semb))
            for cp in cps:
                cp.wait()
            cps = []
            for k in range(KG):
                cps.append(pltpu.async_copy(
                    rowsa.at[k], gi_out.at[pl.ds(base0 + k * CH, CH)], semo))
                cps.append(pltpu.async_copy(
                    rowsb.at[k], gj_out.at[pl.ds(base0 + k * CH, CH)], semo))
            for cp in cps:
                cp.wait()
            return carry

        lax.fori_loop(0, NCHUNK_A // KG, body, 0)

    return gather_k(itable, ptable, i_pad, j_pad)


def _tc_edge_features(gi, gj, sh, ip2, m80, exp9):
    grid = EP // EB

    def body(gi_ref, gj_ref, sh_ref, ip_ref, m_ref, e_ref, f_ref, key_ref):
        pid = pl.program_id(0)
        cdims = (((0,), (0,)), ((), ()))

        ir = jax.lax.broadcasted_iota(jnp.int32, (16, 16), 0)
        ic = jax.lax.broadcasted_iota(jnp.int32, (16, 16), 1)
        eye16 = (ir == ic).astype(jnp.float32)
        tdims = (((1,), (1,)), ((), ()))

        def xdot(a, b, dims):
            ah = a.astype(jnp.bfloat16)
            al = (a - ah.astype(jnp.float32)).astype(jnp.bfloat16)
            bb = b.astype(jnp.bfloat16)
            return (jax.lax.dot_general(ah, bb, dims,
                                        preferred_element_type=jnp.float32)
                    + jax.lax.dot_general(al, bb, dims,
                                          preferred_element_type=jnp.float32))

        def xtrans(x):
            ee = eye16.astype(jnp.bfloat16)
            xh = x.astype(jnp.bfloat16)
            xl = (x - xh.astype(jnp.float32)).astype(jnp.bfloat16)
            return (jax.lax.dot_general(ee, xh, tdims,
                                        preferred_element_type=jnp.float32)
                    + jax.lax.dot_general(ee, xl, tdims,
                                          preferred_element_type=jnp.float32))

        giT = xtrans(gi_ref[...])
        gjT = xtrans(gj_ref[...])

        s0 = sh_ref[0:1, :]
        s1 = sh_ref[1:2, :]
        s2 = sh_ref[2:3, :]
        vx = gjT[0:1, :] - giT[0:1, :] + (
            s0 * giT[3:4, :] + s1 * giT[6:7, :] + s2 * giT[9:10, :])
        vy = gjT[1:2, :] - giT[1:2, :] + (
            s0 * giT[4:5, :] + s1 * giT[7:8, :] + s2 * giT[10:11, :])
        vz = gjT[2:3, :] - giT[2:3, :] + (
            s0 * giT[5:6, :] + s1 * giT[8:9, :] + s2 * giT[11:12, :])
        r = jnp.sqrt(vx * vx + vy * vy + vz * vz + 1e-12)
        rinv = 1.0 / (r + 1e-9)
        u = vx * rinv
        v = vy * rinv
        w = vz * rinv
        rr = r * (np.pi / CUT)
        cx = jnp.cos(rr)
        sx = jnp.sin(rr)
        cutf = jnp.where(r < CUT, 0.5 * (cx + 1.0), 0.0)
        rcs = (np.sqrt(2.0 / CUT)) * rinv * cutf * sx
        c2 = cx * cx
        c3 = c2 * cx
        c4 = c2 * c2
        c5 = c3 * c2
        c6 = c3 * c3
        c7 = c4 * c3
        pw = jnp.concatenate(
            [jnp.full((1, EB), 1.0, jnp.float32), cx, c2, c3, c4, c5, c6, c7],
            axis=0)
        e1 = float(3.0 ** -0.25)
        e2 = float(5.0 ** -0.25)
        ys = (
            Y00 * rcs,
            (0.48860251190 * e1) * v * rcs,
            (0.48860251190 * e1) * w * rcs,
            (0.48860251190 * e1) * u * rcs,
            (1.09254843059 * e2) * u * v * rcs,
            (1.09254843059 * e2) * v * w * rcs,
            (0.31539156525 * e2) * (3.0 * w * w - 1.0) * rcs,
            (1.09254843059 * e2) * u * w * rcs,
            (0.54627421529 * e2) * (u * u - v * v) * rcs,
        )
        ysc = jnp.concatenate(ys, axis=0)
        f_ref[...] = (xdot(pw, m_ref[...], cdims)
                      * xdot(ysc, e_ref[...], cdims))

        spec = gjT[3:4, :]
        keyf = ip_ref[...] + spec * float(N)
        pos = jax.lax.broadcasted_iota(jnp.int32, (1, EB), 1) + pid * EB
        trashf = (N * NSP + (pos & 255)).astype(jnp.float32)
        key_ref[...] = jnp.where(pos < E, keyf, trashf)

    return pl.pallas_call(
        body,
        grid=(grid,),
        in_specs=[
            pl.BlockSpec((EB, 16), lambda d: (d, 0)),
            pl.BlockSpec((EB, 16), lambda d: (d, 0)),
            pl.BlockSpec((3, EB), lambda d: (0, d)),
            pl.BlockSpec((1, EB), lambda d: (0, d)),
            pl.BlockSpec((NRAD, FW), lambda d: (0, 0)),
            pl.BlockSpec((9, FW), lambda d: (0, 0)),
        ],
        out_specs=[
            pl.BlockSpec((EB, FW), lambda d: (d, 0)),
            pl.BlockSpec((1, EB), lambda d: (0, d)),
        ],
        out_shape=[
            jax.ShapeDtypeStruct((EP, FW), jnp.float32),
            jax.ShapeDtypeStruct((1, EP), jnp.float32),
        ],
    )(gi, gj, sh, ip2, m80, exp9)


def _sc_scatter(f, keys, zrows):
    mesh = plsc.VectorSubcoreMesh(core_axis_name="c", subcore_axis_name="s")
    n_ch = EP // 16 // CH
    zt = ACC_ROWS // 16 // CH
    wt = HALF // 16
    wch = 125
    n_wch = wt // wch

    @functools.partial(
        pl.kernel,
        out_type=jax.ShapeDtypeStruct((N * NSP, FW), jnp.float32),
        mesh=mesh,
        scratch_types=[
            pltpu.VMEM((2, CH), jnp.int32),
            pltpu.VMEM((2 * CH, FW), jnp.float32),
            pltpu.SemaphoreType.DMA,
            pltpu.SemaphoreType.DMA,
            pltpu.SemaphoreType.DMA,
            pltpu.VMEM_SHARED((ACC_ROWS, FW), jnp.float32),
        ],
        compiler_params=pltpu.CompilerParams(use_tc_tiling_on_sc=False),
    )
    def scatter_k(f_hbm, key_hbm, z_hbm, out_hbm, kv, rows, semk, semr,
                  sems, acc):
        c = lax.axis_index("c")
        s = lax.axis_index("s")
        base_key = c * HALF

        cps = [pltpu.async_copy(
                   z_hbm, acc.at[pl.ds(s * (zt * CH) + t * CH, CH)], semk)
               for t in range(zt)]
        for cp in cps:
            cp.wait()
        plsc.subcore_barrier()

        def body(grp, carry):
            base0 = s * (n_ch * CH) + grp * (2 * CH)
            cpk = pltpu.async_copy(
                key_hbm.at[pl.ds(base0 // CH, 2)], kv, semk)
            cpr = pltpu.async_copy(
                f_hbm.at[pl.ds(base0, 2 * CH)], rows, semr)
            cpk.wait()
            cpr.wait()
            for k in range(2):
                for o in range(CH // 16):
                    k16 = kv[k, pl.ds(o * 16, 16)]
                    loc = k16 - base_key
                    oob = (loc < 0) | (loc >= HALF)
                    trash = HALF + (k16 & 255)
                    kv[k, pl.ds(o * 16, 16)] = jnp.where(oob, trash, loc)
            cps = []
            for k in range(2):
                cps.append(pltpu.async_copy(
                    rows.at[pl.ds(k * CH, CH)], acc.at[kv.at[k]], sems,
                    add=True))
            for cp in cps:
                cp.wait()
            return carry

        lax.fori_loop(0, n_ch // 2, body, 0)
        plsc.subcore_barrier()

        cps = [pltpu.async_copy(
                   acc.at[pl.ds(s * wt + t * wch, wch)],
                   out_hbm.at[pl.ds(c * HALF + s * wt + t * wch, wch)], semk)
               for t in range(n_wch)]
        for cp in cps:
            cp.wait()

    return scatter_k(f, keys, zrows)


def _tc_head(cs_list, numsf, alpha_s, wcomp_s, scal_s, pmat, qmat,
             w_rsT, w_psT, w1T, b1r, w2T, b2r, w3T, spat):
    grid = B // NSB
    gsz = N // B

    def body(cs0_ref, cs1_ref, cs2_ref, cs3_ref, num_ref, alpha_ref,
             wcomp_ref, scal_ref, p_ref, q_ref, wrs_ref, wps_ref,
             w1_ref, b1_ref, w2_ref, b2_ref, w3_ref, sp_ref, out_ref):
        d = pl.program_id(0)
        cs = (cs0_ref[...], cs1_ref[...], cs2_ref[...], cs3_ref[...])
        rs = jnp.concatenate([c[:, 0:NRAD] for c in cs], axis=1) * (1.0 / Y00)
        cmix = []
        for p in range(NPS):
            acc = alpha_ref[0, p] * cs[0]
            for sp in range(1, NSP):
                acc = acc + alpha_ref[sp, p] * cs[sp]
            cmix.append(acc)
        pm = p_ref[...]
        qm = q_ref[...]
        ps_l = []
        for (m0, m1) in ((0, 1), (1, 4), (4, 9)):
            accp = None
            for m in range(m0, m1):
                am = jnp.concatenate(
                    [cm[:, m * NRAD:(m + 1) * NRAD] for cm in cmix], axis=1)
                ah = am.astype(jnp.bfloat16)
                al = (am - ah.astype(jnp.float32)).astype(jnp.bfloat16)
                rm = (jnp.dot(ah, pm, preferred_element_type=jnp.float32)
                      + jnp.dot(al, pm, preferred_element_type=jnp.float32))
                tm = (jnp.dot(ah, qm, preferred_element_type=jnp.float32)
                      + jnp.dot(al, qm, preferred_element_type=jnp.float32))
                term = rm * tm
                accp = term if accp is None else accp + term
            ps_l.append(accp)
        ps = jnp.concatenate(ps_l, axis=1)
        atom_e = (jnp.dot(rs, wrs_ref[...], preferred_element_type=jnp.float32)
                  + jnp.dot(ps, wps_ref[...], preferred_element_type=jnp.float32))
        h = jnp.dot(ps, w1_ref[...], preferred_element_type=jnp.float32)
        h = h + b1_ref[...]
        h = h * jax.nn.sigmoid(h)
        h = jnp.dot(h, w2_ref[...], preferred_element_type=jnp.float32)
        h = h + b2_ref[...]
        h = h * jax.nn.sigmoid(h)
        atom_e = atom_e + jnp.dot(h, w3_ref[...],
                                  preferred_element_type=jnp.float32)
        nm = num_ref[...]
        comp = wcomp_ref[0, 0] * (nm == 0.0).astype(jnp.float32)
        for sp in range(1, NSP):
            comp = comp + wcomp_ref[0, sp] * (nm == float(sp)).astype(jnp.float32)
        per_atom = atom_e + comp
        e10 = jnp.dot(sp_ref[...], per_atom,
                      preferred_element_type=jnp.float32)
        e10 = e10 + (scal_ref[0, 3] + gsz * (scal_ref[0, 0]
                                             + scal_ref[0, 1] + scal_ref[0, 2]))
        out_ref[pl.ds(d * NSB, NSB), :] = jnp.broadcast_to(e10, (NSB, 8))

    smem = pl.BlockSpec(memory_space=pltpu.SMEM)
    return pl.pallas_call(
        body,
        grid=(grid,),
        in_specs=[
            pl.BlockSpec((NB, FW), lambda d: (d, 0)),
            pl.BlockSpec((NB, FW), lambda d: (d, 0)),
            pl.BlockSpec((NB, FW), lambda d: (d, 0)),
            pl.BlockSpec((NB, FW), lambda d: (d, 0)),
            pl.BlockSpec((NB, 1), lambda d: (d, 0)),
            smem,
            smem,
            smem,
            pl.BlockSpec((32, 1024), lambda d: (0, 0)),
            pl.BlockSpec((32, 1024), lambda d: (0, 0)),
            pl.BlockSpec((32, 8), lambda d: (0, 0)),
            pl.BlockSpec((3072, 8), lambda d: (0, 0)),
            pl.BlockSpec((3072, HID), lambda d: (0, 0)),
            pl.BlockSpec((1, HID), lambda d: (0, 0)),
            pl.BlockSpec((HID, HID), lambda d: (0, 0)),
            pl.BlockSpec((1, HID), lambda d: (0, 0)),
            pl.BlockSpec((HID, 8), lambda d: (0, 0)),
            pl.BlockSpec((NSB, NB), lambda d: (0, 0)),
        ],
        out_specs=pl.BlockSpec((128, 8), lambda d: (0, 0)),
        out_shape=jax.ShapeDtypeStruct((128, 8), jnp.float32),
    )(*cs_list, numsf, alpha_s, wcomp_s, scal_s, pmat, qmat,
      w_rsT, w_psT, w1T, b1r, w2T, b2r, w3T, spat)


def kernel(positions, cells, numbers, edge_indices, edge_shifts, ptr,
           W_comp, b_comp, alpha, W_rs, b_rs, W_ps, b_ps,
           W1, b1, W2, b2, W3, b3):
    f32 = jnp.float32
    i_idx = edge_indices[0].astype(jnp.int32)
    j_idx = edge_indices[1].astype(jnp.int32)
    i_pad = jnp.pad(i_idx, (0, EP - E))
    j_pad = jnp.pad(j_idx, (0, EP - E))
    sh_pad = jnp.pad(edge_shifts.astype(f32), ((0, EP - E), (0, 0)))
    posf = positions.astype(f32)
    cells9 = cells.astype(f32).reshape(B, 9)
    ptable = jnp.concatenate(
        [posf, numbers.astype(f32).reshape(N, 1), jnp.zeros((N, 12), f32)],
        axis=1)
    cells_rep = jnp.broadcast_to(cells9[:, None, :],
                                 (B, N // B, 9)).reshape(N, 9)
    itable = jnp.concatenate([posf, cells_rep, jnp.zeros((N, 4), f32)], axis=1)

    ucoef = np.zeros((NRAD, NRAD), np.float32)
    ucoef[0, 0] = 1.0
    ucoef[1, 1] = 2.0
    for k in range(2, NRAD):
        ucoef[k, 1:] = 2.0 * ucoef[k - 1, :-1]
        ucoef[k, :] -= ucoef[k - 2, :]
    m80_np = np.zeros((NRAD, FW), np.float32)
    exp9_np = np.zeros((9, FW), np.float32)
    for mm in range(9):
        for k in range(NRAD):
            m80_np[:, mm * NRAD + k] = ucoef[k, :]
            exp9_np[mm, mm * NRAD + k] = 1.0
    m80 = jnp.asarray(m80_np)
    exp9 = jnp.asarray(exp9_np)

    gi, gj = _sc_gather(itable, ptable, i_pad, j_pad)
    f, keys2 = _tc_edge_features(gi, gj, sh_pad.T, i_pad.astype(f32).reshape(1, EP),
                                 m80, exp9)
    zrows = jnp.zeros((CH, FW), f32)
    cacc = _sc_scatter(f, keys2.reshape(EP // CH, CH).astype(jnp.int32), zrows)

    c_r = cacc.reshape(NSP, N, FW)
    cs_list = [c_r[s] for s in range(NSP)]
    numsf = numbers.astype(f32).reshape(N, 1)

    pnp = np.zeros((32, 1024), np.float32)
    for ii in range(32):
        pnp[ii, ii * 32:(ii + 1) * 32] = 1.0
    qnp = np.tile(np.eye(32, dtype=np.float32), (1, 32))
    pmat = jnp.asarray(pnp).astype(jnp.bfloat16)
    qmat = jnp.asarray(qnp).astype(jnp.bfloat16)

    def padT(w, rows, cols):
        wt = w.astype(f32).T
        return jnp.pad(wt, ((0, rows - wt.shape[0]), (0, cols - wt.shape[1])))

    w_rsT = padT(W_rs, 32, 8)
    w_psT = padT(W_ps, 3072, 8)
    w1T = W1.astype(f32).T
    w2T = W2.astype(f32).T
    w3T = padT(W3, HID, 8)
    b1r = b1.astype(f32).reshape(1, HID)
    b2r = b2.astype(f32).reshape(1, HID)
    scal_s = jnp.stack([b_rs[0], b_ps[0], b3[0], b_comp[0]]).astype(f32).reshape(1, 4)
    spat_np = np.zeros((NSB, NB), np.float32)
    for t in range(NSB):
        spat_np[t, t * (N // B):(t + 1) * (N // B)] = 1.0
    spat = jnp.asarray(spat_np)

    out = _tc_head(cs_list, numsf, alpha.astype(f32), W_comp.astype(f32),
                   scal_s, pmat, qmat, w_rsT, w_psT, w1T, b1r, w2T, b2r,
                   w3T, spat)
    return out[:B, 0:1]

# --- scband reference (transcript-rebuilt; emitter-appended) ---
"""Pipeline reference for scband-alchemical-model-38929583571502 (READ-ONLY COPY).

The authoritative reference and input builder live on the scoring server;
editing this copy changes nothing except your own understanding.
"""

import jax, jax.numpy as jnp
import numpy as np

N = 10000
E = 160000
B = 100
NSP = 4      # number of chemical species
NPS = 4      # number of pseudo (alchemical) species
NRAD = 8     # radial basis size
CUT = 5.0
HID = 256
OUT = 1
RS_DIM = NSP * NRAD                  # 32
CDIM = NPS * NRAD                    # 32
PS_DIM = CDIM * CDIM * 3             # 3072 (l = 0, 1, 2)


def _cutoff_fn(r, rc):
    return jnp.where(r < rc, 0.5 * (jnp.cos(jnp.pi * r / rc) + 1.0), 0.0)


def _radial_basis(r, rc, nmax):
    # Laplacian-eigenstate-like basis: sqrt(2/rc) * sin(n*pi*r/rc)/r, smoothly cut off
    n = jnp.arange(1, nmax + 1, dtype=r.dtype)
    g = jnp.sqrt(2.0 / rc) * jnp.sin(jnp.pi * n[None, :] * r[:, None] / rc) / (r[:, None] + 1e-9)
    return g * _cutoff_fn(r, rc)[:, None]


def _sph_harm_l2(u, v, w):
    # real spherical harmonics up to l=2 (9 components), inputs are unit-vector comps
    ones = jnp.ones_like(u)
    y = [
        0.28209479177 * ones,          # l=0
        0.48860251190 * v,             # l=1, m=-1
        0.48860251190 * w,             # l=1, m=0
        0.48860251190 * u,             # l=1, m=1
        1.09254843059 * u * v,         # l=2, m=-2
        1.09254843059 * v * w,         # l=2, m=-1
        0.31539156525 * (3.0 * w * w - 1.0),  # l=2, m=0
        1.09254843059 * u * w,         # l=2, m=1
        0.54627421529 * (u * u - v * v)       # l=2, m=2
    ]
    return jnp.stack(y, axis=-1)


def setup_inputs(seed: int = 0) -> dict:
    key = jax.random.key(seed)
    ks = jax.random.split(key, 20)
    s = 0.05
    inp = {}
    inp["positions"] = jax.random.normal(ks[0], (N, 3), jnp.float32) * 3.0
    inp["cells"] = jnp.tile(jnp.eye(3, dtype=jnp.float32) * 10.0, (B, 1, 1)) + 0.1 * jax.random.normal(ks[1], (B, 3, 3), jnp.float32)
    inp["numbers"] = jax.random.randint(ks[2], (N,), 0, NSP)
    inp["edge_indices"] = jax.random.randint(ks[3], (2, E), 0, N)
    inp["edge_shifts"] = jax.random.randint(ks[4], (E, 3), 0, 2).astype(jnp.int32)
    inp["ptr"] = jnp.arange(0, N + 1, N // B, dtype=jnp.int32)
    # learned parameters
    inp["W_comp"] = jax.random.normal(ks[5], (OUT, NSP), jnp.float32) * s
    inp["b_comp"] = jnp.zeros((OUT,), jnp.float32)
    inp["alpha"] = jax.random.normal(ks[6], (NSP, NPS), jnp.float32)  # alchemical species coupling
    inp["W_rs"] = jax.random.normal(ks[7], (OUT, RS_DIM), jnp.float32) * s
    inp["b_rs"] = jnp.zeros((OUT,), jnp.float32)
    inp["W_ps"] = jax.random.normal(ks[8], (OUT, PS_DIM), jnp.float32) * s
    inp["b_ps"] = jnp.zeros((OUT,), jnp.float32)
    inp["W1"] = jax.random.normal(ks[9], (HID, PS_DIM), jnp.float32) * s
    inp["b1"] = jnp.zeros((HID,), jnp.float32)
    inp["W2"] = jax.random.normal(ks[10], (HID, HID), jnp.float32) * s
    inp["b2"] = jnp.zeros((HID,), jnp.float32)
    inp["W3"] = jax.random.normal(ks[11], (OUT, HID), jnp.float32) * s
    inp["b3"] = jnp.zeros((OUT,), jnp.float32)
    return inp


def reference(positions, cells, numbers, edge_indices, edge_shifts, ptr,
              W_comp, b_comp, alpha, W_rs, b_rs, W_ps, b_ps,
              W1, b1, W2, b2, W3, b3):
    i = edge_indices[0]
    j = edge_indices[1]
    struct_ids = jnp.clip(jnp.searchsorted(ptr, jnp.arange(N), side='right') - 1, 0, B - 1)
    # edge geometry (with periodic cell shifts)
    cell_e = cells[struct_ids[i]]
    shift_vec = jnp.einsum('ek,ekl->el', edge_shifts.astype(jnp.float32), cell_e)
    vec = positions[j] - positions[i] + shift_vec
    r = jnp.sqrt(jnp.sum(vec * vec, axis=-1) + 1e-12)
    rhat = vec / (r[:, None] + 1e-9)
    g = _radial_basis(r, CUT, NRAD)                      # [E, NRAD]
    # --- radial spectrum features (species-resolved neighbor density) ---
    onehot_j = jax.nn.one_hot(numbers[j], NSP, dtype=jnp.float32)   # [E, NSP]
    rs_edge = (onehot_j[:, :, None] * g[:, None, :]).reshape(E, RS_DIM)
    rs = jax.ops.segment_sum(rs_edge, i, num_segments=N)             # [N, RS_DIM]
    # --- power spectrum features with pseudo-species (alchemical) mixing ---
    Y = _sph_harm_l2(rhat[:, 0], rhat[:, 1], rhat[:, 2])             # [E, 9]
    alpha_j = alpha[numbers[j]]                                      # [E, NPS]
    gY = g[:, :, None] * Y[:, None, :]                               # [E, NRAD, 9]
    edge_ps = (alpha_j[:, :, None, None] * gY[:, None, :, :]).reshape(E, CDIM, 9)
    c = jax.ops.segment_sum(edge_ps, i, num_segments=N)              # [N, CDIM, 9]
    blocks = []
    for l, (m0, m1) in enumerate(((0, 1), (1, 4), (4, 9))):
        cl = c[:, :, m0:m1]
        p = jnp.einsum('nim,njm->nij', cl, cl) / jnp.sqrt(2.0 * l + 1.0)
        blocks.append(p.reshape(N, CDIM * CDIM))
    ps = jnp.concatenate(blocks, axis=-1)                            # [N, PS_DIM]
    # --- composition baseline ---
    compositions = jax.ops.segment_sum(jax.nn.one_hot(numbers, NSP, dtype=jnp.float32), struct_ids, num_segments=B)
    energies = compositions @ W_comp.T + b_comp                      # [B, OUT]
    # --- linear heads + MLP on power spectrum ---
    atom_e = rs @ W_rs.T + b_rs + ps @ W_ps.T + b_ps
    h = jax.nn.silu(ps @ W1.T + b1)
    h = jax.nn.silu(h @ W2.T + b2)
    atom_e = atom_e + h @ W3.T + b3
    energies = energies + jax.ops.segment_sum(atom_e, struct_ids, num_segments=B)
    return energies

if __name__ == "__main__":
    import jax
    _d = setup_inputs()
    print(jax.jit(kernel)(*tuple(_d.values())))

</pallas_src>

<mosaic_0001>
#map = affine_map<(d0, d1) -> (0, 0)>
module attributes {stable_mosaic.version = 14 : i64} {
  func.func @scatter_k(%arg0: i32, %arg1: i32, %arg2: memref<163840x80xf32, #tpu.memory_space<hbm>>, %arg3: memref<1280x128xi32, #tpu.memory_space<hbm>>, %arg4: memref<128x80xf32, #tpu.memory_space<hbm>>, %arg5: memref<40000x80xf32, #tpu.memory_space<hbm>>, %arg6: memref<2x128xi32, #tpu.memory_space<vmem>>, %arg7: memref<256x80xf32, #tpu.memory_space<vmem>>, %arg8: memref<!tpu.dma_semaphore, #tpu.memory_space<semaphore_mem>>, %arg9: memref<!tpu.dma_semaphore, #tpu.memory_space<semaphore_mem>>, %arg10: memref<!tpu.dma_semaphore, #tpu.memory_space<semaphore_mem>>, %arg11: memref<20480x80xf32, #tpu.memory_space<vmem_shared>>) attributes {dimension_semantics = [#tpu.dimension_semantics<core_parallel>, #tpu.dimension_semantics<subcore_parallel>], iteration_bounds = array<i64: 2, 16>, scalar_prefetch = 0 : i64, scratch_operands = 6 : i64, tpu.core_type = #tpu.core_type<sc_vector_subcore>, window_params = [{transform_indices = #map}, {transform_indices = #map}, {transform_indices = #map}, {transform_indices = #map}]} {
    %mul3A = arith.constant 20000 : i32
    %mul3A_0 = arith.muli %arg0, %mul3A : i32
    %mul3A_1 = arith.constant 1280 : i32
    %mul3A_2 = arith.muli %arg1, %mul3A_1 : i32
    %add3A = arith.constant 0 : i32
    %add3A_3 = arith.addi %mul3A_2, %add3A : i32
    %dma_start3A = arith.constant 0 : i32
    %dma_start3A_4 = tpu.memref_slice %arg11[%add3A_3, %dma_start3A] : memref<20480x80xf32, #tpu.memory_space<vmem_shared>> -> memref<128x80xf32, #tpu.memory_space<vmem_shared>>
    tpu.enqueue_dma source(%arg4 : memref<128x80xf32, #tpu.memory_space<hbm>>) target(%dma_start3A_4 : memref<128x80xf32, #tpu.memory_space<vmem_shared>>) target_semaphore(%arg8 : memref<!tpu.dma_semaphore, #tpu.memory_space<semaphore_mem>>)
    %mul3A_5 = arith.constant 1280 : i32
    %mul3A_6 = arith.muli %arg1, %mul3A_5 : i32
    %add3A_7 = arith.constant 128 : i32
    %add3A_8 = arith.addi %mul3A_6, %add3A_7 : i32
    %dma_start3A_9 = arith.constant 0 : i32
    %dma_start3A_10 = tpu.memref_slice %arg11[%add3A_8, %dma_start3A_9] : memref<20480x80xf32, #tpu.memory_space<vmem_shared>> -> memref<128x80xf32, #tpu.memory_space<vmem_shared>>
    tpu.enqueue_dma source(%arg4 : memref<128x80xf32, #tpu.memory_space<hbm>>) target(%dma_start3A_10 : memref<128x80xf32, #tpu.memory_space<vmem_shared>>) target_semaphore(%arg8 : memref<!tpu.dma_semaphore, #tpu.memory_space<semaphore_mem>>)
    %mul3A_11 = arith.constant 1280 : i32
    %mul3A_12 = arith.muli %arg1, %mul3A_11 : i32
    %add3A_13 = arith.constant 256 : i32
    %add3A_14 = arith.addi %mul3A_12, %add3A_13 : i32
    %dma_start3A_15 = arith.constant 0 : i32
    %dma_start3A_16 = tpu.memref_slice %arg11[%add3A_14, %dma_start3A_15] : memref<20480x80xf32, #tpu.memory_space<vmem_shared>> -> memref<128x80xf32, #tpu.memory_space<vmem_shared>>
    tpu.enqueue_dma source(%arg4 : memref<128x80xf32, #tpu.memory_space<hbm>>) target(%dma_start3A_16 : memref<128x80xf32, #tpu.memory_space<vmem_shared>>) target_semaphore(%arg8 : memref<!tpu.dma_semaphore, #tpu.memory_space<semaphore_mem>>)
    %mul3A_17 = arith.constant 1280 : i32
    %mul3A_18 = arith.muli %arg1, %mul3A_17 : i32
    %add3A_19 = arith.constant 384 : i32
    %add3A_20 = arith.addi %mul3A_18, %add3A_19 : i32
    %dma_start3A_21 = arith.constant 0 : i32
    %dma_start3A_22 = tpu.memref_slice %arg11[%add3A_20, %dma_start3A_21] : memref<20480x80xf32, #tpu.memory_space<vmem_shared>> -> memref<128x80xf32, #tpu.memory_space<vmem_shared>>
    tpu.enqueue_dma source(%arg4 : memref<128x80xf32, #tpu.memory_space<hbm>>) target(%dma_start3A_22 : memref<128x80xf32, #tpu.memory_space<vmem_shared>>) target_semaphore(%arg8 : memref<!tpu.dma_semaphore, #tpu.memory_space<semaphore_mem>>)
    %mul3A_23 = arith.constant 1280 : i32
    %mul3A_24 = arith.muli %arg1, %mul3A_23 : i32
    %add3A_25 = arith.constant 512 : i32
    %add3A_26 = arith.addi %mul3A_24, %add3A_25 : i32
    %dma_start3A_27 = arith.constant 0 : i32
    %dma_start3A_28 = tpu.memref_slice %arg11[%add3A_26, %dma_start3A_27] : memref<20480x80xf32, #tpu.memory_space<vmem_shared>> -> memref<128x80xf32, #tpu.memory_space<vmem_shared>>
    tpu.enqueue_dma source(%arg4 : memref<128x80xf32, #tpu.memory_space<hbm>>) target(%dma_start3A_28 : memref<128x80xf32, #tpu.memory_space<vmem_shared>>) target_semaphore(%arg8 : memref<!tpu.dma_semaphore, #tpu.memory_space<semaphore_mem>>)
    %mul3A_29 = arith.constant 1280 : i32
    %mul3A_30 = arith.muli %arg1, %mul3A_29 : i32
    %add3A_31 = arith.constant 640 : i32
    %add3A_32 = arith.addi %mul3A_30, %add3A_31 : i32
    %dma_start3A_33 = arith.constant 0 : i32
    %dma_start3A_34 = tpu.memref_slice %arg11[%add3A_32, %dma_start3A_33] : memref<20480x80xf32, #tpu.memory_space<vmem_shared>> -> memref<128x80xf32, #tpu.memory_space<vmem_shared>>
    tpu.enqueue_dma source(%arg4 : memref<128x80xf32, #tpu.memory_space<hbm>>) target(%dma_start3A_34 : memref<128x80xf32, #tpu.memory_space<vmem_shared>>) target_semaphore(%arg8 : memref<!tpu.dma_semaphore, #tpu.memory_space<semaphore_mem>>)
    %mul3A_35 = arith.constant 1280 : i32
    %mul3A_36 = arith.muli %arg1, %mul3A_35 : i32
    %add3A_37 = arith.constant 768 : i32
    %add3A_38 = arith.addi %mul3A_36, %add3A_37 : i32
    %dma_start3A_39 = arith.constant 0 : i32
    %dma_start3A_40 = tpu.memref_slice %arg11[%add3A_38, %dma_start3A_39] : memref<20480x80xf32, #tpu.memory_space<vmem_shared>> -> memref<128x80xf32, #tpu.memory_space<vmem_shared>>
    tpu.enqueue_dma source(%arg4 : memref<128x80xf32, #tpu.memory_space<hbm>>) target(%dma_start3A_40 : memref<128x80xf32, #tpu.memory_space<vmem_shared>>) target_semaphore(%arg8 : memref<!tpu.dma_semaphore, #tpu.memory_space<semaphore_mem>>)
    %mul3A_41 = arith.constant 1280 : i32
    %mul3A_42 = arith.muli %arg1, %mul3A_41 : i32
    %add3A_43 = arith.constant 896 : i32
    %add3A_44 = arith.addi %mul3A_42, %add3A_43 : i32
    %dma_start3A_45 = arith.constant 0 : i32
    %dma_start3A_46 = tpu.memref_slice %arg11[%add3A_44, %dma_start3A_45] : memref<20480x80xf32, #tpu.memory_space<vmem_shared>> -> memref<128x80xf32, #tpu.memory_space<vmem_shared>>
    tpu.enqueue_dma source(%arg4 : memref<128x80xf32, #tpu.memory_space<hbm>>) target(%dma_start3A_46 : memref<128x80xf32, #tpu.memory_space<vmem_shared>>) target_semaphore(%arg8 : memref<!tpu.dma_semaphore, #tpu.memory_space<semaphore_mem>>)
    %mul3A_47 = arith.constant 1280 : i32
    %mul3A_48 = arith.muli %arg1, %mul3A_47 : i32
    %add3A_49 = arith.constant 1024 : i32
    %add3A_50 = arith.addi %mul3A_48, %add3A_49 : i32
    %dma_start3A_51 = arith.constant 0 : i32
    %dma_start3A_52 = tpu.memref_slice %arg11[%add3A_50, %dma_start3A_51] : memref<20480x80xf32, #tpu.memory_space<vmem_shared>> -> memref<128x80xf32, #tpu.memory_space<vmem_shared>>
    tpu.enqueue_dma source(%arg4 : memref<128x80xf32, #tpu.memory_space<hbm>>) target(%dma_start3A_52 : memref<128x80xf32, #tpu.memory_space<vmem_shared>>) target_semaphore(%arg8 : memref<!tpu.dma_semaphore, #tpu.memory_space<semaphore_mem>>)
    %mul3A_53 = arith.constant 1280 : i32
    %mul3A_54 = arith.muli %arg1, %mul3A_53 : i32
    %add3A_55 = arith.constant 1152 : i32
    %add3A_56 = arith.addi %mul3A_54, %add3A_55 : i32
    %dma_start3A_57 = arith.constant 0 : i32
    %dma_start3A_58 = tpu.memref_slice %arg11[%add3A_56, %dma_start3A_57] : memref<20480x80xf32, #tpu.memory_space<vmem_shared>> -> memref<128x80xf32, #tpu.memory_space<vmem_shared>>
    tpu.enqueue_dma source(%arg4 : memref<128x80xf32, #tpu.memory_space<hbm>>) target(%dma_start3A_58 : memref<128x80xf32, #tpu.memory_space<vmem_shared>>) target_semaphore(%arg8 : memref<!tpu.dma_semaphore, #tpu.memory_space<semaphore_mem>>)
    %dma_wait3A = arith.constant 0 : i32
    %dma_wait3A_59 = tpu.memref_slice %arg11[%add3A_3, %dma_wait3A] : memref<20480x80xf32, #tpu.memory_space<vmem_shared>> -> memref<128x80xf32, #tpu.memory_space<vmem_shared>>
    tpu.wait_dma2 semaphore(%arg8 : memref<!tpu.dma_semaphore, #tpu.memory_space<semaphore_mem>>) src(%arg4 : memref<128x80xf32, #tpu.memory_space<hbm>>) dst(%dma_wait3A_59 : memref<128x80xf32, #tpu.memory_space<vmem_shared>>)
    %dma_wait3A_60 = arith.constant 0 : i32
    %dma_wait3A_61 = tpu.memref_slice %arg11[%add3A_8, %dma_wait3A_60] : memref<20480x80xf32, #tpu.memory_space<vmem_shared>> -> memref<128x80xf32, #tpu.memory_space<vmem_shared>>
    tpu.wait_dma2 semaphore(%arg8 : memref<!tpu.dma_semaphore, #tpu.memory_space<semaphore_mem>>) src(%arg4 : memref<128x80xf32, #tpu.memory_space<hbm>>) dst(%dma_wait3A_61 : memref<128x80xf32, #tpu.memory_space<vmem_shared>>)
    %dma_wait3A_62 = arith.constant 0 : i32
    %dma_wait3A_63 = tpu.memref_slice %arg11[%add3A_14, %dma_wait3A_62] : memref<20480x80xf32, #tpu.memory_space<vmem_shared>> -> memref<128x80xf32, #tpu.memory_space<vmem_shared>>
    tpu.wait_dma2 semaphore(%arg8 : memref<!tpu.dma_semaphore, #tpu.memory_space<semaphore_mem>>) src(%arg4 : memref<128x80xf32, #tpu.memory_space<hbm>>) dst(%dma_wait3A_63 : memref<128x80xf32, #tpu.memory_space<vmem_shared>>)
    %dma_wait3A_64 = arith.constant 0 : i32
    %dma_wait3A_65 = tpu.memref_slice %arg11[%add3A_20, %dma_wait3A_64] : memref<20480x80xf32, #tpu.memory_space<vmem_shared>> -> memref<128x80xf32, #tpu.memory_space<vmem_shared>>
    tpu.wait_dma2 semaphore(%arg8 : memref<!tpu.dma_semaphore, #tpu.memory_space<semaphore_mem>>) src(%arg4 : memref<128x80xf32, #tpu.memory_space<hbm>>) dst(%dma_wait3A_65 : memref<128x80xf32, #tpu.memory_space<vmem_shared>>)
    %dma_wait3A_66 = arith.constant 0 : i32
    %dma_wait3A_67 = tpu.memref_slice %arg11[%add3A_26, %dma_wait3A_66] : memref<20480x80xf32, #tpu.memory_space<vmem_shared>> -> memref<128x80xf32, #tpu.memory_space<vmem_shared>>
    tpu.wait_dma2 semaphore(%arg8 : memref<!tpu.dma_semaphore, #tpu.memory_space<semaphore_mem>>) src(%arg4 : memref<128x80xf32, #tpu.memory_space<hbm>>) dst(%dma_wait3A_67 : memref<128x80xf32, #tpu.memory_space<vmem_shared>>)
    %dma_wait3A_68 = arith.constant 0 : i32
    %dma_wait3A_69 = tpu.memref_slice %arg11[%add3A_32, %dma_wait3A_68] : memref<20480x80xf32, #tpu.memory_space<vmem_shared>> -> memref<128x80xf32, #tpu.memory_space<vmem_shared>>
    tpu.wait_dma2 semaphore(%arg8 : memref<!tpu.dma_semaphore, #tpu.memory_space<semaphore_mem>>) src(%arg4 : memref<128x80xf32, #tpu.memory_space<hbm>>) dst(%dma_wait3A_69 : memref<128x80xf32, #tpu.memory_space<vmem_shared>>)
    %dma_wait3A_70 = arith.constant 0 : i32
    %dma_wait3A_71 = tpu.memref_slice %arg11[%add3A_38, %dma_wait3A_70] : memref<20480x80xf32, #tpu.memory_space<vmem_shared>> -> memref<128x80xf32, #tpu.memory_space<vmem_shared>>
    tpu.wait_dma2 semaphore(%arg8 : memref<!tpu.dma_semaphore, #tpu.memory_space<semaphore_mem>>) src(%arg4 : memref<128x80xf32, #tpu.memory_space<hbm>>) dst(%dma_wait3A_71 : memref<128x80xf32, #tpu.memory_space<vmem_shared>>)
    %dma_wait3A_72 = arith.constant 0 : i32
    %dma_wait3A_73 = tpu.memref_slice %arg11[%add3A_44, %dma_wait3A_72] : memref<20480x80xf32, #tpu.memory_space<vmem_shared>> -> memref<128x80xf32, #tpu.memory_space<vmem_shared>>
    tpu.wait_dma2 semaphore(%arg8 : memref<!tpu.dma_semaphore, #tpu.memory_space<semaphore_mem>>) src(%arg4 : memref<128x80xf32, #tpu.memory_space<hbm>>) dst(%dma_wait3A_73 : memref<128x80xf32, #tpu.memory_space<vmem_shared>>)
    %dma_wait3A_74 = arith.constant 0 : i32
    %dma_wait3A_75 = tpu.memref_slice %arg11[%add3A_50, %dma_wait3A_74] : memref<20480x80xf32, #tpu.memory_space<vmem_shared>> -> memref<128x80xf32, #tpu.memory_space<vmem_shared>>
    tpu.wait_dma2 semaphore(%arg8 : memref<!tpu.dma_semaphore, #tpu.memory_space<semaphore_mem>>) src(%arg4 : memref<128x80xf32, #tpu.memory_space<hbm>>) dst(%dma_wait3A_75 : memref<128x80xf32, #tpu.memory_space<vmem_shared>>)
    %dma_wait3A_76 = arith.constant 0 : i32
    %dma_wait3A_77 = tpu.memref_slice %arg11[%add3A_56, %dma_wait3A_76] : memref<20480x80xf32, #tpu.memory_space<vmem_shared>> -> memref<128x80xf32, #tpu.memory_space<vmem_shared>>
    tpu.wait_dma2 semaphore(%arg8 : memref<!tpu.dma_semaphore, #tpu.memory_space<semaphore_mem>>) src(%arg4 : memref<128x80xf32, #tpu.memory_space<hbm>>) dst(%dma_wait3A_77 : memref<128x80xf32, #tpu.memory_space<vmem_shared>>)
    %barrier3A = arith.constant 0 : index
    tpu.barrier barrier_id(%barrier3A)
    %scan3A = arith.constant 0 : i32
    %scan3A_78 = arith.constant 0 : i32
    %scan3A_79 = arith.constant 40 : i32
    %scan3A_80 = arith.addi %scan3A_78, %scan3A_79 : i32
    %scan3A_81 = arith.constant 1 : i32
    scf.for %scan3A_274 = %scan3A_78 to %scan3A_80 step %scan3A_81  : i32 {
      %mul3A_275 = arith.constant 10240 : i32
      %mul3A_276 = arith.muli %arg1, %mul3A_275 : i32
      %mul3A_277 = arith.constant 256 : i32
      %mul3A_278 = arith.muli %scan3A_274, %mul3A_277 : i32
      %add3A_279 = arith.addi %mul3A_276, %mul3A_278 : i32
      %jit3A = arith.constant 128 : i32
      %div3A = arith.divsi %add3A_279, %jit3A : i32
      %sign3A = arith.constant 0 : i32
      %sign3A_280 = arith.cmpi sgt, %add3A_279, %sign3A : i32
      %sign3A_281 = arith.extui %sign3A_280 : i1 to i32
      %sign3A_282 = arith.constant 0 : i32
      %sign3A_283 = arith.cmpi slt, %add3A_279, %sign3A_282 : i32
      %sign3A_284 = arith.extui %sign3A_283 : i1 to i32
      %sign3A_285 = arith.subi %sign3A_281, %sign3A_284 : i32
      %sign3A_286 = arith.constant 0 : i32
      %sign3A_287 = arith.cmpi sgt, %jit3A, %sign3A_286 : i32
      %sign3A_288 = arith.extui %sign3A_287 : i1 to i32
      %sign3A_289 = arith.constant 0 : i32
      %sign3A_290 = arith.cmpi slt, %jit3A, %sign3A_289 : i32
      %sign3A_291 = arith.extui %sign3A_290 : i1 to i32
      %sign3A_292 = arith.subi %sign3A_288, %sign3A_291 : i32
      %ne3A = arith.cmpi ne, %sign3A_285, %sign3A_292 : i32
      %rem3A = arith.remsi %add3A_279, %jit3A : i32
      %ne3A_293 = arith.constant 0 : i32
      %ne3A_294 = arith.cmpi ne, %rem3A, %ne3A_293 : i32
      %and3A = arith.andi %ne3A, %ne3A_294 : i1
      %sub3A = arith.constant 1 : i32
      %sub3A_295 = arith.subi %div3A, %sub3A : i32
      %select_n3A = arith.select %and3A, %sub3A_295, %div3A : i32
      %dma_start3A_296 = arith.constant 0 : i32
      %dma_start3A_297 = tpu.memref_slice %arg3[%select_n3A, %dma_start3A_296] : memref<1280x128xi32, #tpu.memory_space<hbm>> -> memref<2x128xi32, #tpu.memory_space<hbm>>
      %dma_start3A_298 = arith.constant 0 : i32
      %dma_start3A_299 = tpu.memref_slice %arg3[%select_n3A, %dma_start3A_298] : memref<1280x128xi32, #tpu.memory_space<hbm>> -> memref<2x128xi32, #tpu.memory_space<hbm>>
      tpu.enqueue_dma source(%dma_start3A_299 : memref<2x128xi32, #tpu.memory_space<hbm>>) target(%arg6 : memref<2x128xi32, #tpu.memory_space<vmem>>) target_semaphore(%arg8 : memref<!tpu.dma_semaphore, #tpu.memory_space<semaphore_mem>>)
      %dma_start3A_300 = arith.constant 0 : i32
      %dma_start3A_301 = tpu.memref_slice %arg2[%add3A_279, %dma_start3A_300] : memref<163840x80xf32, #tpu.memory_space<hbm>> -> memref<256x80xf32, #tpu.memory_space<hbm>>
      %dma_start3A_302 = arith.constant 0 : i32
      %dma_start3A_303 = tpu.memref_slice %arg2[%add3A_279, %dma_start3A_302] : memref<163840x80xf32, #tpu.memory_space<hbm>> -> memref<256x80xf32, #tpu.memory_space<hbm>>
      tpu.enqueue_dma source(%dma_start3A_303 : memref<256x80xf32, #tpu.memory_space<hbm>>) target(%arg7 : memref<256x80xf32, #tpu.memory_space<vmem>>) target_semaphore(%arg9 : memref<!tpu.dma_semaphore, #tpu.memory_space<semaphore_mem>>)
      %dma_wait3A_304 = arith.constant 0 : i32
      %dma_wait3A_305 = tpu.memref_slice %arg3[%select_n3A, %dma_wait3A_304] : memref<1280x128xi32, #tpu.memory_space<hbm>> -> memref<2x128xi32, #tpu.memory_space<hbm>>
      %dma_wait3A_306 = arith.constant 0 : i32
      %dma_wait3A_307 = tpu.memref_slice %arg3[%select_n3A, %dma_wait3A_306] : memref<1280x128xi32, #tpu.memory_space<hbm>> -> memref<2x128xi32, #tpu.memory_space<hbm>>
      tpu.wait_dma2 semaphore(%arg8 : memref<!tpu.dma_semaphore, #tpu.memory_space<semaphore_mem>>) src(%dma_wait3A_307 : memref<2x128xi32, #tpu.memory_space<hbm>>) dst(%arg6 : memref<2x128xi32, #tpu.memory_space<vmem>>)
      %dma_wait3A_308 = arith.constant 0 : i32
      %dma_wait3A_309 = tpu.memref_slice %arg2[%add3A_279, %dma_wait3A_308] : memref<163840x80xf32, #tpu.memory_space<hbm>> -> memref<256x80xf32, #tpu.memory_space<hbm>>
      %dma_wait3A_310 = arith.constant 0 : i32
      %dma_wait3A_311 = tpu.memref_slice %arg2[%add3A_279, %dma_wait3A_310] : memref<163840x80xf32, #tpu.memory_space<hbm>> -> memref<256x80xf32, #tpu.memory_space<hbm>>
      tpu.wait_dma2 semaphore(%arg9 : memref<!tpu.dma_semaphore, #tpu.memory_space<semaphore_mem>>) src(%dma_wait3A_311 : memref<256x80xf32, #tpu.memory_space<hbm>>) dst(%arg7 : memref<256x80xf32, #tpu.memory_space<vmem>>)
      %get3A = arith.constant 0 : i32
      %get3A_312 = arith.index_cast %get3A : i32 to index
      %get3A_313 = arith.constant 0 : index
      %get3A_314 = tpu.vector_load %arg6[%get3A_312, %get3A_313] {strides = array<i32>} : memref<2x128xi32, #tpu.memory_space<vmem>>, vector<1x16xi32>,
      %get3A_315 = vector.shape_cast %get3A_314 : vector<1x16xi32> to vector<16xi32>
      %sub3A_316 = vector.broadcast %mul3A_0 : i32 to vector<16xi32>
      %sub3A_317 = arith.subi %get3A_315, %sub3A_316 : vector<16xi32>
      %lt3A = arith.constant 0 : i32
      %lt3A_318 = vector.broadcast %lt3A : i32 to vector<16xi32>
      %lt3A_319 = arith.cmpi slt, %sub3A_317, %lt3A_318 : vector<16xi32>
      %ge3A = arith.constant 20000 : i32
      %ge3A_320 = vector.broadcast %ge3A : i32 to vector<16xi32>
      %ge3A_321 = arith.cmpi sge, %sub3A_317, %ge3A_320 : vector<16xi32>
      %or3A = arith.ori %lt3A_319, %ge3A_321 : vector<16xi1>
      %and3A_322 = arith.constant 255 : i32
      %and3A_323 = vector.broadcast %and3A_322 : i32 to vector<16xi32>
      %and3A_324 = arith.andi %get3A_315, %and3A_323 : vector<16xi32>
      %add3A_325 = arith.constant 20000 : i32
      %add3A_326 = vector.broadcast %add3A_325 : i32 to vector<16xi32>
      %add3A_327 = arith.addi %add3A_326, %and3A_324 : vector<16xi32>
      %select_n3A_328 = arith.select %or3A, %add3A_327, %sub3A_317 : vector<16xi1>, vector<16xi32>
      %swap3A = arith.constant 0 : i32
      %swap3A_329 = arith.index_cast %swap3A : i32 to index
      %swap3A_330 = arith.constant 0 : index
      %swap3A_331 = tpu.vector_load %arg6[%swap3A_329, %swap3A_330] {strides = array<i32>} : memref<2x128xi32, #tpu.memory_space<vmem>>, vector<1x16xi32>,
      %swap3A_332 = vector.shape_cast %swap3A_331 : vector<1x16xi32> to vector<16xi32>
      %swap3A_333 = vector.shape_cast %select_n3A_328 : vector<16xi32> to vector<1x16xi32>
      tpu.vector_store %arg6[%swap3A_329, %swap3A_330], %swap3A_333 {strides = array<i32>} : memref<2x128xi32, #tpu.memory_space<vmem>>, vector<1x16xi32>,
      %get3A_334 = arith.constant 0 : i32
      %get3A_335 = arith.index_cast %get3A_334 : i32 to index
      %get3A_336 = arith.constant 16 : index
      %get3A_337 = tpu.vector_load %arg6[%get3A_335, %get3A_336] {strides = array<i32>} : memref<2x128xi32, #tpu.memory_space<vmem>>, vector<1x16xi32>,
      %get3A_338 = vector.shape_cast %get3A_337 : vector<1x16xi32> to vector<16xi32>
      %sub3A_339 = vector.broadcast %mul3A_0 : i32 to vector<16xi32>
      %sub3A_340 = arith.subi %get3A_338, %sub3A_339 : vector<16xi32>
      %lt3A_341 = arith.constant 0 : i32
      %lt3A_342 = vector.broadcast %lt3A_341 : i32 to vector<16xi32>
      %lt3A_343 = arith.cmpi slt, %sub3A_340, %lt3A_342 : vector<16xi32>
      %ge3A_344 = arith.constant 20000 : i32
      %ge3A_345 = vector.broadcast %ge3A_344 : i32 to vector<16xi32>
      %ge3A_346 = arith.cmpi sge, %sub3A_340, %ge3A_345 : vector<16xi32>
      %or3A_347 = arith.ori %lt3A_343, %ge3A_346 : vector<16xi1>
      %and3A_348 = arith.constant 255 : i32
      %and3A_349 = vector.broadcast %and3A_348 : i32 to vector<16xi32>
      %and3A_350 = arith.andi %get3A_338, %and3A_349 : vector<16xi32>
      %add3A_351 = arith.constant 20000 : i32
      %add3A_352 = vector.broadcast %add3A_351 : i32 to vector<16xi32>
      %add3A_353 = arith.addi %add3A_352, %and3A_350 : vector<16xi32>
      %select_n3A_354 = arith.select %or3A_347, %add3A_353, %sub3A_340 : vector<16xi1>, vector<16xi32>
      %swap3A_355 = arith.constant 0 : i32
      %swap3A_356 = arith.index_cast %swap3A_355 : i32 to index
      %swap3A_357 = arith.constant 16 : index
      %swap3A_358 = tpu.vector_load %arg6[%swap3A_356, %swap3A_357] {strides = array<i32>} : memref<2x128xi32, #tpu.memory_space<vmem>>, vector<1x16xi32>,
      %swap3A_359 = vector.shape_cast %swap3A_358 : vector<1x16xi32> to vector<16xi32>
      %swap3A_360 = vector.shape_cast %select_n3A_354 : vector<16xi32> to vector<1x16xi32>
      tpu.vector_store %arg6[%swap3A_356, %swap3A_357], %swap3A_360 {strides = array<i32>} : memref<2x128xi32, #tpu.memory_space<vmem>>, vector<1x16xi32>,
      %get3A_361 = arith.constant 0 : i32
      %get3A_362 = arith.index_cast %get3A_361 : i32 to index
      %get3A_363 = arith.constant 32 : index
      %get3A_364 = tpu.vector_load %arg6[%get3A_362, %get3A_363] {strides = array<i32>} : memref<2x128xi32, #tpu.memory_space<vmem>>, vector<1x16xi32>,
      %get3A_365 = vector.shape_cast %get3A_364 : vector<1x16xi32> to vector<16xi32>
      %sub3A_366 = vector.broadcast %mul3A_0 : i32 to vector<16xi32>
      %sub3A_367 = arith.subi %get3A_365, %sub3A_366 : vector<16xi32>
      %lt3A_368 = arith.constant 0 : i32
      %lt3A_369 = vector.broadcast %lt3A_368 : i32 to vector<16xi32>
      %lt3A_370 = arith.cmpi slt, %sub3A_367, %lt3A_369 : vector<16xi32>
      %ge3A_371 = arith.constant 20000 : i32
      %ge3A_372 = vector.broadcast %ge3A_371 : i32 to vector<16xi32>
      %ge3A_373 = arith.cmpi sge, %sub3A_367, %ge3A_372 : vector<16xi32>
      %or3A_374 = arith.ori %lt3A_370, %ge3A_373 : vector<16xi1>
      %and3A_375 = arith.constant 255 : i32
      %and3A_376 = vector.broadcast %and3A_375 : i32 to vector<16xi32>
      %and3A_377 = arith.andi %get3A_365, %and3A_376 : vector<16xi32>
      %add3A_378 = arith.constant 20000 : i32
      %add3A_379 = vector.broadcast %add3A_378 : i32 to vector<16xi32>
      %add3A_380 = arith.addi %add3A_379, %and3A_377 : vector<16xi32>
      %select_n3A_381 = arith.select %or3A_374, %add3A_380, %sub3A_367 : vector<16xi1>, vector<16xi32>
      %swap3A_382 = arith.constant 0 : i32
      %swap3A_383 = arith.index_cast %swap3A_382 : i32 to index
      %swap3A_384 = arith.constant 32 : index
      %swap3A_385 = tpu.vector_load %arg6[%swap3A_383, %swap3A_384] {strides = array<i32>} : memref<2x128xi32, #tpu.memory_space<vmem>>, vector<1x16xi32>,
      %swap3A_386 = vector.shape_cast %swap3A_385 : vector<1x16xi32> to vector<16xi32>
      %swap3A_387 = vector.shape_cast %select_n3A_381 : vector<16xi32> to vector<1x16xi32>
      tpu.vector_store %arg6[%swap3A_383, %swap3A_384], %swap3A_387 {strides = array<i32>} : memref<2x128xi32, #tpu.memory_space<vmem>>, vector<1x16xi32>,
      %get3A_388 = arith.constant 0 : i32
      %get3A_389 = arith.index_cast %get3A_388 : i32 to index
      %get3A_390 = arith.constant 48 : index
      %get3A_391 = tpu.vector_load %arg6[%get3A_389, %get3A_390] {strides = array<i32>} : memref<2x128xi32, #tpu.memory_space<vmem>>, vector<1x16xi32>,
      %get3A_392 = vector.shape_cast %get3A_391 : vector<1x16xi32> to vector<16xi32>
      %sub3A_393 = vector.broadcast %mul3A_0 : i32 to vector<16xi32>
      %sub3A_394 = arith.subi %get3A_392, %sub3A_393 : vector<16xi32>
      %lt3A_395 = arith.constant 0 : i32
      %lt3A_396 = vector.broadcast %lt3A_395 : i32 to vector<16xi32>
      %lt3A_397 = arith.cmpi slt, %sub3A_394, %lt3A_396 : vector<16xi32>
      %ge3A_398 = arith.constant 20000 : i32
      %ge3A_399 = vector.broadcast %ge3A_398 : i32 to vector<16xi32>
      %ge3A_400 = arith.cmpi sge, %sub3A_394, %ge3A_399 : vector<16xi32>
      %or3A_401 = arith.ori %lt3A_397, %ge3A_400 : vector<16xi1>
      %and3A_402 = arith.constant 255 : i32
      %and3A_403 = vector.broadcast %and3A_402 : i32 to vector<16xi32>
      %and3A_404 = arith.andi %get3A_392, %and3A_403 : vector<16xi32>
      %add3A_405 = arith.constant 20000 : i32
      %add3A_406 = vector.broadcast %add3A_405 : i32 to vector<16xi32>
      %add3A_407 = arith.addi %add3A_406, %and3A_404 : vector<16xi32>
      %select_n3A_408 = arith.select %or3A_401, %add3A_407, %sub3A_394 : vector<16xi1>, vector<16xi32>
      %swap3A_409 = arith.constant 0 : i32
      %swap3A_410 = arith.index_cast %swap3A_409 : i32 to index
      %swap3A_411 = arith.constant 48 : index
      %swap3A_412 = tpu.vector_load %arg6[%swap3A_410, %swap3A_411] {strides = array<i32>} : memref<2x128xi32, #tpu.memory_space<vmem>>, vector<1x16xi32>,
      %swap3A_413 = vector.shape_cast %swap3A_412 : vector<1x16xi32> to vector<16xi32>
      %swap3A_414 = vector.shape_cast %select_n3A_408 : vector<16xi32> to vector<1x16xi32>
      tpu.vector_store %arg6[%swap3A_410, %swap3A_411], %swap3A_414 {strides = array<i32>} : memref<2x128xi32, #tpu.memory_space<vmem>>, vector<1x16xi32>,
      %get3A_415 = arith.constant 0 : i32
      %get3A_416 = arith.index_cast %get3A_415 : i32 to index
      %get3A_417 = arith.constant 64 : index
      %get3A_418 = tpu.vector_load %arg6[%get3A_416, %get3A_417] {strides = array<i32>} : memref<2x128xi32, #tpu.memory_space<vmem>>, vector<1x16xi32>,
      %get3A_419 = vector.shape_cast %get3A_418 : vector<1x16xi32> to vector<16xi32>
      %sub3A_420 = vector.broadcast %mul3A_0 : i32 to vector<16xi32>
      %sub3A_421 = arith.subi %get3A_419, %sub3A_420 : vector<16xi32>
      %lt3A_422 = arith.constant 0 : i32
      %lt3A_423 = vector.broadcast %lt3A_422 : i32 to vector<16xi32>
      %lt3A_424 = arith.cmpi slt, %sub3A_421, %lt3A_423 : vector<16xi32>
      %ge3A_425 = arith.constant 20000 : i32
      %ge3A_426 = vector.broadcast %ge3A_425 : i32 to vector<16xi32>
      %ge3A_427 = arith.cmpi sge, %sub3A_421, %ge3A_426 : vector<16xi32>
      %or3A_428 = arith.ori %lt3A_424, %ge3A_427 : vector<16xi1>
      %and3A_429 = arith.constant 255 : i32
      %and3A_430 = vector.broadcast %and3A_429 : i32 to vector<16xi32>
      %and3A_431 = arith.andi %get3A_419, %and3A_430 : vector<16xi32>
      %add3A_432 = arith.constant 20000 : i32
      %add3A_433 = vector.broadcast %add3A_432 : i32 to vector<16xi32>
      %add3A_434 = arith.addi %add3A_433, %and3A_431 : vector<16xi32>
      %select_n3A_435 = arith.select %or3A_428, %add3A_434, %sub3A_421 : vector<16xi1>, vector<16xi32>
      %swap3A_436 = arith.constant 0 : i32
      %swap3A_437 = arith.index_cast %swap3A_436 : i32 to index
      %swap3A_438 = arith.constant 64 : index
      %swap3A_439 = tpu.vector_load %arg6[%swap3A_437, %swap3A_438] {strides = array<i32>} : memref<2x128xi32, #tpu.memory_space<vmem>>, vector<1x16xi32>,
      %swap3A_440 = vector.shape_cast %swap3A_439 : vector<1x16xi32> to vector<16xi32>
      %swap3A_441 = vector.shape_cast %select_n3A_435 : vector<16xi32> to vector<1x16xi32>
      tpu.vector_store %arg6[%swap3A_437, %swap3A_438], %swap3A_441 {strides = array<i32>} : memref<2x128xi32, #tpu.memory_space<vmem>>, vector<1x16xi32>,
      %get3A_442 = arith.constant 0 : i32
      %get3A_443 = arith.index_cast %get3A_442 : i32 to index
      %get3A_444 = arith.constant 80 : index
      %get3A_445 = tpu.vector_load %arg6[%get3A_443, %get3A_444] {strides = array<i32>} : memref<2x128xi32, #tpu.memory_space<vmem>>, vector<1x16xi32>,
      %get3A_446 = vector.shape_cast %get3A_445 : vector<1x16xi32> to vector<16xi32>
      %sub3A_447 = vector.broadcast %mul3A_0 : i32 to vector<16xi32>
      %sub3A_448 = arith.subi %get3A_446, %sub3A_447 : vector<16xi32>
      %lt3A_449 = arith.constant 0 : i32
      %lt3A_450 = vector.broadcast %lt3A_449 : i32 to vector<16xi32>
      %lt3A_451 = arith.cmpi slt, %sub3A_448, %lt3A_450 : vector<16xi32>
      %ge3A_452 = arith.constant 20000 : i32
      %ge3A_453 = vector.broadcast %ge3A_452 : i32 to vector<16xi32>
      %ge3A_454 = arith.cmpi sge, %sub3A_448, %ge3A_453 : vector<16xi32>
      %or3A_455 = arith.ori %lt3A_451, %ge3A_454 : vector<16xi1>
      %and3A_456 = arith.constant 255 : i32
      %and3A_457 = vector.broadcast %and3A_456 : i32 to vector<16xi32>
      %and3A_458 = arith.andi %get3A_446, %and3A_457 : vector<16xi32>
      %add3A_459 = arith.constant 20000 : i32
      %add3A_460 = vector.broadcast %add3A_459 : i32 to vector<16xi32>
      %add3A_461 = arith.addi %add3A_460, %and3A_458 : vector<16xi32>
      %select_n3A_462 = arith.select %or3A_455, %add3A_461, %sub3A_448 : vector<16xi1>, vector<16xi32>
      %swap3A_463 = arith.constant 0 : i32
      %swap3A_464 = arith.index_cast %swap3A_463 : i32 to index
      %swap3A_465 = arith.constant 80 : index
      %swap3A_466 = tpu.vector_load %arg6[%swap3A_464, %swap3A_465] {strides = array<i32>} : memref<2x128xi32, #tpu.memory_space<vmem>>, vector<1x16xi32>,
      %swap3A_467 = vector.shape_cast %swap3A_466 : vector<1x16xi32> to vector<16xi32>
      %swap3A_468 = vector.shape_cast %select_n3A_462 : vector<16xi32> to vector<1x16xi32>
      tpu.vector_store %arg6[%swap3A_464, %swap3A_465], %swap3A_468 {strides = array<i32>} : memref<2x128xi32, #tpu.memory_space<vmem>>, vector<1x16xi32>,
      %get3A_469 = arith.constant 0 : i32
      %get3A_470 = arith.index_cast %get3A_469 : i32 to index
      %get3A_471 = arith.constant 96 : index
      %get3A_472 = tpu.vector_load %arg6[%get3A_470, %get3A_471] {strides = array<i32>} : memref<2x128xi32, #tpu.memory_space<vmem>>, vector<1x16xi32>,
      %get3A_473 = vector.shape_cast %get3A_472 : vector<1x16xi32> to vector<16xi32>
      %sub3A_474 = vector.broadcast %mul3A_0 : i32 to vector<16xi32>
      %sub3A_475 = arith.subi %get3A_473, %sub3A_474 : vector<16xi32>
      %lt3A_476 = arith.constant 0 : i32
      %lt3A_477 = vector.broadcast %lt3A_476 : i32 to vector<16xi32>
      %lt3A_478 = arith.cmpi slt, %sub3A_475, %lt3A_477 : vector<16xi32>
      %ge3A_479 = arith.constant 20000 : i32
      %ge3A_480 = vector.broadcast %ge3A_479 : i32 to vector<16xi32>
      %ge3A_481 = arith.cmpi sge, %sub3A_475, %ge3A_480 : vector<16xi32>
      %or3A_482 = arith.ori %lt3A_478, %ge3A_481 : vector<16xi1>
      %and3A_483 = arith.constant 255 : i32
      %and3A_484 = vector.broadcast %and3A_483 : i32 to vector<16xi32>
      %and3A_485 = arith.andi %get3A_473, %and3A_484 : vector<16xi32>
      %add3A_486 = arith.constant 20000 : i32
      %add3A_487 = vector.broadcast %add3A_486 : i32 to vector<16xi32>
      %add3A_488 = arith.addi %add3A_487, %and3A_485 : vector<16xi32>
      %select_n3A_489 = arith.select %or3A_482, %add3A_488, %sub3A_475 : vector<16xi1>, vector<16xi32>
      %swap3A_490 = arith.constant 0 : i32
      %swap3A_491 = arith.index_cast %swap3A_490 : i32 to index
      %swap3A_492 = arith.constant 96 : index
      %swap3A_493 = tpu.vector_load %arg6[%swap3A_491, %swap3A_492] {strides = array<i32>} : memref<2x128xi32, #tpu.memory_space<vmem>>, vector<1x16xi32>,
      %swap3A_494 = vector.shape_cast %swap3A_493 : vector<1x16xi32> to vector<16xi32>
      %swap3A_495 = vector.shape_cast %select_n3A_489 : vector<16xi32> to vector<1x16xi32>
      tpu.vector_store %arg6[%swap3A_491, %swap3A_492], %swap3A_495 {strides = array<i32>} : memref<2x128xi32, #tpu.memory_space<vmem>>, vector<1x16xi32>,
      %get3A_496 = arith.constant 0 : i32
      %get3A_497 = arith.index_cast %get3A_496 : i32 to index
      %get3A_498 = arith.constant 112 : index
      %get3A_499 = tpu.vector_load %arg6[%get3A_497, %get3A_498] {strides = array<i32>} : memref<2x128xi32, #tpu.memory_space<vmem>>, vector<1x16xi32>,
      %get3A_500 = vector.shape_cast %get3A_499 : vector<1x16xi32> to vector<16xi32>
      %sub3A_501 = vector.broadcast %mul3A_0 : i32 to vector<16xi32>
      %sub3A_502 = arith.subi %get3A_500, %sub3A_501 : vector<16xi32>
      %lt3A_503 = arith.constant 0 : i32
      %lt3A_504 = vector.broadcast %lt3A_503 : i32 to vector<16xi32>
      %lt3A_505 = arith.cmpi slt, %sub3A_502, %lt3A_504 : vector<16xi32>
      %ge3A_506 = arith.constant 20000 : i32
      %ge3A_507 = vector.broadcast %ge3A_506 : i32 to vector<16xi32>
      %ge3A_508 = arith.cmpi sge, %sub3A_502, %ge3A_507 : vector<16xi32>
      %or3A_509 = arith.ori %lt3A_505, %ge3A_508 : vector<16xi1>
      %and3A_510 = arith.constant 255 : i32
      %and3A_511 = vector.broadcast %and3A_510 : i32 to vector<16xi32>
      %and3A_512 = arith.andi %get3A_500, %and3A_511 : vector<16xi32>
      %add3A_513 = arith.constant 20000 : i32
      %add3A_514 = vector.broadcast %add3A_513 : i32 to vector<16xi32>
      %add3A_515 = arith.addi %add3A_514, %and3A_512 : vector<16xi32>
      %select_n3A_516 = arith.select %or3A_509, %add3A_515, %sub3A_502 : vector<16xi1>, vector<16xi32>
      %swap3A_517 = arith.constant 0 : i32
      %swap3A_518 = arith.index_cast %swap3A_517 : i32 to index
      %swap3A_519 = arith.constant 112 : index
      %swap3A_520 = tpu.vector_load %arg6[%swap3A_518, %swap3A_519] {strides = array<i32>} : memref<2x128xi32, #tpu.memory_space<vmem>>, vector<1x16xi32>,
      %swap3A_521 = vector.shape_cast %swap3A_520 : vector<1x16xi32> to vector<16xi32>
      %swap3A_522 = vector.shape_cast %select_n3A_516 : vector<16xi32> to vector<1x16xi32>
      tpu.vector_store %arg6[%swap3A_518, %swap3A_519], %swap3A_522 {strides = array<i32>} : memref<2x128xi32, #tpu.memory_space<vmem>>, vector<1x16xi32>,
      %get3A_523 = arith.constant 1 : i32
      %get3A_524 = arith.index_cast %get3A_523 : i32 to index
      %get3A_525 = arith.constant 0 : index
      %get3A_526 = tpu.vector_load %arg6[%get3A_524, %get3A_525] {strides = array<i32>} : memref<2x128xi32, #tpu.memory_space<vmem>>, vector<1x16xi32>,
      %get3A_527 = vector.shape_cast %get3A_526 : vector<1x16xi32> to vector<16xi32>
      %sub3A_528 = vector.broadcast %mul3A_0 : i32 to vector<16xi32>
      %sub3A_529 = arith.subi %get3A_527, %sub3A_528 : vector<16xi32>
      %lt3A_530 = arith.constant 0 : i32
      %lt3A_531 = vector.broadcast %lt3A_530 : i32 to vector<16xi32>
      %lt3A_532 = arith.cmpi slt, %sub3A_529, %lt3A_531 : vector<16xi32>
      %ge3A_533 = arith.constant 20000 : i32
      %ge3A_534 = vector.broadcast %ge3A_533 : i32 to vector<16xi32>
      %ge3A_535 = arith.cmpi sge, %sub3A_529, %ge3A_534 : vector<16xi32>
      %or3A_536 = arith.ori %lt3A_532, %ge3A_535 : vector<16xi1>
      %and3A_537 = arith.constant 255 : i32
      %and3A_538 = vector.broadcast %and3A_537 : i32 to vector<16xi32>
      %and3A_539 = arith.andi %get3A_527, %and3A_538 : vector<16xi32>
      %add3A_540 = arith.constant 20000 : i32
      %add3A_541 = vector.broadcast %add3A_540 : i32 to vector<16xi32>
      %add3A_542 = arith.addi %add3A_541, %and3A_539 : vector<16xi32>
      %select_n3A_543 = arith.select %or3A_536, %add3A_542, %sub3A_529 : vector<16xi1>, vector<16xi32>
      %swap3A_544 = arith.constant 1 : i32
      %swap3A_545 = arith.index_cast %swap3A_544 : i32 to index
      %swap3A_546 = arith.constant 0 : index
      %swap3A_547 = tpu.vector_load %arg6[%swap3A_545, %swap3A_546] {strides = array<i32>} : memref<2x128xi32, #tpu.memory_space<vmem>>, vector<1x16xi32>,
      %swap3A_548 = vector.shape_cast %swap3A_547 : vector<1x16xi32> to vector<16xi32>
      %swap3A_549 = vector.shape_cast %select_n3A_543 : vector<16xi32> to vector<1x16xi32>
      tpu.vector_store %arg6[%swap3A_545, %swap3A_546], %swap3A_549 {strides = array<i32>} : memref<2x128xi32, #tpu.memory_space<vmem>>, vector<1x16xi32>,
      %get3A_550 = arith.constant 1 : i32
      %get3A_551 = arith.index_cast %get3A_550 : i32 to index
      %get3A_552 = arith.constant 16 : index
      %get3A_553 = tpu.vector_load %arg6[%get3A_551, %get3A_552] {strides = array<i32>} : memref<2x128xi32, #tpu.memory_space<vmem>>, vector<1x16xi32>,
      %get3A_554 = vector.shape_cast %get3A_553 : vector<1x16xi32> to vector<16xi32>
      %sub3A_555 = vector.broadcast %mul3A_0 : i32 to vector<16xi32>
      %sub3A_556 = arith.subi %get3A_554, %sub3A_555 : vector<16xi32>
      %lt3A_557 = arith.constant 0 : i32
      %lt3A_558 = vector.broadcast %lt3A_557 : i32 to vector<16xi32>
      %lt3A_559 = arith.cmpi slt, %sub3A_556, %lt3A_558 : vector<16xi32>
      %ge3A_560 = arith.constant 20000 : i32
      %ge3A_561 = vector.broadcast %ge3A_560 : i32 to vector<16xi32>
      %ge3A_562 = arith.cmpi sge, %sub3A_556, %ge3A_561 : vector<16xi32>
      %or3A_563 = arith.ori %lt3A_559, %ge3A_562 : vector<16xi1>
      %and3A_564 = arith.constant 255 : i32
      %and3A_565 = vector.broadcast %and3A_564 : i32 to vector<16xi32>
      %and3A_566 = arith.andi %get3A_554, %and3A_565 : vector<16xi32>
      %add3A_567 = arith.constant 20000 : i32
      %add3A_568 = vector.broadcast %add3A_567 : i32 to vector<16xi32>
      %add3A_569 = arith.addi %add3A_568, %and3A_566 : vector<16xi32>
      %select_n3A_570 = arith.select %or3A_563, %add3A_569, %sub3A_556 : vector<16xi1>, vector<16xi32>
      %swap3A_571 = arith.constant 1 : i32
      %swap3A_572 = arith.index_cast %swap3A_571 : i32 to index
      %swap3A_573 = arith.constant 16 : index
      %swap3A_574 = tpu.vector_load %arg6[%swap3A_572, %swap3A_573] {strides = array<i32>} : memref<2x128xi32, #tpu.memory_space<vmem>>, vector<1x16xi32>,
      %swap3A_575 = vector.shape_cast %swap3A_574 : vector<1x16xi32> to vector<16xi32>
      %swap3A_576 = vector.shape_cast %select_n3A_570 : vector<16xi32> to vector<1x16xi32>
      tpu.vector_store %arg6[%swap3A_572, %swap3A_573], %swap3A_576 {strides = array<i32>} : memref<2x128xi32, #tpu.memory_space<vmem>>, vector<1x16xi32>,
      %get3A_577 = arith.constant 1 : i32
      %get3A_578 = arith.index_cast %get3A_577 : i32 to index
      %get3A_579 = arith.constant 32 : index
      %get3A_580 = tpu.vector_load %arg6[%get3A_578, %get3A_579] {strides = array<i32>} : memref<2x128xi32, #tpu.memory_space<vmem>>, vector<1x16xi32>,
      %get3A_581 = vector.shape_cast %get3A_580 : vector<1x16xi32> to vector<16xi32>
      %sub3A_582 = vector.broadcast %mul3A_0 : i32 to vector<16xi32>
      %sub3A_583 = arith.subi %get3A_581, %sub3A_582 : vector<16xi32>
      %lt3A_584 = arith.constant 0 : i32
      %lt3A_585 = vector.broadcast %lt3A_584 : i32 to vector<16xi32>
      %lt3A_586 = arith.cmpi slt, %sub3A_583, %lt3A_585 : vector<16xi32>
      %ge3A_587 = arith.constant 20000 : i32
      %ge3A_588 = vector.broadcast %ge3A_587 : i32 to vector<16xi32>
      %ge3A_589 = arith.cmpi sge, %sub3A_583, %ge3A_588 : vector<16xi32>
      %or3A_590 = arith.ori %lt3A_586, %ge3A_589 : vector<16xi1>
      %and3A_591 = arith.constant 255 : i32
      %and3A_592 = vector.broadcast %and3A_591 : i32 to vector<16xi32>
      %and3A_593 = arith.andi %get3A_581, %and3A_592 : vector<16xi32>
      %add3A_594 = arith.constant 20000 : i32
      %add3A_595 = vector.broadcast %add3A_594 : i32 to vector<16xi32>
      %add3A_596 = arith.addi %add3A_595, %and3A_593 : vector<16xi32>
      %select_n3A_597 = arith.select %or3A_590, %add3A_596, %sub3A_583 : vector<16xi1>, vector<16xi32>
      %swap3A_598 = arith.constant 1 : i32
      %swap3A_599 = arith.index_cast %swap3A_598 : i32 to index
      %swap3A_600 = arith.constant 32 : index
      %swap3A_601 = tpu.vector_load %arg6[%swap3A_599, %swap3A_600] {strides = array<i32>} : memref<2x128xi32, #tpu.memory_space<vmem>>, vector<1x16xi32>,
      %swap3A_602 = vector.shape_cast %swap3A_601 : vector<1x16xi32> to vector<16xi32>
      %swap3A_603 = vector.shape_cast %select_n3A_597 : vector<16xi32> to vector<1x16xi32>
      tpu.vector_store %arg6[%swap3A_599, %swap3A_600], %swap3A_603 {strides = array<i32>} : memref<2x128xi32, #tpu.memory_space<vmem>>, vector<1x16xi32>,
      %get3A_604 = arith.constant 1 : i32
      %get3A_605 = arith.index_cast %get3A_604 : i32 to index
      %get3A_606 = arith.constant 48 : index
      %get3A_607 = tpu.vector_load %arg6[%get3A_605, %get3A_606] {strides = array<i32>} : memref<2x128xi32, #tpu.memory_space<vmem>>, vector<1x16xi32>,
      %get3A_608 = vector.shape_cast %get3A_607 : vector<1x16xi32> to vector<16xi32>
      %sub3A_609 = vector.broadcast %mul3A_0 : i32 to vector<16xi32>
      %sub3A_610 = arith.subi %get3A_608, %sub3A_609 : vector<16xi32>
      %lt3A_611 = arith.constant 0 : i32
      %lt3A_612 = vector.broadcast %lt3A_611 : i32 to vector<16xi32>
      %lt3A_613 = arith.cmpi slt, %sub3A_610, %lt3A_612 : vector<16xi32>
      %ge3A_614 = arith.constant 20000 : i32
      %ge3A_615 = vector.broadcast %ge3A_614 : i32 to vector<16xi32>
      %ge3A_616 = arith.cmpi sge, %sub3A_610, %ge3A_615 : vector<16xi32>
      %or3A_617 = arith.ori %lt3A_613, %ge3A_616 : vector<16xi1>
      %and3A_618 = arith.constant 255 : i32
      %and3A_619 = vector.broadcast %and3A_618 : i32 to vector<16xi32>
      %and3A_620 = arith.andi %get3A_608, %and3A_619 : vector<16xi32>
      %add3A_621 = arith.constant 20000 : i32
      %add3A_622 = vector.broadcast %add3A_621 : i32 to vector<16xi32>
      %add3A_623 = arith.addi %add3A_622, %and3A_620 : vector<16xi32>
      %select_n3A_624 = arith.select %or3A_617, %add3A_623, %sub3A_610 : vector<16xi1>, vector<16xi32>
      %swap3A_625 = arith.constant 1 : i32
      %swap3A_626 = arith.index_cast %swap3A_625 : i32 to index
      %swap3A_627 = arith.constant 48 : index
      %swap3A_628 = tpu.vector_load %arg6[%swap3A_626, %swap3A_627] {strides = array<i32>} : memref<2x128xi32, #tpu.memory_space<vmem>>, vector<1x16xi32>,
      %swap3A_629 = vector.shape_cast %swap3A_628 : vector<1x16xi32> to vector<16xi32>
      %swap3A_630 = vector.shape_cast %select_n3A_624 : vector<16xi32> to vector<1x16xi32>
      tpu.vector_store %arg6[%swap3A_626, %swap3A_627], %swap3A_630 {strides = array<i32>} : memref<2x128xi32, #tpu.memory_space<vmem>>, vector<1x16xi32>,
      %get3A_631 = arith.constant 1 : i32
      %get3A_632 = arith.index_cast %get3A_631 : i32 to index
      %get3A_633 = arith.constant 64 : index
      %get3A_634 = tpu.vector_load %arg6[%get3A_632, %get3A_633] {strides = array<i32>} : memref<2x128xi32, #tpu.memory_space<vmem>>, vector<1x16xi32>,
      %get3A_635 = vector.shape_cast %get3A_634 : vector<1x16xi32> to vector<16xi32>
      %sub3A_636 = vector.broadcast %mul3A_0 : i32 to vector<16xi32>
      %sub3A_637 = arith.subi %get3A_635, %sub3A_636 : vector<16xi32>
      %lt3A_638 = arith.constant 0 : i32
      %lt3A_639 = vector.broadcast %lt3A_638 : i32 to vector<16xi32>
      %lt3A_640 = arith.cmpi slt, %sub3A_637, %lt3A_639 : vector<16xi32>
      %ge3A_641 = arith.constant 20000 : i32
      %ge3A_642 = vector.broadcast %ge3A_641 : i32 to vector<16xi32>
      %ge3A_643 = arith.cmpi sge, %sub3A_637, %ge3A_642 : vector<16xi32>
      %or3A_644 = arith.ori %lt3A_640, %ge3A_643 : vector<16xi1>
      %and3A_645 = arith.constant 255 : i32
      %and3A_646 = vector.broadcast %and3A_645 : i32 to vector<16xi32>
      %and3A_647 = arith.andi %get3A_635, %and3A_646 : vector<16xi32>
      %add3A_648 = arith.constant 20000 : i32
      %add3A_649 = vector.broadcast %add3A_648 : i32 to vector<16xi32>
      %add3A_650 = arith.addi %add3A_649, %and3A_647 : vector<16xi32>
      %select_n3A_651 = arith.select %or3A_644, %add3A_650, %sub3A_637 : vector<16xi1>, vector<16xi32>
      %swap3A_652 = arith.constant 1 : i32
      %swap3A_653 = arith.index_cast %swap3A_652 : i32 to index
      %swap3A_654 = arith.constant 64 : index
      %swap3A_655 = tpu.vector_load %arg6[%swap3A_653, %swap3A_654] {strides = array<i32>} : memref<2x128xi32, #tpu.memory_space<vmem>>, vector<1x16xi32>,
      %swap3A_656 = vector.shape_cast %swap3A_655 : vector<1x16xi32> to vector<16xi32>
      %swap3A_657 = vector.shape_cast %select_n3A_651 : vector<16xi32> to vector<1x16xi32>
      tpu.vector_store %arg6[%swap3A_653, %swap3A_654], %swap3A_657 {strides = array<i32>} : memref<2x128xi32, #tpu.memory_space<vmem>>, vector<1x16xi32>,
      %get3A_658 = arith.constant 1 : i32
      %get3A_659 = arith.index_cast %get3A_658 : i32 to index
      %get3A_660 = arith.constant 80 : index
      %get3A_661 = tpu.vector_load %arg6[%get3A_659, %get3A_660] {strides = array<i32>} : memref<2x128xi32, #tpu.memory_space<vmem>>, vector<1x16xi32>,
      %get3A_662 = vector.shape_cast %get3A_661 : vector<1x16xi32> to vector<16xi32>
      %sub3A_663 = vector.broadcast %mul3A_0 : i32 to vector<16xi32>
      %sub3A_664 = arith.subi %get3A_662, %sub3A_663 : vector<16xi32>
      %lt3A_665 = arith.constant 0 : i32
      %lt3A_666 = vector.broadcast %lt3A_665 : i32 to vector<16xi32>
      %lt3A_667 = arith.cmpi slt, %sub3A_664, %lt3A_666 : vector<16xi32>
      %ge3A_668 = arith.constant 20000 : i32
      %ge3A_669 = vector.broadcast %ge3A_668 : i32 to vector<16xi32>
      %ge3A_670 = arith.cmpi sge, %sub3A_664, %ge3A_669 : vector<16xi32>
      %or3A_671 = arith.ori %lt3A_667, %ge3A_670 : vector<16xi1>
      %and3A_672 = arith.constant 255 : i32
      %and3A_673 = vector.broadcast %and3A_672 : i32 to vector<16xi32>
      %and3A_674 = arith.andi %get3A_662, %and3A_673 : vector<16xi32>
      %add3A_675 = arith.constant 20000 : i32
      %add3A_676 = vector.broadcast %add3A_675 : i32 to vector<16xi32>
      %add3A_677 = arith.addi %add3A_676, %and3A_674 : vector<16xi32>
      %select_n3A_678 = arith.select %or3A_671, %add3A_677, %sub3A_664 : vector<16xi1>, vector<16xi32>
      %swap3A_679 = arith.constant 1 : i32
      %swap3A_680 = arith.index_cast %swap3A_679 : i32 to index
      %swap3A_681 = arith.constant 80 : index
      %swap3A_682 = tpu.vector_load %arg6[%swap3A_680, %swap3A_681] {strides = array<i32>} : memref<2x128xi32, #tpu.memory_space<vmem>>, vector<1x16xi32>,
      %swap3A_683 = vector.shape_cast %swap3A_682 : vector<1x16xi32> to vector<16xi32>
      %swap3A_684 = vector.shape_cast %select_n3A_678 : vector<16xi32> to vector<1x16xi32>
      tpu.vector_store %arg6[%swap3A_680, %swap3A_681], %swap3A_684 {strides = array<i32>} : memref<2x128xi32, #tpu.memory_space<vmem>>, vector<1x16xi32>,
      %get3A_685 = arith.constant 1 : i32
      %get3A_686 = arith.index_cast %get3A_685 : i32 to index
      %get3A_687 = arith.constant 96 : index
      %get3A_688 = tpu.vector_load %arg6[%get3A_686, %get3A_687] {strides = array<i32>} : memref<2x128xi32, #tpu.memory_space<vmem>>, vector<1x16xi32>,
      %get3A_689 = vector.shape_cast %get3A_688 : vector<1x16xi32> to vector<16xi32>
      %sub3A_690 = vector.broadcast %mul3A_0 : i32 to vector<16xi32>
      %sub3A_691 = arith.subi %get3A_689, %sub3A_690 : vector<16xi32>
      %lt3A_692 = arith.constant 0 : i32
      %lt3A_693 = vector.broadcast %lt3A_692 : i32 to vector<16xi32>
      %lt3A_694 = arith.cmpi slt, %sub3A_691, %lt3A_693 : vector<16xi32>
      %ge3A_695 = arith.constant 20000 : i32
      %ge3A_696 = vector.broadcast %ge3A_695 : i32 to vector<16xi32>
      %ge3A_697 = arith.cmpi sge, %sub3A_691, %ge3A_696 : vector<16xi32>
      %or3A_698 = arith.ori %lt3A_694, %ge3A_697 : vector<16xi1>
      %and3A_699 = arith.constant 255 : i32
      %and3A_700 = vector.broadcast %and3A_699 : i32 to vector<16xi32>
      %and3A_701 = arith.andi %get3A_689, %and3A_700 : vector<16xi32>
      %add3A_702 = arith.constant 20000 : i32
      %add3A_703 = vector.broadcast %add3A_702 : i32 to vector<16xi32>
      %add3A_704 = arith.addi %add3A_703, %and3A_701 : vector<16xi32>
      %select_n3A_705 = arith.select %or3A_698, %add3A_704, %sub3A_691 : vector<16xi1>, vector<16xi32>
      %swap3A_706 = arith.constant 1 : i32
      %swap3A_707 = arith.index_cast %swap3A_706 : i32 to index
      %swap3A_708 = arith.constant 96 : index
      %swap3A_709 = tpu.vector_load %arg6[%swap3A_707, %swap3A_708] {strides = array<i32>} : memref<2x128xi32, #tpu.memory_space<vmem>>, vector<1x16xi32>,
      %swap3A_710 = vector.shape_cast %swap3A_709 : vector<1x16xi32> to vector<16xi32>
      %swap3A_711 = vector.shape_cast %select_n3A_705 : vector<16xi32> to vector<1x16xi32>
      tpu.vector_store %arg6[%swap3A_707, %swap3A_708], %swap3A_711 {strides = array<i32>} : memref<2x128xi32, #tpu.memory_space<vmem>>, vector<1x16xi32>,
      %get3A_712 = arith.constant 1 : i32
      %get3A_713 = arith.index_cast %get3A_712 : i32 to index
      %get3A_714 = arith.constant 112 : index
      %get3A_715 = tpu.vector_load %arg6[%get3A_713, %get3A_714] {strides = array<i32>} : memref<2x128xi32, #tpu.memory_space<vmem>>, vector<1x16xi32>,
      %get3A_716 = vector.shape_cast %get3A_715 : vector<1x16xi32> to vector<16xi32>
      %sub3A_717 = vector.broadcast %mul3A_0 : i32 to vector<16xi32>
      %sub3A_718 = arith.subi %get3A_716, %sub3A_717 : vector<16xi32>
      %lt3A_719 = arith.constant 0 : i32
      %lt3A_720 = vector.broadcast %lt3A_719 : i32 to vector<16xi32>
      %lt3A_721 = arith.cmpi slt, %sub3A_718, %lt3A_720 : vector<16xi32>
      %ge3A_722 = arith.constant 20000 : i32
      %ge3A_723 = vector.broadcast %ge3A_722 : i32 to vector<16xi32>
      %ge3A_724 = arith.cmpi sge, %sub3A_718, %ge3A_723 : vector<16xi32>
      %or3A_725 = arith.ori %lt3A_721, %ge3A_724 : vector<16xi1>
      %and3A_726 = arith.constant 255 : i32
      %and3A_727 = vector.broadcast %and3A_726 : i32 to vector<16xi32>
      %and3A_728 = arith.andi %get3A_716, %and3A_727 : vector<16xi32>
      %add3A_729 = arith.constant 20000 : i32
      %add3A_730 = vector.broadcast %add3A_729 : i32 to vector<16xi32>
      %add3A_731 = arith.addi %add3A_730, %and3A_728 : vector<16xi32>
      %select_n3A_732 = arith.select %or3A_725, %add3A_731, %sub3A_718 : vector<16xi1>, vector<16xi32>
      %swap3A_733 = arith.constant 1 : i32
      %swap3A_734 = arith.index_cast %swap3A_733 : i32 to index
      %swap3A_735 = arith.constant 112 : index
      %swap3A_736 = tpu.vector_load %arg6[%swap3A_734, %swap3A_735] {strides = array<i32>} : memref<2x128xi32, #tpu.memory_space<vmem>>, vector<1x16xi32>,
      %swap3A_737 = vector.shape_cast %swap3A_736 : vector<1x16xi32> to vector<16xi32>
      %swap3A_738 = vector.shape_cast %select_n3A_732 : vector<16xi32> to vector<1x16xi32>
      tpu.vector_store %arg6[%swap3A_734, %swap3A_735], %swap3A_738 {strides = array<i32>} : memref<2x128xi32, #tpu.memory_space<vmem>>, vector<1x16xi32>,
      %dma_start3A_739 = arith.constant 0 : i32
      %dma_start3A_740 = arith.constant 0 : i32
      %dma_start3A_741 = arith.constant 0 : i32
      %dma_start3A_742 = tpu.memref_slice %arg7[%dma_start3A_740, %dma_start3A_741] : memref<256x80xf32, #tpu.memory_space<vmem>> -> memref<128x80xf32, #tpu.memory_space<vmem>>
      %dma_start3A_743 = arith.constant 0 : i32
      %dma_start3A_744 = tpu.memref_slice %arg6[%dma_start3A_739, %dma_start3A_743] : memref<2x128xi32, #tpu.memory_space<vmem>> -> memref<1x128xi32, #tpu.memory_space<vmem>>
      %dma_start3A_745 = tpu.memref_squeeze %dma_start3A_744 : memref<1x128xi32, #tpu.memory_space<vmem>> -> memref<128xi32, #tpu.memory_space<vmem>>
      %dma_start3A_746 = arith.constant 0 : i32
      %dma_start3A_747 = arith.constant 0 : i32
      %dma_start3A_748 = tpu.memref_slice %arg11[%dma_start3A_746, %dma_start3A_747] : memref<20480x80xf32, #tpu.memory_space<vmem_shared>> -> memref<20480x80xf32, #tpu.memory_space<vmem_shared>>
      tpu.enqueue_indirect_dma source(%dma_start3A_742 : memref<128x80xf32, #tpu.memory_space<vmem>>) target(%dma_start3A_748 : memref<20480x80xf32, #tpu.memory_space<vmem_shared>>) offsets(%dma_start3A_745 : memref<128xi32, #tpu.memory_space<vmem>>) semaphore(%arg10 : memref<!tpu.dma_semaphore, #tpu.memory_space<semaphore_mem>>) {add = true}
      %dma_start3A_749 = arith.constant 1 : i32
      %dma_start3A_750 = arith.constant 128 : i32
      %dma_start3A_751 = arith.constant 0 : i32
      %dma_start3A_752 = tpu.memref_slice %arg7[%dma_start3A_750, %dma_start3A_751] : memref<256x80xf32, #tpu.memory_space<vmem>> -> memref<128x80xf32, #tpu.memory_space<vmem>>
      %dma_start3A_753 = arith.constant 0 : i32
      %dma_start3A_754 = tpu.memref_slice %arg6[%dma_start3A_749, %dma_start3A_753] : memref<2x128xi32, #tpu.memory_space<vmem>> -> memref<1x128xi32, #tpu.memory_space<vmem>>
      %dma_start3A_755 = tpu.memref_squeeze %dma_start3A_754 : memref<1x128xi32, #tpu.memory_space<vmem>> -> memref<128xi32, #tpu.memory_space<vmem>>
      %dma_start3A_756 = arith.constant 0 : i32
      %dma_start3A_757 = arith.constant 0 : i32
      %dma_start3A_758 = tpu.memref_slice %arg11[%dma_start3A_756, %dma_start3A_757] : memref<20480x80xf32, #tpu.memory_space<vmem_shared>> -> memref<20480x80xf32, #tpu.memory_space<vmem_shared>>
      tpu.enqueue_indirect_dma source(%dma_start3A_752 : memref<128x80xf32, #tpu.memory_space<vmem>>) target(%dma_start3A_758 : memref<20480x80xf32, #tpu.memory_space<vmem_shared>>) offsets(%dma_start3A_755 : memref<128xi32, #tpu.memory_space<vmem>>) semaphore(%arg10 : memref<!tpu.dma_semaphore, #tpu.memory_space<semaphore_mem>>) {add = true}
      %dma_wait3A_759 = arith.constant 0 : i32
      %dma_wait3A_760 = arith.constant 0 : i32
      %dma_wait3A_761 = arith.constant 0 : i32
      %dma_wait3A_762 = tpu.memref_slice %arg7[%dma_wait3A_760, %dma_wait3A_761] : memref<256x80xf32, #tpu.memory_space<vmem>> -> memref<128x80xf32, #tpu.memory_space<vmem>>
      %dma_wait3A_763 = arith.constant 0 : i32
      %dma_wait3A_764 = tpu.memref_slice %arg6[%dma_wait3A_759, %dma_wait3A_763] : memref<2x128xi32, #tpu.memory_space<vmem>> -> memref<1x128xi32, #tpu.memory_space<vmem>>
      %dma_wait3A_765 = tpu.memref_squeeze %dma_wait3A_764 : memref<1x128xi32, #tpu.memory_space<vmem>> -> memref<128xi32, #tpu.memory_space<vmem>>
      %dma_wait3A_766 = arith.constant 0 : i32
      %dma_wait3A_767 = arith.constant 0 : i32
      %dma_wait3A_768 = tpu.memref_slice %arg11[%dma_wait3A_766, %dma_wait3A_767] : memref<20480x80xf32, #tpu.memory_space<vmem_shared>> -> memref<20480x80xf32, #tpu.memory_space<vmem_shared>>
      tpu.wait_indirect_dma semaphore(%arg10 : memref<!tpu.dma_semaphore, #tpu.memory_space<semaphore_mem>>) src(%dma_wait3A_762 : memref<128x80xf32, #tpu.memory_space<vmem>>) dst(%dma_wait3A_768 : memref<20480x80xf32, #tpu.memory_space<vmem_shared>>)
      %dma_wait3A_769 = arith.constant 1 : i32
      %dma_wait3A_770 = arith.constant 128 : i32
      %dma_wait3A_771 = arith.constant 0 : i32
      %dma_wait3A_772 = tpu.memref_slice %arg7[%dma_wait3A_770, %dma_wait3A_771] : memref<256x80xf32, #tpu.memory_space<vmem>> -> memref<128x80xf32, #tpu.memory_space<vmem>>
      %dma_wait3A_773 = arith.constant 0 : i32
      %dma_wait3A_774 = tpu.memref_slice %arg6[%dma_wait3A_769, %dma_wait3A_773] : memref<2x128xi32, #tpu.memory_space<vmem>> -> memref<1x128xi32, #tpu.memory_space<vmem>>
      %dma_wait3A_775 = tpu.memref_squeeze %dma_wait3A_774 : memref<1x128xi32, #tpu.memory_space<vmem>> -> memref<128xi32, #tpu.memory_space<vmem>>
      %dma_wait3A_776 = arith.constant 0 : i32
      %dma_wait3A_777 = arith.constant 0 : i32
      %dma_wait3A_778 = tpu.memref_slice %arg11[%dma_wait3A_776, %dma_wait3A_777] : memref<20480x80xf32, #tpu.memory_space<vmem_shared>> -> memref<20480x80xf32, #tpu.memory_space<vmem_shared>>
      tpu.wait_indirect_dma semaphore(%arg10 : memref<!tpu.dma_semaphore, #tpu.memory_space<semaphore_mem>>) src(%dma_wait3A_772 : memref<128x80xf32, #tpu.memory_space<vmem>>) dst(%dma_wait3A_778 : memref<20480x80xf32, #tpu.memory_space<vmem_shared>>)
    }
    %scan3A_82 = arith.constant 40 : i32
    %barrier3A_83 = arith.constant 0 : index
    tpu.barrier barrier_id(%barrier3A_83)
    %mul3A_84 = arith.constant 1250 : i32
    %mul3A_85 = arith.muli %arg1, %mul3A_84 : i32
    %add3A_86 = arith.constant 0 : i32
    %add3A_87 = arith.addi %mul3A_85, %add3A_86 : i32
    %mul3A_88 = arith.constant 20000 : i32
    %mul3A_89 = arith.muli %arg0, %mul3A_88 : i32
    %mul3A_90 = arith.constant 1250 : i32
    %mul3A_91 = arith.muli %arg1, %mul3A_90 : i32
    %add3A_92 = arith.addi %mul3A_89, %mul3A_91 : i32
    %add3A_93 = arith.constant 0 : i32
    %add3A_94 = arith.addi %add3A_92, %add3A_93 : i32
    %dma_start3A_95 = arith.constant 0 : i32
    %dma_start3A_96 = tpu.memref_slice %arg5[%add3A_94, %dma_start3A_95] : memref<40000x80xf32, #tpu.memory_space<hbm>> -> memref<125x80xf32, #tpu.memory_space<hbm>>
    %dma_start3A_97 = arith.constant 0 : i32
    %dma_start3A_98 = tpu.memref_slice %arg11[%add3A_87, %dma_start3A_97] : memref<20480x80xf32, #tpu.memory_space<vmem_shared>> -> memref<125x80xf32, #tpu.memory_space<vmem_shared>>
    tpu.enqueue_dma source(%dma_start3A_98 : memref<125x80xf32, #tpu.memory_space<vmem_shared>>) target(%dma_start3A_96 : memref<125x80xf32, #tpu.memory_space<hbm>>) target_semaphore(%arg8 : memref<!tpu.dma_semaphore, #tpu.memory_space<semaphore_mem>>)
    %mul3A_99 = arith.constant 1250 : i32
    %mul3A_100 = arith.muli %arg1, %mul3A_99 : i32
    %add3A_101 = arith.constant 125 : i32
    %add3A_102 = arith.addi %mul3A_100, %add3A_101 : i32
    %mul3A_103 = arith.constant 20000 : i32
    %mul3A_104 = arith.muli %arg0, %mul3A_103 : i32
    %mul3A_105 = arith.constant 1250 : i32
    %mul3A_106 = arith.muli %arg1, %mul3A_105 : i32
    %add3A_107 = arith.addi %mul3A_104, %mul3A_106 : i32
    %add3A_108 = arith.constant 125 : i32
    %add3A_109 = arith.addi %add3A_107, %add3A_108 : i32
    %dma_start3A_110 = arith.constant 0 : i32
    %dma_start3A_111 = tpu.memref_slice %arg5[%add3A_109, %dma_start3A_110] : memref<40000x80xf32, #tpu.memory_space<hbm>> -> memref<125x80xf32, #tpu.memory_space<hbm>>
    %dma_start3A_112 = arith.constant 0 : i32
    %dma_start3A_113 = tpu.memref_slice %arg11[%add3A_102, %dma_start3A_112] : memref<20480x80xf32, #tpu.memory_space<vmem_shared>> -> memref<125x80xf32, #tpu.memory_space<vmem_shared>>
    tpu.enqueue_dma source(%dma_start3A_113 : memref<125x80xf32, #tpu.memory_space<vmem_shared>>) target(%dma_start3A_111 : memref<125x80xf32, #tpu.memory_space<hbm>>) target_semaphore(%arg8 : memref<!tpu.dma_semaphore, #tpu.memory_space<semaphore_mem>>)
    %mul3A_114 = arith.constant 1250 : i32
    %mul3A_115 = arith.muli %arg1, %mul3A_114 : i32
    %add3A_116 = arith.constant 250 : i32
    %add3A_117 = arith.addi %mul3A_115, %add3A_116 : i32
    %mul3A_118 = arith.constant 20000 : i32
    %mul3A_119 = arith.muli %arg0, %mul3A_118 : i32
    %mul3A_120 = arith.constant 1250 : i32
    %mul3A_121 = arith.muli %arg1, %mul3A_120 : i32
    %add3A_122 = arith.addi %mul3A_119, %mul3A_121 : i32
    %add3A_123 = arith.constant 250 : i32
    %add3A_124 = arith.addi %add3A_122, %add3A_123 : i32
    %dma_start3A_125 = arith.constant 0 : i32
    %dma_start3A_126 = tpu.memref_slice %arg5[%add3A_124, %dma_start3A_125] : memref<40000x80xf32, #tpu.memory_space<hbm>> -> memref<125x80xf32, #tpu.memory_space<hbm>>
    %dma_start3A_127 = arith.constant 0 : i32
    %dma_start3A_128 = tpu.memref_slice %arg11[%add3A_117, %dma_start3A_127] : memref<20480x80xf32, #tpu.memory_space<vmem_shared>> -> memref<125x80xf32, #tpu.memory_space<vmem_shared>>
    tpu.enqueue_dma source(%dma_start3A_128 : memref<125x80xf32, #tpu.memory_space<vmem_shared>>) target(%dma_start3A_126 : memref<125x80xf32, #tpu.memory_space<hbm>>) target_semaphore(%arg8 : memref<!tpu.dma_semaphore, #tpu.memory_space<semaphore_mem>>)
    %mul3A_129 = arith.constant 1250 : i32
    %mul3A_130 = arith.muli %arg1, %mul3A_129 : i32
    %add3A_131 = arith.constant 375 : i32
    %add3A_132 = arith.addi %mul3A_130, %add3A_131 : i32
    %mul3A_133 = arith.constant 20000 : i32
    %mul3A_134 = arith.muli %arg0, %mul3A_133 : i32
    %mul3A_135 = arith.constant 1250 : i32
    %mul3A_136 = arith.muli %arg1, %mul3A_135 : i32
    %add3A_137 = arith.addi %mul3A_134, %mul3A_136 : i32
    %add3A_138 = arith.constant 375 : i32
    %add3A_139 = arith.addi %add3A_137, %add3A_138 : i32
    %dma_start3A_140 = arith.constant 0 : i32
    %dma_start3A_141 = tpu.memref_slice %arg5[%add3A_139, %dma_start3A_140] : memref<40000x80xf32, #tpu.memory_space<hbm>> -> memref<125x80xf32, #tpu.memory_space<hbm>>
    %dma_start3A_142 = arith.constant 0 : i32
    %dma_start3A_143 = tpu.memref_slice %arg11[%add3A_132, %dma_start3A_142] : memref<20480x80xf32, #tpu.memory_space<vmem_shared>> -> memref<125x80xf32, #tpu.memory_space<vmem_shared>>
    tpu.enqueue_dma source(%dma_start3A_143 : memref<125x80xf32, #tpu.memory_space<vmem_shared>>) target(%dma_start3A_141 : memref<125x80xf32, #tpu.memory_space<hbm>>) target_semaphore(%arg8 : memref<!tpu.dma_semaphore, #tpu.memory_space<semaphore_mem>>)
    %mul3A_144 = arith.constant 1250 : i32
    %mul3A_145 = arith.muli %arg1, %mul3A_144 : i32
    %add3A_146 = arith.constant 500 : i32
    %add3A_147 = arith.addi %mul3A_145, %add3A_146 : i32
    %mul3A_148 = arith.constant 20000 : i32
    %mul3A_149 = arith.muli %arg0, %mul3A_148 : i32
    %mul3A_150 = arith.constant 1250 : i32
    %mul3A_151 = arith.muli %arg1, %mul3A_150 : i32
    %add3A_152 = arith.addi %mul3A_149, %mul3A_151 : i32
    %add3A_153 = arith.constant 500 : i32
    %add3A_154 = arith.addi %add3A_152, %add3A_153 : i32
    %dma_start3A_155 = arith.constant 0 : i32
    %dma_start3A_156 = tpu.memref_slice %arg5[%add3A_154, %dma_start3A_155] : memref<40000x80xf32, #tpu.memory_space<hbm>> -> memref<125x80xf32, #tpu.memory_space<hbm>>
    %dma_start3A_157 = arith.constant 0 : i32
    %dma_start3A_158 = tpu.memref_slice %arg11[%add3A_147, %dma_start3A_157] : memref<20480x80xf32, #tpu.memory_space<vmem_shared>> -> memref<125x80xf32, #tpu.memory_space<vmem_shared>>
    tpu.enqueue_dma source(%dma_start3A_158 : memref<125x80xf32, #tpu.memory_space<vmem_shared>>) target(%dma_start3A_156 : memref<125x80xf32, #tpu.memory_space<hbm>>) target_semaphore(%arg8 : memref<!tpu.dma_semaphore, #tpu.memory_space<semaphore_mem>>)
    %mul3A_159 = arith.constant 1250 : i32
    %mul3A_160 = arith.muli %arg1, %mul3A_159 : i32
    %add3A_161 = arith.constant 625 : i32
    %add3A_162 = arith.addi %mul3A_160, %add3A_161 : i32
    %mul3A_163 = arith.constant 20000 : i32
    %mul3A_164 = arith.muli %arg0, %mul3A_163 : i32
    %mul3A_165 = arith.constant 1250 : i32
    %mul3A_166 = arith.muli %arg1, %mul3A_165 : i32
    %add3A_167 = arith.addi %mul3A_164, %mul3A_166 : i32
    %add3A_168 = arith.constant 625 : i32
    %add3A_169 = arith.addi %add3A_167, %add3A_168 : i32
    %dma_start3A_170 = arith.constant 0 : i32
    %dma_start3A_171 = tpu.memref_slice %arg5[%add3A_169, %dma_start3A_170] : memref<40000x80xf32, #tpu.memory_space<hbm>> -> memref<125x80xf32, #tpu.memory_space<hbm>>
    %dma_start3A_172 = arith.constant 0 : i32
    %dma_start3A_173 = tpu.memref_slice %arg11[%add3A_162, %dma_start3A_172] : memref<20480x80xf32, #tpu.memory_space<vmem_shared>> -> memref<125x80xf32, #tpu.memory_space<vmem_shared>>
    tpu.enqueue_dma source(%dma_start3A_173 : memref<125x80xf32, #tpu.memory_space<vmem_shared>>) target(%dma_start3A_171 : memref<125x80xf32, #tpu.memory_space<hbm>>) target_semaphore(%arg8 : memref<!tpu.dma_semaphore, #tpu.memory_space<semaphore_mem>>)
    %mul3A_174 = arith.constant 1250 : i32
    %mul3A_175 = arith.muli %arg1, %mul3A_174 : i32
    %add3A_176 = arith.constant 750 : i32
    %add3A_177 = arith.addi %mul3A_175, %add3A_176 : i32
    %mul3A_178 = arith.constant 20000 : i32
    %mul3A_179 = arith.muli %arg0, %mul3A_178 : i32
    %mul3A_180 = arith.constant 1250 : i32
    %mul3A_181 = arith.muli %arg1, %mul3A_180 : i32
    %add3A_182 = arith.addi %mul3A_179, %mul3A_181 : i32
    %add3A_183 = arith.constant 750 : i32
    %add3A_184 = arith.addi %add3A_182, %add3A_183 : i32
    %dma_start3A_185 = arith.constant 0 : i32
    %dma_start3A_186 = tpu.memref_slice %arg5[%add3A_184, %dma_start3A_185] : memref<40000x80xf32, #tpu.memory_space<hbm>> -> memref<125x80xf32, #tpu.memory_space<hbm>>
    %dma_start3A_187 = arith.constant 0 : i32
    %dma_start3A_188 = tpu.memref_slice %arg11[%add3A_177, %dma_start3A_187] : memref<20480x80xf32, #tpu.memory_space<vmem_shared>> -> memref<125x80xf32, #tpu.memory_space<vmem_shared>>
    tpu.enqueue_dma source(%dma_start3A_188 : memref<125x80xf32, #tpu.memory_space<vmem_shared>>) target(%dma_start3A_186 : memref<125x80xf32, #tpu.memory_space<hbm>>) target_semaphore(%arg8 : memref<!tpu.dma_semaphore, #tpu.memory_space<semaphore_mem>>)
    %mul3A_189 = arith.constant 1250 : i32
    %mul3A_190 = arith.muli %arg1, %mul3A_189 : i32
    %add3A_191 = arith.constant 875 : i32
    %add3A_192 = arith.addi %mul3A_190, %add3A_191 : i32
    %mul3A_193 = arith.constant 20000 : i32
    %mul3A_194 = arith.muli %arg0, %mul3A_193 : i32
    %mul3A_195 = arith.constant 1250 : i32
    %mul3A_196 = arith.muli %arg1, %mul3A_195 : i32
    %add3A_197 = arith.addi %mul3A_194, %mul3A_196 : i32
    %add3A_198 = arith.constant 875 : i32
    %add3A_199 = arith.addi %add3A_197, %add3A_198 : i32
    %dma_start3A_200 = arith.constant 0 : i32
    %dma_start3A_201 = tpu.memref_slice %arg5[%add3A_199, %dma_start3A_200] : memref<40000x80xf32, #tpu.memory_space<hbm>> -> memref<125x80xf32, #tpu.memory_space<hbm>>
    %dma_start3A_202 = arith.constant 0 : i32
    %dma_start3A_203 = tpu.memref_slice %arg11[%add3A_192, %dma_start3A_202] : memref<20480x80xf32, #tpu.memory_space<vmem_shared>> -> memref<125x80xf32, #tpu.memory_space<vmem_shared>>
    tpu.enqueue_dma source(%dma_start3A_203 : memref<125x80xf32, #tpu.memory_space<vmem_shared>>) target(%dma_start3A_201 : memref<125x80xf32, #tpu.memory_space<hbm>>) target_semaphore(%arg8 : memref<!tpu.dma_semaphore, #tpu.memory_space<semaphore_mem>>)
    %mul3A_204 = arith.constant 1250 : i32
    %mul3A_205 = arith.muli %arg1, %mul3A_204 : i32
    %add3A_206 = arith.constant 1000 : i32
    %add3A_207 = arith.addi %mul3A_205, %add3A_206 : i32
    %mul3A_208 = arith.constant 20000 : i32
    %mul3A_209 = arith.muli %arg0, %mul3A_208 : i32
    %mul3A_210 = arith.constant 1250 : i32
    %mul3A_211 = arith.muli %arg1, %mul3A_210 : i32
    %add3A_212 = arith.addi %mul3A_209, %mul3A_211 : i32
    %add3A_213 = arith.constant 1000 : i32
    %add3A_214 = arith.addi %add3A_212, %add3A_213 : i32
    %dma_start3A_215 = arith.constant 0 : i32
    %dma_start3A_216 = tpu.memref_slice %arg5[%add3A_214, %dma_start3A_215] : memref<40000x80xf32, #tpu.memory_space<hbm>> -> memref<125x80xf32, #tpu.memory_space<hbm>>
    %dma_start3A_217 = arith.constant 0 : i32
    %dma_start3A_218 = tpu.memref_slice %arg11[%add3A_207, %dma_start3A_217] : memref<20480x80xf32, #tpu.memory_space<vmem_shared>> -> memref<125x80xf32, #tpu.memory_space<vmem_shared>>
    tpu.enqueue_dma source(%dma_start3A_218 : memref<125x80xf32, #tpu.memory_space<vmem_shared>>) target(%dma_start3A_216 : memref<125x80xf32, #tpu.memory_space<hbm>>) target_semaphore(%arg8 : memref<!tpu.dma_semaphore, #tpu.memory_space<semaphore_mem>>)
    %mul3A_219 = arith.constant 1250 : i32
    %mul3A_220 = arith.muli %arg1, %mul3A_219 : i32
    %add3A_221 = arith.constant 1125 : i32
    %add3A_222 = arith.addi %mul3A_220, %add3A_221 : i32
    %mul3A_223 = arith.constant 20000 : i32
    %mul3A_224 = arith.muli %arg0, %mul3A_223 : i32
    %mul3A_225 = arith.constant 1250 : i32
    %mul3A_226 = arith.muli %arg1, %mul3A_225 : i32
    %add3A_227 = arith.addi %mul3A_224, %mul3A_226 : i32
    %add3A_228 = arith.constant 1125 : i32
    %add3A_229 = arith.addi %add3A_227, %add3A_228 : i32
    %dma_start3A_230 = arith.constant 0 : i32
    %dma_start3A_231 = tpu.memref_slice %arg5[%add3A_229, %dma_start3A_230] : memref<40000x80xf32, #tpu.memory_space<hbm>> -> memref<125x80xf32, #tpu.memory_space<hbm>>
    %dma_start3A_232 = arith.constant 0 : i32
    %dma_start3A_233 = tpu.memref_slice %arg11[%add3A_222, %dma_start3A_232] : memref<20480x80xf32, #tpu.memory_space<vmem_shared>> -> memref<125x80xf32, #tpu.memory_space<vmem_shared>>
    tpu.enqueue_dma source(%dma_start3A_233 : memref<125x80xf32, #tpu.memory_space<vmem_shared>>) target(%dma_start3A_231 : memref<125x80xf32, #tpu.memory_space<hbm>>) target_semaphore(%arg8 : memref<!tpu.dma_semaphore, #tpu.memory_space<semaphore_mem>>)
    %dma_wait3A_234 = arith.constant 0 : i32
    %dma_wait3A_235 = tpu.memref_slice %arg5[%add3A_94, %dma_wait3A_234] : memref<40000x80xf32, #tpu.memory_space<hbm>> -> memref<125x80xf32, #tpu.memory_space<hbm>>
    %dma_wait3A_236 = arith.constant 0 : i32
    %dma_wait3A_237 = tpu.memref_slice %arg11[%add3A_87, %dma_wait3A_236] : memref<20480x80xf32, #tpu.memory_space<vmem_shared>> -> memref<125x80xf32, #tpu.memory_space<vmem_shared>>
    tpu.wait_dma2 semaphore(%arg8 : memref<!tpu.dma_semaphore, #tpu.memory_space<semaphore_mem>>) src(%dma_wait3A_237 : memref<125x80xf32, #tpu.memory_space<vmem_shared>>) dst(%dma_wait3A_235 : memref<125x80xf32, #tpu.memory_space<hbm>>)
    %dma_wait3A_238 = arith.constant 0 : i32
    %dma_wait3A_239 = tpu.memref_slice %arg5[%add3A_109, %dma_wait3A_238] : memref<40000x80xf32, #tpu.memory_space<hbm>> -> memref<125x80xf32, #tpu.memory_space<hbm>>
    %dma_wait3A_240 = arith.constant 0 : i32
    %dma_wait3A_241 = tpu.memref_slice %arg11[%add3A_102, %dma_wait3A_240] : memref<20480x80xf32, #tpu.memory_space<vmem_shared>> -> memref<125x80xf32, #tpu.memory_space<vmem_shared>>
    tpu.wait_dma2 semaphore(%arg8 : memref<!tpu.dma_semaphore, #tpu.memory_space<semaphore_mem>>) src(%dma_wait3A_241 : memref<125x80xf32, #tpu.memory_space<vmem_shared>>) dst(%dma_wait3A_239 : memref<125x80xf32, #tpu.memory_space<hbm>>)
    %dma_wait3A_242 = arith.constant 0 : i32
    %dma_wait3A_243 = tpu.memref_slice %arg5[%add3A_124, %dma_wait3A_242] : memref<40000x80xf32, #tpu.memory_space<hbm>> -> memref<125x80xf32, #tpu.memory_space<hbm>>
    %dma_wait3A_244 = arith.constant 0 : i32
    %dma_wait3A_245 = tpu.memref_slice %arg11[%add3A_117, %dma_wait3A_244] : memref<20480x80xf32, #tpu.memory_space<vmem_shared>> -> memref<125x80xf32, #tpu.memory_space<vmem_shared>>
    tpu.wait_dma2 semaphore(%arg8 : memref<!tpu.dma_semaphore, #tpu.memory_space<semaphore_mem>>) src(%dma_wait3A_245 : memref<125x80xf32, #tpu.memory_space<vmem_shared>>) dst(%dma_wait3A_243 : memref<125x80xf32, #tpu.memory_space<hbm>>)
    %dma_wait3A_246 = arith.constant 0 : i32
    %dma_wait3A_247 = tpu.memref_slice %arg5[%add3A_139, %dma_wait3A_246] : memref<40000x80xf32, #tpu.memory_space<hbm>> -> memref<125x80xf32, #tpu.memory_space<hbm>>
    %dma_wait3A_248 = arith.constant 0 : i32
    %dma_wait3A_249 = tpu.memref_slice %arg11[%add3A_132, %dma_wait3A_248] : memref<20480x80xf32, #tpu.memory_space<vmem_shared>> -> memref<125x80xf32, #tpu.memory_space<vmem_shared>>
    tpu.wait_dma2 semaphore(%arg8 : memref<!tpu.dma_semaphore, #tpu.memory_space<semaphore_mem>>) src(%dma_wait3A_249 : memref<125x80xf32, #tpu.memory_space<vmem_shared>>) dst(%dma_wait3A_247 : memref<125x80xf32, #tpu.memory_space<hbm>>)
    %dma_wait3A_250 = arith.constant 0 : i32
    %dma_wait3A_251 = tpu.memref_slice %arg5[%add3A_154, %dma_wait3A_250] : memref<40000x80xf32, #tpu.memory_space<hbm>> -> memref<125x80xf32, #tpu.memory_space<hbm>>
    %dma_wait3A_252 = arith.constant 0 : i32
    %dma_wait3A_253 = tpu.memref_slice %arg11[%add3A_147, %dma_wait3A_252] : memref<20480x80xf32, #tpu.memory_space<vmem_shared>> -> memref<125x80xf32, #tpu.memory_space<vmem_shared>>
    tpu.wait_dma2 semaphore(%arg8 : memref<!tpu.dma_semaphore, #tpu.memory_space<semaphore_mem>>) src(%dma_wait3A_253 : memref<125x80xf32, #tpu.memory_space<vmem_shared>>) dst(%dma_wait3A_251 : memref<125x80xf32, #tpu.memory_space<hbm>>)
    %dma_wait3A_254 = arith.constant 0 : i32
    %dma_wait3A_255 = tpu.memref_slice %arg5[%add3A_169, %dma_wait3A_254] : memref<40000x80xf32, #tpu.memory_space<hbm>> -> memref<125x80xf32, #tpu.memory_space<hbm>>
    %dma_wait3A_256 = arith.constant 0 : i32
    %dma_wait3A_257 = tpu.memref_slice %arg11[%add3A_162, %dma_wait3A_256] : memref<20480x80xf32, #tpu.memory_space<vmem_shared>> -> memref<125x80xf32, #tpu.memory_space<vmem_shared>>
    tpu.wait_dma2 semaphore(%arg8 : memref<!tpu.dma_semaphore, #tpu.memory_space<semaphore_mem>>) src(%dma_wait3A_257 : memref<125x80xf32, #tpu.memory_space<vmem_shared>>) dst(%dma_wait3A_255 : memref<125x80xf32, #tpu.memory_space<hbm>>)
    %dma_wait3A_258 = arith.constant 0 : i32
    %dma_wait3A_259 = tpu.memref_slice %arg5[%add3A_184, %dma_wait3A_258] : memref<40000x80xf32, #tpu.memory_space<hbm>> -> memref<125x80xf32, #tpu.memory_space<hbm>>
    %dma_wait3A_260 = arith.constant 0 : i32
    %dma_wait3A_261 = tpu.memref_slice %arg11[%add3A_177, %dma_wait3A_260] : memref<20480x80xf32, #tpu.memory_space<vmem_shared>> -> memref<125x80xf32, #tpu.memory_space<vmem_shared>>
    tpu.wait_dma2 semaphore(%arg8 : memref<!tpu.dma_semaphore, #tpu.memory_space<semaphore_mem>>) src(%dma_wait3A_261 : memref<125x80xf32, #tpu.memory_space<vmem_shared>>) dst(%dma_wait3A_259 : memref<125x80xf32, #tpu.memory_space<hbm>>)
    %dma_wait3A_262 = arith.constant 0 : i32
    %dma_wait3A_263 = tpu.memref_slice %arg5[%add3A_199, %dma_wait3A_262] : memref<40000x80xf32, #tpu.memory_space<hbm>> -> memref<125x80xf32, #tpu.memory_space<hbm>>
    %dma_wait3A_264 = arith.constant 0 : i32
    %dma_wait3A_265 = tpu.memref_slice %arg11[%add3A_192, %dma_wait3A_264] : memref<20480x80xf32, #tpu.memory_space<vmem_shared>> -> memref<125x80xf32, #tpu.memory_space<vmem_shared>>
    tpu.wait_dma2 semaphore(%arg8 : memref<!tpu.dma_semaphore, #tpu.memory_space<semaphore_mem>>) src(%dma_wait3A_265 : memref<125x80xf32, #tpu.memory_space<vmem_shared>>) dst(%dma_wait3A_263 : memref<125x80xf32, #tpu.memory_space<hbm>>)
    %dma_wait3A_266 = arith.constant 0 : i32
    %dma_wait3A_267 = tpu.memref_slice %arg5[%add3A_214, %dma_wait3A_266] : memref<40000x80xf32, #tpu.memory_space<hbm>> -> memref<125x80xf32, #tpu.memory_space<hbm>>
    %dma_wait3A_268 = arith.constant 0 : i32
    %dma_wait3A_269 = tpu.memref_slice %arg11[%add3A_207, %dma_wait3A_268] : memref<20480x80xf32, #tpu.memory_space<vmem_shared>> -> memref<125x80xf32, #tpu.memory_space<vmem_shared>>
    tpu.wait_dma2 semaphore(%arg8 : memref<!tpu.dma_semaphore, #tpu.memory_space<semaphore_mem>>) src(%dma_wait3A_269 : memref<125x80xf32, #tpu.memory_space<vmem_shared>>) dst(%dma_wait3A_267 : memref<125x80xf32, #tpu.memory_space<hbm>>)
    %dma_wait3A_270 = arith.constant 0 : i32
    %dma_wait3A_271 = tpu.memref_slice %arg5[%add3A_229, %dma_wait3A_270] : memref<40000x80xf32, #tpu.memory_space<hbm>> -> memref<125x80xf32, #tpu.memory_space<hbm>>
    %dma_wait3A_272 = arith.constant 0 : i32
    %dma_wait3A_273 = tpu.memref_slice %arg11[%add3A_222, %dma_wait3A_272] : memref<20480x80xf32, #tpu.memory_space<vmem_shared>> -> memref<125x80xf32, #tpu.memory_space<vmem_shared>>
    tpu.wait_dma2 semaphore(%arg8 : memref<!tpu.dma_semaphore, #tpu.memory_space<semaphore_mem>>) src(%dma_wait3A_273 : memref<125x80xf32, #tpu.memory_space<vmem_shared>>) dst(%dma_wait3A_271 : memref<125x80xf32, #tpu.memory_space<hbm>>)
    return
  }
}

#map = affine_map<(d0, d1) -> (0, 0)>
#map1 = affine_map<(d0, d1) -> (0)>
module attributes {stable_mosaic.version = 14 : i64} {
  func.func @gather_k(%arg0: i32, %arg1: i32, %arg2: memref<10000x16xf32, #tpu.memory_space<hbm>>, %arg3: memref<10000x16xf32, #tpu.memory_space<hbm>>, %arg4: memref<163840xi32, #tpu.memory_space<hbm>>, %arg5: memref<163840xi32, #tpu.memory_space<hbm>>, %arg6: memref<163840x16xf32, #tpu.memory_space<hbm>>, %arg7: memref<163840x16xf32, #tpu.memory_space<hbm>>, %arg8: memref<8x128xi32, #tpu.memory_space<vmem>>, %arg9: memref<8x128x16xf32, #tpu.memory_space<vmem>>, %arg10: memref<!tpu.dma_semaphore, #tpu.memory_space<semaphore_mem>>, %arg11: memref<8x128xi32, #tpu.memory_space<vmem>>, %arg12: memref<8x128x16xf32, #tpu.memory_space<vmem>>, %arg13: memref<!tpu.dma_semaphore, #tpu.memory_space<semaphore_mem>>, %arg14: memref<!tpu.dma_semaphore, #tpu.memory_space<semaphore_mem>>) attributes {dimension_semantics = [#tpu.dimension_semantics<core_parallel>, #tpu.dimension_semantics<subcore_parallel>], iteration_bounds = array<i64: 2, 16>, scalar_prefetch = 0 : i64, scratch_operands = 7 : i64, tpu.core_type = #tpu.core_type<sc_vector_subcore>, window_params = [{transform_indices = #map}, {transform_indices = #map}, {transform_indices = #map1}, {transform_indices = #map1}, {transform_indices = #map}, {transform_indices = #map}]} {
    %mul3A = arith.constant 2 : i32
    %mul3A_0 = arith.muli %arg1, %mul3A : i32
    %add3A = arith.addi %mul3A_0, %arg0 : i32
    %scan3A = arith.constant 0 : i32
    %scan3A_1 = arith.constant 0 : i32
    %scan3A_2 = arith.constant 5 : i32
    %scan3A_3 = arith.addi %scan3A_1, %scan3A_2 : i32
    %scan3A_4 = arith.constant 1 : i32
    scf.for %scan3A_6 = %scan3A_1 to %scan3A_3 step %scan3A_4  : i32 {
      %mul3A_7 = arith.constant 5120 : i32
      %mul3A_8 = arith.muli %add3A, %mul3A_7 : i32
      %mul3A_9 = arith.constant 1024 : i32
      %mul3A_10 = arith.muli %scan3A_6, %mul3A_9 : i32
      %add3A_11 = arith.addi %mul3A_8, %mul3A_10 : i32
      %add3A_12 = arith.constant 0 : i32
      %add3A_13 = arith.addi %add3A_11, %add3A_12 : i32
      %dma_start3A = arith.constant 0 : i32
      %dma_start3A_14 = arith.constant 0 : i32
      %dma_start3A_15 = tpu.memref_slice %arg8[%dma_start3A, %dma_start3A_14] : memref<8x128xi32, #tpu.memory_space<vmem>> -> memref<1x128xi32, #tpu.memory_space<vmem>>
      %dma_start3A_16 = tpu.memref_squeeze %dma_start3A_15 : memref<1x128xi32, #tpu.memory_space<vmem>> -> memref<128xi32, #tpu.memory_space<vmem>>
      %dma_start3A_17 = tpu.memref_slice %arg4[%add3A_13] : memref<163840xi32, #tpu.memory_space<hbm>> -> memref<128xi32, #tpu.memory_space<hbm>>
      %dma_start3A_18 = arith.constant 0 : i32
      %dma_start3A_19 = tpu.memref_slice %arg8[%dma_start3A, %dma_start3A_18] : memref<8x128xi32, #tpu.memory_space<vmem>> -> memref<1x128xi32, #tpu.memory_space<vmem>>
      %dma_start3A_20 = tpu.memref_squeeze %dma_start3A_19 : memref<1x128xi32, #tpu.memory_space<vmem>> -> memref<128xi32, #tpu.memory_space<vmem>>
      %dma_start3A_21 = tpu.memref_slice %arg4[%add3A_13] : memref<163840xi32, #tpu.memory_space<hbm>> -> memref<128xi32, #tpu.memory_space<hbm>>
      tpu.enqueue_dma source(%dma_start3A_21 : memref<128xi32, #tpu.memory_space<hbm>>) target(%dma_start3A_20 : memref<128xi32, #tpu.memory_space<vmem>>) target_semaphore(%arg10 : memref<!tpu.dma_semaphore, #tpu.memory_space<semaphore_mem>>)
      %add3A_22 = arith.constant 0 : i32
      %add3A_23 = arith.addi %add3A_11, %add3A_22 : i32
      %dma_start3A_24 = arith.constant 0 : i32
      %dma_start3A_25 = arith.constant 0 : i32
      %dma_start3A_26 = tpu.memref_slice %arg11[%dma_start3A_24, %dma_start3A_25] : memref<8x128xi32, #tpu.memory_space<vmem>> -> memref<1x128xi32, #tpu.memory_space<vmem>>
      %dma_start3A_27 = tpu.memref_squeeze %dma_start3A_26 : memref<1x128xi32, #tpu.memory_space<vmem>> -> memref<128xi32, #tpu.memory_space<vmem>>
      %dma_start3A_28 = tpu.memref_slice %arg5[%add3A_23] : memref<163840xi32, #tpu.memory_space<hbm>> -> memref<128xi32, #tpu.memory_space<hbm>>
      %dma_start3A_29 = arith.constant 0 : i32
      %dma_start3A_30 = tpu.memref_slice %arg11[%dma_start3A_24, %dma_start3A_29] : memref<8x128xi32, #tpu.memory_space<vmem>> -> memref<1x128xi32, #tpu.memory_space<vmem>>
      %dma_start3A_31 = tpu.memref_squeeze %dma_start3A_30 : memref<1x128xi32, #tpu.memory_space<vmem>> -> memref<128xi32, #tpu.memory_space<vmem>>
      %dma_start3A_32 = tpu.memref_slice %arg5[%add3A_23] : memref<163840xi32, #tpu.memory_space<hbm>> -> memref<128xi32, #tpu.memory_space<hbm>>
      tpu.enqueue_dma source(%dma_start3A_32 : memref<128xi32, #tpu.memory_space<hbm>>) target(%dma_start3A_31 : memref<128xi32, #tpu.memory_space<vmem>>) target_semaphore(%arg13 : memref<!tpu.dma_semaphore, #tpu.memory_space<semaphore_mem>>)
      %add3A_33 = arith.constant 128 : i32
      %add3A_34 = arith.addi %add3A_11, %add3A_33 : i32
      %dma_start3A_35 = arith.constant 1 : i32
      %dma_start3A_36 = arith.constant 0 : i32
      %dma_start3A_37 = tpu.memref_slice %arg8[%dma_start3A_35, %dma_start3A_36] : memref<8x128xi32, #tpu.memory_space<vmem>> -> memref<1x128xi32, #tpu.memory_space<vmem>>
      %dma_start3A_38 = tpu.memref_squeeze %dma_start3A_37 : memref<1x128xi32, #tpu.memory_space<vmem>> -> memref<128xi32, #tpu.memory_space<vmem>>
      %dma_start3A_39 = tpu.memref_slice %arg4[%add3A_34] : memref<163840xi32, #tpu.memory_space<hbm>> -> memref<128xi32, #tpu.memory_space<hbm>>
      %dma_start3A_40 = arith.constant 0 : i32
      %dma_start3A_41 = tpu.memref_slice %arg8[%dma_start3A_35, %dma_start3A_40] : memref<8x128xi32, #tpu.memory_space<vmem>> -> memref<1x128xi32, #tpu.memory_space<vmem>>
      %dma_start3A_42 = tpu.memref_squeeze %dma_start3A_41 : memref<1x128xi32, #tpu.memory_space<vmem>> -> memref<128xi32, #tpu.memory_space<vmem>>
      %dma_start3A_43 = tpu.memref_slice %arg4[%add3A_34] : memref<163840xi32, #tpu.memory_space<hbm>> -> memref<128xi32, #tpu.memory_space<hbm>>
      tpu.enqueue_dma source(%dma_start3A_43 : memref<128xi32, #tpu.memory_space<hbm>>) target(%dma_start3A_42 : memref<128xi32, #tpu.memory_space<vmem>>) target_semaphore(%arg10 : memref<!tpu.dma_semaphore, #tpu.memory_space<semaphore_mem>>)
      %add3A_44 = arith.constant 128 : i32
      %add3A_45 = arith.addi %add3A_11, %add3A_44 : i32
      %dma_start3A_46 = arith.constant 1 : i32
      %dma_start3A_47 = arith.constant 0 : i32
      %dma_start3A_48 = tpu.memref_slice %arg11[%dma_start3A_46, %dma_start3A_47] : memref<8x128xi32, #tpu.memory_space<vmem>> -> memref<1x128xi32, #tpu.memory_space<vmem>>
      %dma_start3A_49 = tpu.memref_squeeze %dma_start3A_48 : memref<1x128xi32, #tpu.memory_space<vmem>> -> memref<128xi32, #tpu.memory_space<vmem>>
      %dma_start3A_50 = tpu.memref_slice %arg5[%add3A_45] : memref<163840xi32, #tpu.memory_space<hbm>> -> memref<128xi32, #tpu.memory_space<hbm>>
      %dma_start3A_51 = arith.constant 0 : i32
      %dma_start3A_52 = tpu.memref_slice %arg11[%dma_start3A_46, %dma_start3A_51] : memref<8x128xi32, #tpu.memory_space<vmem>> -> memref<1x128xi32, #tpu.memory_space<vmem>>
      %dma_start3A_53 = tpu.memref_squeeze %dma_start3A_52 : memref<1x128xi32, #tpu.memory_space<vmem>> -> memref<128xi32, #tpu.memory_space<vmem>>
      %dma_start3A_54 = tpu.memref_slice %arg5[%add3A_45] : memref<163840xi32, #tpu.memory_space<hbm>> -> memref<128xi32, #tpu.memory_space<hbm>>
      tpu.enqueue_dma source(%dma_start3A_54 : memref<128xi32, #tpu.memory_space<hbm>>) target(%dma_start3A_53 : memref<128xi32, #tpu.memory_space<vmem>>) target_semaphore(%arg13 : memref<!tpu.dma_semaphore, #tpu.memory_space<semaphore_mem>>)
      %add3A_55 = arith.constant 256 : i32
      %add3A_56 = arith.addi %add3A_11, %add3A_55 : i32
      %dma_start3A_57 = arith.constant 2 : i32
      %dma_start3A_58 = arith.constant 0 : i32
      %dma_start3A_59 = tpu.memref_slice %arg8[%dma_start3A_57, %dma_start3A_58] : memref<8x128xi32, #tpu.memory_space<vmem>> -> memref<1x128xi32, #tpu.memory_space<vmem>>
      %dma_start3A_60 = tpu.memref_squeeze %dma_start3A_59 : memref<1x128xi32, #tpu.memory_space<vmem>> -> memref<128xi32, #tpu.memory_space<vmem>>
      %dma_start3A_61 = tpu.memref_slice %arg4[%add3A_56] : memref<163840xi32, #tpu.memory_space<hbm>> -> memref<128xi32, #tpu.memory_space<hbm>>
      %dma_start3A_62 = arith.constant 0 : i32
      %dma_start3A_63 = tpu.memref_slice %arg8[%dma_start3A_57, %dma_start3A_62] : memref<8x128xi32, #tpu.memory_space<vmem>> -> memref<1x128xi32, #tpu.memory_space<vmem>>
      %dma_start3A_64 = tpu.memref_squeeze %dma_start3A_63 : memref<1x128xi32, #tpu.memory_space<vmem>> -> memref<128xi32, #tpu.memory_space<vmem>>
      %dma_start3A_65 = tpu.memref_slice %arg4[%add3A_56] : memref<163840xi32, #tpu.memory_space<hbm>> -> memref<128xi32, #tpu.memory_space<hbm>>
      tpu.enqueue_dma source(%dma_start3A_65 : memref<128xi32, #tpu.memory_space<hbm>>) target(%dma_start3A_64 : memref<128xi32, #tpu.memory_space<vmem>>) target_semaphore(%arg10 : memref<!tpu.dma_semaphore, #tpu.memory_space<semaphore_mem>>)
      %add3A_66 = arith.constant 256 : i32
      %add3A_67 = arith.addi %add3A_11, %add3A_66 : i32
      %dma_start3A_68 = arith.constant 2 : i32
      %dma_start3A_69 = arith.constant 0 : i32
      %dma_start3A_70 = tpu.memref_slice %arg11[%dma_start3A_68, %dma_start3A_69] : memref<8x128xi32, #tpu.memory_space<vmem>> -> memref<1x128xi32, #tpu.memory_space<vmem>>
      %dma_start3A_71 = tpu.memref_squeeze %dma_start3A_70 : memref<1x128xi32, #tpu.memory_space<vmem>> -> memref<128xi32, #tpu.memory_space<vmem>>
      %dma_start3A_72 = tpu.memref_slice %arg5[%add3A_67] : memref<163840xi32, #tpu.memory_space<hbm>> -> memref<128xi32, #tpu.memory_space<hbm>>
      %dma_start3A_73 = arith.constant 0 : i32
      %dma_start3A_74 = tpu.memref_slice %arg11[%dma_start3A_68, %dma_start3A_73] : memref<8x128xi32, #tpu.memory_space<vmem>> -> memref<1x128xi32, #tpu.memory_space<vmem>>
      %dma_start3A_75 = tpu.memref_squeeze %dma_start3A_74 : memref<1x128xi32, #tpu.memory_space<vmem>> -> memref<128xi32, #tpu.memory_space<vmem>>
      %dma_start3A_76 = tpu.memref_slice %arg5[%add3A_67] : memref<163840xi32, #tpu.memory_space<hbm>> -> memref<128xi32, #tpu.memory_space<hbm>>
      tpu.enqueue_dma source(%dma_start3A_76 : memref<128xi32, #tpu.memory_space<hbm>>) target(%dma_start3A_75 : memref<128xi32, #tpu.memory_space<vmem>>) target_semaphore(%arg13 : memref<!tpu.dma_semaphore, #tpu.memory_space<semaphore_mem>>)
      %add3A_77 = arith.constant 384 : i32
      %add3A_78 = arith.addi %add3A_11, %add3A_77 : i32
      %dma_start3A_79 = arith.constant 3 : i32
      %dma_start3A_80 = arith.constant 0 : i32
      %dma_start3A_81 = tpu.memref_slice %arg8[%dma_start3A_79, %dma_start3A_80] : memref<8x128xi32, #tpu.memory_space<vmem>> -> memref<1x128xi32, #tpu.memory_space<vmem>>
      %dma_start3A_82 = tpu.memref_squeeze %dma_start3A_81 : memref<1x128xi32, #tpu.memory_space<vmem>> -> memref<128xi32, #tpu.memory_space<vmem>>
      %dma_start3A_83 = tpu.memref_slice %arg4[%add3A_78] : memref<163840xi32, #tpu.memory_space<hbm>> -> memref<128xi32, #tpu.memory_space<hbm>>
      %dma_start3A_84 = arith.constant 0 : i32
      %dma_start3A_85 = tpu.memref_slice %arg8[%dma_start3A_79, %dma_start3A_84] : memref<8x128xi32, #tpu.memory_space<vmem>> -> memref<1x128xi32, #tpu.memory_space<vmem>>
      %dma_start3A_86 = tpu.memref_squeeze %dma_start3A_85 : memref<1x128xi32, #tpu.memory_space<vmem>> -> memref<128xi32, #tpu.memory_space<vmem>>
      %dma_start3A_87 = tpu.memref_slice %arg4[%add3A_78] : memref<163840xi32, #tpu.memory_space<hbm>> -> memref<128xi32, #tpu.memory_space<hbm>>
      tpu.enqueue_dma source(%dma_start3A_87 : memref<128xi32, #tpu.memory_space<hbm>>) target(%dma_start3A_86 : memref<128xi32, #tpu.memory_space<vmem>>) target_semaphore(%arg10 : memref<!tpu.dma_semaphore, #tpu.memory_space<semaphore_mem>>)
      %add3A_88 = arith.constant 384 : i32
      %add3A_89 = arith.addi %add3A_11, %add3A_88 : i32
      %dma_start3A_90 = arith.constant 3 : i32
      %dma_start3A_91 = arith.constant 0 : i32
      %dma_start3A_92 = tpu.memref_slice %arg11[%dma_start3A_90, %dma_start3A_91] : memref<8x128xi32, #tpu.memory_space<vmem>> -> memref<1x128xi32, #tpu.memory_space<vmem>>
      %dma_start3A_93 = tpu.memref_squeeze %dma_start3A_92 : memref<1x128xi32, #tpu.memory_space<vmem>> -> memref<128xi32, #tpu.memory_space<vmem>>
      %dma_start3A_94 = tpu.memref_slice %arg5[%add3A_89] : memref<163840xi32, #tpu.memory_space<hbm>> -> memref<128xi32, #tpu.memory_space<hbm>>
      %dma_start3A_95 = arith.constant 0 : i32
      %dma_start3A_96 = tpu.memref_slice %arg11[%dma_start3A_90, %dma_start3A_95] : memref<8x128xi32, #tpu.memory_space<vmem>> -> memref<1x128xi32, #tpu.memory_space<vmem>>
      %dma_start3A_97 = tpu.memref_squeeze %dma_start3A_96 : memref<1x128xi32, #tpu.memory_space<vmem>> -> memref<128xi32, #tpu.memory_space<vmem>>
      %dma_start3A_98 = tpu.memref_slice %arg5[%add3A_89] : memref<163840xi32, #tpu.memory_space<hbm>> -> memref<128xi32, #tpu.memory_space<hbm>>
      tpu.enqueue_dma source(%dma_start3A_98 : memref<128xi32, #tpu.memory_space<hbm>>) target(%dma_start3A_97 : memref<128xi32, #tpu.memory_space<vmem>>) target_semaphore(%arg13 : memref<!tpu.dma_semaphore, #tpu.memory_space<semaphore_mem>>)
      %add3A_99 = arith.constant 512 : i32
      %add3A_100 = arith.addi %add3A_11, %add3A_99 : i32
      %dma_start3A_101 = arith.constant 4 : i32
      %dma_start3A_102 = arith.constant 0 : i32
      %dma_start3A_103 = tpu.memref_slice %arg8[%dma_start3A_101, %dma_start3A_102] : memref<8x128xi32, #tpu.memory_space<vmem>> -> memref<1x128xi32, #tpu.memory_space<vmem>>
      %dma_start3A_104 = tpu.memref_squeeze %dma_start3A_103 : memref<1x128xi32, #tpu.memory_space<vmem>> -> memref<128xi32, #tpu.memory_space<vmem>>
      %dma_start3A_105 = tpu.memref_slice %arg4[%add3A_100] : memref<163840xi32, #tpu.memory_space<hbm>> -> memref<128xi32, #tpu.memory_space<hbm>>
      %dma_start3A_106 = arith.constant 0 : i32
      %dma_start3A_107 = tpu.memref_slice %arg8[%dma_start3A_101, %dma_start3A_106] : memref<8x128xi32, #tpu.memory_space<vmem>> -> memref<1x128xi32, #tpu.memory_space<vmem>>
      %dma_start3A_108 = tpu.memref_squeeze %dma_start3A_107 : memref<1x128xi32, #tpu.memory_space<vmem>> -> memref<128xi32, #tpu.memory_space<vmem>>
      %dma_start3A_109 = tpu.memref_slice %arg4[%add3A_100] : memref<163840xi32, #tpu.memory_space<hbm>> -> memref<128xi32, #tpu.memory_space<hbm>>
      tpu.enqueue_dma source(%dma_start3A_109 : memref<128xi32, #tpu.memory_space<hbm>>) target(%dma_start3A_108 : memref<128xi32, #tpu.memory_space<vmem>>) target_semaphore(%arg10 : memref<!tpu.dma_semaphore, #tpu.memory_space<semaphore_mem>>)
      %add3A_110 = arith.constant 512 : i32
      %add3A_111 = arith.addi %add3A_11, %add3A_110 : i32
      %dma_start3A_112 = arith.constant 4 : i32
      %dma_start3A_113 = arith.constant 0 : i32
      %dma_start3A_114 = tpu.memref_slice %arg11[%dma_start3A_112, %dma_start3A_113] : memref<8x128xi32, #tpu.memory_space<vmem>> -> memref<1x128xi32, #tpu.memory_space<vmem>>
      %dma_start3A_115 = tpu.memref_squeeze %dma_start3A_114 : memref<1x128xi32, #tpu.memory_space<vmem>> -> memref<128xi32, #tpu.memory_space<vmem>>
      %dma_start3A_116 = tpu.memref_slice %arg5[%add3A_111] : memref<163840xi32, #tpu.memory_space<hbm>> -> memref<128xi32, #tpu.memory_space<hbm>>
      %dma_start3A_117 = arith.constant 0 : i32
      %dma_start3A_118 = tpu.memref_slice %arg11[%dma_start3A_112, %dma_start3A_117] : memref<8x128xi32, #tpu.memory_space<vmem>> -> memref<1x128xi32, #tpu.memory_space<vmem>>
      %dma_start3A_119 = tpu.memref_squeeze %dma_start3A_118 : memref<1x128xi32, #tpu.memory_space<vmem>> -> memref<128xi32, #tpu.memory_space<vmem>>
      %dma_start3A_120 = tpu.memref_slice %arg5[%add3A_111] : memref<163840xi32, #tpu.memory_space<hbm>> -> memref<128xi32, #tpu.memory_space<hbm>>
      tpu.enqueue_dma source(%dma_start3A_120 : memref<128xi32, #tpu.memory_space<hbm>>) target(%dma_start3A_119 : memref<128xi32, #tpu.memory_space<vmem>>) target_semaphore(%arg13 : memref<!tpu.dma_semaphore, #tpu.memory_space<semaphore_mem>>)
      %add3A_121 = arith.constant 640 : i32
      %add3A_122 = arith.addi %add3A_11, %add3A_121 : i32
      %dma_start3A_123 = arith.constant 5 : i32
      %dma_start3A_124 = arith.constant 0 : i32
      %dma_start3A_125 = tpu.memref_slice %arg8[%dma_start3A_123, %dma_start3A_124] : memref<8x128xi32, #tpu.memory_space<vmem>> -> memref<1x128xi32, #tpu.memory_space<vmem>>
      %dma_start3A_126 = tpu.memref_squeeze %dma_start3A_125 : memref<1x128xi32, #tpu.memory_space<vmem>> -> memref<128xi32, #tpu.memory_space<vmem>>
      %dma_start3A_127 = tpu.memref_slice %arg4[%add3A_122] : memref<163840xi32, #tpu.memory_space<hbm>> -> memref<128xi32, #tpu.memory_space<hbm>>
      %dma_start3A_128 = arith.constant 0 : i32
      %dma_start3A_129 = tpu.memref_slice %arg8[%dma_start3A_123, %dma_start3A_128] : memref<8x128xi32, #tpu.memory_space<vmem>> -> memref<1x128xi32, #tpu.memory_space<vmem>>
      %dma_start3A_130 = tpu.memref_squeeze %dma_start3A_129 : memref<1x128xi32, #tpu.memory_space<vmem>> -> memref<128xi32, #tpu.memory_space<vmem>>
      %dma_start3A_131 = tpu.memref_slice %arg4[%add3A_122] : memref<163840xi32, #tpu.memory_space<hbm>> -> memref<128xi32, #tpu.memory_space<hbm>>
      tpu.enqueue_dma source(%dma_start3A_131 : memref<128xi32, #tpu.memory_space<hbm>>) target(%dma_start3A_130 : memref<128xi32, #tpu.memory_space<vmem>>) target_semaphore(%arg10 : memref<!tpu.dma_semaphore, #tpu.memory_space<semaphore_mem>>)
      %add3A_132 = arith.constant 640 : i32
      %add3A_133 = arith.addi %add3A_11, %add3A_132 : i32
      %dma_start3A_134 = arith.constant 5 : i32
      %dma_start3A_135 = arith.constant 0 : i32
      %dma_start3A_136 = tpu.memref_slice %arg11[%dma_start3A_134, %dma_start3A_135] : memref<8x128xi32, #tpu.memory_space<vmem>> -> memref<1x128xi32, #tpu.memory_space<vmem>>
      %dma_start3A_137 = tpu.memref_squeeze %dma_start3A_136 : memref<1x128xi32, #tpu.memory_space<vmem>> -> memref<128xi32, #tpu.memory_space<vmem>>
      %dma_start3A_138 = tpu.memref_slice %arg5[%add3A_133] : memref<163840xi32, #tpu.memory_space<hbm>> -> memref<128xi32, #tpu.memory_space<hbm>>
      %dma_start3A_139 = arith.constant 0 : i32
      %dma_start3A_140 = tpu.memref_slice %arg11[%dma_start3A_134, %dma_start3A_139] : memref<8x128xi32, #tpu.memory_space<vmem>> -> memref<1x128xi32, #tpu.memory_space<vmem>>
      %dma_start3A_141 = tpu.memref_squeeze %dma_start3A_140 : memref<1x128xi32, #tpu.memory_space<vmem>> -> memref<128xi32, #tpu.memory_space<vmem>>
      %dma_start3A_142 = tpu.memref_slice %arg5[%add3A_133] : memref<163840xi32, #tpu.memory_space<hbm>> -> memref<128xi32, #tpu.memory_space<hbm>>
      tpu.enqueue_dma source(%dma_start3A_142 : memref<128xi32, #tpu.memory_space<hbm>>) target(%dma_start3A_141 : memref<128xi32, #tpu.memory_space<vmem>>) target_semaphore(%arg13 : memref<!tpu.dma_semaphore, #tpu.memory_space<semaphore_mem>>)
      %add3A_143 = arith.constant 768 : i32
      %add3A_144 = arith.addi %add3A_11, %add3A_143 : i32
      %dma_start3A_145 = arith.constant 6 : i32
      %dma_start3A_146 = arith.constant 0 : i32
      %dma_start3A_147 = tpu.memref_slice %arg8[%dma_start3A_145, %dma_start3A_146] : memref<8x128xi32, #tpu.memory_space<vmem>> -> memref<1x128xi32, #tpu.memory_space<vmem>>
      %dma_start3A_148 = tpu.memref_squeeze %dma_start3A_147 : memref<1x128xi32, #tpu.memory_space<vmem>> -> memref<128xi32, #tpu.memory_space<vmem>>
      %dma_start3A_149 = tpu.memref_slice %arg4[%add3A_144] : memref<163840xi32, #tpu.memory_space<hbm>> -> memref<128xi32, #tpu.memory_space<hbm>>
      %dma_start3A_150 = arith.constant 0 : i32
      %dma_start3A_151 = tpu.memref_slice %arg8[%dma_start3A_145, %dma_start3A_150] : memref<8x128xi32, #tpu.memory_space<vmem>> -> memref<1x128xi32, #tpu.memory_space<vmem>>
      %dma_start3A_152 = tpu.memref_squeeze %dma_start3A_151 : memref<1x128xi32, #tpu.memory_space<vmem>> -> memref<128xi32, #tpu.memory_space<vmem>>
      %dma_start3A_153 = tpu.memref_slice %arg4[%add3A_144] : memref<163840xi32, #tpu.memory_space<hbm>> -> memref<128xi32, #tpu.memory_space<hbm>>
      tpu.enqueue_dma source(%dma_start3A_153 : memref<128xi32, #tpu.memory_space<hbm>>) target(%dma_start3A_152 : memref<128xi32, #tpu.memory_space<vmem>>) target_semaphore(%arg10 : memref<!tpu.dma_semaphore, #tpu.memory_space<semaphore_mem>>)
      %add3A_154 = arith.constant 768 : i32
      %add3A_155 = arith.addi %add3A_11, %add3A_154 : i32
      %dma_start3A_156 = arith.constant 6 : i32
      %dma_start3A_157 = arith.constant 0 : i32
      %dma_start3A_158 = tpu.memref_slice %arg11[%dma_start3A_156, %dma_start3A_157] : memref<8x128xi32, #tpu.memory_space<vmem>> -> memref<1x128xi32, #tpu.memory_space<vmem>>
      %dma_start3A_159 = tpu.memref_squeeze %dma_start3A_158 : memref<1x128xi32, #tpu.memory_space<vmem>> -> memref<128xi32, #tpu.memory_space<vmem>>
      %dma_start3A_160 = tpu.memref_slice %arg5[%add3A_155] : memref<163840xi32, #tpu.memory_space<hbm>> -> memref<128xi32, #tpu.memory_space<hbm>>
      %dma_start3A_161 = arith.constant 0 : i32
      %dma_start3A_162 = tpu.memref_slice %arg11[%dma_start3A_156, %dma_start3A_161] : memref<8x128xi32, #tpu.memory_space<vmem>> -> memref<1x128xi32, #tpu.memory_space<vmem>>
      %dma_start3A_163 = tpu.memref_squeeze %dma_start3A_162 : memref<1x128xi32, #tpu.memory_space<vmem>> -> memref<128xi32, #tpu.memory_space<vmem>>
      %dma_start3A_164 = tpu.memref_slice %arg5[%add3A_155] : memref<163840xi32, #tpu.memory_space<hbm>> -> memref<128xi32, #tpu.memory_space<hbm>>
      tpu.enqueue_dma source(%dma_start3A_164 : memref<128xi32, #tpu.memory_space<hbm>>) target(%dma_start3A_163 : memref<128xi32, #tpu.memory_space<vmem>>) target_semaphore(%arg13 : memref<!tpu.dma_semaphore, #tpu.memory_space<semaphore_mem>>)
      %add3A_165 = arith.constant 896 : i32
      %add3A_166 = arith.addi %add3A_11, %add3A_165 : i32
      %dma_start3A_167 = arith.constant 7 : i32
      %dma_start3A_168 = arith.constant 0 : i32
      %dma_start3A_169 = tpu.memref_slice %arg8[%dma_start3A_167, %dma_start3A_168] : memref<8x128xi32, #tpu.memory_space<vmem>> -> memref<1x128xi32, #tpu.memory_space<vmem>>
      %dma_start3A_170 = tpu.memref_squeeze %dma_start3A_169 : memref<1x128xi32, #tpu.memory_space<vmem>> -> memref<128xi32, #tpu.memory_space<vmem>>
      %dma_start3A_171 = tpu.memref_slice %arg4[%add3A_166] : memref<163840xi32, #tpu.memory_space<hbm>> -> memref<128xi32, #tpu.memory_space<hbm>>
      %dma_start3A_172 = arith.constant 0 : i32
      %dma_start3A_173 = tpu.memref_slice %arg8[%dma_start3A_167, %dma_start3A_172] : memref<8x128xi32, #tpu.memory_space<vmem>> -> memref<1x128xi32, #tpu.memory_space<vmem>>
      %dma_start3A_174 = tpu.memref_squeeze %dma_start3A_173 : memref<1x128xi32, #tpu.memory_space<vmem>> -> memref<128xi32, #tpu.memory_space<vmem>>
      %dma_start3A_175 = tpu.memref_slice %arg4[%add3A_166] : memref<163840xi32, #tpu.memory_space<hbm>> -> memref<128xi32, #tpu.memory_space<hbm>>
      tpu.enqueue_dma source(%dma_start3A_175 : memref<128xi32, #tpu.memory_space<hbm>>) target(%dma_start3A_174 : memref<128xi32, #tpu.memory_space<vmem>>) target_semaphore(%arg10 : memref<!tpu.dma_semaphore, #tpu.memory_space<semaphore_mem>>)
      %add3A_176 = arith.constant 896 : i32
      %add3A_177 = arith.addi %add3A_11, %add3A_176 : i32
      %dma_start3A_178 = arith.constant 7 : i32
      %dma_start3A_179 = arith.constant 0 : i32
      %dma_start3A_180 = tpu.memref_slice %arg11[%dma_start3A_178, %dma_start3A_179] : memref<8x128xi32, #tpu.memory_space<vmem>> -> memref<1x128xi32, #tpu.memory_space<vmem>>
      %dma_start3A_181 = tpu.memref_squeeze %dma_start3A_180 : memref<1x128xi32, #tpu.memory_space<vmem>> -> memref<128xi32, #tpu.memory_space<vmem>>
      %dma_start3A_182 = tpu.memref_slice %arg5[%add3A_177] : memref<163840xi32, #tpu.memory_space<hbm>> -> memref<128xi32, #tpu.memory_space<hbm>>
      %dma_start3A_183 = arith.constant 0 : i32
      %dma_start3A_184 = tpu.memref_slice %arg11[%dma_start3A_178, %dma_start3A_183] : memref<8x128xi32, #tpu.memory_space<vmem>> -> memref<1x128xi32, #tpu.memory_space<vmem>>
      %dma_start3A_185 = tpu.memref_squeeze %dma_start3A_184 : memref<1x128xi32, #tpu.memory_space<vmem>> -> memref<128xi32, #tpu.memory_space<vmem>>
      %dma_start3A_186 = tpu.memref_slice %arg5[%add3A_177] : memref<163840xi32, #tpu.memory_space<hbm>> -> memref<128xi32, #tpu.memory_space<hbm>>
      tpu.enqueue_dma source(%dma_start3A_186 : memref<128xi32, #tpu.memory_space<hbm>>) target(%dma_start3A_185 : memref<128xi32, #tpu.memory_space<vmem>>) target_semaphore(%arg13 : memref<!tpu.dma_semaphore, #tpu.memory_space<semaphore_mem>>)
      %dma_wait3A = arith.constant 0 : i32
      %dma_wait3A_187 = arith.constant 0 : i32
      %dma_wait3A_188 = tpu.memref_slice %arg8[%dma_wait3A, %dma_wait3A_187] : memref<8x128xi32, #tpu.memory_space<vmem>> -> memref<1x128xi32, #tpu.memory_space<vmem>>
      %dma_wait3A_189 = tpu.memref_squeeze %dma_wait3A_188 : memref<1x128xi32, #tpu.memory_space<vmem>> -> memref<128xi32, #tpu.memory_space<vmem>>
      %dma_wait3A_190 = tpu.memref_slice %arg4[%add3A_13] : memref<163840xi32, #tpu.memory_space<hbm>> -> memref<128xi32, #tpu.memory_space<hbm>>
      %dma_wait3A_191 = arith.constant 0 : i32
      %dma_wait3A_192 = tpu.memref_slice %arg8[%dma_wait3A, %dma_wait3A_191] : memref<8x128xi32, #tpu.memory_space<vmem>> -> memref<1x128xi32, #tpu.memory_space<vmem>>
      %dma_wait3A_193 = tpu.memref_squeeze %dma_wait3A_192 : memref<1x128xi32, #tpu.memory_space<vmem>> -> memref<128xi32, #tpu.memory_space<vmem>>
      %dma_wait3A_194 = tpu.memref_slice %arg4[%add3A_13] : memref<163840xi32, #tpu.memory_space<hbm>> -> memref<128xi32, #tpu.memory_space<hbm>>
      tpu.wait_dma2 semaphore(%arg10 : memref<!tpu.dma_semaphore, #tpu.memory_space<semaphore_mem>>) src(%dma_wait3A_194 : memref<128xi32, #tpu.memory_space<hbm>>) dst(%dma_wait3A_193 : memref<128xi32, #tpu.memory_space<vmem>>)
      %dma_wait3A_195 = arith.constant 0 : i32
      %dma_wait3A_196 = arith.constant 0 : i32
      %dma_wait3A_197 = tpu.memref_slice %arg11[%dma_wait3A_195, %dma_wait3A_196] : memref<8x128xi32, #tpu.memory_space<vmem>> -> memref<1x128xi32, #tpu.memory_space<vmem>>
      %dma_wait3A_198 = tpu.memref_squeeze %dma_wait3A_197 : memref<1x128xi32, #tpu.memory_space<vmem>> -> memref<128xi32, #tpu.memory_space<vmem>>
      %dma_wait3A_199 = tpu.memref_slice %arg5[%add3A_23] : memref<163840xi32, #tpu.memory_space<hbm>> -> memref<128xi32, #tpu.memory_space<hbm>>
      %dma_wait3A_200 = arith.constant 0 : i32
      %dma_wait3A_201 = tpu.memref_slice %arg11[%dma_wait3A_195, %dma_wait3A_200] : memref<8x128xi32, #tpu.memory_space<vmem>> -> memref<1x128xi32, #tpu.memory_space<vmem>>
      %dma_wait3A_202 = tpu.memref_squeeze %dma_wait3A_201 : memref<1x128xi32, #tpu.memory_space<vmem>> -> memref<128xi32, #tpu.memory_space<vmem>>
      %dma_wait3A_203 = tpu.memref_slice %arg5[%add3A_23] : memref<163840xi32, #tpu.memory_space<hbm>> -> memref<128xi32, #tpu.memory_space<hbm>>
      tpu.wait_dma2 semaphore(%arg13 : memref<!tpu.dma_semaphore, #tpu.memory_space<semaphore_mem>>) src(%dma_wait3A_203 : memref<128xi32, #tpu.memory_space<hbm>>) dst(%dma_wait3A_202 : memref<128xi32, #tpu.memory_space<vmem>>)
      %dma_wait3A_204 = arith.constant 1 : i32
      %dma_wait3A_205 = arith.constant 0 : i32
      %dma_wait3A_206 = tpu.memref_slice %arg8[%dma_wait3A_204, %dma_wait3A_205] : memref<8x128xi32, #tpu.memory_space<vmem>> -> memref<1x128xi32, #tpu.memory_space<vmem>>
      %dma_wait3A_207 = tpu.memref_squeeze %dma_wait3A_206 : memref<1x128xi32, #tpu.memory_space<vmem>> -> memref<128xi32, #tpu.memory_space<vmem>>
      %dma_wait3A_208 = tpu.memref_slice %arg4[%add3A_34] : memref<163840xi32, #tpu.memory_space<hbm>> -> memref<128xi32, #tpu.memory_space<hbm>>
      %dma_wait3A_209 = arith.constant 0 : i32
      %dma_wait3A_210 = tpu.memref_slice %arg8[%dma_wait3A_204, %dma_wait3A_209] : memref<8x128xi32, #tpu.memory_space<vmem>> -> memref<1x128xi32, #tpu.memory_space<vmem>>
      %dma_wait3A_211 = tpu.memref_squeeze %dma_wait3A_210 : memref<1x128xi32, #tpu.memory_space<vmem>> -> memref<128xi32, #tpu.memory_space<vmem>>
      %dma_wait3A_212 = tpu.memref_slice %arg4[%add3A_34] : memref<163840xi32, #tpu.memory_space<hbm>> -> memref<128xi32, #tpu.memory_space<hbm>>
      tpu.wait_dma2 semaphore(%arg10 : memref<!tpu.dma_semaphore, #tpu.memory_space<semaphore_mem>>) src(%dma_wait3A_212 : memref<128xi32, #tpu.memory_space<hbm>>) dst(%dma_wait3A_211 : memref<128xi32, #tpu.memory_space<vmem>>)
      %dma_wait3A_213 = arith.constant 1 : i32
      %dma_wait3A_214 = arith.constant 0 : i32
      %dma_wait3A_215 = tpu.memref_slice %arg11[%dma_wait3A_213, %dma_wait3A_214] : memref<8x128xi32, #tpu.memory_space<vmem>> -> memref<1x128xi32, #tpu.memory_space<vmem>>
      %dma_wait3A_216 = tpu.memref_squeeze %dma_wait3A_215 : memref<1x128xi32, #tpu.memory_space<vmem>> -> memref<128xi32, #tpu.memory_space<vmem>>
      %dma_wait3A_217 = tpu.memref_slice %arg5[%add3A_45] : memref<163840xi32, #tpu.memory_space<hbm>> -> memref<128xi32, #tpu.memory_space<hbm>>
      %dma_wait3A_218 = arith.constant 0 : i32
      %dma_wait3A_219 = tpu.memref_slice %arg11[%dma_wait3A_213, %dma_wait3A_218] : memref<8x128xi32, #tpu.memory_space<vmem>> -> memref<1x128xi32, #tpu.memory_space<vmem>>
      %dma_wait3A_220 = tpu.memref_squeeze %dma_wait3A_219 : memref<1x128xi32, #tpu.memory_space<vmem>> -> memref<128xi32, #tpu.memory_space<vmem>>
      %dma_wait3A_221 = tpu.memref_slice %arg5[%add3A_45] : memref<163840xi32, #tpu.memory_space<hbm>> -> memref<128xi32, #tpu.memory_space<hbm>>
      tpu.wait_dma2 semaphore(%arg13 : memref<!tpu.dma_semaphore, #tpu.memory_space<semaphore_mem>>) src(%dma_wait3A_221 : memref<128xi32, #tpu.memory_space<hbm>>) dst(%dma_wait3A_220 : memref<128xi32, #tpu.memory_space<vmem>>)
      %dma_wait3A_222 = arith.constant 2 : i32
      %dma_wait3A_223 = arith.constant 0 : i32
      %dma_wait3A_224 = tpu.memref_slice %arg8[%dma_wait3A_222, %dma_wait3A_223] : memref<8x128xi32, #tpu.memory_space<vmem>> -> memref<1x128xi32, #tpu.memory_space<vmem>>
      %dma_wait3A_225 = tpu.memref_squeeze %dma_wait3A_224 : memref<1x128xi32, #tpu.memory_space<vmem>> -> memref<128xi32, #tpu.memory_space<vmem>>
      %dma_wait3A_226 = tpu.memref_slice %arg4[%add3A_56] : memref<163840xi32, #tpu.memory_space<hbm>> -> memref<128xi32, #tpu.memory_space<hbm>>
      %dma_wait3A_227 = arith.constant 0 : i32
      %dma_wait3A_228 = tpu.memref_slice %arg8[%dma_wait3A_222, %dma_wait3A_227] : memref<8x128xi32, #tpu.memory_space<vmem>> -> memref<1x128xi32, #tpu.memory_space<vmem>>
      %dma_wait3A_229 = tpu.memref_squeeze %dma_wait3A_228 : memref<1x128xi32, #tpu.memory_space<vmem>> -> memref<128xi32, #tpu.memory_space<vmem>>
      %dma_wait3A_230 = tpu.memref_slice %arg4[%add3A_56] : memref<163840xi32, #tpu.memory_space<hbm>> -> memref<128xi32, #tpu.memory_space<hbm>>
      tpu.wait_dma2 semaphore(%arg10 : memref<!tpu.dma_semaphore, #tpu.memory_space<semaphore_mem>>) src(%dma_wait3A_230 : memref<128xi32, #tpu.memory_space<hbm>>) dst(%dma_wait3A_229 : memref<128xi32, #tpu.memory_space<vmem>>)
      %dma_wait3A_231 = arith.constant 2 : i32
      %dma_wait3A_232 = arith.constant 0 : i32
      %dma_wait3A_233 = tpu.memref_slice %arg11[%dma_wait3A_231, %dma_wait3A_232] : memref<8x128xi32, #tpu.memory_space<vmem>> -> memref<1x128xi32, #tpu.memory_space<vmem>>
      %dma_wait3A_234 = tpu.memref_squeeze %dma_wait3A_233 : memref<1x128xi32, #tpu.memory_space<vmem>> -> memref<128xi32, #tpu.memory_space<vmem>>
      %dma_wait3A_235 = tpu.memref_slice %arg5[%add3A_67] : memref<163840xi32, #tpu.memory_space<hbm>> -> memref<128xi32, #tpu.memory_space<hbm>>
      %dma_wait3A_236 = arith.constant 0 : i32
      %dma_wait3A_237 = tpu.memref_slice %arg11[%dma_wait3A_231, %dma_wait3A_236] : memref<8x128xi32, #tpu.memory_space<vmem>> -> memref<1x128xi32, #tpu.memory_space<vmem>>
      %dma_wait3A_238 = tpu.memref_squeeze %dma_wait3A_237 : memref<1x128xi32, #tpu.memory_space<vmem>> -> memref<128xi32, #tpu.memory_space<vmem>>
      %dma_wait3A_239 = tpu.memref_slice %arg5[%add3A_67] : memref<163840xi32, #tpu.memory_space<hbm>> -> memref<128xi32, #tpu.memory_space<hbm>>
      tpu.wait_dma2 semaphore(%arg13 : memref<!tpu.dma_semaphore, #tpu.memory_space<semaphore_mem>>) src(%dma_wait3A_239 : memref<128xi32, #tpu.memory_space<hbm>>) dst(%dma_wait3A_238 : memref<128xi32, #tpu.memory_space<vmem>>)
      %dma_wait3A_240 = arith.constant 3 : i32
      %dma_wait3A_241 = arith.constant 0 : i32
      %dma_wait3A_242 = tpu.memref_slice %arg8[%dma_wait3A_240, %dma_wait3A_241] : memref<8x128xi32, #tpu.memory_space<vmem>> -> memref<1x128xi32, #tpu.memory_space<vmem>>
      %dma_wait3A_243 = tpu.memref_squeeze %dma_wait3A_242 : memref<1x128xi32, #tpu.memory_space<vmem>> -> memref<128xi32, #tpu.memory_space<vmem>>
      %dma_wait3A_244 = tpu.memref_slice %arg4[%add3A_78] : memref<163840xi32, #tpu.memory_space<hbm>> -> memref<128xi32, #tpu.memory_space<hbm>>
      %dma_wait3A_245 = arith.constant 0 : i32
      %dma_wait3A_246 = tpu.memref_slice %arg8[%dma_wait3A_240, %dma_wait3A_245] : memref<8x128xi32, #tpu.memory_space<vmem>> -> memref<1x128xi32, #tpu.memory_space<vmem>>
      %dma_wait3A_247 = tpu.memref_squeeze %dma_wait3A_246 : memref<1x128xi32, #tpu.memory_space<vmem>> -> memref<128xi32, #tpu.memory_space<vmem>>
      %dma_wait3A_248 = tpu.memref_slice %arg4[%add3A_78] : memref<163840xi32, #tpu.memory_space<hbm>> -> memref<128xi32, #tpu.memory_space<hbm>>
      tpu.wait_dma2 semaphore(%arg10 : memref<!tpu.dma_semaphore, #tpu.memory_space<semaphore_mem>>) src(%dma_wait3A_248 : memref<128xi32, #tpu.memory_space<hbm>>) dst(%dma_wait3A_247 : memref<128xi32, #tpu.memory_space<vmem>>)
      %dma_wait3A_249 = arith.constant 3 : i32
      %dma_wait3A_250 = arith.constant 0 : i32
      %dma_wait3A_251 = tpu.memref_slice %arg11[%dma_wait3A_249, %dma_wait3A_250] : memref<8x128xi32, #tpu.memory_space<vmem>> -> memref<1x128xi32, #tpu.memory_space<vmem>>
      %dma_wait3A_252 = tpu.memref_squeeze %dma_wait3A_251 : memref<1x128xi32, #tpu.memory_space<vmem>> -> memref<128xi32, #tpu.memory_space<vmem>>
      %dma_wait3A_253 = tpu.memref_slice %arg5[%add3A_89] : memref<163840xi32, #tpu.memory_space<hbm>> -> memref<128xi32, #tpu.memory_space<hbm>>
      %dma_wait3A_254 = arith.constant 0 : i32
      %dma_wait3A_255 = tpu.memref_slice %arg11[%dma_wait3A_249, %dma_wait3A_254] : memref<8x128xi32, #tpu.memory_space<vmem>> -> memref<1x128xi32, #tpu.memory_space<vmem>>
      %dma_wait3A_256 = tpu.memref_squeeze %dma_wait3A_255 : memref<1x128xi32, #tpu.memory_space<vmem>> -> memref<128xi32, #tpu.memory_space<vmem>>
      %dma_wait3A_257 = tpu.memref_slice %arg5[%add3A_89] : memref<163840xi32, #tpu.memory_space<hbm>> -> memref<128xi32, #tpu.memory_space<hbm>>
      tpu.wait_dma2 semaphore(%arg13 : memref<!tpu.dma_semaphore, #tpu.memory_space<semaphore_mem>>) src(%dma_wait3A_257 : memref<128xi32, #tpu.memory_space<hbm>>) dst(%dma_wait3A_256 : memref<128xi32, #tpu.memory_space<vmem>>)
      %dma_wait3A_258 = arith.constant 4 : i32
      %dma_wait3A_259 = arith.constant 0 : i32
      %dma_wait3A_260 = tpu.memref_slice %arg8[%dma_wait3A_258, %dma_wait3A_259] : memref<8x128xi32, #tpu.memory_space<vmem>> -> memref<1x128xi32, #tpu.memory_space<vmem>>
      %dma_wait3A_261 = tpu.memref_squeeze %dma_wait3A_260 : memref<1x128xi32, #tpu.memory_space<vmem>> -> memref<128xi32, #tpu.memory_space<vmem>>
      %dma_wait3A_262 = tpu.memref_slice %arg4[%add3A_100] : memref<163840xi32, #tpu.memory_space<hbm>> -> memref<128xi32, #tpu.memory_space<hbm>>
      %dma_wait3A_263 = arith.constant 0 : i32
      %dma_wait3A_264 = tpu.memref_slice %arg8[%dma_wait3A_258, %dma_wait3A_263] : memref<8x128xi32, #tpu.memory_space<vmem>> -> memref<1x128xi32, #tpu.memory_space<vmem>>
      %dma_wait3A_265 = tpu.memref_squeeze %dma_wait3A_264 : memref<1x128xi32, #tpu.memory_space<vmem>> -> memref<128xi32, #tpu.memory_space<vmem>>
      %dma_wait3A_266 = tpu.memref_slice %arg4[%add3A_100] : memref<163840xi32, #tpu.memory_space<hbm>> -> memref<128xi32, #tpu.memory_space<hbm>>
      tpu.wait_dma2 semaphore(%arg10 : memref<!tpu.dma_semaphore, #tpu.memory_space<semaphore_mem>>) src(%dma_wait3A_266 : memref<128xi32, #tpu.memory_space<hbm>>) dst(%dma_wait3A_265 : memref<128xi32, #tpu.memory_space<vmem>>)
      %dma_wait3A_267 = arith.constant 4 : i32
      %dma_wait3A_268 = arith.constant 0 : i32
      %dma_wait3A_269 = tpu.memref_slice %arg11[%dma_wait3A_267, %dma_wait3A_268] : memref<8x128xi32, #tpu.memory_space<vmem>> -> memref<1x128xi32, #tpu.memory_space<vmem>>
      %dma_wait3A_270 = tpu.memref_squeeze %dma_wait3A_269 : memref<1x128xi32, #tpu.memory_space<vmem>> -> memref<128xi32, #tpu.memory_space<vmem>>
      %dma_wait3A_271 = tpu.memref_slice %arg5[%add3A_111] : memref<163840xi32, #tpu.memory_space<hbm>> -> memref<128xi32, #tpu.memory_space<hbm>>
      %dma_wait3A_272 = arith.constant 0 : i32
      %dma_wait3A_273 = tpu.memref_slice %arg11[%dma_wait3A_267, %dma_wait3A_272] : memref<8x128xi32, #tpu.memory_space<vmem>> -> memref<1x128xi32, #tpu.memory_space<vmem>>
      %dma_wait3A_274 = tpu.memref_squeeze %dma_wait3A_273 : memref<1x128xi32, #tpu.memory_space<vmem>> -> memref<128xi32, #tpu.memory_space<vmem>>
      %dma_wait3A_275 = tpu.memref_slice %arg5[%add3A_111] : memref<163840xi32, #tpu.memory_space<hbm>> -> memref<128xi32, #tpu.memory_space<hbm>>
      tpu.wait_dma2 semaphore(%arg13 : memref<!tpu.dma_semaphore, #tpu.memory_space<semaphore_mem>>) src(%dma_wait3A_275 : memref<128xi32, #tpu.memory_space<hbm>>) dst(%dma_wait3A_274 : memref<128xi32, #tpu.memory_space<vmem>>)
      %dma_wait3A_276 = arith.constant 5 : i32
      %dma_wait3A_277 = arith.constant 0 : i32
      %dma_wait3A_278 = tpu.memref_slice %arg8[%dma_wait3A_276, %dma_wait3A_277] : memref<8x128xi32, #tpu.memory_space<vmem>> -> memref<1x128xi32, #tpu.memory_space<vmem>>
      %dma_wait3A_279 = tpu.memref_squeeze %dma_wait3A_278 : memref<1x128xi32, #tpu.memory_space<vmem>> -> memref<128xi32, #tpu.memory_space<vmem>>
      %dma_wait3A_280 = tpu.memref_slice %arg4[%add3A_122] : memref<163840xi32, #tpu.memory_space<hbm>> -> memref<128xi32, #tpu.memory_space<hbm>>
      %dma_wait3A_281 = arith.constant 0 : i32
      %dma_wait3A_282 = tpu.memref_slice %arg8[%dma_wait3A_276, %dma_wait3A_281] : memref<8x128xi32, #tpu.memory_space<vmem>> -> memref<1x128xi32, #tpu.memory_space<vmem>>
      %dma_wait3A_283 = tpu.memref_squeeze %dma_wait3A_282 : memref<1x128xi32, #tpu.memory_space<vmem>> -> memref<128xi32, #tpu.memory_space<vmem>>
      %dma_wait3A_284 = tpu.memref_slice %arg4[%add3A_122] : memref<163840xi32, #tpu.memory_space<hbm>> -> memref<128xi32, #tpu.memory_space<hbm>>
      tpu.wait_dma2 semaphore(%arg10 : memref<!tpu.dma_semaphore, #tpu.memory_space<semaphore_mem>>) src(%dma_wait3A_284 : memref<128xi32, #tpu.memory_space<hbm>>) dst(%dma_wait3A_283 : memref<128xi32, #tpu.memory_space<vmem>>)
      %dma_wait3A_285 = arith.constant 5 : i32
      %dma_wait3A_286 = arith.constant 0 : i32
      %dma_wait3A_287 = tpu.memref_slice %arg11[%dma_wait3A_285, %dma_wait3A_286] : memref<8x128xi32, #tpu.memory_space<vmem>> -> memref<1x128xi32, #tpu.memory_space<vmem>>
      %dma_wait3A_288 = tpu.memref_squeeze %dma_wait3A_287 : memref<1x128xi32, #tpu.memory_space<vmem>> -> memref<128xi32, #tpu.memory_space<vmem>>
      %dma_wait3A_289 = tpu.memref_slice %arg5[%add3A_133] : memref<163840xi32, #tpu.memory_space<hbm>> -> memref<128xi32, #tpu.memory_space<hbm>>
      %dma_wait3A_290 = arith.constant 0 : i32
      %dma_wait3A_291 = tpu.memref_slice %arg11[%dma_wait3A_285, %dma_wait3A_290] : memref<8x128xi32, #tpu.memory_space<vmem>> -> memref<1x128xi32, #tpu.memory_space<vmem>>
      %dma_wait3A_292 = tpu.memref_squeeze %dma_wait3A_291 : memref<1x128xi32, #tpu.memory_space<vmem>> -> memref<128xi32, #tpu.memory_space<vmem>>
      %dma_wait3A_293 = tpu.memref_slice %arg5[%add3A_133] : memref<163840xi32, #tpu.memory_space<hbm>> -> memref<128xi32, #tpu.memory_space<hbm>>
      tpu.wait_dma2 semaphore(%arg13 : memref<!tpu.dma_semaphore, #tpu.memory_space<semaphore_mem>>) src(%dma_wait3A_293 : memref<128xi32, #tpu.memory_space<hbm>>) dst(%dma_wait3A_292 : memref<128xi32, #tpu.memory_space<vmem>>)
      %dma_wait3A_294 = arith.constant 6 : i32
      %dma_wait3A_295 = arith.constant 0 : i32
      %dma_wait3A_296 = tpu.memref_slice %arg8[%dma_wait3A_294, %dma_wait3A_295] : memref<8x128xi32, #tpu.memory_space<vmem>> -> memref<1x128xi32, #tpu.memory_space<vmem>>
      %dma_wait3A_297 = tpu.memref_squeeze %dma_wait3A_296 : memref<1x128xi32, #tpu.memory_space<vmem>> -> memref<128xi32, #tpu.memory_space<vmem>>
      %dma_wait3A_298 = tpu.memref_slice %arg4[%add3A_144] : memref<163840xi32, #tpu.memory_space<hbm>> -> memref<128xi32, #tpu.memory_space<hbm>>
      %dma_wait3A_299 = arith.constant 0 : i32
      %dma_wait3A_300 = tpu.memref_slice %arg8[%dma_wait3A_294, %dma_wait3A_299] : memref<8x128xi32, #tpu.memory_space<vmem>> -> memref<1x128xi32, #tpu.memory_space<vmem>>
      %dma_wait3A_301 = tpu.memref_squeeze %dma_wait3A_300 : memref<1x128xi32, #tpu.memory_space<vmem>> -> memref<128xi32, #tpu.memory_space<vmem>>
      %dma_wait3A_302 = tpu.memref_slice %arg4[%add3A_144] : memref<163840xi32, #tpu.memory_space<hbm>> -> memref<128xi32, #tpu.memory_space<hbm>>
      tpu.wait_dma2 semaphore(%arg10 : memref<!tpu.dma_semaphore, #tpu.memory_space<semaphore_mem>>) src(%dma_wait3A_302 : memref<128xi32, #tpu.memory_space<hbm>>) dst(%dma_wait3A_301 : memref<128xi32, #tpu.memory_space<vmem>>)
      %dma_wait3A_303 = arith.constant 6 : i32
      %dma_wait3A_304 = arith.constant 0 : i32
      %dma_wait3A_305 = tpu.memref_slice %arg11[%dma_wait3A_303, %dma_wait3A_304] : memref<8x128xi32, #tpu.memory_space<vmem>> -> memref<1x128xi32, #tpu.memory_space<vmem>>
      %dma_wait3A_306 = tpu.memref_squeeze %dma_wait3A_305 : memref<1x128xi32, #tpu.memory_space<vmem>> -> memref<128xi32, #tpu.memory_space<vmem>>
      %dma_wait3A_307 = tpu.memref_slice %arg5[%add3A_155] : memref<163840xi32, #tpu.memory_space<hbm>> -> memref<128xi32, #tpu.memory_space<hbm>>
      %dma_wait3A_308 = arith.constant 0 : i32
      %dma_wait3A_309 = tpu.memref_slice %arg11[%dma_wait3A_303, %dma_wait3A_308] : memref<8x128xi32, #tpu.memory_space<vmem>> -> memref<1x128xi32, #tpu.memory_space<vmem>>
      %dma_wait3A_310 = tpu.memref_squeeze %dma_wait3A_309 : memref<1x128xi32, #tpu.memory_space<vmem>> -> memref<128xi32, #tpu.memory_space<vmem>>
      %dma_wait3A_311 = tpu.memref_slice %arg5[%add3A_155] : memref<163840xi32, #tpu.memory_space<hbm>> -> memref<128xi32, #tpu.memory_space<hbm>>
      tpu.wait_dma2 semaphore(%arg13 : memref<!tpu.dma_semaphore, #tpu.memory_space<semaphore_mem>>) src(%dma_wait3A_311 : memref<128xi32, #tpu.memory_space<hbm>>) dst(%dma_wait3A_310 : memref<128xi32, #tpu.memory_space<vmem>>)
      %dma_wait3A_312 = arith.constant 7 : i32
      %dma_wait3A_313 = arith.constant 0 : i32
      %dma_wait3A_314 = tpu.memref_slice %arg8[%dma_wait3A_312, %dma_wait3A_313] : memref<8x128xi32, #tpu.memory_space<vmem>> -> memref<1x128xi32, #tpu.memory_space<vmem>>
      %dma_wait3A_315 = tpu.memref_squeeze %dma_wait3A_314 : memref<1x128xi32, #tpu.memory_space<vmem>> -> memref<128xi32, #tpu.memory_space<vmem>>
      %dma_wait3A_316 = tpu.memref_slice %arg4[%add3A_166] : memref<163840xi32, #tpu.memory_space<hbm>> -> memref<128xi32, #tpu.memory_space<hbm>>
      %dma_wait3A_317 = arith.constant 0 : i32
      %dma_wait3A_318 = tpu.memref_slice %arg8[%dma_wait3A_312, %dma_wait3A_317] : memref<8x128xi32, #tpu.memory_space<vmem>> -> memref<1x128xi32, #tpu.memory_space<vmem>>
      %dma_wait3A_319 = tpu.memref_squeeze %dma_wait3A_318 : memref<1x128xi32, #tpu.memory_space<vmem>> -> memref<128xi32, #tpu.memory_space<vmem>>
      %dma_wait3A_320 = tpu.memref_slice %arg4[%add3A_166] : memref<163840xi32, #tpu.memory_space<hbm>> -> memref<128xi32, #tpu.memory_space<hbm>>
      tpu.wait_dma2 semaphore(%arg10 : memref<!tpu.dma_semaphore, #tpu.memory_space<semaphore_mem>>) src(%dma_wait3A_320 : memref<128xi32, #tpu.memory_space<hbm>>) dst(%dma_wait3A_319 : memref<128xi32, #tpu.memory_space<vmem>>)
      %dma_wait3A_321 = arith.constant 7 : i32
      %dma_wait3A_322 = arith.constant 0 : i32
      %dma_wait3A_323 = tpu.memref_slice %arg11[%dma_wait3A_321, %dma_wait3A_322] : memref<8x128xi32, #tpu.memory_space<vmem>> -> memref<1x128xi32, #tpu.memory_space<vmem>>
      %dma_wait3A_324 = tpu.memref_squeeze %dma_wait3A_323 : memref<1x128xi32, #tpu.memory_space<vmem>> -> memref<128xi32, #tpu.memory_space<vmem>>
      %dma_wait3A_325 = tpu.memref_slice %arg5[%add3A_177] : memref<163840xi32, #tpu.memory_space<hbm>> -> memref<128xi32, #tpu.memory_space<hbm>>
      %dma_wait3A_326 = arith.constant 0 : i32
      %dma_wait3A_327 = tpu.memref_slice %arg11[%dma_wait3A_321, %dma_wait3A_326] : memref<8x128xi32, #tpu.memory_space<vmem>> -> memref<1x128xi32, #tpu.memory_space<vmem>>
      %dma_wait3A_328 = tpu.memref_squeeze %dma_wait3A_327 : memref<1x128xi32, #tpu.memory_space<vmem>> -> memref<128xi32, #tpu.memory_space<vmem>>
      %dma_wait3A_329 = tpu.memref_slice %arg5[%add3A_177] : memref<163840xi32, #tpu.memory_space<hbm>> -> memref<128xi32, #tpu.memory_space<hbm>>
      tpu.wait_dma2 semaphore(%arg13 : memref<!tpu.dma_semaphore, #tpu.memory_space<semaphore_mem>>) src(%dma_wait3A_329 : memref<128xi32, #tpu.memory_space<hbm>>) dst(%dma_wait3A_328 : memref<128xi32, #tpu.memory_space<vmem>>)
      %dma_start3A_330 = arith.constant 0 : i32
      %dma_start3A_331 = arith.constant 0 : i32
      %dma_start3A_332 = arith.constant 0 : i32
      %dma_start3A_333 = arith.constant 0 : i32
      %dma_start3A_334 = tpu.memref_slice %arg9[%dma_start3A_331, %dma_start3A_332, %dma_start3A_333] : memref<8x128x16xf32, #tpu.memory_space<vmem>> -> memref<1x128x16xf32, #tpu.memory_space<vmem>>
      %dma_start3A_335 = tpu.memref_squeeze %dma_start3A_334 : memref<1x128x16xf32, #tpu.memory_space<vmem>> -> memref<128x16xf32, #tpu.memory_space<vmem>>
      %dma_start3A_336 = arith.constant 0 : i32
      %dma_start3A_337 = tpu.memref_slice %arg8[%dma_start3A_330, %dma_start3A_336] : memref<8x128xi32, #tpu.memory_space<vmem>> -> memref<1x128xi32, #tpu.memory_space<vmem>>
      %dma_start3A_338 = tpu.memref_squeeze %dma_start3A_337 : memref<1x128xi32, #tpu.memory_space<vmem>> -> memref<128xi32, #tpu.memory_space<vmem>>
      %dma_start3A_339 = arith.constant 0 : i32
      %dma_start3A_340 = arith.constant 0 : i32
      %dma_start3A_341 = tpu.memref_slice %arg2[%dma_start3A_339, %dma_start3A_340] : memref<10000x16xf32, #tpu.memory_space<hbm>> -> memref<10000x16xf32, #tpu.memory_space<hbm>>
      tpu.enqueue_indirect_dma source(%dma_start3A_341 : memref<10000x16xf32, #tpu.memory_space<hbm>>) target(%dma_start3A_335 : memref<128x16xf32, #tpu.memory_space<vmem>>) offsets(%dma_start3A_338 : memref<128xi32, #tpu.memory_space<vmem>>) semaphore(%arg10 : memref<!tpu.dma_semaphore, #tpu.memory_space<semaphore_mem>>)
      %dma_start3A_342 = arith.constant 0 : i32
      %dma_start3A_343 = arith.constant 0 : i32
      %dma_start3A_344 = arith.constant 0 : i32
      %dma_start3A_345 = arith.constant 0 : i32
      %dma_start3A_346 = tpu.memref_slice %arg12[%dma_start3A_343, %dma_start3A_344, %dma_start3A_345] : memref<8x128x16xf32, #tpu.memory_space<vmem>> -> memref<1x128x16xf32, #tpu.memory_space<vmem>>
      %dma_start3A_347 = tpu.memref_squeeze %dma_start3A_346 : memref<1x128x16xf32, #tpu.memory_space<vmem>> -> memref<128x16xf32, #tpu.memory_space<vmem>>
      %dma_start3A_348 = arith.constant 0 : i32
      %dma_start3A_349 = tpu.memref_slice %arg11[%dma_start3A_342, %dma_start3A_348] : memref<8x128xi32, #tpu.memory_space<vmem>> -> memref<1x128xi32, #tpu.memory_space<vmem>>
      %dma_start3A_350 = tpu.memref_squeeze %dma_start3A_349 : memref<1x128xi32, #tpu.memory_space<vmem>> -> memref<128xi32, #tpu.memory_space<vmem>>
      %dma_start3A_351 = arith.constant 0 : i32
      %dma_start3A_352 = arith.constant 0 : i32
      %dma_start3A_353 = tpu.memref_slice %arg3[%dma_start3A_351, %dma_start3A_352] : memref<10000x16xf32, #tpu.memory_space<hbm>> -> memref<10000x16xf32, #tpu.memory_space<hbm>>
      tpu.enqueue_indirect_dma source(%dma_start3A_353 : memref<10000x16xf32, #tpu.memory_space<hbm>>) target(%dma_start3A_347 : memref<128x16xf32, #tpu.memory_space<vmem>>) offsets(%dma_start3A_350 : memref<128xi32, #tpu.memory_space<vmem>>) semaphore(%arg13 : memref<!tpu.dma_semaphore, #tpu.memory_space<semaphore_mem>>)
      %dma_start3A_354 = arith.constant 1 : i32
      %dma_start3A_355 = arith.constant 1 : i32
      %dma_start3A_356 = arith.constant 0 : i32
      %dma_start3A_357 = arith.constant 0 : i32
      %dma_start3A_358 = tpu.memref_slice %arg9[%dma_start3A_355, %dma_start3A_356, %dma_start3A_357] : memref<8x128x16xf32, #tpu.memory_space<vmem>> -> memref<1x128x16xf32, #tpu.memory_space<vmem>>
      %dma_start3A_359 = tpu.memref_squeeze %dma_start3A_358 : memref<1x128x16xf32, #tpu.memory_space<vmem>> -> memref<128x16xf32, #tpu.memory_space<vmem>>
      %dma_start3A_360 = arith.constant 0 : i32
      %dma_start3A_361 = tpu.memref_slice %arg8[%dma_start3A_354, %dma_start3A_360] : memref<8x128xi32, #tpu.memory_space<vmem>> -> memref<1x128xi32, #tpu.memory_space<vmem>>
      %dma_start3A_362 = tpu.memref_squeeze %dma_start3A_361 : memref<1x128xi32, #tpu.memory_space<vmem>> -> memref<128xi32, #tpu.memory_space<vmem>>
      %dma_start3A_363 = arith.constant 0 : i32
      %dma_start3A_364 = arith.constant 0 : i32
      %dma_start3A_365 = tpu.memref_slice %arg2[%dma_start3A_363, %dma_start3A_364] : memref<10000x16xf32, #tpu.memory_space<hbm>> -> memref<10000x16xf32, #tpu.memory_space<hbm>>
      tpu.enqueue_indirect_dma source(%dma_start3A_365 : memref<10000x16xf32, #tpu.memory_space<hbm>>) target(%dma_start3A_359 : memref<128x16xf32, #tpu.memory_space<vmem>>) offsets(%dma_start3A_362 : memref<128xi32, #tpu.memory_space<vmem>>) semaphore(%arg10 : memref<!tpu.dma_semaphore, #tpu.memory_space<semaphore_mem>>)
      %dma_start3A_366 = arith.constant 1 : i32
      %dma_start3A_367 = arith.constant 1 : i32
      %dma_start3A_368 = arith.constant 0 : i32
      %dma_start3A_369 = arith.constant 0 : i32
      %dma_start3A_370 = tpu.memref_slice %arg12[%dma_start3A_367, %dma_start3A_368, %dma_start3A_369] : memref<8x128x16xf32, #tpu.memory_space<vmem>> -> memref<1x128x16xf32, #tpu.memory_space<vmem>>
      %dma_start3A_371 = tpu.memref_squeeze %dma_start3A_370 : memref<1x128x16xf32, #tpu.memory_space<vmem>> -> memref<128x16xf32, #tpu.memory_space<vmem>>
      %dma_start3A_372 = arith.constant 0 : i32
      %dma_start3A_373 = tpu.memref_slice %arg11[%dma_start3A_366, %dma_start3A_372] : memref<8x128xi32, #tpu.memory_space<vmem>> -> memref<1x128xi32, #tpu.memory_space<vmem>>
      %dma_start3A_374 = tpu.memref_squeeze %dma_start3A_373 : memref<1x128xi32, #tpu.memory_space<vmem>> -> memref<128xi32, #tpu.memory_space<vmem>>
      %dma_start3A_375 = arith.constant 0 : i32
      %dma_start3A_376 = arith.constant 0 : i32
      %dma_start3A_377 = tpu.memref_slice %arg3[%dma_start3A_375, %dma_start3A_376] : memref<10000x16xf32, #tpu.memory_space<hbm>> -> memref<10000x16xf32, #tpu.memory_space<hbm>>
      tpu.enqueue_indirect_dma source(%dma_start3A_377 : memref<10000x16xf32, #tpu.memory_space<hbm>>) target(%dma_start3A_371 : memref<128x16xf32, #tpu.memory_space<vmem>>) offsets(%dma_start3A_374 : memref<128xi32, #tpu.memory_space<vmem>>) semaphore(%arg13 : memref<!tpu.dma_semaphore, #tpu.memory_space<semaphore_mem>>)
      %dma_start3A_378 = arith.constant 2 : i32
      %dma_start3A_379 = arith.constant 2 : i32
      %dma_start3A_380 = arith.constant 0 : i32
      %dma_start3A_381 = arith.constant 0 : i32
      %dma_start3A_382 = tpu.memref_slice %arg9[%dma_start3A_379, %dma_start3A_380, %dma_start3A_381] : memref<8x128x16xf32, #tpu.memory_space<vmem>> -> memref<1x128x16xf32, #tpu.memory_space<vmem>>
      %dma_start3A_383 = tpu.memref_squeeze %dma_start3A_382 : memref<1x128x16xf32, #tpu.memory_space<vmem>> -> memref<128x16xf32, #tpu.memory_space<vmem>>
      %dma_start3A_384 = arith.constant 0 : i32
      %dma_start3A_385 = tpu.memref_slice %arg8[%dma_start3A_378, %dma_start3A_384] : memref<8x128xi32, #tpu.memory_space<vmem>> -> memref<1x128xi32, #tpu.memory_space<vmem>>
      %dma_start3A_386 = tpu.memref_squeeze %dma_start3A_385 : memref<1x128xi32, #tpu.memory_space<vmem>> -> memref<128xi32, #tpu.memory_space<vmem>>
      %dma_start3A_387 = arith.constant 0 : i32
      %dma_start3A_388 = arith.constant 0 : i32
      %dma_start3A_389 = tpu.memref_slice %arg2[%dma_start3A_387, %dma_start3A_388] : memref<10000x16xf32, #tpu.memory_space<hbm>> -> memref<10000x16xf32, #tpu.memory_space<hbm>>
      tpu.enqueue_indirect_dma source(%dma_start3A_389 : memref<10000x16xf32, #tpu.memory_space<hbm>>) target(%dma_start3A_383 : memref<128x16xf32, #tpu.memory_space<vmem>>) offsets(%dma_start3A_386 : memref<128xi32, #tpu.memory_space<vmem>>) semaphore(%arg10 : memref<!tpu.dma_semaphore, #tpu.memory_space<semaphore_mem>>)
      %dma_start3A_390 = arith.constant 2 : i32
      %dma_start3A_391 = arith.constant 2 : i32
      %dma_start3A_392 = arith.constant 0 : i32
      %dma_start3A_393 = arith.constant 0 : i32
      %dma_start3A_394 = tpu.memref_slice %arg12[%dma_start3A_391, %dma_start3A_392, %dma_start3A_393] : memref<8x128x16xf32, #tpu.memory_space<vmem>> -> memref<1x128x16xf32, #tpu.memory_space<vmem>>
      %dma_start3A_395 = tpu.memref_squeeze %dma_start3A_394 : memref<1x128x16xf32, #tpu.memory_space<vmem>> -> memref<128x16xf32, #tpu.memory_space<vmem>>
      %dma_start3A_396 = arith.constant 0 : i32
      %dma_start3A_397 = tpu.memref_slice %arg11[%dma_start3A_390, %dma_start3A_396] : memref<8x128xi32, #tpu.memory_space<vmem>> -> memref<1x128xi32, #tpu.memory_space<vmem>>
      %dma_start3A_398 = tpu.memref_squeeze %dma_start3A_397 : memref<1x128xi32, #tpu.memory_space<vmem>> -> memref<128xi32, #tpu.memory_space<vmem>>
      %dma_start3A_399 = arith.constant 0 : i32
      %dma_start3A_400 = arith.constant 0 : i32
      %dma_start3A_401 = tpu.memref_slice %arg3[%dma_start3A_399, %dma_start3A_400] : memref<10000x16xf32, #tpu.memory_space<hbm>> -> memref<10000x16xf32, #tpu.memory_space<hbm>>
      tpu.enqueue_indirect_dma source(%dma_start3A_401 : memref<10000x16xf32, #tpu.memory_space<hbm>>) target(%dma_start3A_395 : memref<128x16xf32, #tpu.memory_space<vmem>>) offsets(%dma_start3A_398 : memref<128xi32, #tpu.memory_space<vmem>>) semaphore(%arg13 : memref<!tpu.dma_semaphore, #tpu.memory_space<semaphore_mem>>)
      %dma_start3A_402 = arith.constant 3 : i32
      %dma_start3A_403 = arith.constant 3 : i32
      %dma_start3A_404 = arith.constant 0 : i32
      %dma_start3A_405 = arith.constant 0 : i32
      %dma_start3A_406 = tpu.memref_slice %arg9[%dma_start3A_403, %dma_start3A_404, %dma_start3A_405] : memref<8x128x16xf32, #tpu.memory_space<vmem>> -> memref<1x128x16xf32, #tpu.memory_space<vmem>>
      %dma_start3A_407 = tpu.memref_squeeze %dma_start3A_406 : memref<1x128x16xf32, #tpu.memory_space<vmem>> -> memref<128x16xf32, #tpu.memory_space<vmem>>
      %dma_start3A_408 = arith.constant 0 : i32
      %dma_start3A_409 = tpu.memref_slice %arg8[%dma_start3A_402, %dma_start3A_408] : memref<8x128xi32, #tpu.memory_space<vmem>> -> memref<1x128xi32, #tpu.memory_space<vmem>>
      %dma_start3A_410 = tpu.memref_squeeze %dma_start3A_409 : memref<1x128xi32, #tpu.memory_space<vmem>> -> memref<128xi32, #tpu.memory_space<vmem>>
      %dma_start3A_411 = arith.constant 0 : i32
      %dma_start3A_412 = arith.constant 0 : i32
      %dma_start3A_413 = tpu.memref_slice %arg2[%dma_start3A_411, %dma_start3A_412] : memref<10000x16xf32, #tpu.memory_space<hbm>> -> memref<10000x16xf32, #tpu.memory_space<hbm>>
      tpu.enqueue_indirect_dma source(%dma_start3A_413 : memref<10000x16xf32, #tpu.memory_space<hbm>>) target(%dma_start3A_407 : memref<128x16xf32, #tpu.memory_space<vmem>>) offsets(%dma_start3A_410 : memref<128xi32, #tpu.memory_space<vmem>>) semaphore(%arg10 : memref<!tpu.dma_semaphore, #tpu.memory_space<semaphore_mem>>)
      %dma_start3A_414 = arith.constant 3 : i32
      %dma_start3A_415 = arith.constant 3 : i32
      %dma_start3A_416 = arith.constant 0 : i32
      %dma_start3A_417 = arith.constant 0 : i32
      %dma_start3A_418 = tpu.memref_slice %arg12[%dma_start3A_415, %dma_start3A_416, %dma_start3A_417] : memref<8x128x16xf32, #tpu.memory_space<vmem>> -> memref<1x128x16xf32, #tpu.memory_space<vmem>>
      %dma_start3A_419 = tpu.memref_squeeze %dma_start3A_418 : memref<1x128x16xf32, #tpu.memory_space<vmem>> -> memref<128x16xf32, #tpu.memory_space<vmem>>
      %dma_start3A_420 = arith.constant 0 : i32
      %dma_start3A_421 = tpu.memref_slice %arg11[%dma_start3A_414, %dma_start3A_420] : memref<8x128xi32, #tpu.memory_space<vmem>> -> memref<1x128xi32, #tpu.memory_space<vmem>>
      %dma_start3A_422 = tpu.memref_squeeze %dma_start3A_421 : memref<1x128xi32, #tpu.memory_space<vmem>> -> memref<128xi32, #tpu.memory_space<vmem>>
      %dma_start3A_423 = arith.constant 0 : i32
      %dma_start3A_424 = arith.constant 0 : i32
      %dma_start3A_425 = tpu.memref_slice %arg3[%dma_start3A_423, %dma_start3A_424] : memref<10000x16xf32, #tpu.memory_space<hbm>> -> memref<10000x16xf32, #tpu.memory_space<hbm>>
      tpu.enqueue_indirect_dma source(%dma_start3A_425 : memref<10000x16xf32, #tpu.memory_space<hbm>>) target(%dma_start3A_419 : memref<128x16xf32, #tpu.memory_space<vmem>>) offsets(%dma_start3A_422 : memref<128xi32, #tpu.memory_space<vmem>>) semaphore(%arg13 : memref<!tpu.dma_semaphore, #tpu.memory_space<semaphore_mem>>)
      %dma_start3A_426 = arith.constant 4 : i32
      %dma_start3A_427 = arith.constant 4 : i32
      %dma_start3A_428 = arith.constant 0 : i32
      %dma_start3A_429 = arith.constant 0 : i32
      %dma_start3A_430 = tpu.memref_slice %arg9[%dma_start3A_427, %dma_start3A_428, %dma_start3A_429] : memref<8x128x16xf32, #tpu.memory_space<vmem>> -> memref<1x128x16xf32, #tpu.memory_space<vmem>>
      %dma_start3A_431 = tpu.memref_squeeze %dma_start3A_430 : memref<1x128x16xf32, #tpu.memory_space<vmem>> -> memref<128x16xf32, #tpu.memory_space<vmem>>
      %dma_start3A_432 = arith.constant 0 : i32
      %dma_start3A_433 = tpu.memref_slice %arg8[%dma_start3A_426, %dma_start3A_432] : memref<8x128xi32, #tpu.memory_space<vmem>> -> memref<1x128xi32, #tpu.memory_space<vmem>>
      %dma_start3A_434 = tpu.memref_squeeze %dma_start3A_433 : memref<1x128xi32, #tpu.memory_space<vmem>> -> memref<128xi32, #tpu.memory_space<vmem>>
      %dma_start3A_435 = arith.constant 0 : i32
      %dma_start3A_436 = arith.constant 0 : i32
      %dma_start3A_437 = tpu.memref_slice %arg2[%dma_start3A_435, %dma_start3A_436] : memref<10000x16xf32, #tpu.memory_space<hbm>> -> memref<10000x16xf32, #tpu.memory_space<hbm>>
      tpu.enqueue_indirect_dma source(%dma_start3A_437 : memref<10000x16xf32, #tpu.memory_space<hbm>>) target(%dma_start3A_431 : memref<128x16xf32, #tpu.memory_space<vmem>>) offsets(%dma_start3A_434 : memref<128xi32, #tpu.memory_space<vmem>>) semaphore(%arg10 : memref<!tpu.dma_semaphore, #tpu.memory_space<semaphore_mem>>)
      %dma_start3A_438 = arith.constant 4 : i32
      %dma_start3A_439 = arith.constant 4 : i32
      %dma_start3A_440 = arith.constant 0 : i32
      %dma_start3A_441 = arith.constant 0 : i32
      %dma_start3A_442 = tpu.memref_slice %arg12[%dma_start3A_439, %dma_start3A_440, %dma_start3A_441] : memref<8x128x16xf32, #tpu.memory_space<vmem>> -> memref<1x128x16xf32, #tpu.memory_space<vmem>>
      %dma_start3A_443 = tpu.memref_squeeze %dma_start3A_442 : memref<1x128x16xf32, #tpu.memory_space<vmem>> -> memref<128x16xf32, #tpu.memory_space<vmem>>
      %dma_start3A_444 = arith.constant 0 : i32
      %dma_start3A_445 = tpu.memref_slice %arg11[%dma_start3A_438, %dma_start3A_444] : memref<8x128xi32, #tpu.memory_space<vmem>> -> memref<1x128xi32, #tpu.memory_space<vmem>>
      %dma_start3A_446 = tpu.memref_squeeze %dma_start3A_445 : memref<1x128xi32, #tpu.memory_space<vmem>> -> memref<128xi32, #tpu.memory_space<vmem>>
      %dma_start3A_447 = arith.constant 0 : i32
      %dma_start3A_448 = arith.constant 0 : i32
      %dma_start3A_449 = tpu.memref_slice %arg3[%dma_start3A_447, %dma_start3A_448] : memref<10000x16xf32, #tpu.memory_space<hbm>> -> memref<10000x16xf32, #tpu.memory_space<hbm>>
      tpu.enqueue_indirect_dma source(%dma_start3A_449 : memref<10000x16xf32, #tpu.memory_space<hbm>>) target(%dma_start3A_443 : memref<128x16xf32, #tpu.memory_space<vmem>>) offsets(%dma_start3A_446 : memref<128xi32, #tpu.memory_space<vmem>>) semaphore(%arg13 : memref<!tpu.dma_semaphore, #tpu.memory_space<semaphore_mem>>)
      %dma_start3A_450 = arith.constant 5 : i32
      %dma_start3A_451 = arith.constant 5 : i32
      %dma_start3A_452 = arith.constant 0 : i32
      %dma_start3A_453 = arith.constant 0 : i32
      %dma_start3A_454 = tpu.memref_slice %arg9[%dma_start3A_451, %dma_start3A_452, %dma_start3A_453] : memref<8x128x16xf32, #tpu.memory_space<vmem>> -> memref<1x128x16xf32, #tpu.memory_space<vmem>>
      %dma_start3A_455 = tpu.memref_squeeze %dma_start3A_454 : memref<1x128x16xf32, #tpu.memory_space<vmem>> -> memref<128x16xf32, #tpu.memory_space<vmem>>
      %dma_start3A_456 = arith.constant 0 : i32
      %dma_start3A_457 = tpu.memref_slice %arg8[%dma_start3A_450, %dma_start3A_456] : memref<8x128xi32, #tpu.memory_space<vmem>> -> memref<1x128xi32, #tpu.memory_space<vmem>>
      %dma_start3A_458 = tpu.memref_squeeze %dma_start3A_457 : memref<1x128xi32, #tpu.memory_space<vmem>> -> memref<128xi32, #tpu.memory_space<vmem>>
      %dma_start3A_459 = arith.constant 0 : i32
      %dma_start3A_460 = arith.constant 0 : i32
      %dma_start3A_461 = tpu.memref_slice %arg2[%dma_start3A_459, %dma_start3A_460] : memref<10000x16xf32, #tpu.memory_space<hbm>> -> memref<10000x16xf32, #tpu.memory_space<hbm>>
      tpu.enqueue_indirect_dma source(%dma_start3A_461 : memref<10000x16xf32, #tpu.memory_space<hbm>>) target(%dma_start3A_455 : memref<128x16xf32, #tpu.memory_space<vmem>>) offsets(%dma_start3A_458 : memref<128xi32, #tpu.memory_space<vmem>>) semaphore(%arg10 : memref<!tpu.dma_semaphore, #tpu.memory_space<semaphore_mem>>)
      %dma_start3A_462 = arith.constant 5 : i32
      %dma_start3A_463 = arith.constant 5 : i32
      %dma_start3A_464 = arith.constant 0 : i32
      %dma_start3A_465 = arith.constant 0 : i32
      %dma_start3A_466 = tpu.memref_slice %arg12[%dma_start3A_463, %dma_start3A_464, %dma_start3A_465] : memref<8x128x16xf32, #tpu.memory_space<vmem>> -> memref<1x128x16xf32, #tpu.memory_space<vmem>>
      %dma_start3A_467 = tpu.memref_squeeze %dma_start3A_466 : memref<1x128x16xf32, #tpu.memory_space<vmem>> -> memref<128x16xf32, #tpu.memory_space<vmem>>
      %dma_start3A_468 = arith.constant 0 : i32
      %dma_start3A_469 = tpu.memref_slice %arg11[%dma_start3A_462, %dma_start3A_468] : memref<8x128xi32, #tpu.memory_space<vmem>> -> memref<1x128xi32, #tpu.memory_space<vmem>>
      %dma_start3A_470 = tpu.memref_squeeze %dma_start3A_469 : memref<1x128xi32, #tpu.memory_space<vmem>> -> memref<128xi32, #tpu.memory_space<vmem>>
      %dma_start3A_471 = arith.constant 0 : i32
      %dma_start3A_472 = arith.constant 0 : i32
      %dma_start3A_473 = tpu.memref_slice %arg3[%dma_start3A_471, %dma_start3A_472] : memref<10000x16xf32, #tpu.memory_space<hbm>> -> memref<10000x16xf32, #tpu.memory_space<hbm>>
      tpu.enqueue_indirect_dma source(%dma_start3A_473 : memref<10000x16xf32, #tpu.memory_space<hbm>>) target(%dma_start3A_467 : memref<128x16xf32, #tpu.memory_space<vmem>>) offsets(%dma_start3A_470 : memref<128xi32, #tpu.memory_space<vmem>>) semaphore(%arg13 : memref<!tpu.dma_semaphore, #tpu.memory_space<semaphore_mem>>)
      %dma_start3A_474 = arith.constant 6 : i32
      %dma_start3A_475 = arith.constant 6 : i32
      %dma_start3A_476 = arith.constant 0 : i32
      %dma_start3A_477 = arith.constant 0 : i32
      %dma_start3A_478 = tpu.memref_slice %arg9[%dma_start3A_475, %dma_start3A_476, %dma_start3A_477] : memref<8x128x16xf32, #tpu.memory_space<vmem>> -> memref<1x128x16xf32, #tpu.memory_space<vmem>>
      %dma_start3A_479 = tpu.memref_squeeze %dma_start3A_478 : memref<1x128x16xf32, #tpu.memory_space<vmem>> -> memref<128x16xf32, #tpu.memory_space<vmem>>
      %dma_start3A_480 = arith.constant 0 : i32
      %dma_start3A_481 = tpu.memref_slice %arg8[%dma_start3A_474, %dma_start3A_480] : memref<8x128xi32, #tpu.memory_space<vmem>> -> memref<1x128xi32, #tpu.memory_space<vmem>>
      %dma_start3A_482 = tpu.memref_squeeze %dma_start3A_481 : memref<1x128xi32, #tpu.memory_space<vmem>> -> memref<128xi32, #tpu.memory_space<vmem>>
      %dma_start3A_483 = arith.constant 0 : i32
      %dma_start3A_484 = arith.constant 0 : i32
      %dma_start3A_485 = tpu.memref_slice %arg2[%dma_start3A_483, %dma_start3A_484] : memref<10000x16xf32, #tpu.memory_space<hbm>> -> memref<10000x16xf32, #tpu.memory_space<hbm>>
      tpu.enqueue_indirect_dma source(%dma_start3A_485 : memref<10000x16xf32, #tpu.memory_space<hbm>>) target(%dma_start3A_479 : memref<128x16xf32, #tpu.memory_space<vmem>>) offsets(%dma_start3A_482 : memref<128xi32, #tpu.memory_space<vmem>>) semaphore(%arg10 : memref<!tpu.dma_semaphore, #tpu.memory_space<semaphore_mem>>)
      %dma_start3A_486 = arith.constant 6 : i32
      %dma_start3A_487 = arith.constant 6 : i32
      %dma_start3A_488 = arith.constant 0 : i32
      %dma_start3A_489 = arith.constant 0 : i32
      %dma_start3A_490 = tpu.memref_slice %arg12[%dma_start3A_487, %dma_start3A_488, %dma_start3A_489] : memref<8x128x16xf32, #tpu.memory_space<vmem>> -> memref<1x128x16xf32, #tpu.memory_space<vmem>>
      %dma_start3A_491 = tpu.memref_squeeze %dma_start3A_490 : memref<1x128x16xf32, #tpu.memory_space<vmem>> -> memref<128x16xf32, #tpu.memory_space<vmem>>
      %dma_start3A_492 = arith.constant 0 : i32
      %dma_start3A_493 = tpu.memref_slice %arg11[%dma_start3A_486, %dma_start3A_492] : memref<8x128xi32, #tpu.memory_space<vmem>> -> memref<1x128xi32, #tpu.memory_space<vmem>>
      %dma_start3A_494 = tpu.memref_squeeze %dma_start3A_493 : memref<1x128xi32, #tpu.memory_space<vmem>> -> memref<128xi32, #tpu.memory_space<vmem>>
      %dma_start3A_495 = arith.constant 0 : i32
      %dma_start3A_496 = arith.constant 0 : i32
      %dma_start3A_497 = tpu.memref_slice %arg3[%dma_start3A_495, %dma_start3A_496] : memref<10000x16xf32, #tpu.memory_space<hbm>> -> memref<10000x16xf32, #tpu.memory_space<hbm>>
      tpu.enqueue_indirect_dma source(%dma_start3A_497 : memref<10000x16xf32, #tpu.memory_space<hbm>>) target(%dma_start3A_491 : memref<128x16xf32, #tpu.memory_space<vmem>>) offsets(%dma_start3A_494 : memref<128xi32, #tpu.memory_space<vmem>>) semaphore(%arg13 : memref<!tpu.dma_semaphore, #tpu.memory_space<semaphore_mem>>)
      %dma_start3A_498 = arith.constant 7 : i32
      %dma_start3A_499 = arith.constant 7 : i32
      %dma_start3A_500 = arith.constant 0 : i32
      %dma_start3A_501 = arith.constant 0 : i32
      %dma_start3A_502 = tpu.memref_slice %arg9[%dma_start3A_499, %dma_start3A_500, %dma_start3A_501] : memref<8x128x16xf32, #tpu.memory_space<vmem>> -> memref<1x128x16xf32, #tpu.memory_space<vmem>>
      %dma_start3A_503 = tpu.memref_squeeze %dma_start3A_502 : memref<1x128x16xf32, #tpu.memory_space<vmem>> -> memref<128x16xf32, #tpu.memory_space<vmem>>
      %dma_start3A_504 = arith.constant 0 : i32
      %dma_start3A_505 = tpu.memref_slice %arg8[%dma_start3A_498, %dma_start3A_504] : memref<8x128xi32, #tpu.memory_space<vmem>> -> memref<1x128xi32, #tpu.memory_space<vmem>>
      %dma_start3A_506 = tpu.memref_squeeze %dma_start3A_505 : memref<1x128xi32, #tpu.memory_space<vmem>> -> memref<128xi32, #tpu.memory_space<vmem>>
      %dma_start3A_507 = arith.constant 0 : i32
      %dma_start3A_508 = arith.constant 0 : i32
      %dma_start3A_509 = tpu.memref_slice %arg2[%dma_start3A_507, %dma_start3A_508] : memref<10000x16xf32, #tpu.memory_space<hbm>> -> memref<10000x16xf32, #tpu.memory_space<hbm>>
      tpu.enqueue_indirect_dma source(%dma_start3A_509 : memref<10000x16xf32, #tpu.memory_space<hbm>>) target(%dma_start3A_503 : memref<128x16xf32, #tpu.memory_space<vmem>>) offsets(%dma_start3A_506 : memref<128xi32, #tpu.memory_space<vmem>>) semaphore(%arg10 : memref<!tpu.dma_semaphore, #tpu.memory_space<semaphore_mem>>)
      %dma_start3A_510 = arith.constant 7 : i32
      %dma_start3A_511 = arith.constant 7 : i32
      %dma_start3A_512 = arith.constant 0 : i32
      %dma_start3A_513 = arith.constant 0 : i32
      %dma_start3A_514 = tpu.memref_slice %arg12[%dma_start3A_511, %dma_start3A_512, %dma_start3A_513] : memref<8x128x16xf32, #tpu.memory_space<vmem>> -> memref<1x128x16xf32, #tpu.memory_space<vmem>>
      %dma_start3A_515 = tpu.memref_squeeze %dma_start3A_514 : memref<1x128x16xf32, #tpu.memory_space<vmem>> -> memref<128x16xf32, #tpu.memory_space<vmem>>
      %dma_start3A_516 = arith.constant 0 : i32
      %dma_start3A_517 = tpu.memref_slice %arg11[%dma_start3A_510, %dma_start3A_516] : memref<8x128xi32, #tpu.memory_space<vmem>> -> memref<1x128xi32, #tpu.memory_space<vmem>>
      %dma_start3A_518 = tpu.memref_squeeze %dma_start3A_517 : memref<1x128xi32, #tpu.memory_space<vmem>> -> memref<128xi32, #tpu.memory_space<vmem>>
      %dma_start3A_519 = arith.constant 0 : i32
      %dma_start3A_520 = arith.constant 0 : i32
      %dma_start3A_521 = tpu.memref_slice %arg3[%dma_start3A_519, %dma_start3A_520] : memref<10000x16xf32, #tpu.memory_space<hbm>> -> memref<10000x16xf32, #tpu.memory_space<hbm>>
      tpu.enqueue_indirect_dma source(%dma_start3A_521 : memref<10000x16xf32, #tpu.memory_space<hbm>>) target(%dma_start3A_515 : memref<128x16xf32, #tpu.memory_space<vmem>>) offsets(%dma_start3A_518 : memref<128xi32, #tpu.memory_space<vmem>>) semaphore(%arg13 : memref<!tpu.dma_semaphore, #tpu.memory_space<semaphore_mem>>)
      %dma_wait3A_522 = arith.constant 0 : i32
      %dma_wait3A_523 = arith.constant 0 : i32
      %dma_wait3A_524 = arith.constant 0 : i32
      %dma_wait3A_525 = arith.constant 0 : i32
      %dma_wait3A_526 = tpu.memref_slice %arg9[%dma_wait3A_523, %dma_wait3A_524, %dma_wait3A_525] : memref<8x128x16xf32, #tpu.memory_space<vmem>> -> memref<1x128x16xf32, #tpu.memory_space<vmem>>
      %dma_wait3A_527 = tpu.memref_squeeze %dma_wait3A_526 : memref<1x128x16xf32, #tpu.memory_space<vmem>> -> memref<128x16xf32, #tpu.memory_space<vmem>>
      %dma_wait3A_528 = arith.constant 0 : i32
      %dma_wait3A_529 = tpu.memref_slice %arg8[%dma_wait3A_522, %dma_wait3A_528] : memref<8x128xi32, #tpu.memory_space<vmem>> -> memref<1x128xi32, #tpu.memory_space<vmem>>
      %dma_wait3A_530 = tpu.memref_squeeze %dma_wait3A_529 : memref<1x128xi32, #tpu.memory_space<vmem>> -> memref<128xi32, #tpu.memory_space<vmem>>
      %dma_wait3A_531 = arith.constant 0 : i32
      %dma_wait3A_532 = arith.constant 0 : i32
      %dma_wait3A_533 = tpu.memref_slice %arg2[%dma_wait3A_531, %dma_wait3A_532] : memref<10000x16xf32, #tpu.memory_space<hbm>> -> memref<10000x16xf32, #tpu.memory_space<hbm>>
      tpu.wait_indirect_dma semaphore(%arg10 : memref<!tpu.dma_semaphore, #tpu.memory_space<semaphore_mem>>) src(%dma_wait3A_533 : memref<10000x16xf32, #tpu.memory_space<hbm>>) dst(%dma_wait3A_527 : memref<128x16xf32, #tpu.memory_space<vmem>>)
      %dma_wait3A_534 = arith.constant 0 : i32
      %dma_wait3A_535 = arith.constant 0 : i32
      %dma_wait3A_536 = arith.constant 0 : i32
      %dma_wait3A_537 = arith.constant 0 : i32
      %dma_wait3A_538 = tpu.memref_slice %arg12[%dma_wait3A_535, %dma_wait3A_536, %dma_wait3A_537] : memref<8x128x16xf32, #tpu.memory_space<vmem>> -> memref<1x128x16xf32, #tpu.memory_space<vmem>>
      %dma_wait3A_539 = tpu.memref_squeeze %dma_wait3A_538 : memref<1x128x16xf32, #tpu.memory_space<vmem>> -> memref<128x16xf32, #tpu.memory_space<vmem>>
      %dma_wait3A_540 = arith.constant 0 : i32
      %dma_wait3A_541 = tpu.memref_slice %arg11[%dma_wait3A_534, %dma_wait3A_540] : memref<8x128xi32, #tpu.memory_space<vmem>> -> memref<1x128xi32, #tpu.memory_space<vmem>>
      %dma_wait3A_542 = tpu.memref_squeeze %dma_wait3A_541 : memref<1x128xi32, #tpu.memory_space<vmem>> -> memref<128xi32, #tpu.memory_space<vmem>>
      %dma_wait3A_543 = arith.constant 0 : i32
      %dma_wait3A_544 = arith.constant 0 : i32
      %dma_wait3A_545 = tpu.memref_slice %arg3[%dma_wait3A_543, %dma_wait3A_544] : memref<10000x16xf32, #tpu.memory_space<hbm>> -> memref<10000x16xf32, #tpu.memory_space<hbm>>
      tpu.wait_indirect_dma semaphore(%arg13 : memref<!tpu.dma_semaphore, #tpu.memory_space<semaphore_mem>>) src(%dma_wait3A_545 : memref<10000x16xf32, #tpu.memory_space<hbm>>) dst(%dma_wait3A_539 : memref<128x16xf32, #tpu.memory_space<vmem>>)
      %dma_wait3A_546 = arith.constant 1 : i32
      %dma_wait3A_547 = arith.constant 1 : i32
      %dma_wait3A_548 = arith.constant 0 : i32
      %dma_wait3A_549 = arith.constant 0 : i32
      %dma_wait3A_550 = tpu.memref_slice %arg9[%dma_wait3A_547, %dma_wait3A_548, %dma_wait3A_549] : memref<8x128x16xf32, #tpu.memory_space<vmem>> -> memref<1x128x16xf32, #tpu.memory_space<vmem>>
      %dma_wait3A_551 = tpu.memref_squeeze %dma_wait3A_550 : memref<1x128x16xf32, #tpu.memory_space<vmem>> -> memref<128x16xf32, #tpu.memory_space<vmem>>
      %dma_wait3A_552 = arith.constant 0 : i32
      %dma_wait3A_553 = tpu.memref_slice %arg8[%dma_wait3A_546, %dma_wait3A_552] : memref<8x128xi32, #tpu.memory_space<vmem>> -> memref<1x128xi32, #tpu.memory_space<vmem>>
      %dma_wait3A_554 = tpu.memref_squeeze %dma_wait3A_553 : memref<1x128xi32, #tpu.memory_space<vmem>> -> memref<128xi32, #tpu.memory_space<vmem>>
      %dma_wait3A_555 = arith.constant 0 : i32
      %dma_wait3A_556 = arith.constant 0 : i32
      %dma_wait3A_557 = tpu.memref_slice %arg2[%dma_wait3A_555, %dma_wait3A_556] : memref<10000x16xf32, #tpu.memory_space<hbm>> -> memref<10000x16xf32, #tpu.memory_space<hbm>>
      tpu.wait_indirect_dma semaphore(%arg10 : memref<!tpu.dma_semaphore, #tpu.memory_space<semaphore_mem>>) src(%dma_wait3A_557 : memref<10000x16xf32, #tpu.memory_space<hbm>>) dst(%dma_wait3A_551 : memref<128x16xf32, #tpu.memory_space<vmem>>)
      %dma_wait3A_558 = arith.constant 1 : i32
      %dma_wait3A_559 = arith.constant 1 : i32
      %dma_wait3A_560 = arith.constant 0 : i32
      %dma_wait3A_561 = arith.constant 0 : i32
      %dma_wait3A_562 = tpu.memref_slice %arg12[%dma_wait3A_559, %dma_wait3A_560, %dma_wait3A_561] : memref<8x128x16xf32, #tpu.memory_space<vmem>> -> memref<1x128x16xf32, #tpu.memory_space<vmem>>
      %dma_wait3A_563 = tpu.memref_squeeze %dma_wait3A_562 : memref<1x128x16xf32, #tpu.memory_space<vmem>> -> memref<128x16xf32, #tpu.memory_space<vmem>>
      %dma_wait3A_564 = arith.constant 0 : i32
      %dma_wait3A_565 = tpu.memref_slice %arg11[%dma_wait3A_558, %dma_wait3A_564] : memref<8x128xi32, #tpu.memory_space<vmem>> -> memref<1x128xi32, #tpu.memory_space<vmem>>
      %dma_wait3A_566 = tpu.memref_squeeze %dma_wait3A_565 : memref<1x128xi32, #tpu.memory_space<vmem>> -> memref<128xi32, #tpu.memory_space<vmem>>
      %dma_wait3A_567 = arith.constant 0 : i32
      %dma_wait3A_568 = arith.constant 0 : i32
      %dma_wait3A_569 = tpu.memref_slice %arg3[%dma_wait3A_567, %dma_wait3A_568] : memref<10000x16xf32, #tpu.memory_space<hbm>> -> memref<10000x16xf32, #tpu.memory_space<hbm>>
      tpu.wait_indirect_dma semaphore(%arg13 : memref<!tpu.dma_semaphore, #tpu.memory_space<semaphore_mem>>) src(%dma_wait3A_569 : memref<10000x16xf32, #tpu.memory_space<hbm>>) dst(%dma_wait3A_563 : memref<128x16xf32, #tpu.memory_space<vmem>>)
      %dma_wait3A_570 = arith.constant 2 : i32
      %dma_wait3A_571 = arith.constant 2 : i32
      %dma_wait3A_572 = arith.constant 0 : i32
      %dma_wait3A_573 = arith.constant 0 : i32
      %dma_wait3A_574 = tpu.memref_slice %arg9[%dma_wait3A_571, %dma_wait3A_572, %dma_wait3A_573] : memref<8x128x16xf32, #tpu.memory_space<vmem>> -> memref<1x128x16xf32, #tpu.memory_space<vmem>>
      %dma_wait3A_575 = tpu.memref_squeeze %dma_wait3A_574 : memref<1x128x16xf32, #tpu.memory_space<vmem>> -> memref<128x16xf32, #tpu.memory_space<vmem>>
      %dma_wait3A_576 = arith.constant 0 : i32
      %dma_wait3A_577 = tpu.memref_slice %arg8[%dma_wait3A_570, %dma_wait3A_576] : memref<8x128xi32, #tpu.memory_space<vmem>> -> memref<1x128xi32, #tpu.memory_space<vmem>>
      %dma_wait3A_578 = tpu.memref_squeeze %dma_wait3A_577 : memref<1x128xi32, #tpu.memory_space<vmem>> -> memref<128xi32, #tpu.memory_space<vmem>>
      %dma_wait3A_579 = arith.constant 0 : i32
      %dma_wait3A_580 = arith.constant 0 : i32
      %dma_wait3A_581 = tpu.memref_slice %arg2[%dma_wait3A_579, %dma_wait3A_580] : memref<10000x16xf32, #tpu.memory_space<hbm>> -> memref<10000x16xf32, #tpu.memory_space<hbm>>
      tpu.wait_indirect_dma semaphore(%arg10 : memref<!tpu.dma_semaphore, #tpu.memory_space<semaphore_mem>>) src(%dma_wait3A_581 : memref<10000x16xf32, #tpu.memory_space<hbm>>) dst(%dma_wait3A_575 : memref<128x16xf32, #tpu.memory_space<vmem>>)
      %dma_wait3A_582 = arith.constant 2 : i32
      %dma_wait3A_583 = arith.constant 2 : i32
      %dma_wait3A_584 = arith.constant 0 : i32
      %dma_wait3A_585 = arith.constant 0 : i32
      %dma_wait3A_586 = tpu.memref_slice %arg12[%dma_wait3A_583, %dma_wait3A_584, %dma_wait3A_585] : memref<8x128x16xf32, #tpu.memory_space<vmem>> -> memref<1x128x16xf32, #tpu.memory_space<vmem>>
      %dma_wait3A_587 = tpu.memref_squeeze %dma_wait3A_586 : memref<1x128x16xf32, #tpu.memory_space<vmem>> -> memref<128x16xf32, #tpu.memory_space<vmem>>
      %dma_wait3A_588 = arith.constant 0 : i32
      %dma_wait3A_589 = tpu.memref_slice %arg11[%dma_wait3A_582, %dma_wait3A_588] : memref<8x128xi32, #tpu.memory_space<vmem>> -> memref<1x128xi32, #tpu.memory_space<vmem>>
      %dma_wait3A_590 = tpu.memref_squeeze %dma_wait3A_589 : memref<1x128xi32, #tpu.memory_space<vmem>> -> memref<128xi32, #tpu.memory_space<vmem>>
      %dma_wait3A_591 = arith.constant 0 : i32
      %dma_wait3A_592 = arith.constant 0 : i32
      %dma_wait3A_593 = tpu.memref_slice %arg3[%dma_wait3A_591, %dma_wait3A_592] : memref<10000x16xf32, #tpu.memory_space<hbm>> -> memref<10000x16xf32, #tpu.memory_space<hbm>>
      tpu.wait_indirect_dma semaphore(%arg13 : memref<!tpu.dma_semaphore, #tpu.memory_space<semaphore_mem>>) src(%dma_wait3A_593 : memref<10000x16xf32, #tpu.memory_space<hbm>>) dst(%dma_wait3A_587 : memref<128x16xf32, #tpu.memory_space<vmem>>)
      %dma_wait3A_594 = arith.constant 3 : i32
      %dma_wait3A_595 = arith.constant 3 : i32
      %dma_wait3A_596 = arith.constant 0 : i32
      %dma_wait3A_597 = arith.constant 0 : i32
      %dma_wait3A_598 = tpu.memref_slice %arg9[%dma_wait3A_595, %dma_wait3A_596, %dma_wait3A_597] : memref<8x128x16xf32, #tpu.memory_space<vmem>> -> memref<1x128x16xf32, #tpu.memory_space<vmem>>
      %dma_wait3A_599 = tpu.memref_squeeze %dma_wait3A_598 : memref<1x128x16xf32, #tpu.memory_space<vmem>> -> memref<128x16xf32, #tpu.memory_space<vmem>>
      %dma_wait3A_600 = arith.constant 0 : i32
      %dma_wait3A_601 = tpu.memref_slice %arg8[%dma_wait3A_594, %dma_wait3A_600] : memref<8x128xi32, #tpu.memory_space<vmem>> -> memref<1x128xi32, #tpu.memory_space<vmem>>
      %dma_wait3A_602 = tpu.memref_squeeze %dma_wait3A_601 : memref<1x128xi32, #tpu.memory_space<vmem>> -> memref<128xi32, #tpu.memory_space<vmem>>
      %dma_wait3A_603 = arith.constant 0 : i32
      %dma_wait3A_604 = arith.constant 0 : i32
      %dma_wait3A_605 = tpu.memref_slice %arg2[%dma_wait3A_603, %dma_wait3A_604] : memref<10000x16xf32, #tpu.memory_space<hbm>> -> memref<10000x16xf32, #tpu.memory_space<hbm>>
      tpu.wait_indirect_dma semaphore(%arg10 : memref<!tpu.dma_semaphore, #tpu.memory_space<semaphore_mem>>) src(%dma_wait3A_605 : memref<10000x16xf32, #tpu.memory_space<hbm>>) dst(%dma_wait3A_599 : memref<128x16xf32, #tpu.memory_space<vmem>>)
      %dma_wait3A_606 = arith.constant 3 : i32
      %dma_wait3A_607 = arith.constant 3 : i32
      %dma_wait3A_608 = arith.constant 0 : i32
      %dma_wait3A_609 = arith.constant 0 : i32
      %dma_wait3A_610 = tpu.memref_slice %arg12[%dma_wait3A_607, %dma_wait3A_608, %dma_wait3A_609] : memref<8x128x16xf32, #tpu.memory_space<vmem>> -> memref<1x128x16xf32, #tpu.memory_space<vmem>>
      %dma_wait3A_611 = tpu.memref_squeeze %dma_wait3A_610 : memref<1x128x16xf32, #tpu.memory_space<vmem>> -> memref<128x16xf32, #tpu.memory_space<vmem>>
      %dma_wait3A_612 = arith.constant 0 : i32
      %dma_wait3A_613 = tpu.memref_slice %arg11[%dma_wait3A_606, %dma_wait3A_612] : memref<8x128xi32, #tpu.memory_space<vmem>> -> memref<1x128xi32, #tpu.memory_space<vmem>>
      %dma_wait3A_614 = tpu.memref_squeeze %dma_wait3A_613 : memref<1x128xi32, #tpu.memory_space<vmem>> -> memref<128xi32, #tpu.memory_space<vmem>>
      %dma_wait3A_615 = arith.constant 0 : i32
      %dma_wait3A_616 = arith.constant 0 : i32
      %dma_wait3A_617 = tpu.memref_slice %arg3[%dma_wait3A_615, %dma_wait3A_616] : memref<10000x16xf32, #tpu.memory_space<hbm>> -> memref<10000x16xf32, #tpu.memory_space<hbm>>
      tpu.wait_indirect_dma semaphore(%arg13 : memref<!tpu.dma_semaphore, #tpu.memory_space<semaphore_mem>>) src(%dma_wait3A_617 : memref<10000x16xf32, #tpu.memory_space<hbm>>) dst(%dma_wait3A_611 : memref<128x16xf32, #tpu.memory_space<vmem>>)
      %dma_wait3A_618 = arith.constant 4 : i32
      %dma_wait3A_619 = arith.constant 4 : i32
      %dma_wait3A_620 = arith.constant 0 : i32
      %dma_wait3A_621 = arith.constant 0 : i32
      %dma_wait3A_622 = tpu.memref_slice %arg9[%dma_wait3A_619, %dma_wait3A_620, %dma_wait3A_621] : memref<8x128x16xf32, #tpu.memory_space<vmem>> -> memref<1x128x16xf32, #tpu.memory_space<vmem>>
      %dma_wait3A_623 = tpu.memref_squeeze %dma_wait3A_622 : memref<1x128x16xf32, #tpu.memory_space<vmem>> -> memref<128x16xf32, #tpu.memory_space<vmem>>
      %dma_wait3A_624 = arith.constant 0 : i32
      %dma_wait3A_625 = tpu.memref_slice %arg8[%dma_wait3A_618, %dma_wait3A_624] : memref<8x128xi32, #tpu.memory_space<vmem>> -> memref<1x128xi32, #tpu.memory_space<vmem>>
      %dma_wait3A_626 = tpu.memref_squeeze %dma_wait3A_625 : memref<1x128xi32, #tpu.memory_space<vmem>> -> memref<128xi32, #tpu.memory_space<vmem>>
      %dma_wait3A_627 = arith.constant 0 : i32
      %dma_wait3A_628 = arith.constant 0 : i32
      %dma_wait3A_629 = tpu.memref_slice %arg2[%dma_wait3A_627, %dma_wait3A_628] : memref<10000x16xf32, #tpu.memory_space<hbm>> -> memref<10000x16xf32, #tpu.memory_space<hbm>>
      tpu.wait_indirect_dma semaphore(%arg10 : memref<!tpu.dma_semaphore, #tpu.memory_space<semaphore_mem>>) src(%dma_wait3A_629 : memref<10000x16xf32, #tpu.memory_space<hbm>>) dst(%dma_wait3A_623 : memref<128x16xf32, #tpu.memory_space<vmem>>)
      %dma_wait3A_630 = arith.constant 4 : i32
      %dma_wait3A_631 = arith.constant 4 : i32
      %dma_wait3A_632 = arith.constant 0 : i32
      %dma_wait3A_633 = arith.constant 0 : i32
      %dma_wait3A_634 = tpu.memref_slice %arg12[%dma_wait3A_631, %dma_wait3A_632, %dma_wait3A_633] : memref<8x128x16xf32, #tpu.memory_space<vmem>> -> memref<1x128x16xf32, #tpu.memory_space<vmem>>
      %dma_wait3A_635 = tpu.memref_squeeze %dma_wait3A_634 : memref<1x128x16xf32, #tpu.memory_space<vmem>> -> memref<128x16xf32, #tpu.memory_space<vmem>>
      %dma_wait3A_636 = arith.constant 0 : i32
      %dma_wait3A_637 = tpu.memref_slice %arg11[%dma_wait3A_630, %dma_wait3A_636] : memref<8x128xi32, #tpu.memory_space<vmem>> -> memref<1x128xi32, #tpu.memory_space<vmem>>
      %dma_wait3A_638 = tpu.memref_squeeze %dma_wait3A_637 : memref<1x128xi32, #tpu.memory_space<vmem>> -> memref<128xi32, #tpu.memory_space<vmem>>
      %dma_wait3A_639 = arith.constant 0 : i32
      %dma_wait3A_640 = arith.constant 0 : i32
      %dma_wait3A_641 = tpu.memref_slice %arg3[%dma_wait3A_639, %dma_wait3A_640] : memref<10000x16xf32, #tpu.memory_space<hbm>> -> memref<10000x16xf32, #tpu.memory_space<hbm>>
      tpu.wait_indirect_dma semaphore(%arg13 : memref<!tpu.dma_semaphore, #tpu.memory_space<semaphore_mem>>) src(%dma_wait3A_641 : memref<10000x16xf32, #tpu.memory_space<hbm>>) dst(%dma_wait3A_635 : memref<128x16xf32, #tpu.memory_space<vmem>>)
      %dma_wait3A_642 = arith.constant 5 : i32
      %dma_wait3A_643 = arith.constant 5 : i32
      %dma_wait3A_644 = arith.constant 0 : i32
      %dma_wait3A_645 = arith.constant 0 : i32
      %dma_wait3A_646 = tpu.memref_slice %arg9[%dma_wait3A_643, %dma_wait3A_644, %dma_wait3A_645] : memref<8x128x16xf32, #tpu.memory_space<vmem>> -> memref<1x128x16xf32, #tpu.memory_space<vmem>>
      %dma_wait3A_647 = tpu.memref_squeeze %dma_wait3A_646 : memref<1x128x16xf32, #tpu.memory_space<vmem>> -> memref<128x16xf32, #tpu.memory_space<vmem>>
      %dma_wait3A_648 = arith.constant 0 : i32
      %dma_wait3A_649 = tpu.memref_slice %arg8[%dma_wait3A_642, %dma_wait3A_648] : memref<8x128xi32, #tpu.memory_space<vmem>> -> memref<1x128xi32, #tpu.memory_space<vmem>>
      %dma_wait3A_650 = tpu.memref_squeeze %dma_wait3A_649 : memref<1x128xi32, #tpu.memory_space<vmem>> -> memref<128xi32, #tpu.memory_space<vmem>>
      %dma_wait3A_651 = arith.constant 0 : i32
      %dma_wait3A_652 = arith.constant 0 : i32
      %dma_wait3A_653 = tpu.memref_slice %arg2[%dma_wait3A_651, %dma_wait3A_652] : memref<10000x16xf32, #tpu.memory_space<hbm>> -> memref<10000x16xf32, #tpu.memory_space<hbm>>
      tpu.wait_indirect_dma semaphore(%arg10 : memref<!tpu.dma_semaphore, #tpu.memory_space<semaphore_mem>>) src(%dma_wait3A_653 : memref<10000x16xf32, #tpu.memory_space<hbm>>) dst(%dma_wait3A_647 : memref<128x16xf32, #tpu.memory_space<vmem>>)
      %dma_wait3A_654 = arith.constant 5 : i32
      %dma_wait3A_655 = arith.constant 5 : i32
      %dma_wait3A_656 = arith.constant 0 : i32
      %dma_wait3A_657 = arith.constant 0 : i32
      %dma_wait3A_658 = tpu.memref_slice %arg12[%dma_wait3A_655, %dma_wait3A_656, %dma_wait3A_657] : memref<8x128x16xf32, #tpu.memory_space<vmem>> -> memref<1x128x16xf32, #tpu.memory_space<vmem>>
      %dma_wait3A_659 = tpu.memref_squeeze %dma_wait3A_658 : memref<1x128x16xf32, #tpu.memory_space<vmem>> -> memref<128x16xf32, #tpu.memory_space<vmem>>
      %dma_wait3A_660 = arith.constant 0 : i32
      %dma_wait3A_661 = tpu.memref_slice %arg11[%dma_wait3A_654, %dma_wait3A_660] : memref<8x128xi32, #tpu.memory_space<vmem>> -> memref<1x128xi32, #tpu.memory_space<vmem>>
      %dma_wait3A_662 = tpu.memref_squeeze %dma_wait3A_661 : memref<1x128xi32, #tpu.memory_space<vmem>> -> memref<128xi32, #tpu.memory_space<vmem>>
      %dma_wait3A_663 = arith.constant 0 : i32
      %dma_wait3A_664 = arith.constant 0 : i32
      %dma_wait3A_665 = tpu.memref_slice %arg3[%dma_wait3A_663, %dma_wait3A_664] : memref<10000x16xf32, #tpu.memory_space<hbm>> -> memref<10000x16xf32, #tpu.memory_space<hbm>>
      tpu.wait_indirect_dma semaphore(%arg13 : memref<!tpu.dma_semaphore, #tpu.memory_space<semaphore_mem>>) src(%dma_wait3A_665 : memref<10000x16xf32, #tpu.memory_space<hbm>>) dst(%dma_wait3A_659 : memref<128x16xf32, #tpu.memory_space<vmem>>)
      %dma_wait3A_666 = arith.constant 6 : i32
      %dma_wait3A_667 = arith.constant 6 : i32
      %dma_wait3A_668 = arith.constant 0 : i32
      %dma_wait3A_669 = arith.constant 0 : i32
      %dma_wait3A_670 = tpu.memref_slice %arg9[%dma_wait3A_667, %dma_wait3A_668, %dma_wait3A_669] : memref<8x128x16xf32, #tpu.memory_space<vmem>> -> memref<1x128x16xf32, #tpu.memory_space<vmem>>
      %dma_wait3A_671 = tpu.memref_squeeze %dma_wait3A_670 : memref<1x128x16xf32, #tpu.memory_space<vmem>> -> memref<128x16xf32, #tpu.memory_space<vmem>>
      %dma_wait3A_672 = arith.constant 0 : i32
      %dma_wait3A_673 = tpu.memref_slice %arg8[%dma_wait3A_666, %dma_wait3A_672] : memref<8x128xi32, #tpu.memory_space<vmem>> -> memref<1x128xi32, #tpu.memory_space<vmem>>
      %dma_wait3A_674 = tpu.memref_squeeze %dma_wait3A_673 : memref<1x128xi32, #tpu.memory_space<vmem>> -> memref<128xi32, #tpu.memory_space<vmem>>
      %dma_wait3A_675 = arith.constant 0 : i32
      %dma_wait3A_676 = arith.constant 0 : i32
      %dma_wait3A_677 = tpu.memref_slice %arg2[%dma_wait3A_675, %dma_wait3A_676] : memref<10000x16xf32, #tpu.memory_space<hbm>> -> memref<10000x16xf32, #tpu.memory_space<hbm>>
      tpu.wait_indirect_dma semaphore(%arg10 : memref<!tpu.dma_semaphore, #tpu.memory_space<semaphore_mem>>) src(%dma_wait3A_677 : memref<10000x16xf32, #tpu.memory_space<hbm>>) dst(%dma_wait3A_671 : memref<128x16xf32, #tpu.memory_space<vmem>>)
      %dma_wait3A_678 = arith.constant 6 : i32
      %dma_wait3A_679 = arith.constant 6 : i32
      %dma_wait3A_680 = arith.constant 0 : i32
      %dma_wait3A_681 = arith.constant 0 : i32
      %dma_wait3A_682 = tpu.memref_slice %arg12[%dma_wait3A_679, %dma_wait3A_680, %dma_wait3A_681] : memref<8x128x16xf32, #tpu.memory_space<vmem>> -> memref<1x128x16xf32, #tpu.memory_space<vmem>>
      %dma_wait3A_683 = tpu.memref_squeeze %dma_wait3A_682 : memref<1x128x16xf32, #tpu.memory_space<vmem>> -> memref<128x16xf32, #tpu.memory_space<vmem>>
      %dma_wait3A_684 = arith.constant 0 : i32
      %dma_wait3A_685 = tpu.memref_slice %arg11[%dma_wait3A_678, %dma_wait3A_684] : memref<8x128xi32, #tpu.memory_space<vmem>> -> memref<1x128xi32, #tpu.memory_space<vmem>>
      %dma_wait3A_686 = tpu.memref_squeeze %dma_wait3A_685 : memref<1x128xi32, #tpu.memory_space<vmem>> -> memref<128xi32, #tpu.memory_space<vmem>>
      %dma_wait3A_687 = arith.constant 0 : i32
      %dma_wait3A_688 = arith.constant 0 : i32
      %dma_wait3A_689 = tpu.memref_slice %arg3[%dma_wait3A_687, %dma_wait3A_688] : memref<10000x16xf32, #tpu.memory_space<hbm>> -> memref<10000x16xf32, #tpu.memory_space<hbm>>
      tpu.wait_indirect_dma semaphore(%arg13 : memref<!tpu.dma_semaphore, #tpu.memory_space<semaphore_mem>>) src(%dma_wait3A_689 : memref<10000x16xf32, #tpu.memory_space<hbm>>) dst(%dma_wait3A_683 : memref<128x16xf32, #tpu.memory_space<vmem>>)
      %dma_wait3A_690 = arith.constant 7 : i32
      %dma_wait3A_691 = arith.constant 7 : i32
      %dma_wait3A_692 = arith.constant 0 : i32
      %dma_wait3A_693 = arith.constant 0 : i32
      %dma_wait3A_694 = tpu.memref_slice %arg9[%dma_wait3A_691, %dma_wait3A_692, %dma_wait3A_693] : memref<8x128x16xf32, #tpu.memory_space<vmem>> -> memref<1x128x16xf32, #tpu.memory_space<vmem>>
      %dma_wait3A_695 = tpu.memref_squeeze %dma_wait3A_694 : memref<1x128x16xf32, #tpu.memory_space<vmem>> -> memref<128x16xf32, #tpu.memory_space<vmem>>
      %dma_wait3A_696 = arith.constant 0 : i32
      %dma_wait3A_697 = tpu.memref_slice %arg8[%dma_wait3A_690, %dma_wait3A_696] : memref<8x128xi32, #tpu.memory_space<vmem>> -> memref<1x128xi32, #tpu.memory_space<vmem>>
      %dma_wait3A_698 = tpu.memref_squeeze %dma_wait3A_697 : memref<1x128xi32, #tpu.memory_space<vmem>> -> memref<128xi32, #tpu.memory_space<vmem>>
      %dma_wait3A_699 = arith.constant 0 : i32
      %dma_wait3A_700 = arith.constant 0 : i32
      %dma_wait3A_701 = tpu.memref_slice %arg2[%dma_wait3A_699, %dma_wait3A_700] : memref<10000x16xf32, #tpu.memory_space<hbm>> -> memref<10000x16xf32, #tpu.memory_space<hbm>>
      tpu.wait_indirect_dma semaphore(%arg10 : memref<!tpu.dma_semaphore, #tpu.memory_space<semaphore_mem>>) src(%dma_wait3A_701 : memref<10000x16xf32, #tpu.memory_space<hbm>>) dst(%dma_wait3A_695 : memref<128x16xf32, #tpu.memory_space<vmem>>)
      %dma_wait3A_702 = arith.constant 7 : i32
      %dma_wait3A_703 = arith.constant 7 : i32
      %dma_wait3A_704 = arith.constant 0 : i32
      %dma_wait3A_705 = arith.constant 0 : i32
      %dma_wait3A_706 = tpu.memref_slice %arg12[%dma_wait3A_703, %dma_wait3A_704, %dma_wait3A_705] : memref<8x128x16xf32, #tpu.memory_space<vmem>> -> memref<1x128x16xf32, #tpu.memory_space<vmem>>
      %dma_wait3A_707 = tpu.memref_squeeze %dma_wait3A_706 : memref<1x128x16xf32, #tpu.memory_space<vmem>> -> memref<128x16xf32, #tpu.memory_space<vmem>>
      %dma_wait3A_708 = arith.constant 0 : i32
      %dma_wait3A_709 = tpu.memref_slice %arg11[%dma_wait3A_702, %dma_wait3A_708] : memref<8x128xi32, #tpu.memory_space<vmem>> -> memref<1x128xi32, #tpu.memory_space<vmem>>
      %dma_wait3A_710 = tpu.memref_squeeze %dma_wait3A_709 : memref<1x128xi32, #tpu.memory_space<vmem>> -> memref<128xi32, #tpu.memory_space<vmem>>
      %dma_wait3A_711 = arith.constant 0 : i32
      %dma_wait3A_712 = arith.constant 0 : i32
      %dma_wait3A_713 = tpu.memref_slice %arg3[%dma_wait3A_711, %dma_wait3A_712] : memref<10000x16xf32, #tpu.memory_space<hbm>> -> memref<10000x16xf32, #tpu.memory_space<hbm>>
      tpu.wait_indirect_dma semaphore(%arg13 : memref<!tpu.dma_semaphore, #tpu.memory_space<semaphore_mem>>) src(%dma_wait3A_713 : memref<10000x16xf32, #tpu.memory_space<hbm>>) dst(%dma_wait3A_707 : memref<128x16xf32, #tpu.memory_space<vmem>>)
      %add3A_714 = arith.constant 0 : i32
      %add3A_715 = arith.addi %add3A_11, %add3A_714 : i32
      %dma_start3A_716 = arith.constant 0 : i32
      %dma_start3A_717 = arith.constant 0 : i32
      %dma_start3A_718 = arith.constant 0 : i32
      %dma_start3A_719 = tpu.memref_slice %arg9[%dma_start3A_716, %dma_start3A_717, %dma_start3A_718] : memref<8x128x16xf32, #tpu.memory_space<vmem>> -> memref<1x128x16xf32, #tpu.memory_space<vmem>>
      %dma_start3A_720 = tpu.memref_squeeze %dma_start3A_719 : memref<1x128x16xf32, #tpu.memory_space<vmem>> -> memref<128x16xf32, #tpu.memory_space<vmem>>
      %dma_start3A_721 = arith.constant 0 : i32
      %dma_start3A_722 = tpu.memref_slice %arg6[%add3A_715, %dma_start3A_721] : memref<163840x16xf32, #tpu.memory_space<hbm>> -> memref<128x16xf32, #tpu.memory_space<hbm>>
      %dma_start3A_723 = arith.constant 0 : i32
      %dma_start3A_724 = tpu.memref_slice %arg6[%add3A_715, %dma_start3A_723] : memref<163840x16xf32, #tpu.memory_space<hbm>> -> memref<128x16xf32, #tpu.memory_space<hbm>>
      %dma_start3A_725 = arith.constant 0 : i32
      %dma_start3A_726 = arith.constant 0 : i32
      %dma_start3A_727 = tpu.memref_slice %arg9[%dma_start3A_716, %dma_start3A_725, %dma_start3A_726] : memref<8x128x16xf32, #tpu.memory_space<vmem>> -> memref<1x128x16xf32, #tpu.memory_space<vmem>>
      %dma_start3A_728 = tpu.memref_squeeze %dma_start3A_727 : memref<1x128x16xf32, #tpu.memory_space<vmem>> -> memref<128x16xf32, #tpu.memory_space<vmem>>
      tpu.enqueue_dma source(%dma_start3A_728 : memref<128x16xf32, #tpu.memory_space<vmem>>) target(%dma_start3A_724 : memref<128x16xf32, #tpu.memory_space<hbm>>) target_semaphore(%arg14 : memref<!tpu.dma_semaphore, #tpu.memory_space<semaphore_mem>>)
      %add3A_729 = arith.constant 0 : i32
      %add3A_730 = arith.addi %add3A_11, %add3A_729 : i32
      %dma_start3A_731 = arith.constant 0 : i32
      %dma_start3A_732 = arith.constant 0 : i32
      %dma_start3A_733 = arith.constant 0 : i32
      %dma_start3A_734 = tpu.memref_slice %arg12[%dma_start3A_731, %dma_start3A_732, %dma_start3A_733] : memref<8x128x16xf32, #tpu.memory_space<vmem>> -> memref<1x128x16xf32, #tpu.memory_space<vmem>>
      %dma_start3A_735 = tpu.memref_squeeze %dma_start3A_734 : memref<1x128x16xf32, #tpu.memory_space<vmem>> -> memref<128x16xf32, #tpu.memory_space<vmem>>
      %dma_start3A_736 = arith.constant 0 : i32
      %dma_start3A_737 = tpu.memref_slice %arg7[%add3A_730, %dma_start3A_736] : memref<163840x16xf32, #tpu.memory_space<hbm>> -> memref<128x16xf32, #tpu.memory_space<hbm>>
      %dma_start3A_738 = arith.constant 0 : i32
      %dma_start3A_739 = tpu.memref_slice %arg7[%add3A_730, %dma_start3A_738] : memref<163840x16xf32, #tpu.memory_space<hbm>> -> memref<128x16xf32, #tpu.memory_space<hbm>>
      %dma_start3A_740 = arith.constant 0 : i32
      %dma_start3A_741 = arith.constant 0 : i32
      %dma_start3A_742 = tpu.memref_slice %arg12[%dma_start3A_731, %dma_start3A_740, %dma_start3A_741] : memref<8x128x16xf32, #tpu.memory_space<vmem>> -> memref<1x128x16xf32, #tpu.memory_space<vmem>>
      %dma_start3A_743 = tpu.memref_squeeze %dma_start3A_742 : memref<1x128x16xf32, #tpu.memory_space<vmem>> -> memref<128x16xf32, #tpu.memory_space<vmem>>
      tpu.enqueue_dma source(%dma_start3A_743 : memref<128x16xf32, #tpu.memory_space<vmem>>) target(%dma_start3A_739 : memref<128x16xf32, #tpu.memory_space<hbm>>) target_semaphore(%arg14 : memref<!tpu.dma_semaphore, #tpu.memory_space<semaphore_mem>>)
      %add3A_744 = arith.constant 128 : i32
      %add3A_745 = arith.addi %add3A_11, %add3A_744 : i32
      %dma_start3A_746 = arith.constant 1 : i32
      %dma_start3A_747 = arith.constant 0 : i32
      %dma_start3A_748 = arith.constant 0 : i32
      %dma_start3A_749 = tpu.memref_slice %arg9[%dma_start3A_746, %dma_start3A_747, %dma_start3A_748] : memref<8x128x16xf32, #tpu.memory_space<vmem>> -> memref<1x128x16xf32, #tpu.memory_space<vmem>>
      %dma_start3A_750 = tpu.memref_squeeze %dma_start3A_749 : memref<1x128x16xf32, #tpu.memory_space<vmem>> -> memref<128x16xf32, #tpu.memory_space<vmem>>
      %dma_start3A_751 = arith.constant 0 : i32
      %dma_start3A_752 = tpu.memref_slice %arg6[%add3A_745, %dma_start3A_751] : memref<163840x16xf32, #tpu.memory_space<hbm>> -> memref<128x16xf32, #tpu.memory_space<hbm>>
      %dma_start3A_753 = arith.constant 0 : i32
      %dma_start3A_754 = tpu.memref_slice %arg6[%add3A_745, %dma_start3A_753] : memref<163840x16xf32, #tpu.memory_space<hbm>> -> memref<128x16xf32, #tpu.memory_space<hbm>>
      %dma_start3A_755 = arith.constant 0 : i32
      %dma_start3A_756 = arith.constant 0 : i32
      %dma_start3A_757 = tpu.memref_slice %arg9[%dma_start3A_746, %dma_start3A_755, %dma_start3A_756] : memref<8x128x16xf32, #tpu.memory_space<vmem>> -> memref<1x128x16xf32, #tpu.memory_space<vmem>>
      %dma_start3A_758 = tpu.memref_squeeze %dma_start3A_757 : memref<1x128x16xf32, #tpu.memory_space<vmem>> -> memref<128x16xf32, #tpu.memory_space<vmem>>
      tpu.enqueue_dma source(%dma_start3A_758 : memref<128x16xf32, #tpu.memory_space<vmem>>) target(%dma_start3A_754 : memref<128x16xf32, #tpu.memory_space<hbm>>) target_semaphore(%arg14 : memref<!tpu.dma_semaphore, #tpu.memory_space<semaphore_mem>>)
      %add3A_759 = arith.constant 128 : i32
      %add3A_760 = arith.addi %add3A_11, %add3A_759 : i32
      %dma_start3A_761 = arith.constant 1 : i32
      %dma_start3A_762 = arith.constant 0 : i32
      %dma_start3A_763 = arith.constant 0 : i32
      %dma_start3A_764 = tpu.memref_slice %arg12[%dma_start3A_761, %dma_start3A_762, %dma_start3A_763] : memref<8x128x16xf32, #tpu.memory_space<vmem>> -> memref<1x128x16xf32, #tpu.memory_space<vmem>>
      %dma_start3A_765 = tpu.memref_squeeze %dma_start3A_764 : memref<1x128x16xf32, #tpu.memory_space<vmem>> -> memref<128x16xf32, #tpu.memory_space<vmem>>
      %dma_start3A_766 = arith.constant 0 : i32
      %dma_start3A_767 = tpu.memref_slice %arg7[%add3A_760, %dma_start3A_766] : memref<163840x16xf32, #tpu.memory_space<hbm>> -> memref<128x16xf32, #tpu.memory_space<hbm>>
      %dma_start3A_768 = arith.constant 0 : i32
      %dma_start3A_769 = tpu.memref_slice %arg7[%add3A_760, %dma_start3A_768] : memref<163840x16xf32, #tpu.memory_space<hbm>> -> memref<128x16xf32, #tpu.memory_space<hbm>>
      %dma_start3A_770 = arith.constant 0 : i32
      %dma_start3A_771 = arith.constant 0 : i32
      %dma_start3A_772 = tpu.memref_slice %arg12[%dma_start3A_761, %dma_start3A_770, %dma_start3A_771] : memref<8x128x16xf32, #tpu.memory_space<vmem>> -> memref<1x128x16xf32, #tpu.memory_space<vmem>>
      %dma_start3A_773 = tpu.memref_squeeze %dma_start3A_772 : memref<1x128x16xf32, #tpu.memory_space<vmem>> -> memref<128x16xf32, #tpu.memory_space<vmem>>
      tpu.enqueue_dma source(%dma_start3A_773 : memref<128x16xf32, #tpu.memory_space<vmem>>) target(%dma_start3A_769 : memref<128x16xf32, #tpu.memory_space<hbm>>) target_semaphore(%arg14 : memref<!tpu.dma_semaphore, #tpu.memory_space<semaphore_mem>>)
      %add3A_774 = arith.constant 256 : i32
      %add3A_775 = arith.addi %add3A_11, %add3A_774 : i32
      %dma_start3A_776 = arith.constant 2 : i32
      %dma_start3A_777 = arith.constant 0 : i32
      %dma_start3A_778 = arith.constant 0 : i32
      %dma_start3A_779 = tpu.memref_slice %arg9[%dma_start3A_776, %dma_start3A_777, %dma_start3A_778] : memref<8x128x16xf32, #tpu.memory_space<vmem>> -> memref<1x128x16xf32, #tpu.memory_space<vmem>>
      %dma_start3A_780 = tpu.memref_squeeze %dma_start3A_779 : memref<1x128x16xf32, #tpu.memory_space<vmem>> -> memref<128x16xf32, #tpu.memory_space<vmem>>
      %dma_start3A_781 = arith.constant 0 : i32
      %dma_start3A_782 = tpu.memref_slice %arg6[%add3A_775, %dma_start3A_781] : memref<163840x16xf32, #tpu.memory_space<hbm>> -> memref<128x16xf32, #tpu.memory_space<hbm>>
      %dma_start3A_783 = arith.constant 0 : i32
      %dma_start3A_784 = tpu.memref_slice %arg6[%add3A_775, %dma_start3A_783] : memref<163840x16xf32, #tpu.memory_space<hbm>> -> memref<128x16xf32, #tpu.memory_space<hbm>>
      %dma_start3A_785 = arith.constant 0 : i32
      %dma_start3A_786 = arith.constant 0 : i32
      %dma_start3A_787 = tpu.memref_slice %arg9[%dma_start3A_776, %dma_start3A_785, %dma_start3A_786] : memref<8x128x16xf32, #tpu.memory_space<vmem>> -> memref<1x128x16xf32, #tpu.memory_space<vmem>>
      %dma_start3A_788 = tpu.memref_squeeze %dma_start3A_787 : memref<1x128x16xf32, #tpu.memory_space<vmem>> -> memref<128x16xf32, #tpu.memory_space<vmem>>
      tpu.enqueue_dma source(%dma_start3A_788 : memref<128x16xf32, #tpu.memory_space<vmem>>) target(%dma_start3A_784 : memref<128x16xf32, #tpu.memory_space<hbm>>) target_semaphore(%arg14 : memref<!tpu.dma_semaphore, #tpu.memory_space<semaphore_mem>>)
      %add3A_789 = arith.constant 256 : i32
      %add3A_790 = arith.addi %add3A_11, %add3A_789 : i32
      %dma_start3A_791 = arith.constant 2 : i32
      %dma_start3A_792 = arith.constant 0 : i32
      %dma_start3A_793 = arith.constant 0 : i32
      %dma_start3A_794 = tpu.memref_slice %arg12[%dma_start3A_791, %dma_start3A_792, %dma_start3A_793] : memref<8x128x16xf32, #tpu.memory_space<vmem>> -> memref<1x128x16xf32, #tpu.memory_space<vmem>>
      %dma_start3A_795 = tpu.memref_squeeze %dma_start3A_794 : memref<1x128x16xf32, #tpu.memory_space<vmem>> -> memref<128x16xf32, #tpu.memory_space<vmem>>
      %dma_start3A_796 = arith.constant 0 : i32
      %dma_start3A_797 = tpu.memref_slice %arg7[%add3A_790, %dma_start3A_796] : memref<163840x16xf32, #tpu.memory_space<hbm>> -> memref<128x16xf32, #tpu.memory_space<hbm>>
      %dma_start3A_798 = arith.constant 0 : i32
      %dma_start3A_799 = tpu.memref_slice %arg7[%add3A_790, %dma_start3A_798] : memref<163840x16xf32, #tpu.memory_space<hbm>> -> memref<128x16xf32, #tpu.memory_space<hbm>>
      %dma_start3A_800 = arith.constant 0 : i32
      %dma_start3A_801 = arith.constant 0 : i32
      %dma_start3A_802 = tpu.memref_slice %arg12[%dma_start3A_791, %dma_start3A_800, %dma_start3A_801] : memref<8x128x16xf32, #tpu.memory_space<vmem>> -> memref<1x128x16xf32, #tpu.memory_space<vmem>>
      %dma_start3A_803 = tpu.memref_squeeze %dma_start3A_802 : memref<1x128x16xf32, #tpu.memory_space<vmem>> -> memref<128x16xf32, #tpu.memory_space<vmem>>
      tpu.enqueue_dma source(%dma_start3A_803 : memref<128x16xf32, #tpu.memory_space<vmem>>) target(%dma_start3A_799 : memref<128x16xf32, #tpu.memory_space<hbm>>) target_semaphore(%arg14 : memref<!tpu.dma_semaphore, #tpu.memory_space<semaphore_mem>>)
      %add3A_804 = arith.constant 384 : i32
      %add3A_805 = arith.addi %add3A_11, %add3A_804 : i32
      %dma_start3A_806 = arith.constant 3 : i32
      %dma_start3A_807 = arith.constant 0 : i32
      %dma_start3A_808 = arith.constant 0 : i32
      %dma_start3A_809 = tpu.memref_slice %arg9[%dma_start3A_806, %dma_start3A_807, %dma_start3A_808] : memref<8x128x16xf32, #tpu.memory_space<vmem>> -> memref<1x128x16xf32, #tpu.memory_space<vmem>>
      %dma_start3A_810 = tpu.memref_squeeze %dma_start3A_809 : memref<1x128x16xf32, #tpu.memory_space<vmem>> -> memref<128x16xf32, #tpu.memory_space<vmem>>
      %dma_start3A_811 = arith.constant 0 : i32
      %dma_start3A_812 = tpu.memref_slice %arg6[%add3A_805, %dma_start3A_811] : memref<163840x16xf32, #tpu.memory_space<hbm>> -> memref<128x16xf32, #tpu.memory_space<hbm>>
      %dma_start3A_813 = arith.constant 0 : i32
      %dma_start3A_814 = tpu.memref_slice %arg6[%add3A_805, %dma_start3A_813] : memref<163840x16xf32, #tpu.memory_space<hbm>> -> memref<128x16xf32, #tpu.memory_space<hbm>>
      %dma_start3A_815 = arith.constant 0 : i32
      %dma_start3A_816 = arith.constant 0 : i32
      %dma_start3A_817 = tpu.memref_slice %arg9[%dma_start3A_806, %dma_start3A_815, %dma_start3A_816] : memref<8x128x16xf32, #tpu.memory_space<vmem>> -> memref<1x128x16xf32, #tpu.memory_space<vmem>>
      %dma_start3A_818 = tpu.memref_squeeze %dma_start3A_817 : memref<1x128x16xf32, #tpu.memory_space<vmem>> -> memref<128x16xf32, #tpu.memory_space<vmem>>
      tpu.enqueue_dma source(%dma_start3A_818 : memref<128x16xf32, #tpu.memory_space<vmem>>) target(%dma_start3A_814 : memref<128x16xf32, #tpu.memory_space<hbm>>) target_semaphore(%arg14 : memref<!tpu.dma_semaphore, #tpu.memory_space<semaphore_mem>>)
      %add3A_819 = arith.constant 384 : i32
      %add3A_820 = arith.addi %add3A_11, %add3A_819 : i32
      %dma_start3A_821 = arith.constant 3 : i32
      %dma_start3A_822 = arith.constant 0 : i32
      %dma_start3A_823 = arith.constant 0 : i32
      %dma_start3A_824 = tpu.memref_slice %arg12[%dma_start3A_821, %dma_start3A_822, %dma_start3A_823] : memref<8x128x16xf32, #tpu.memory_space<vmem>> -> memref<1x128x16xf32, #tpu.memory_space<vmem>>
      %dma_start3A_825 = tpu.memref_squeeze %dma_start3A_824 : memref<1x128x16xf32, #tpu.memory_space<vmem>> -> memref<128x16xf32, #tpu.memory_space<vmem>>
      %dma_start3A_826 = arith.constant 0 : i32
      %dma_start3A_827 = tpu.memref_slice %arg7[%add3A_820, %dma_start3A_826] : memref<163840x16xf32, #tpu.memory_space<hbm>> -> memref<128x16xf32, #tpu.memory_space<hbm>>
      %dma_start3A_828 = arith.constant 0 : i32
      %dma_start3A_829 = tpu.memref_slice %arg7[%add3A_820, %dma_start3A_828] : memref<163840x16xf32, #tpu.memory_space<hbm>> -> memref<128x16xf32, #tpu.memory_space<hbm>>
      %dma_start3A_830 = arith.constant 0 : i32
      %dma_start3A_831 = arith.constant 0 : i32
      %dma_start3A_832 = tpu.memref_slice %arg12[%dma_start3A_821, %dma_start3A_830, %dma_start3A_831] : memref<8x128x16xf32, #tpu.memory_space<vmem>> -> memref<1x128x16xf32, #tpu.memory_space<vmem>>
      %dma_start3A_833 = tpu.memref_squeeze %dma_start3A_832 : memref<1x128x16xf32, #tpu.memory_space<vmem>> -> memref<128x16xf32, #tpu.memory_space<vmem>>
      tpu.enqueue_dma source(%dma_start3A_833 : memref<128x16xf32, #tpu.memory_space<vmem>>) target(%dma_start3A_829 : memref<128x16xf32, #tpu.memory_space<hbm>>) target_semaphore(%arg14 : memref<!tpu.dma_semaphore, #tpu.memory_space<semaphore_mem>>)
      %add3A_834 = arith.constant 512 : i32
      %add3A_835 = arith.addi %add3A_11, %add3A_834 : i32
      %dma_start3A_836 = arith.constant 4 : i32
      %dma_start3A_837 = arith.constant 0 : i32
      %dma_start3A_838 = arith.constant 0 : i32
      %dma_start3A_839 = tpu.memref_slice %arg9[%dma_start3A_836, %dma_start3A_837, %dma_start3A_838] : memref<8x128x16xf32, #tpu.memory_space<vmem>> -> memref<1x128x16xf32, #tpu.memory_space<vmem>>
      %dma_start3A_840 = tpu.memref_squeeze %dma_start3A_839 : memref<1x128x16xf32, #tpu.memory_space<vmem>> -> memref<128x16xf32, #tpu.memory_space<vmem>>
      %dma_start3A_841 = arith.constant 0 : i32
      %dma_start3A_842 = tpu.memref_slice %arg6[%add3A_835, %dma_start3A_841] : memref<163840x16xf32, #tpu.memory_space<hbm>> -> memref<128x16xf32, #tpu.memory_space<hbm>>
      %dma_start3A_843 = arith.constant 0 : i32
      %dma_start3A_844 = tpu.memref_slice %arg6[%add3A_835, %dma_start3A_843] : memref<163840x16xf32, #tpu.memory_space<hbm>> -> memref<128x16xf32, #tpu.memory_space<hbm>>
      %dma_start3A_845 = arith.constant 0 : i32
      %dma_start3A_846 = arith.constant 0 : i32
      %dma_start3A_847 = tpu.memref_slice %arg9[%dma_start3A_836, %dma_start3A_845, %dma_start3A_846] : memref<8x128x16xf32, #tpu.memory_space<vmem>> -> memref<1x128x16xf32, #tpu.memory_space<vmem>>
      %dma_start3A_848 = tpu.memref_squeeze %dma_start3A_847 : memref<1x128x16xf32, #tpu.memory_space<vmem>> -> memref<128x16xf32, #tpu.memory_space<vmem>>
      tpu.enqueue_dma source(%dma_start3A_848 : memref<128x16xf32, #tpu.memory_space<vmem>>) target(%dma_start3A_844 : memref<128x16xf32, #tpu.memory_space<hbm>>) target_semaphore(%arg14 : memref<!tpu.dma_semaphore, #tpu.memory_space<semaphore_mem>>)
      %add3A_849 = arith.constant 512 : i32
      %add3A_850 = arith.addi %add3A_11, %add3A_849 : i32
      %dma_start3A_851 = arith.constant 4 : i32
      %dma_start3A_852 = arith.constant 0 : i32
      %dma_start3A_853 = arith.constant 0 : i32
      %dma_start3A_854 = tpu.memref_slice %arg12[%dma_start3A_851, %dma_start3A_852, %dma_start3A_853] : memref<8x128x16xf32, #tpu.memory_space<vmem>> -> memref<1x128x16xf32, #tpu.memory_space<vmem>>
      %dma_start3A_855 = tpu.memref_squeeze %dma_start3A_854 : memref<1x128x16xf32, #tpu.memory_space<vmem>> -> memref<128x16xf32, #tpu.memory_space<vmem>>
      %dma_start3A_856 = arith.constant 0 : i32
      %dma_start3A_857 = tpu.memref_slice %arg7[%add3A_850, %dma_start3A_856] : memref<163840x16xf32, #tpu.memory_space<hbm>> -> memref<128x16xf32, #tpu.memory_space<hbm>>
      %dma_start3A_858 = arith.constant 0 : i32
      %dma_start3A_859 = tpu.memref_slice %arg7[%add3A_850, %dma_start3A_858] : memref<163840x16xf32, #tpu.memory_space<hbm>> -> memref<128x16xf32, #tpu.memory_space<hbm>>
      %dma_start3A_860 = arith.constant 0 : i32
      %dma_start3A_861 = arith.constant 0 : i32
      %dma_start3A_862 = tpu.memref_slice %arg12[%dma_start3A_851, %dma_start3A_860, %dma_start3A_861] : memref<8x128x16xf32, #tpu.memory_space<vmem>> -> memref<1x128x16xf32, #tpu.memory_space<vmem>>
      %dma_start3A_863 = tpu.memref_squeeze %dma_start3A_862 : memref<1x128x16xf32, #tpu.memory_space<vmem>> -> memref<128x16xf32, #tpu.memory_space<vmem>>
      tpu.enqueue_dma source(%dma_start3A_863 : memref<128x16xf32, #tpu.memory_space<vmem>>) target(%dma_start3A_859 : memref<128x16xf32, #tpu.memory_space<hbm>>) target_semaphore(%arg14 : memref<!tpu.dma_semaphore, #tpu.memory_space<semaphore_mem>>)
      %add3A_864 = arith.constant 640 : i32
      %add3A_865 = arith.addi %add3A_11, %add3A_864 : i32
      %dma_start3A_866 = arith.constant 5 : i32
      %dma_start3A_867 = arith.constant 0 : i32
      %dma_start3A_868 = arith.constant 0 : i32
      %dma_start3A_869 = tpu.memref_slice %arg9[%dma_start3A_866, %dma_start3A_867, %dma_start3A_868] : memref<8x128x16xf32, #tpu.memory_space<vmem>> -> memref<1x128x16xf32, #tpu.memory_space<vmem>>
      %dma_start3A_870 = tpu.memref_squeeze %dma_start3A_869 : memref<1x128x16xf32, #tpu.memory_space<vmem>> -> memref<128x16xf32, #tpu.memory_space<vmem>>
      %dma_start3A_871 = arith.constant 0 : i32
      %dma_start3A_872 = tpu.memref_slice %arg6[%add3A_865, %dma_start3A_871] : memref<163840x16xf32, #tpu.memory_space<hbm>> -> memref<128x16xf32, #tpu.memory_space<hbm>>
      %dma_start3A_873 = arith.constant 0 : i32
      %dma_start3A_874 = tpu.memref_slice %arg6[%add3A_865, %dma_start3A_873] : memref<163840x16xf32, #tpu.memory_space<hbm>> -> memref<128x16xf32, #tpu.memory_space<hbm>>
      %dma_start3A_875 = arith.constant 0 : i32
      %dma_start3A_876 = arith.constant 0 : i32
      %dma_start3A_877 = tpu.memref_slice %arg9[%dma_start3A_866, %dma_start3A_875, %dma_start3A_876] : memref<8x128x16xf32, #tpu.memory_space<vmem>> -> memref<1x128x16xf32, #tpu.memory_space<vmem>>
      %dma_start3A_878 = tpu.memref_squeeze %dma_start3A_877 : memref<1x128x16xf32, #tpu.memory_space<vmem>> -> memref<128x16xf32, #tpu.memory_space<vmem>>
      tpu.enqueue_dma source(%dma_start3A_878 : memref<128x16xf32, #tpu.memory_space<vmem>>) target(%dma_start3A_874 : memref<128x16xf32, #tpu.memory_space<hbm>>) target_semaphore(%arg14 : memref<!tpu.dma_semaphore, #tpu.memory_space<semaphore_mem>>)
      %add3A_879 = arith.constant 640 : i32
      %add3A_880 = arith.addi %add3A_11, %add3A_879 : i32
      %dma_start3A_881 = arith.constant 5 : i32
      %dma_start3A_882 = arith.constant 0 : i32
      %dma_start3A_883 = arith.constant 0 : i32
      %dma_start3A_884 = tpu.memref_slice %arg12[%dma_start3A_881, %dma_start3A_882, %dma_start3A_883] : memref<8x128x16xf32, #tpu.memory_space<vmem>> -> memref<1x128x16xf32, #tpu.memory_space<vmem>>
      %dma_start3A_885 = tpu.memref_squeeze %dma_start3A_884 : memref<1x128x16xf32, #tpu.memory_space<vmem>> -> memref<128x16xf32, #tpu.memory_space<vmem>>
      %dma_start3A_886 = arith.constant 0 : i32
      %dma_start3A_887 = tpu.memref_slice %arg7[%add3A_880, %dma_start3A_886] : memref<163840x16xf32, #tpu.memory_space<hbm>> -> memref<128x16xf32, #tpu.memory_space<hbm>>
      %dma_start3A_888 = arith.constant 0 : i32
      %dma_start3A_889 = tpu.memref_slice %arg7[%add3A_880, %dma_start3A_888] : memref<163840x16xf32, #tpu.memory_space<hbm>> -> memref<128x16xf32, #tpu.memory_space<hbm>>
      %dma_start3A_890 = arith.constant 0 : i32
      %dma_start3A_891 = arith.constant 0 : i32
      %dma_start3A_892 = tpu.memref_slice %arg12[%dma_start3A_881, %dma_start3A_890, %dma_start3A_891] : memref<8x128x16xf32, #tpu.memory_space<vmem>> -> memref<1x128x16xf32, #tpu.memory_space<vmem>>
      %dma_start3A_893 = tpu.memref_squeeze %dma_start3A_892 : memref<1x128x16xf32, #tpu.memory_space<vmem>> -> memref<128x16xf32, #tpu.memory_space<vmem>>
      tpu.enqueue_dma source(%dma_start3A_893 : memref<128x16xf32, #tpu.memory_space<vmem>>) target(%dma_start3A_889 : memref<128x16xf32, #tpu.memory_space<hbm>>) target_semaphore(%arg14 : memref<!tpu.dma_semaphore, #tpu.memory_space<semaphore_mem>>)
      %add3A_894 = arith.constant 768 : i32
      %add3A_895 = arith.addi %add3A_11, %add3A_894 : i32
      %dma_start3A_896 = arith.constant 6 : i32
      %dma_start3A_897 = arith.constant 0 : i32
      %dma_start3A_898 = arith.constant 0 : i32
      %dma_start3A_899 = tpu.memref_slice %arg9[%dma_start3A_896, %dma_start3A_897, %dma_start3A_898] : memref<8x128x16xf32, #tpu.memory_space<vmem>> -> memref<1x128x16xf32, #tpu.memory_space<vmem>>
      %dma_start3A_900 = tpu.memref_squeeze %dma_start3A_899 : memref<1x128x16xf32, #tpu.memory_space<vmem>> -> memref<128x16xf32, #tpu.memory_space<vmem>>
      %dma_start3A_901 = arith.constant 0 : i32
      %dma_start3A_902 = tpu.memref_slice %arg6[%add3A_895, %dma_start3A_901] : memref<163840x16xf32, #tpu.memory_space<hbm>> -> memref<128x16xf32, #tpu.memory_space<hbm>>
      %dma_start3A_903 = arith.constant 0 : i32
      %dma_start3A_904 = tpu.memref_slice %arg6[%add3A_895, %dma_start3A_903] : memref<163840x16xf32, #tpu.memory_space<hbm>> -> memref<128x16xf32, #tpu.memory_space<hbm>>
      %dma_start3A_905 = arith.constant 0 : i32
      %dma_start3A_906 = arith.constant 0 : i32
      %dma_start3A_907 = tpu.memref_slice %arg9[%dma_start3A_896, %dma_start3A_905, %dma_start3A_906] : memref<8x128x16xf32, #tpu.memory_space<vmem>> -> memref<1x128x16xf32, #tpu.memory_space<vmem>>
      %dma_start3A_908 = tpu.memref_squeeze %dma_start3A_907 : memref<1x128x16xf32, #tpu.memory_space<vmem>> -> memref<128x16xf32, #tpu.memory_space<vmem>>
      tpu.enqueue_dma source(%dma_start3A_908 : memref<128x16xf32, #tpu.memory_space<vmem>>) target(%dma_start3A_904 : memref<128x16xf32, #tpu.memory_space<hbm>>) target_semaphore(%arg14 : memref<!tpu.dma_semaphore, #tpu.memory_space<semaphore_mem>>)
      %add3A_909 = arith.constant 768 : i32
      %add3A_910 = arith.addi %add3A_11, %add3A_909 : i32
      %dma_start3A_911 = arith.constant 6 : i32
      %dma_start3A_912 = arith.constant 0 : i32
      %dma_start3A_913 = arith.constant 0 : i32
      %dma_start3A_914 = tpu.memref_slice %arg12[%dma_start3A_911, %dma_start3A_912, %dma_start3A_913] : memref<8x128x16xf32, #tpu.memory_space<vmem>> -> memref<1x128x16xf32, #tpu.memory_space<vmem>>
      %dma_start3A_915 = tpu.memref_squeeze %dma_start3A_914 : memref<1x128x16xf32, #tpu.memory_space<vmem>> -> memref<128x16xf32, #tpu.memory_space<vmem>>
      %dma_start3A_916 = arith.constant 0 : i32
      %dma_start3A_917 = tpu.memref_slice %arg7[%add3A_910, %dma_start3A_916] : memref<163840x16xf32, #tpu.memory_space<hbm>> -> memref<128x16xf32, #tpu.memory_space<hbm>>
      %dma_start3A_918 = arith.constant 0 : i32
      %dma_start3A_919 = tpu.memref_slice %arg7[%add3A_910, %dma_start3A_918] : memref<163840x16xf32, #tpu.memory_space<hbm>> -> memref<128x16xf32, #tpu.memory_space<hbm>>
      %dma_start3A_920 = arith.constant 0 : i32
      %dma_start3A_921 = arith.constant 0 : i32
      %dma_start3A_922 = tpu.memref_slice %arg12[%dma_start3A_911, %dma_start3A_920, %dma_start3A_921] : memref<8x128x16xf32, #tpu.memory_space<vmem>> -> memref<1x128x16xf32, #tpu.memory_space<vmem>>
      %dma_start3A_923 = tpu.memref_squeeze %dma_start3A_922 : memref<1x128x16xf32, #tpu.memory_space<vmem>> -> memref<128x16xf32, #tpu.memory_space<vmem>>
      tpu.enqueue_dma source(%dma_start3A_923 : memref<128x16xf32, #tpu.memory_space<vmem>>) target(%dma_start3A_919 : memref<128x16xf32, #tpu.memory_space<hbm>>) target_semaphore(%arg14 : memref<!tpu.dma_semaphore, #tpu.memory_space<semaphore_mem>>)
      %add3A_924 = arith.constant 896 : i32
      %add3A_925 = arith.addi %add3A_11, %add3A_924 : i32
      %dma_start3A_926 = arith.constant 7 : i32
      %dma_start3A_927 = arith.constant 0 : i32
      %dma_start3A_928 = arith.constant 0 : i32
      %dma_start3A_929 = tpu.memref_slice %arg9[%dma_start3A_926, %dma_start3A_927, %dma_start3A_928] : memref<8x128x16xf32, #tpu.memory_space<vmem>> -> memref<1x128x16xf32, #tpu.memory_space<vmem>>
      %dma_start3A_930 = tpu.memref_squeeze %dma_start3A_929 : memref<1x128x16xf32, #tpu.memory_space<vmem>> -> memref<128x16xf32, #tpu.memory_space<vmem>>
      %dma_start3A_931 = arith.constant 0 : i32
      %dma_start3A_932 = tpu.memref_slice %arg6[%add3A_925, %dma_start3A_931] : memref<163840x16xf32, #tpu.memory_space<hbm>> -> memref<128x16xf32, #tpu.memory_space<hbm>>
      %dma_start3A_933 = arith.constant 0 : i32
      %dma_start3A_934 = tpu.memref_slice %arg6[%add3A_925, %dma_start3A_933] : memref<163840x16xf32, #tpu.memory_space<hbm>> -> memref<128x16xf32, #tpu.memory_space<hbm>>
      %dma_start3A_935 = arith.constant 0 : i32
      %dma_start3A_936 = arith.constant 0 : i32
      %dma_start3A_937 = tpu.memref_slice %arg9[%dma_start3A_926, %dma_start3A_935, %dma_start3A_936] : memref<8x128x16xf32, #tpu.memory_space<vmem>> -> memref<1x128x16xf32, #tpu.memory_space<vmem>>
      %dma_start3A_938 = tpu.memref_squeeze %dma_start3A_937 : memref<1x128x16xf32, #tpu.memory_space<vmem>> -> memref<128x16xf32, #tpu.memory_space<vmem>>
      tpu.enqueue_dma source(%dma_start3A_938 : memref<128x16xf32, #tpu.memory_space<vmem>>) target(%dma_start3A_934 : memref<128x16xf32, #tpu.memory_space<hbm>>) target_semaphore(%arg14 : memref<!tpu.dma_semaphore, #tpu.memory_space<semaphore_mem>>)
      %add3A_939 = arith.constant 896 : i32
      %add3A_940 = arith.addi %add3A_11, %add3A_939 : i32
      %dma_start3A_941 = arith.constant 7 : i32
      %dma_start3A_942 = arith.constant 0 : i32
      %dma_start3A_943 = arith.constant 0 : i32
      %dma_start3A_944 = tpu.memref_slice %arg12[%dma_start3A_941, %dma_start3A_942, %dma_start3A_943] : memref<8x128x16xf32, #tpu.memory_space<vmem>> -> memref<1x128x16xf32, #tpu.memory_space<vmem>>
      %dma_start3A_945 = tpu.memref_squeeze %dma_start3A_944 : memref<1x128x16xf32, #tpu.memory_space<vmem>> -> memref<128x16xf32, #tpu.memory_space<vmem>>
      %dma_start3A_946 = arith.constant 0 : i32
      %dma_start3A_947 = tpu.memref_slice %arg7[%add3A_940, %dma_start3A_946] : memref<163840x16xf32, #tpu.memory_space<hbm>> -> memref<128x16xf32, #tpu.memory_space<hbm>>
      %dma_start3A_948 = arith.constant 0 : i32
      %dma_start3A_949 = tpu.memref_slice %arg7[%add3A_940, %dma_start3A_948] : memref<163840x16xf32, #tpu.memory_space<hbm>> -> memref<128x16xf32, #tpu.memory_space<hbm>>
      %dma_start3A_950 = arith.constant 0 : i32
      %dma_start3A_951 = arith.constant 0 : i32
      %dma_start3A_952 = tpu.memref_slice %arg12[%dma_start3A_941, %dma_start3A_950, %dma_start3A_951] : memref<8x128x16xf32, #tpu.memory_space<vmem>> -> memref<1x128x16xf32, #tpu.memory_space<vmem>>
      %dma_start3A_953 = tpu.memref_squeeze %dma_start3A_952 : memref<1x128x16xf32, #tpu.memory_space<vmem>> -> memref<128x16xf32, #tpu.memory_space<vmem>>
      tpu.enqueue_dma source(%dma_start3A_953 : memref<128x16xf32, #tpu.memory_space<vmem>>) target(%dma_start3A_949 : memref<128x16xf32, #tpu.memory_space<hbm>>) target_semaphore(%arg14 : memref<!tpu.dma_semaphore, #tpu.memory_space<semaphore_mem>>)
      %dma_wait3A_954 = arith.constant 0 : i32
      %dma_wait3A_955 = arith.constant 0 : i32
      %dma_wait3A_956 = arith.constant 0 : i32
      %dma_wait3A_957 = tpu.memref_slice %arg9[%dma_wait3A_954, %dma_wait3A_955, %dma_wait3A_956] : memref<8x128x16xf32, #tpu.memory_space<vmem>> -> memref<1x128x16xf32, #tpu.memory_space<vmem>>
      %dma_wait3A_958 = tpu.memref_squeeze %dma_wait3A_957 : memref<1x128x16xf32, #tpu.memory_space<vmem>> -> memref<128x16xf32, #tpu.memory_space<vmem>>
      %dma_wait3A_959 = arith.constant 0 : i32
      %dma_wait3A_960 = tpu.memref_slice %arg6[%add3A_715, %dma_wait3A_959] : memref<163840x16xf32, #tpu.memory_space<hbm>> -> memref<128x16xf32, #tpu.memory_space<hbm>>
      %dma_wait3A_961 = arith.constant 0 : i32
      %dma_wait3A_962 = tpu.memref_slice %arg6[%add3A_715, %dma_wait3A_961] : memref<163840x16xf32, #tpu.memory_space<hbm>> -> memref<128x16xf32, #tpu.memory_space<hbm>>
      %dma_wait3A_963 = arith.constant 0 : i32
      %dma_wait3A_964 = arith.constant 0 : i32
      %dma_wait3A_965 = tpu.memref_slice %arg9[%dma_wait3A_954, %dma_wait3A_963, %dma_wait3A_964] : memref<8x128x16xf32, #tpu.memory_space<vmem>> -> memref<1x128x16xf32, #tpu.memory_space<vmem>>
      %dma_wait3A_966 = tpu.memref_squeeze %dma_wait3A_965 : memref<1x128x16xf32, #tpu.memory_space<vmem>> -> memref<128x16xf32, #tpu.memory_space<vmem>>
      tpu.wait_dma2 semaphore(%arg14 : memref<!tpu.dma_semaphore, #tpu.memory_space<semaphore_mem>>) src(%dma_wait3A_966 : memref<128x16xf32, #tpu.memory_space<vmem>>) dst(%dma_wait3A_962 : memref<128x16xf32, #tpu.memory_space<hbm>>)
      %dma_wait3A_967 = arith.constant 0 : i32
      %dma_wait3A_968 = arith.constant 0 : i32
      %dma_wait3A_969 = arith.constant 0 : i32
      %dma_wait3A_970 = tpu.memref_slice %arg12[%dma_wait3A_967, %dma_wait3A_968, %dma_wait3A_969] : memref<8x128x16xf32, #tpu.memory_space<vmem>> -> memref<1x128x16xf32, #tpu.memory_space<vmem>>
      %dma_wait3A_971 = tpu.memref_squeeze %dma_wait3A_970 : memref<1x128x16xf32, #tpu.memory_space<vmem>> -> memref<128x16xf32, #tpu.memory_space<vmem>>
      %dma_wait3A_972 = arith.constant 0 : i32
      %dma_wait3A_973 = tpu.memref_slice %arg7[%add3A_730, %dma_wait3A_972] : memref<163840x16xf32, #tpu.memory_space<hbm>> -> memref<128x16xf32, #tpu.memory_space<hbm>>
      %dma_wait3A_974 = arith.constant 0 : i32
      %dma_wait3A_975 = tpu.memref_slice %arg7[%add3A_730, %dma_wait3A_974] : memref<163840x16xf32, #tpu.memory_space<hbm>> -> memref<128x16xf32, #tpu.memory_space<hbm>>
      %dma_wait3A_976 = arith.constant 0 : i32
      %dma_wait3A_977 = arith.constant 0 : i32
      %dma_wait3A_978 = tpu.memref_slice %arg12[%dma_wait3A_967, %dma_wait3A_976, %dma_wait3A_977] : memref<8x128x16xf32, #tpu.memory_space<vmem>> -> memref<1x128x16xf32, #tpu.memory_space<vmem>>
      %dma_wait3A_979 = tpu.memref_squeeze %dma_wait3A_978 : memref<1x128x16xf32, #tpu.memory_space<vmem>> -> memref<128x16xf32, #tpu.memory_space<vmem>>
      tpu.wait_dma2 semaphore(%arg14 : memref<!tpu.dma_semaphore, #tpu.memory_space<semaphore_mem>>) src(%dma_wait3A_979 : memref<128x16xf32, #tpu.memory_space<vmem>>) dst(%dma_wait3A_975 : memref<128x16xf32, #tpu.memory_space<hbm>>)
      %dma_wait3A_980 = arith.constant 1 : i32
      %dma_wait3A_981 = arith.constant 0 : i32
      %dma_wait3A_982 = arith.constant 0 : i32
      %dma_wait3A_983 = tpu.memref_slice %arg9[%dma_wait3A_980, %dma_wait3A_981, %dma_wait3A_982] : memref<8x128x16xf32, #tpu.memory_space<vmem>> -> memref<1x128x16xf32, #tpu.memory_space<vmem>>
      %dma_wait3A_984 = tpu.memref_squeeze %dma_wait3A_983 : memref<1x128x16xf32, #tpu.memory_space<vmem>> -> memref<128x16xf32, #tpu.memory_space<vmem>>
      %dma_wait3A_985 = arith.constant 0 : i32
      %dma_wait3A_986 = tpu.memref_slice %arg6[%add3A_745, %dma_wait3A_985] : memref<163840x16xf32, #tpu.memory_space<hbm>> -> memref<128x16xf32, #tpu.memory_space<hbm>>
      %dma_wait3A_987 = arith.constant 0 : i32
      %dma_wait3A_988 = tpu.memref_slice %arg6[%add3A_745, %dma_wait3A_987] : memref<163840x16xf32, #tpu.memory_space<hbm>> -> memref<128x16xf32, #tpu.memory_space<hbm>>
      %dma_wait3A_989 = arith.constant 0 : i32
      %dma_wait3A_990 = arith.constant 0 : i32
      %dma_wait3A_991 = tpu.memref_slice %arg9[%dma_wait3A_980, %dma_wait3A_989, %dma_wait3A_990] : memref<8x128x16xf32, #tpu.memory_space<vmem>> -> memref<1x128x16xf32, #tpu.memory_space<vmem>>
      %dma_wait3A_992 = tpu.memref_squeeze %dma_wait3A_991 : memref<1x128x16xf32, #tpu.memory_space<vmem>> -> memref<128x16xf32, #tpu.memory_space<vmem>>
      tpu.wait_dma2 semaphore(%arg14 : memref<!tpu.dma_semaphore, #tpu.memory_space<semaphore_mem>>) src(%dma_wait3A_992 : memref<128x16xf32, #tpu.memory_space<vmem>>) dst(%dma_wait3A_988 : memref<128x16xf32, #tpu.memory_space<hbm>>)
      %dma_wait3A_993 = arith.constant 1 : i32
      %dma_wait3A_994 = arith.constant 0 : i32
      %dma_wait3A_995 = arith.constant 0 : i32
      %dma_wait3A_996 = tpu.memref_slice %arg12[%dma_wait3A_993, %dma_wait3A_994, %dma_wait3A_995] : memref<8x128x16xf32, #tpu.memory_space<vmem>> -> memref<1x128x16xf32, #tpu.memory_space<vmem>>
      %dma_wait3A_997 = tpu.memref_squeeze %dma_wait3A_996 : memref<1x128x16xf32, #tpu.memory_space<vmem>> -> memref<128x16xf32, #tpu.memory_space<vmem>>
      %dma_wait3A_998 = arith.constant 0 : i32
      %dma_wait3A_999 = tpu.memref_slice %arg7[%add3A_760, %dma_wait3A_998] : memref<163840x16xf32, #tpu.memory_space<hbm>> -> memref<128x16xf32, #tpu.memory_space<hbm>>
      %dma_wait3A_1000 = arith.constant 0 : i32
      %dma_wait3A_1001 = tpu.memref_slice %arg7[%add3A_760, %dma_wait3A_1000] : memref<163840x16xf32, #tpu.memory_space<hbm>> -> memref<128x16xf32, #tpu.memory_space<hbm>>
      %dma_wait3A_1002 = arith.constant 0 : i32
      %dma_wait3A_1003 = arith.constant 0 : i32
      %dma_wait3A_1004 = tpu.memref_slice %arg12[%dma_wait3A_993, %dma_wait3A_1002, %dma_wait3A_1003] : memref<8x128x16xf32, #tpu.memory_space<vmem>> -> memref<1x128x16xf32, #tpu.memory_space<vmem>>
      %dma_wait3A_1005 = tpu.memref_squeeze %dma_wait3A_1004 : memref<1x128x16xf32, #tpu.memory_space<vmem>> -> memref<128x16xf32, #tpu.memory_space<vmem>>
      tpu.wait_dma2 semaphore(%arg14 : memref<!tpu.dma_semaphore, #tpu.memory_space<semaphore_mem>>) src(%dma_wait3A_1005 : memref<128x16xf32, #tpu.memory_space<vmem>>) dst(%dma_wait3A_1001 : memref<128x16xf32, #tpu.memory_space<hbm>>)
      %dma_wait3A_1006 = arith.constant 2 : i32
      %dma_wait3A_1007 = arith.constant 0 : i32
      %dma_wait3A_1008 = arith.constant 0 : i32
      %dma_wait3A_1009 = tpu.memref_slice %arg9[%dma_wait3A_1006, %dma_wait3A_1007, %dma_wait3A_1008] : memref<8x128x16xf32, #tpu.memory_space<vmem>> -> memref<1x128x16xf32, #tpu.memory_space<vmem>>
      %dma_wait3A_1010 = tpu.memref_squeeze %dma_wait3A_1009 : memref<1x128x16xf32, #tpu.memory_space<vmem>> -> memref<128x16xf32, #tpu.memory_space<vmem>>
      %dma_wait3A_1011 = arith.constant 0 : i32
      %dma_wait3A_1012 = tpu.memref_slice %arg6[%add3A_775, %dma_wait3A_1011] : memref<163840x16xf32, #tpu.memory_space<hbm>> -> memref<128x16xf32, #tpu.memory_space<hbm>>
      %dma_wait3A_1013 = arith.constant 0 : i32
      %dma_wait3A_1014 = tpu.memref_slice %arg6[%add3A_775, %dma_wait3A_1013] : memref<163840x16xf32, #tpu.memory_space<hbm>> -> memref<128x16xf32, #tpu.memory_space<hbm>>
      %dma_wait3A_1015 = arith.constant 0 : i32
      %dma_wait3A_1016 = arith.constant 0 : i32
      %dma_wait3A_1017 = tpu.memref_slice %arg9[%dma_wait3A_1006, %dma_wait3A_1015, %dma_wait3A_1016] : memref<8x128x16xf32, #tpu.memory_space<vmem>> -> memref<1x128x16xf32, #tpu.memory_space<vmem>>
      %dma_wait3A_1018 = tpu.memref_squeeze %dma_wait3A_1017 : memref<1x128x16xf32, #tpu.memory_space<vmem>> -> memref<128x16xf32, #tpu.memory_space<vmem>>
      tpu.wait_dma2 semaphore(%arg14 : memref<!tpu.dma_semaphore, #tpu.memory_space<semaphore_mem>>) src(%dma_wait3A_1018 : memref<128x16xf32, #tpu.memory_space<vmem>>) dst(%dma_wait3A_1014 : memref<128x16xf32, #tpu.memory_space<hbm>>)
      %dma_wait3A_1019 = arith.constant 2 : i32
      %dma_wait3A_1020 = arith.constant 0 : i32
      %dma_wait3A_1021 = arith.constant 0 : i32
      %dma_wait3A_1022 = tpu.memref_slice %arg12[%dma_wait3A_1019, %dma_wait3A_1020, %dma_wait3A_1021] : memref<8x128x16xf32, #tpu.memory_space<vmem>> -> memref<1x128x16xf32, #tpu.memory_space<vmem>>
      %dma_wait3A_1023 = tpu.memref_squeeze %dma_wait3A_1022 : memref<1x128x16xf32, #tpu.memory_space<vmem>> -> memref<128x16xf32, #tpu.memory_space<vmem>>
      %dma_wait3A_1024 = arith.constant 0 : i32
      %dma_wait3A_1025 = tpu.memref_slice %arg7[%add3A_790, %dma_wait3A_1024] : memref<163840x16xf32, #tpu.memory_space<hbm>> -> memref<128x16xf32, #tpu.memory_space<hbm>>
      %dma_wait3A_1026 = arith.constant 0 : i32
      %dma_wait3A_1027 = tpu.memref_slice %arg7[%add3A_790, %dma_wait3A_1026] : memref<163840x16xf32, #tpu.memory_space<hbm>> -> memref<128x16xf32, #tpu.memory_space<hbm>>
      %dma_wait3A_1028 = arith.constant 0 : i32
      %dma_wait3A_1029 = arith.constant 0 : i32
      %dma_wait3A_1030 = tpu.memref_slice %arg12[%dma_wait3A_1019, %dma_wait3A_1028, %dma_wait3A_1029] : memref<8x128x16xf32, #tpu.memory_space<vmem>> -> memref<1x128x16xf32, #tpu.memory_space<vmem>>
      %dma_wait3A_1031 = tpu.memref_squeeze %dma_wait3A_1030 : memref<1x128x16xf32, #tpu.memory_space<vmem>> -> memref<128x16xf32, #tpu.memory_space<vmem>>
      tpu.wait_dma2 semaphore(%arg14 : memref<!tpu.dma_semaphore, #tpu.memory_space<semaphore_mem>>) src(%dma_wait3A_1031 : memref<128x16xf32, #tpu.memory_space<vmem>>) dst(%dma_wait3A_1027 : memref<128x16xf32, #tpu.memory_space<hbm>>)
      %dma_wait3A_1032 = arith.constant 3 : i32
      %dma_wait3A_1033 = arith.constant 0 : i32
      %dma_wait3A_1034 = arith.constant 0 : i32
      %dma_wait3A_1035 = tpu.memref_slice %arg9[%dma_wait3A_1032, %dma_wait3A_1033, %dma_wait3A_1034] : memref<8x128x16xf32, #tpu.memory_space<vmem>> -> memref<1x128x16xf32, #tpu.memory_space<vmem>>
      %dma_wait3A_1036 = tpu.memref_squeeze %dma_wait3A_1035 : memref<1x128x16xf32, #tpu.memory_space<vmem>> -> memref<128x16xf32, #tpu.memory_space<vmem>>
      %dma_wait3A_1037 = arith.constant 0 : i32
      %dma_wait3A_1038 = tpu.memref_slice %arg6[%add3A_805, %dma_wait3A_1037] : memref<163840x16xf32, #tpu.memory_space<hbm>> -> memref<128x16xf32, #tpu.memory_space<hbm>>
      %dma_wait3A_1039 = arith.constant 0 : i32
      %dma_wait3A_1040 = tpu.memref_slice %arg6[%add3A_805, %dma_wait3A_1039] : memref<163840x16xf32, #tpu.memory_space<hbm>> -> memref<128x16xf32, #tpu.memory_space<hbm>>
      %dma_wait3A_1041 = arith.constant 0 : i32
      %dma_wait3A_1042 = arith.constant 0 : i32
      %dma_wait3A_1043 = tpu.memref_slice %arg9[%dma_wait3A_1032, %dma_wait3A_1041, %dma_wait3A_1042] : memref<8x128x16xf32, #tpu.memory_space<vmem>> -> memref<1x128x16xf32, #tpu.memory_space<vmem>>
      %dma_wait3A_1044 = tpu.memref_squeeze %dma_wait3A_1043 : memref<1x128x16xf32, #tpu.memory_space<vmem>> -> memref<128x16xf32, #tpu.memory_space<vmem>>
      tpu.wait_dma2 semaphore(%arg14 : memref<!tpu.dma_semaphore, #tpu.memory_space<semaphore_mem>>) src(%dma_wait3A_1044 : memref<128x16xf32, #tpu.memory_space<vmem>>) dst(%dma_wait3A_1040 : memref<128x16xf32, #tpu.memory_space<hbm>>)
      %dma_wait3A_1045 = arith.constant 3 : i32
      %dma_wait3A_1046 = arith.constant 0 : i32
      %dma_wait3A_1047 = arith.constant 0 : i32
      %dma_wait3A_1048 = tpu.memref_slice %arg12[%dma_wait3A_1045, %dma_wait3A_1046, %dma_wait3A_1047] : memref<8x128x16xf32, #tpu.memory_space<vmem>> -> memref<1x128x16xf32, #tpu.memory_space<vmem>>
      %dma_wait3A_1049 = tpu.memref_squeeze %dma_wait3A_1048 : memref<1x128x16xf32, #tpu.memory_space<vmem>> -> memref<128x16xf32, #tpu.memory_space<vmem>>
      %dma_wait3A_1050 = arith.constant 0 : i32
      %dma_wait3A_1051 = tpu.memref_slice %arg7[%add3A_820, %dma_wait3A_1050] : memref<163840x16xf32, #tpu.memory_space<hbm>> -> memref<128x16xf32, #tpu.memory_space<hbm>>
      %dma_wait3A_1052 = arith.constant 0 : i32
      %dma_wait3A_1053 = tpu.memref_slice %arg7[%add3A_820, %dma_wait3A_1052] : memref<163840x16xf32, #tpu.memory_space<hbm>> -> memref<128x16xf32, #tpu.memory_space<hbm>>
      %dma_wait3A_1054 = arith.constant 0 : i32
      %dma_wait3A_1055 = arith.constant 0 : i32
      %dma_wait3A_1056 = tpu.memref_slice %arg12[%dma_wait3A_1045, %dma_wait3A_1054, %dma_wait3A_1055] : memref<8x128x16xf32, #tpu.memory_space<vmem>> -> memref<1x128x16xf32, #tpu.memory_space<vmem>>
      %dma_wait3A_1057 = tpu.memref_squeeze %dma_wait3A_1056 : memref<1x128x16xf32, #tpu.memory_space<vmem>> -> memref<128x16xf32, #tpu.memory_space<vmem>>
      tpu.wait_dma2 semaphore(%arg14 : memref<!tpu.dma_semaphore, #tpu.memory_space<semaphore_mem>>) src(%dma_wait3A_1057 : memref<128x16xf32, #tpu.memory_space<vmem>>) dst(%dma_wait3A_1053 : memref<128x16xf32, #tpu.memory_space<hbm>>)
      %dma_wait3A_1058 = arith.constant 4 : i32
      %dma_wait3A_1059 = arith.constant 0 : i32
      %dma_wait3A_1060 = arith.constant 0 : i32
      %dma_wait3A_1061 = tpu.memref_slice %arg9[%dma_wait3A_1058, %dma_wait3A_1059, %dma_wait3A_1060] : memref<8x128x16xf32, #tpu.memory_space<vmem>> -> memref<1x128x16xf32, #tpu.memory_space<vmem>>
      %dma_wait3A_1062 = tpu.memref_squeeze %dma_wait3A_1061 : memref<1x128x16xf32, #tpu.memory_space<vmem>> -> memref<128x16xf32, #tpu.memory_space<vmem>>
      %dma_wait3A_1063 = arith.constant 0 : i32
      %dma_wait3A_1064 = tpu.memref_slice %arg6[%add3A_835, %dma_wait3A_1063] : memref<163840x16xf32, #tpu.memory_space<hbm>> -> memref<128x16xf32, #tpu.memory_space<hbm>>
      %dma_wait3A_1065 = arith.constant 0 : i32
      %dma_wait3A_1066 = tpu.memref_slice %arg6[%add3A_835, %dma_wait3A_1065] : memref<163840x16xf32, #tpu.memory_space<hbm>> -> memref<128x16xf32, #tpu.memory_space<hbm>>
      %dma_wait3A_1067 = arith.constant 0 : i32
      %dma_wait3A_1068 = arith.constant 0 : i32
      %dma_wait3A_1069 = tpu.memref_slice %arg9[%dma_wait3A_1058, %dma_wait3A_1067, %dma_wait3A_1068] : memref<8x128x16xf32, #tpu.memory_space<vmem>> -> memref<1x128x16xf32, #tpu.memory_space<vmem>>
      %dma_wait3A_1070 = tpu.memref_squeeze %dma_wait3A_1069 : memref<1x128x16xf32, #tpu.memory_space<vmem>> -> memref<128x16xf32, #tpu.memory_space<vmem>>
      tpu.wait_dma2 semaphore(%arg14 : memref<!tpu.dma_semaphore, #tpu.memory_space<semaphore_mem>>) src(%dma_wait3A_1070 : memref<128x16xf32, #tpu.memory_space<vmem>>) dst(%dma_wait3A_1066 : memref<128x16xf32, #tpu.memory_space<hbm>>)
      %dma_wait3A_1071 = arith.constant 4 : i32
      %dma_wait3A_1072 = arith.constant 0 : i32
      %dma_wait3A_1073 = arith.constant 0 : i32
      %dma_wait3A_1074 = tpu.memref_slice %arg12[%dma_wait3A_1071, %dma_wait3A_1072, %dma_wait3A_1073] : memref<8x128x16xf32, #tpu.memory_space<vmem>> -> memref<1x128x16xf32, #tpu.memory_space<vmem>>
      %dma_wait3A_1075 = tpu.memref_squeeze %dma_wait3A_1074 : memref<1x128x16xf32, #tpu.memory_space<vmem>> -> memref<128x16xf32, #tpu.memory_space<vmem>>
      %dma_wait3A_1076 = arith.constant 0 : i32
      %dma_wait3A_1077 = tpu.memref_slice %arg7[%add3A_850, %dma_wait3A_1076] : memref<163840x16xf32, #tpu.memory_space<hbm>> -> memref<128x16xf32, #tpu.memory_space<hbm>>
      %dma_wait3A_1078 = arith.constant 0 : i32
      %dma_wait3A_1079 = tpu.memref_slice %arg7[%add3A_850, %dma_wait3A_1078] : memref<163840x16xf32, #tpu.memory_space<hbm>> -> memref<128x16xf32, #tpu.memory_space<hbm>>
      %dma_wait3A_1080 = arith.constant 0 : i32
      %dma_wait3A_1081 = arith.constant 0 : i32
      %dma_wait3A_1082 = tpu.memref_slice %arg12[%dma_wait3A_1071, %dma_wait3A_1080, %dma_wait3A_1081] : memref<8x128x16xf32, #tpu.memory_space<vmem>> -> memref<1x128x16xf32, #tpu.memory_space<vmem>>
      %dma_wait3A_1083 = tpu.memref_squeeze %dma_wait3A_1082 : memref<1x128x16xf32, #tpu.memory_space<vmem>> -> memref<128x16xf32, #tpu.memory_space<vmem>>
      tpu.wait_dma2 semaphore(%arg14 : memref<!tpu.dma_semaphore, #tpu.memory_space<semaphore_mem>>) src(%dma_wait3A_1083 : memref<128x16xf32, #tpu.memory_space<vmem>>) dst(%dma_wait3A_1079 : memref<128x16xf32, #tpu.memory_space<hbm>>)
      %dma_wait3A_1084 = arith.constant 5 : i32
      %dma_wait3A_1085 = arith.constant 0 : i32
      %dma_wait3A_1086 = arith.constant 0 : i32
      %dma_wait3A_1087 = tpu.memref_slice %arg9[%dma_wait3A_1084, %dma_wait3A_1085, %dma_wait3A_1086] : memref<8x128x16xf32, #tpu.memory_space<vmem>> -> memref<1x128x16xf32, #tpu.memory_space<vmem>>
      %dma_wait3A_1088 = tpu.memref_squeeze %dma_wait3A_1087 : memref<1x128x16xf32, #tpu.memory_space<vmem>> -> memref<128x16xf32, #tpu.memory_space<vmem>>
      %dma_wait3A_1089 = arith.constant 0 : i32
      %dma_wait3A_1090 = tpu.memref_slice %arg6[%add3A_865, %dma_wait3A_1089] : memref<163840x16xf32, #tpu.memory_space<hbm>> -> memref<128x16xf32, #tpu.memory_space<hbm>>
      %dma_wait3A_1091 = arith.constant 0 : i32
      %dma_wait3A_1092 = tpu.memref_slice %arg6[%add3A_865, %dma_wait3A_1091] : memref<163840x16xf32, #tpu.memory_space<hbm>> -> memref<128x16xf32, #tpu.memory_space<hbm>>
      %dma_wait3A_1093 = arith.constant 0 : i32
      %dma_wait3A_1094 = arith.constant 0 : i32
      %dma_wait3A_1095 = tpu.memref_slice %arg9[%dma_wait3A_1084, %dma_wait3A_1093, %dma_wait3A_1094] : memref<8x128x16xf32, #tpu.memory_space<vmem>> -> memref<1x128x16xf32, #tpu.memory_space<vmem>>
      %dma_wait3A_1096 = tpu.memref_squeeze %dma_wait3A_1095 : memref<1x128x16xf32, #tpu.memory_space<vmem>> -> memref<128x16xf32, #tpu.memory_space<vmem>>
      tpu.wait_dma2 semaphore(%arg14 : memref<!tpu.dma_semaphore, #tpu.memory_space<semaphore_mem>>) src(%dma_wait3A_1096 : memref<128x16xf32, #tpu.memory_space<vmem>>) dst(%dma_wait3A_1092 : memref<128x16xf32, #tpu.memory_space<hbm>>)
      %dma_wait3A_1097 = arith.constant 5 : i32
      %dma_wait3A_1098 = arith.constant 0 : i32
      %dma_wait3A_1099 = arith.constant 0 : i32
      %dma_wait3A_1100 = tpu.memref_slice %arg12[%dma_wait3A_1097, %dma_wait3A_1098, %dma_wait3A_1099] : memref<8x128x16xf32, #tpu.memory_space<vmem>> -> memref<1x128x16xf32, #tpu.memory_space<vmem>>
      %dma_wait3A_1101 = tpu.memref_squeeze %dma_wait3A_1100 : memref<1x128x16xf32, #tpu.memory_space<vmem>> -> memref<128x16xf32, #tpu.memory_space<vmem>>
      %dma_wait3A_1102 = arith.constant 0 : i32
      %dma_wait3A_1103 = tpu.memref_slice %arg7[%add3A_880, %dma_wait3A_1102] : memref<163840x16xf32, #tpu.memory_space<hbm>> -> memref<128x16xf32, #tpu.memory_space<hbm>>
      %dma_wait3A_1104 = arith.constant 0 : i32
      %dma_wait3A_1105 = tpu.memref_slice %arg7[%add3A_880, %dma_wait3A_1104] : memref<163840x16xf32, #tpu.memory_space<hbm>> -> memref<128x16xf32, #tpu.memory_space<hbm>>
      %dma_wait3A_1106 = arith.constant 0 : i32
      %dma_wait3A_1107 = arith.constant 0 : i32
      %dma_wait3A_1108 = tpu.memref_slice %arg12[%dma_wait3A_1097, %dma_wait3A_1106, %dma_wait3A_1107] : memref<8x128x16xf32, #tpu.memory_space<vmem>> -> memref<1x128x16xf32, #tpu.memory_space<vmem>>
      %dma_wait3A_1109 = tpu.memref_squeeze %dma_wait3A_1108 : memref<1x128x16xf32, #tpu.memory_space<vmem>> -> memref<128x16xf32, #tpu.memory_space<vmem>>
      tpu.wait_dma2 semaphore(%arg14 : memref<!tpu.dma_semaphore, #tpu.memory_space<semaphore_mem>>) src(%dma_wait3A_1109 : memref<128x16xf32, #tpu.memory_space<vmem>>) dst(%dma_wait3A_1105 : memref<128x16xf32, #tpu.memory_space<hbm>>)
      %dma_wait3A_1110 = arith.constant 6 : i32
      %dma_wait3A_1111 = arith.constant 0 : i32
      %dma_wait3A_1112 = arith.constant 0 : i32
      %dma_wait3A_1113 = tpu.memref_slice %arg9[%dma_wait3A_1110, %dma_wait3A_1111, %dma_wait3A_1112] : memref<8x128x16xf32, #tpu.memory_space<vmem>> -> memref<1x128x16xf32, #tpu.memory_space<vmem>>
      %dma_wait3A_1114 = tpu.memref_squeeze %dma_wait3A_1113 : memref<1x128x16xf32, #tpu.memory_space<vmem>> -> memref<128x16xf32, #tpu.memory_space<vmem>>
      %dma_wait3A_1115 = arith.constant 0 : i32
      %dma_wait3A_1116 = tpu.memref_slice %arg6[%add3A_895, %dma_wait3A_1115] : memref<163840x16xf32, #tpu.memory_space<hbm>> -> memref<128x16xf32, #tpu.memory_space<hbm>>
      %dma_wait3A_1117 = arith.constant 0 : i32
      %dma_wait3A_1118 = tpu.memref_slice %arg6[%add3A_895, %dma_wait3A_1117] : memref<163840x16xf32, #tpu.memory_space<hbm>> -> memref<128x16xf32, #tpu.memory_space<hbm>>
      %dma_wait3A_1119 = arith.constant 0 : i32
      %dma_wait3A_1120 = arith.constant 0 : i32
      %dma_wait3A_1121 = tpu.memref_slice %arg9[%dma_wait3A_1110, %dma_wait3A_1119, %dma_wait3A_1120] : memref<8x128x16xf32, #tpu.memory_space<vmem>> -> memref<1x128x16xf32, #tpu.memory_space<vmem>>
      %dma_wait3A_1122 = tpu.memref_squeeze %dma_wait3A_1121 : memref<1x128x16xf32, #tpu.memory_space<vmem>> -> memref<128x16xf32, #tpu.memory_space<vmem>>
      tpu.wait_dma2 semaphore(%arg14 : memref<!tpu.dma_semaphore, #tpu.memory_space<semaphore_mem>>) src(%dma_wait3A_1122 : memref<128x16xf32, #tpu.memory_space<vmem>>) dst(%dma_wait3A_1118 : memref<128x16xf32, #tpu.memory_space<hbm>>)
      %dma_wait3A_1123 = arith.constant 6 : i32
      %dma_wait3A_1124 = arith.constant 0 : i32
      %dma_wait3A_1125 = arith.constant 0 : i32
      %dma_wait3A_1126 = tpu.memref_slice %arg12[%dma_wait3A_1123, %dma_wait3A_1124, %dma_wait3A_1125] : memref<8x128x16xf32, #tpu.memory_space<vmem>> -> memref<1x128x16xf32, #tpu.memory_space<vmem>>
      %dma_wait3A_1127 = tpu.memref_squeeze %dma_wait3A_1126 : memref<1x128x16xf32, #tpu.memory_space<vmem>> -> memref<128x16xf32, #tpu.memory_space<vmem>>
      %dma_wait3A_1128 = arith.constant 0 : i32
      %dma_wait3A_1129 = tpu.memref_slice %arg7[%add3A_910, %dma_wait3A_1128] : memref<163840x16xf32, #tpu.memory_space<hbm>> -> memref<128x16xf32, #tpu.memory_space<hbm>>
      %dma_wait3A_1130 = arith.constant 0 : i32
      %dma_wait3A_1131 = tpu.memref_slice %arg7[%add3A_910, %dma_wait3A_1130] : memref<163840x16xf32, #tpu.memory_space<hbm>> -> memref<128x16xf32, #tpu.memory_space<hbm>>
      %dma_wait3A_1132 = arith.constant 0 : i32
      %dma_wait3A_1133 = arith.constant 0 : i32
      %dma_wait3A_1134 = tpu.memref_slice %arg12[%dma_wait3A_1123, %dma_wait3A_1132, %dma_wait3A_1133] : memref<8x128x16xf32, #tpu.memory_space<vmem>> -> memref<1x128x16xf32, #tpu.memory_space<vmem>>
      %dma_wait3A_1135 = tpu.memref_squeeze %dma_wait3A_1134 : memref<1x128x16xf32, #tpu.memory_space<vmem>> -> memref<128x16xf32, #tpu.memory_space<vmem>>
      tpu.wait_dma2 semaphore(%arg14 : memref<!tpu.dma_semaphore, #tpu.memory_space<semaphore_mem>>) src(%dma_wait3A_1135 : memref<128x16xf32, #tpu.memory_space<vmem>>) dst(%dma_wait3A_1131 : memref<128x16xf32, #tpu.memory_space<hbm>>)
      %dma_wait3A_1136 = arith.constant 7 : i32
      %dma_wait3A_1137 = arith.constant 0 : i32
      %dma_wait3A_1138 = arith.constant 0 : i32
      %dma_wait3A_1139 = tpu.memref_slice %arg9[%dma_wait3A_1136, %dma_wait3A_1137, %dma_wait3A_1138] : memref<8x128x16xf32, #tpu.memory_space<vmem>> -> memref<1x128x16xf32, #tpu.memory_space<vmem>>
      %dma_wait3A_1140 = tpu.memref_squeeze %dma_wait3A_1139 : memref<1x128x16xf32, #tpu.memory_space<vmem>> -> memref<128x16xf32, #tpu.memory_space<vmem>>
      %dma_wait3A_1141 = arith.constant 0 : i32
      %dma_wait3A_1142 = tpu.memref_slice %arg6[%add3A_925, %dma_wait3A_1141] : memref<163840x16xf32, #tpu.memory_space<hbm>> -> memref<128x16xf32, #tpu.memory_space<hbm>>
      %dma_wait3A_1143 = arith.constant 0 : i32
      %dma_wait3A_1144 = tpu.memref_slice %arg6[%add3A_925, %dma_wait3A_1143] : memref<163840x16xf32, #tpu.memory_space<hbm>> -> memref<128x16xf32, #tpu.memory_space<hbm>>
      %dma_wait3A_1145 = arith.constant 0 : i32
      %dma_wait3A_1146 = arith.constant 0 : i32
      %dma_wait3A_1147 = tpu.memref_slice %arg9[%dma_wait3A_1136, %dma_wait3A_1145, %dma_wait3A_1146] : memref<8x128x16xf32, #tpu.memory_space<vmem>> -> memref<1x128x16xf32, #tpu.memory_space<vmem>>
      %dma_wait3A_1148 = tpu.memref_squeeze %dma_wait3A_1147 : memref<1x128x16xf32, #tpu.memory_space<vmem>> -> memref<128x16xf32, #tpu.memory_space<vmem>>
      tpu.wait_dma2 semaphore(%arg14 : memref<!tpu.dma_semaphore, #tpu.memory_space<semaphore_mem>>) src(%dma_wait3A_1148 : memref<128x16xf32, #tpu.memory_space<vmem>>) dst(%dma_wait3A_1144 : memref<128x16xf32, #tpu.memory_space<hbm>>)
      %dma_wait3A_1149 = arith.constant 7 : i32
      %dma_wait3A_1150 = arith.constant 0 : i32
      %dma_wait3A_1151 = arith.constant 0 : i32
      %dma_wait3A_1152 = tpu.memref_slice %arg12[%dma_wait3A_1149, %dma_wait3A_1150, %dma_wait3A_1151] : memref<8x128x16xf32, #tpu.memory_space<vmem>> -> memref<1x128x16xf32, #tpu.memory_space<vmem>>
      %dma_wait3A_1153 = tpu.memref_squeeze %dma_wait3A_1152 : memref<1x128x16xf32, #tpu.memory_space<vmem>> -> memref<128x16xf32, #tpu.memory_space<vmem>>
      %dma_wait3A_1154 = arith.constant 0 : i32
      %dma_wait3A_1155 = tpu.memref_slice %arg7[%add3A_940, %dma_wait3A_1154] : memref<163840x16xf32, #tpu.memory_space<hbm>> -> memref<128x16xf32, #tpu.memory_space<hbm>>
      %dma_wait3A_1156 = arith.constant 0 : i32
      %dma_wait3A_1157 = tpu.memref_slice %arg7[%add3A_940, %dma_wait3A_1156] : memref<163840x16xf32, #tpu.memory_space<hbm>> -> memref<128x16xf32, #tpu.memory_space<hbm>>
      %dma_wait3A_1158 = arith.constant 0 : i32
      %dma_wait3A_1159 = arith.constant 0 : i32
      %dma_wait3A_1160 = tpu.memref_slice %arg12[%dma_wait3A_1149, %dma_wait3A_1158, %dma_wait3A_1159] : memref<8x128x16xf32, #tpu.memory_space<vmem>> -> memref<1x128x16xf32, #tpu.memory_space<vmem>>
      %dma_wait3A_1161 = tpu.memref_squeeze %dma_wait3A_1160 : memref<1x128x16xf32, #tpu.memory_space<vmem>> -> memref<128x16xf32, #tpu.memory_space<vmem>>
      tpu.wait_dma2 semaphore(%arg14 : memref<!tpu.dma_semaphore, #tpu.memory_space<semaphore_mem>>) src(%dma_wait3A_1161 : memref<128x16xf32, #tpu.memory_space<vmem>>) dst(%dma_wait3A_1157 : memref<128x16xf32, #tpu.memory_space<hbm>>)
    }
    %scan3A_5 = arith.constant 5 : i32
    return
  }
}

module attributes {stable_mosaic.version = 14 : i64} {
  func.func @body(%arg0: i32, %arg1: memref<4096x16xf32, #tpu.memory_space<vmem>>, %arg2: memref<4096x16xf32, #tpu.memory_space<vmem>>, %arg3: memref<3x4096xf32, #tpu.memory_space<vmem>>, %arg4: memref<1x4096xf32, #tpu.memory_space<vmem>>, %arg5: memref<8x80xf32, #tpu.memory_space<vmem>>, %arg6: memref<9x80xf32, #tpu.memory_space<vmem>>, %arg7: memref<4096x80xf32, #tpu.memory_space<vmem>>, %arg8: memref<1x4096xf32, #tpu.memory_space<vmem>>) attributes {dimension_semantics = [#tpu.dimension_semantics<arbitrary>], iteration_bounds = array<i64: 40>, scalar_prefetch = 0 : i64, scratch_operands = 0 : i64, tpu.core_type = #tpu.core_type<tc>, window_params = [{transform_indices = @transform_0, window_bounds = array<i64: 4096, 16>}, {transform_indices = @transform_1, window_bounds = array<i64: 4096, 16>}, {transform_indices = @transform_2, window_bounds = array<i64: 3, 4096>}, {transform_indices = @transform_3, window_bounds = array<i64: 1, 4096>}, {pipeline_mode = #tpu.pipeline_mode<synchronous>, transform_indices = @transform_4, window_bounds = array<i64: 8, 80>}, {pipeline_mode = #tpu.pipeline_mode<synchronous>, transform_indices = @transform_5, window_bounds = array<i64: 9, 80>}, {transform_indices = @transform_6, window_bounds = array<i64: 4096, 80>}, {transform_indices = @transform_7, window_bounds = array<i64: 1, 4096>}]} {
    %iota3A = tpu.iota {dimensions = array<i32: 0>} : vector<16x16xi32>
    %iota3A_0 = tpu.iota {dimensions = array<i32: 1>} : vector<16x16xi32>
    %eq3A = arith.cmpi eq, %iota3A, %iota3A_0 : vector<16x16xi32>
    %convert_element_type3A = arith.extui %eq3A : vector<16x16xi1> to vector<16x16xi32>
    %convert_element_type3A_1 = arith.sitofp %convert_element_type3A : vector<16x16xi32> to vector<16x16xf32>
    %get3A = arith.constant 0 : index
    %get3A_2 = arith.constant 0 : index
    %get3A_3 = vector.load %arg1[%get3A, %get3A_2] : memref<4096x16xf32, #tpu.memory_space<vmem>>, vector<4096x16xf32>
    %convert_element_type3A_4 = arith.truncf %convert_element_type3A_1 : vector<16x16xf32> to vector<16x16xbf16>
    %convert_element_type3A_5 = arith.truncf %get3A_3 : vector<4096x16xf32> to vector<4096x16xbf16>
    %convert_element_type3A_6 = arith.extf %convert_element_type3A_5 : vector<4096x16xbf16> to vector<4096x16xf32>
    %sub3A = arith.subf %get3A_3, %convert_element_type3A_6 : vector<4096x16xf32>
    %convert_element_type3A_7 = arith.truncf %sub3A : vector<4096x16xf32> to vector<4096x16xbf16>
    %dot_general3A = arith.constant dense<0.000000e+00> : vector<16x4096xf32>
    %dot_general3A_8 = tpu.matmul %convert_element_type3A_4, %convert_element_type3A_5, %dot_general3A {dimension_numbers = #tpu.dot_dimension_numbers<[1], [1], [0], [0], [0, 0, 1, 0], [], []>, transpose_lhs_hint = false} : vector<16x16xbf16>, vector<4096x16xbf16>, vector<16x4096xf32> -> vector<16x4096xf32>
    %dot_general3A_9 = arith.constant dense<0.000000e+00> : vector<16x4096xf32>
    %dot_general3A_10 = tpu.matmul %convert_element_type3A_4, %convert_element_type3A_7, %dot_general3A_9 {dimension_numbers = #tpu.dot_dimension_numbers<[1], [1], [0], [0], [0, 0, 1, 0], [], []>, transpose_lhs_hint = false} : vector<16x16xbf16>, vector<4096x16xbf16>, vector<16x4096xf32> -> vector<16x4096xf32>
    %add3A = arith.addf %dot_general3A_8, %dot_general3A_10 : vector<16x4096xf32>
    %get3A_11 = arith.constant 0 : index
    %get3A_12 = arith.constant 0 : index
    %get3A_13 = vector.load %arg2[%get3A_11, %get3A_12] : memref<4096x16xf32, #tpu.memory_space<vmem>>, vector<4096x16xf32>
    %convert_element_type3A_14 = arith.truncf %convert_element_type3A_1 : vector<16x16xf32> to vector<16x16xbf16>
    %convert_element_type3A_15 = arith.truncf %get3A_13 : vector<4096x16xf32> to vector<4096x16xbf16>
    %convert_element_type3A_16 = arith.extf %convert_element_type3A_15 : vector<4096x16xbf16> to vector<4096x16xf32>
    %sub3A_17 = arith.subf %get3A_13, %convert_element_type3A_16 : vector<4096x16xf32>
    %convert_element_type3A_18 = arith.truncf %sub3A_17 : vector<4096x16xf32> to vector<4096x16xbf16>
    %dot_general3A_19 = arith.constant dense<0.000000e+00> : vector<16x4096xf32>
    %dot_general3A_20 = tpu.matmul %convert_element_type3A_14, %convert_element_type3A_15, %dot_general3A_19 {dimension_numbers = #tpu.dot_dimension_numbers<[1], [1], [0], [0], [0, 0, 1, 0], [], []>, transpose_lhs_hint = false} : vector<16x16xbf16>, vector<4096x16xbf16>, vector<16x4096xf32> -> vector<16x4096xf32>
    %dot_general3A_21 = arith.constant dense<0.000000e+00> : vector<16x4096xf32>
    %dot_general3A_22 = tpu.matmul %convert_element_type3A_14, %convert_element_type3A_18, %dot_general3A_21 {dimension_numbers = #tpu.dot_dimension_numbers<[1], [1], [0], [0], [0, 0, 1, 0], [], []>, transpose_lhs_hint = false} : vector<16x16xbf16>, vector<4096x16xbf16>, vector<16x4096xf32> -> vector<16x4096xf32>
    %add3A_23 = arith.addf %dot_general3A_20, %dot_general3A_22 : vector<16x4096xf32>
    %get3A_24 = arith.constant 0 : index
    %get3A_25 = arith.constant 0 : index
    %get3A_26 = vector.load %arg3[%get3A_24, %get3A_25] : memref<3x4096xf32, #tpu.memory_space<vmem>>, vector<1x4096xf32>
    %get3A_27 = arith.constant 1 : index
    %get3A_28 = arith.constant 0 : index
    %get3A_29 = vector.load %arg3[%get3A_27, %get3A_28] : memref<3x4096xf32, #tpu.memory_space<vmem>>, vector<1x4096xf32>
    %get3A_30 = arith.constant 2 : index
    %get3A_31 = arith.constant 0 : index
    %get3A_32 = vector.load %arg3[%get3A_30, %get3A_31] : memref<3x4096xf32, #tpu.memory_space<vmem>>, vector<1x4096xf32>
    %slice3A = vector.extract_strided_slice %add3A_23 {offsets = [0, 0], sizes = [1, 4096], strides = [1, 1]} : vector<16x4096xf32> to vector<1x4096xf32>
    %slice3A_33 = vector.extract_strided_slice %add3A {offsets = [0, 0], sizes = [1, 4096], strides = [1, 1]} : vector<16x4096xf32> to vector<1x4096xf32>
    %sub3A_34 = arith.subf %slice3A, %slice3A_33 : vector<1x4096xf32>
    %slice3A_35 = vector.extract_strided_slice %add3A {offsets = [3, 0], sizes = [1, 4096], strides = [1, 1]} : vector<16x4096xf32> to vector<1x4096xf32>
    %mul3A = arith.mulf %get3A_26, %slice3A_35 : vector<1x4096xf32>
    %slice3A_36 = vector.extract_strided_slice %add3A {offsets = [6, 0], sizes = [1, 4096], strides = [1, 1]} : vector<16x4096xf32> to vector<1x4096xf32>
    %mul3A_37 = arith.mulf %get3A_29, %slice3A_36 : vector<1x4096xf32>
    %add3A_38 = arith.addf %mul3A, %mul3A_37 : vector<1x4096xf32>
    %slice3A_39 = vector.extract_strided_slice %add3A {offsets = [9, 0], sizes = [1, 4096], strides = [1, 1]} : vector<16x4096xf32> to vector<1x4096xf32>
    %mul3A_40 = arith.mulf %get3A_32, %slice3A_39 : vector<1x4096xf32>
    %add3A_41 = arith.addf %add3A_38, %mul3A_40 : vector<1x4096xf32>
    %add3A_42 = arith.addf %sub3A_34, %add3A_41 : vector<1x4096xf32>
    %slice3A_43 = vector.extract_strided_slice %add3A_23 {offsets = [1, 0], sizes = [1, 4096], strides = [1, 1]} : vector<16x4096xf32> to vector<1x4096xf32>
    %slice3A_44 = vector.extract_strided_slice %add3A {offsets = [1, 0], sizes = [1, 4096], strides = [1, 1]} : vector<16x4096xf32> to vector<1x4096xf32>
    %sub3A_45 = arith.subf %slice3A_43, %slice3A_44 : vector<1x4096xf32>
    %slice3A_46 = vector.extract_strided_slice %add3A {offsets = [4, 0], sizes = [1, 4096], strides = [1, 1]} : vector<16x4096xf32> to vector<1x4096xf32>
    %mul3A_47 = arith.mulf %get3A_26, %slice3A_46 : vector<1x4096xf32>
    %slice3A_48 = vector.extract_strided_slice %add3A {offsets = [7, 0], sizes = [1, 4096], strides = [1, 1]} : vector<16x4096xf32> to vector<1x4096xf32>
    %mul3A_49 = arith.mulf %get3A_29, %slice3A_48 : vector<1x4096xf32>
    %add3A_50 = arith.addf %mul3A_47, %mul3A_49 : vector<1x4096xf32>
    %slice3A_51 = vector.extract_strided_slice %add3A {offsets = [10, 0], sizes = [1, 4096], strides = [1, 1]} : vector<16x4096xf32> to vector<1x4096xf32>
    %mul3A_52 = arith.mulf %get3A_32, %slice3A_51 : vector<1x4096xf32>
    %add3A_53 = arith.addf %add3A_50, %mul3A_52 : vector<1x4096xf32>
    %add3A_54 = arith.addf %sub3A_45, %add3A_53 : vector<1x4096xf32>
    %slice3A_55 = vector.extract_strided_slice %add3A_23 {offsets = [2, 0], sizes = [1, 4096], strides = [1, 1]} : vector<16x4096xf32> to vector<1x4096xf32>
    %slice3A_56 = vector.extract_strided_slice %add3A {offsets = [2, 0], sizes = [1, 4096], strides = [1, 1]} : vector<16x4096xf32> to vector<1x4096xf32>
    %sub3A_57 = arith.subf %slice3A_55, %slice3A_56 : vector<1x4096xf32>
    %slice3A_58 = vector.extract_strided_slice %add3A {offsets = [5, 0], sizes = [1, 4096], strides = [1, 1]} : vector<16x4096xf32> to vector<1x4096xf32>
    %mul3A_59 = arith.mulf %get3A_26, %slice3A_58 : vector<1x4096xf32>
    %slice3A_60 = vector.extract_strided_slice %add3A {offsets = [8, 0], sizes = [1, 4096], strides = [1, 1]} : vector<16x4096xf32> to vector<1x4096xf32>
    %mul3A_61 = arith.mulf %get3A_29, %slice3A_60 : vector<1x4096xf32>
    %add3A_62 = arith.addf %mul3A_59, %mul3A_61 : vector<1x4096xf32>
    %slice3A_63 = vector.extract_strided_slice %add3A {offsets = [11, 0], sizes = [1, 4096], strides = [1, 1]} : vector<16x4096xf32> to vector<1x4096xf32>
    %mul3A_64 = arith.mulf %get3A_32, %slice3A_63 : vector<1x4096xf32>
    %add3A_65 = arith.addf %add3A_62, %mul3A_64 : vector<1x4096xf32>
    %add3A_66 = arith.addf %sub3A_57, %add3A_65 : vector<1x4096xf32>
    %mul3A_67 = arith.mulf %add3A_42, %add3A_42 : vector<1x4096xf32>
    %mul3A_68 = arith.mulf %add3A_54, %add3A_54 : vector<1x4096xf32>
    %add3A_69 = arith.addf %mul3A_67, %mul3A_68 : vector<1x4096xf32>
    %mul3A_70 = arith.mulf %add3A_66, %add3A_66 : vector<1x4096xf32>
    %add3A_71 = arith.addf %add3A_69, %mul3A_70 : vector<1x4096xf32>
    %add3A_72 = arith.constant 9.99999996E-13 : f32
    %add3A_73 = vector.broadcast %add3A_72 : f32 to vector<1x4096xf32>
    %add3A_74 = arith.addf %add3A_71, %add3A_73 : vector<1x4096xf32>
    %sqrt3A = math.sqrt %add3A_74 : vector<1x4096xf32>
    %add3A_75 = arith.constant 9.99999971E-10 : f32
    %add3A_76 = vector.broadcast %add3A_75 : f32 to vector<1x4096xf32>
    %add3A_77 = arith.addf %sqrt3A, %add3A_76 : vector<1x4096xf32>
    %div3A = arith.constant 1.000000e+00 : f32
    %div3A_78 = vector.broadcast %div3A : f32 to vector<1x4096xf32>
    %div3A_79 = arith.divf %div3A_78, %add3A_77 : vector<1x4096xf32>
    %mul3A_80 = arith.mulf %add3A_42, %div3A_79 : vector<1x4096xf32>
    %mul3A_81 = arith.mulf %add3A_54, %div3A_79 : vector<1x4096xf32>
    %mul3A_82 = arith.mulf %add3A_66, %div3A_79 : vector<1x4096xf32>
    %mul3A_83 = arith.constant 0.628318548 : f32
    %mul3A_84 = vector.broadcast %mul3A_83 : f32 to vector<1x4096xf32>
    %mul3A_85 = arith.mulf %sqrt3A, %mul3A_84 : vector<1x4096xf32>
    %cos3A = math.cos %mul3A_85 : vector<1x4096xf32>
    %sin3A = math.sin %mul3A_85 : vector<1x4096xf32>
    %lt3A = arith.constant 5.000000e+00 : f32
    %lt3A_86 = vector.broadcast %lt3A : f32 to vector<1x4096xf32>
    %lt3A_87 = arith.cmpf olt, %sqrt3A, %lt3A_86 : vector<1x4096xf32>
    %add3A_88 = arith.constant 1.000000e+00 : f32
    %add3A_89 = vector.broadcast %add3A_88 : f32 to vector<1x4096xf32>
    %add3A_90 = arith.addf %cos3A, %add3A_89 : vector<1x4096xf32>
    %mul3A_91 = arith.constant 5.000000e-01 : f32
    %mul3A_92 = vector.broadcast %mul3A_91 : f32 to vector<1x4096xf32>
    %mul3A_93 = arith.mulf %mul3A_92, %add3A_90 : vector<1x4096xf32>
    %jit3A = arith.constant 0.000000e+00 : f32
    %broadcast_in_dim3A = vector.broadcast %jit3A : f32 to vector<1x4096xf32>
    %select_n3A = arith.select %lt3A_87, %mul3A_93, %broadcast_in_dim3A : vector<1x4096xi1>, vector<1x4096xf32>
    %mul3A_94 = arith.constant 0.632455527 : f32
    %mul3A_95 = vector.broadcast %mul3A_94 : f32 to vector<1x4096xf32>
    %mul3A_96 = arith.mulf %mul3A_95, %div3A_79 : vector<1x4096xf32>
    %mul3A_97 = arith.mulf %mul3A_96, %select_n3A : vector<1x4096xf32>
    %mul3A_98 = arith.mulf %mul3A_97, %sin3A : vector<1x4096xf32>
    %mul3A_99 = arith.mulf %cos3A, %cos3A : vector<1x4096xf32>
    %mul3A_100 = arith.mulf %mul3A_99, %cos3A : vector<1x4096xf32>
    %mul3A_101 = arith.mulf %mul3A_99, %mul3A_99 : vector<1x4096xf32>
    %mul3A_102 = arith.mulf %mul3A_100, %mul3A_99 : vector<1x4096xf32>
    %mul3A_103 = arith.mulf %mul3A_100, %mul3A_100 : vector<1x4096xf32>
    %mul3A_104 = arith.mulf %mul3A_101, %mul3A_100 : vector<1x4096xf32>
    %broadcast_in_dim3A_105 = arith.constant 1.000000e+00 : f32
    %broadcast_in_dim3A_106 = vector.broadcast %broadcast_in_dim3A_105 : f32 to vector<1x4096xf32>
    %concatenate3A = tpu.concatenate %broadcast_in_dim3A_106, %cos3A, %mul3A_99, %mul3A_100, %mul3A_101, %mul3A_102, %mul3A_103, %mul3A_104 in 0 : vector<1x4096xf32>, vector<1x4096xf32>, vector<1x4096xf32>, vector<1x4096xf32>, vector<1x4096xf32>, vector<1x4096xf32>, vector<1x4096xf32>, vector<1x4096xf32> -> vector<8x4096xf32>
    %mul3A_107 = arith.constant 0.282094806 : f32
    %mul3A_108 = vector.broadcast %mul3A_107 : f32 to vector<1x4096xf32>
    %mul3A_109 = arith.mulf %mul3A_108, %mul3A_98 : vector<1x4096xf32>
    %mul3A_110 = arith.constant 0.371257633 : f32
    %mul3A_111 = vector.broadcast %mul3A_110 : f32 to vector<1x4096xf32>
    %mul3A_112 = arith.mulf %mul3A_111, %mul3A_81 : vector<1x4096xf32>
    %mul3A_113 = arith.mulf %mul3A_112, %mul3A_98 : vector<1x4096xf32>
    %mul3A_114 = arith.constant 0.371257633 : f32
    %mul3A_115 = vector.broadcast %mul3A_114 : f32 to vector<1x4096xf32>
    %mul3A_116 = arith.mulf %mul3A_115, %mul3A_82 : vector<1x4096xf32>
    %mul3A_117 = arith.mulf %mul3A_116, %mul3A_98 : vector<1x4096xf32>
    %mul3A_118 = arith.constant 0.371257633 : f32
    %mul3A_119 = vector.broadcast %mul3A_118 : f32 to vector<1x4096xf32>
    %mul3A_120 = arith.mulf %mul3A_119, %mul3A_80 : vector<1x4096xf32>
    %mul3A_121 = arith.mulf %mul3A_120, %mul3A_98 : vector<1x4096xf32>
    %mul3A_122 = arith.constant 0.730631172 : f32
    %mul3A_123 = vector.broadcast %mul3A_122 : f32 to vector<1x4096xf32>
    %mul3A_124 = arith.mulf %mul3A_123, %mul3A_80 : vector<1x4096xf32>
    %mul3A_125 = arith.mulf %mul3A_124, %mul3A_81 : vector<1x4096xf32>
    %mul3A_126 = arith.mulf %mul3A_125, %mul3A_98 : vector<1x4096xf32>
    %mul3A_127 = arith.constant 0.730631172 : f32
    %mul3A_128 = vector.broadcast %mul3A_127 : f32 to vector<1x4096xf32>
    %mul3A_129 = arith.mulf %mul3A_128, %mul3A_81 : vector<1x4096xf32>
    %mul3A_130 = arith.mulf %mul3A_129, %mul3A_82 : vector<1x4096xf32>
    %mul3A_131 = arith.mulf %mul3A_130, %mul3A_98 : vector<1x4096xf32>
    %mul3A_132 = arith.constant 3.000000e+00 : f32
    %mul3A_133 = vector.broadcast %mul3A_132 : f32 to vector<1x4096xf32>
    %mul3A_134 = arith.mulf %mul3A_133, %mul3A_82 : vector<1x4096xf32>
    %mul3A_135 = arith.mulf %mul3A_134, %mul3A_82 : vector<1x4096xf32>
    %sub3A_136 = arith.constant 1.000000e+00 : f32
    %sub3A_137 = vector.broadcast %sub3A_136 : f32 to vector<1x4096xf32>
    %sub3A_138 = arith.subf %mul3A_135, %sub3A_137 : vector<1x4096xf32>
    %mul3A_139 = arith.constant 0.210915059 : f32
    %mul3A_140 = vector.broadcast %mul3A_139 : f32 to vector<1x4096xf32>
    %mul3A_141 = arith.mulf %mul3A_140, %sub3A_138 : vector<1x4096xf32>
    %mul3A_142 = arith.mulf %mul3A_141, %mul3A_98 : vector<1x4096xf32>
    %mul3A_143 = arith.constant 0.730631172 : f32
    %mul3A_144 = vector.broadcast %mul3A_143 : f32 to vector<1x4096xf32>
    %mul3A_145 = arith.mulf %mul3A_144, %mul3A_80 : vector<1x4096xf32>
    %mul3A_146 = arith.mulf %mul3A_145, %mul3A_82 : vector<1x4096xf32>
    %mul3A_147 = arith.mulf %mul3A_146, %mul3A_98 : vector<1x4096xf32>
    %mul3A_148 = arith.mulf %mul3A_80, %mul3A_80 : vector<1x4096xf32>
    %mul3A_149 = arith.mulf %mul3A_81, %mul3A_81 : vector<1x4096xf32>
    %sub3A_150 = arith.subf %mul3A_148, %mul3A_149 : vector<1x4096xf32>
    %mul3A_151 = arith.constant 0.365315586 : f32
    %mul3A_152 = vector.broadcast %mul3A_151 : f32 to vector<1x4096xf32>
    %mul3A_153 = arith.mulf %mul3A_152, %sub3A_150 : vector<1x4096xf32>
    %mul3A_154 = arith.mulf %mul3A_153, %mul3A_98 : vector<1x4096xf32>
    %concatenate3A_155 = tpu.concatenate %mul3A_109, %mul3A_113, %mul3A_117, %mul3A_121, %mul3A_126, %mul3A_131, %mul3A_142, %mul3A_147, %mul3A_154 in 0 : vector<1x4096xf32>, vector<1x4096xf32>, vector<1x4096xf32>, vector<1x4096xf32>, vector<1x4096xf32>, vector<1x4096xf32>, vector<1x4096xf32>, vector<1x4096xf32>, vector<1x4096xf32> -> vector<9x4096xf32>
    %get3A_156 = arith.constant 0 : index
    %get3A_157 = arith.constant 0 : index
    %get3A_158 = vector.load %arg5[%get3A_156, %get3A_157] : memref<8x80xf32, #tpu.memory_space<vmem>>, vector<8x80xf32>
    %convert_element_type3A_159 = arith.truncf %concatenate3A : vector<8x4096xf32> to vector<8x4096xbf16>
    %convert_element_type3A_160 = arith.extf %convert_element_type3A_159 : vector<8x4096xbf16> to vector<8x4096xf32>
    %sub3A_161 = arith.subf %concatenate3A, %convert_element_type3A_160 : vector<8x4096xf32>
    %convert_element_type3A_162 = arith.truncf %sub3A_161 : vector<8x4096xf32> to vector<8x4096xbf16>
    %convert_element_type3A_163 = arith.truncf %get3A_158 : vector<8x80xf32> to vector<8x80xbf16>
    %dot_general3A_164 = arith.constant dense<0.000000e+00> : vector<4096x80xf32>
    %dot_general3A_165 = tpu.matmul %convert_element_type3A_159, %convert_element_type3A_163, %dot_general3A_164 {dimension_numbers = #tpu.dot_dimension_numbers<[0], [0], [1], [1], [0, 1, 1, 1], [], []>, transpose_lhs_hint = false} : vector<8x4096xbf16>, vector<8x80xbf16>, vector<4096x80xf32> -> vector<4096x80xf32>
    %dot_general3A_166 = arith.constant dense<0.000000e+00> : vector<4096x80xf32>
    %dot_general3A_167 = tpu.matmul %convert_element_type3A_162, %convert_element_type3A_163, %dot_general3A_166 {dimension_numbers = #tpu.dot_dimension_numbers<[0], [0], [1], [1], [0, 1, 1, 1], [], []>, transpose_lhs_hint = false} : vector<8x4096xbf16>, vector<8x80xbf16>, vector<4096x80xf32> -> vector<4096x80xf32>
    %add3A_168 = arith.addf %dot_general3A_165, %dot_general3A_167 : vector<4096x80xf32>
    %get3A_169 = arith.constant 0 : index
    %get3A_170 = arith.constant 0 : index
    %get3A_171 = vector.load %arg6[%get3A_169, %get3A_170] : memref<9x80xf32, #tpu.memory_space<vmem>>, vector<9x80xf32>
    %convert_element_type3A_172 = arith.truncf %concatenate3A_155 : vector<9x4096xf32> to vector<9x4096xbf16>
    %convert_element_type3A_173 = arith.extf %convert_element_type3A_172 : vector<9x4096xbf16> to vector<9x4096xf32>
    %sub3A_174 = arith.subf %concatenate3A_155, %convert_element_type3A_173 : vector<9x4096xf32>
    %convert_element_type3A_175 = arith.truncf %sub3A_174 : vector<9x4096xf32> to vector<9x4096xbf16>
    %convert_element_type3A_176 = arith.truncf %get3A_171 : vector<9x80xf32> to vector<9x80xbf16>
    %dot_general3A_177 = arith.constant dense<0.000000e+00> : vector<4096x80xf32>
    %dot_general3A_178 = tpu.matmul %convert_element_type3A_172, %convert_element_type3A_176, %dot_general3A_177 {dimension_numbers = #tpu.dot_dimension_numbers<[0], [0], [1], [1], [0, 1, 1, 1], [], []>, transpose_lhs_hint = false} : vector<9x4096xbf16>, vector<9x80xbf16>, vector<4096x80xf32> -> vector<4096x80xf32>
    %dot_general3A_179 = arith.constant dense<0.000000e+00> : vector<4096x80xf32>
    %dot_general3A_180 = tpu.matmul %convert_element_type3A_175, %convert_element_type3A_176, %dot_general3A_179 {dimension_numbers = #tpu.dot_dimension_numbers<[0], [0], [1], [1], [0, 1, 1, 1], [], []>, transpose_lhs_hint = false} : vector<9x4096xbf16>, vector<9x80xbf16>, vector<4096x80xf32> -> vector<4096x80xf32>
    %add3A_181 = arith.addf %dot_general3A_178, %dot_general3A_180 : vector<4096x80xf32>
    %mul3A_182 = arith.mulf %add3A_168, %add3A_181 : vector<4096x80xf32>
    %swap3A = arith.constant 0 : index
    %swap3A_183 = arith.constant 0 : index
    %swap3A_184 = vector.load %arg7[%swap3A, %swap3A_183] : memref<4096x80xf32, #tpu.memory_space<vmem>>, vector<4096x80xf32>
    tpu.vector_store %arg7[%swap3A, %swap3A_183], %mul3A_182 {strides = array<i32>} : memref<4096x80xf32, #tpu.memory_space<vmem>>, vector<4096x80xf32>,
    %slice3A_185 = vector.extract_strided_slice %add3A_23 {offsets = [3, 0], sizes = [1, 4096], strides = [1, 1]} : vector<16x4096xf32> to vector<1x4096xf32>
    %get3A_186 = arith.constant 0 : index
    %get3A_187 = arith.constant 0 : index
    %get3A_188 = vector.load %arg4[%get3A_186, %get3A_187] : memref<1x4096xf32, #tpu.memory_space<vmem>>, vector<1x4096xf32>
    %mul3A_189 = arith.constant 1.000000e+04 : f32
    %mul3A_190 = vector.broadcast %mul3A_189 : f32 to vector<1x4096xf32>
    %mul3A_191 = arith.mulf %slice3A_185, %mul3A_190 : vector<1x4096xf32>
    %add3A_192 = arith.addf %get3A_188, %mul3A_191 : vector<1x4096xf32>
    %iota3A_193 = tpu.iota {dimensions = array<i32: 1>} : vector<1x4096xi32>
    %mul3A_194 = arith.constant 4096 : i32
    %mul3A_195 = arith.muli %arg0, %mul3A_194 : i32
    %add3A_196 = vector.broadcast %mul3A_195 : i32 to vector<1x4096xi32>
    %add3A_197 = arith.addi %iota3A_193, %add3A_196 : vector<1x4096xi32>
    %and3A = arith.constant 255 : i32
    %and3A_198 = vector.broadcast %and3A : i32 to vector<1x4096xi32>
    %and3A_199 = arith.andi %add3A_197, %and3A_198 : vector<1x4096xi32>
    %add3A_200 = arith.constant 40000 : i32
    %add3A_201 = vector.broadcast %add3A_200 : i32 to vector<1x4096xi32>
    %add3A_202 = arith.addi %add3A_201, %and3A_199 : vector<1x4096xi32>
    %convert_element_type3A_203 = arith.sitofp %add3A_202 : vector<1x4096xi32> to vector<1x4096xf32>
    %lt3A_204 = arith.constant 160000 : i32
    %lt3A_205 = vector.broadcast %lt3A_204 : i32 to vector<1x4096xi32>
    %lt3A_206 = arith.cmpi slt, %add3A_197, %lt3A_205 : vector<1x4096xi32>
    %select_n3A_207 = arith.select %lt3A_206, %add3A_192, %convert_element_type3A_203 : vector<1x4096xi1>, vector<1x4096xf32>
    %swap3A_208 = arith.constant 0 : index
    %swap3A_209 = arith.constant 0 : index
    %swap3A_210 = vector.load %arg8[%swap3A_208, %swap3A_209] : memref<1x4096xf32, #tpu.memory_space<vmem>>, vector<1x4096xf32>
    tpu.vector_store %arg8[%swap3A_208, %swap3A_209], %select_n3A_207 {strides = array<i32>} : memref<1x4096xf32, #tpu.memory_space<vmem>>, vector<1x4096xf32>,
    return
  }
  func.func @transform_0(%arg0: i32) -> (i32, i32) {
    %c0_i32 = arith.constant 0 : i32
    %c0_i32_0 = arith.constant 0 : i32
    return %arg0, %c0_i32 : i32, i32
  }
  func.func @transform_1(%arg0: i32) -> (i32, i32) {
    %c0_i32 = arith.constant 0 : i32
    %c0_i32_0 = arith.constant 0 : i32
    return %arg0, %c0_i32 : i32, i32
  }
  func.func @transform_2(%arg0: i32) -> (i32, i32) {
    %c0_i32 = arith.constant 0 : i32
    %c0_i32_0 = arith.constant 0 : i32
    return %c0_i32, %arg0 : i32, i32
  }
  func.func @transform_3(%arg0: i32) -> (i32, i32) {
    %c0_i32 = arith.constant 0 : i32
    %c0_i32_0 = arith.constant 0 : i32
    return %c0_i32, %arg0 : i32, i32
  }
  func.func @transform_4(%arg0: i32) -> (i32, i32) {
    %c0_i32 = arith.constant 0 : i32
    %c0_i32_0 = arith.constant 0 : i32
    %c0_i32_1 = arith.constant 0 : i32
    return %c0_i32, %c0_i32_0 : i32, i32
  }
  func.func @transform_5(%arg0: i32) -> (i32, i32) {
    %c0_i32 = arith.constant 0 : i32
    %c0_i32_0 = arith.constant 0 : i32
    %c0_i32_1 = arith.constant 0 : i32
    return %c0_i32, %c0_i32_0 : i32, i32
  }
  func.func @transform_6(%arg0: i32) -> (i32, i32) {
    %c0_i32 = arith.constant 0 : i32
    %c0_i32_0 = arith.constant 0 : i32
    return %arg0, %c0_i32 : i32, i32
  }
  func.func @transform_7(%arg0: i32) -> (i32, i32) {
    %c0_i32 = arith.constant 0 : i32
    %c0_i32_0 = arith.constant 0 : i32
    return %c0_i32, %arg0 : i32, i32
  }
}

module attributes {stable_mosaic.version = 14 : i64} {
  func.func @body(%arg0: i32, %arg1: memref<1000x80xf32, #tpu.memory_space<vmem>>, %arg2: memref<1000x80xf32, #tpu.memory_space<vmem>>, %arg3: memref<1000x80xf32, #tpu.memory_space<vmem>>, %arg4: memref<1000x80xf32, #tpu.memory_space<vmem>>, %arg5: memref<1000x1xf32, #tpu.memory_space<vmem>>, %arg6: memref<4x4xf32, #tpu.memory_space<smem>>, %arg7: memref<1x4xf32, #tpu.memory_space<smem>>, %arg8: memref<1x4xf32, #tpu.memory_space<smem>>, %arg9: memref<32x1024xbf16, #tpu.memory_space<vmem>>, %arg10: memref<32x1024xbf16, #tpu.memory_space<vmem>>, %arg11: memref<32x8xf32, #tpu.memory_space<vmem>>, %arg12: memref<3072x8xf32, #tpu.memory_space<vmem>>, %arg13: memref<3072x256xf32, #tpu.memory_space<vmem>>, %arg14: memref<1x256xf32, #tpu.memory_space<vmem>>, %arg15: memref<256x256xf32, #tpu.memory_space<vmem>>, %arg16: memref<1x256xf32, #tpu.memory_space<vmem>>, %arg17: memref<256x8xf32, #tpu.memory_space<vmem>>, %arg18: memref<10x1000xf32, #tpu.memory_space<vmem>>, %arg19: memref<128x8xf32, #tpu.memory_space<vmem>>) attributes {dimension_semantics = [#tpu.dimension_semantics<arbitrary>], iteration_bounds = array<i64: 10>, scalar_prefetch = 0 : i64, scratch_operands = 0 : i64, tpu.core_type = #tpu.core_type<tc>, window_params = [{transform_indices = @transform_0, window_bounds = array<i64: 1000, 80>}, {transform_indices = @transform_1, window_bounds = array<i64: 1000, 80>}, {transform_indices = @transform_2, window_bounds = array<i64: 1000, 80>}, {transform_indices = @transform_3, window_bounds = array<i64: 1000, 80>}, {transform_indices = @transform_4, window_bounds = array<i64: 1000, 1>}, {transform_indices = @transform_5, window_bounds = array<i64: 4, 4>}, {transform_indices = @transform_6, window_bounds = array<i64: 1, 4>}, {transform_indices = @transform_7, window_bounds = array<i64: 1, 4>}, {pipeline_mode = #tpu.pipeline_mode<synchronous>, transform_indices = @transform_8, window_bounds = array<i64: 32, 1024>}, {pipeline_mode = #tpu.pipeline_mode<synchronous>, transform_indices = @transform_9, window_bounds = array<i64: 32, 1024>}, {pipeline_mode = #tpu.pipeline_mode<synchronous>, transform_indices = @transform_10, window_bounds = array<i64: 32, 8>}, {pipeline_mode = #tpu.pipeline_mode<synchronous>, transform_indices = @transform_11, window_bounds = array<i64: 3072, 8>}, {pipeline_mode = #tpu.pipeline_mode<synchronous>, transform_indices = @transform_12, window_bounds = array<i64: 3072, 256>}, {pipeline_mode = #tpu.pipeline_mode<synchronous>, transform_indices = @transform_13, window_bounds = array<i64: 1, 256>}, {pipeline_mode = #tpu.pipeline_mode<synchronous>, transform_indices = @transform_14, window_bounds = array<i64: 256, 256>}, {pipeline_mode = #tpu.pipeline_mode<synchronous>, transform_indices = @transform_15, window_bounds = array<i64: 1, 256>}, {pipeline_mode = #tpu.pipeline_mode<synchronous>, transform_indices = @transform_16, window_bounds = array<i64: 256, 8>}, {pipeline_mode = #tpu.pipeline_mode<synchronous>, transform_indices = @transform_17, window_bounds = array<i64: 10, 1000>}, {pipeline_mode = #tpu.pipeline_mode<synchronous>, transform_indices = @transform_18, window_bounds = array<i64: 128, 8>}]} {
    %get3A = arith.constant 0 : index
    %get3A_0 = arith.constant 0 : index
    %get3A_1 = vector.load %arg1[%get3A, %get3A_0] : memref<1000x80xf32, #tpu.memory_space<vmem>>, vector<1000x80xf32>
    %get3A_2 = arith.constant 0 : index
    %get3A_3 = arith.constant 0 : index
    %get3A_4 = vector.load %arg2[%get3A_2, %get3A_3] : memref<1000x80xf32, #tpu.memory_space<vmem>>, vector<1000x80xf32>
    %get3A_5 = arith.constant 0 : index
    %get3A_6 = arith.constant 0 : index
    %get3A_7 = vector.load %arg3[%get3A_5, %get3A_6] : memref<1000x80xf32, #tpu.memory_space<vmem>>, vector<1000x80xf32>
    %get3A_8 = arith.constant 0 : index
    %get3A_9 = arith.constant 0 : index
    %get3A_10 = vector.load %arg4[%get3A_8, %get3A_9] : memref<1000x80xf32, #tpu.memory_space<vmem>>, vector<1000x80xf32>
    %slice3A = vector.extract_strided_slice %get3A_1 {offsets = [0, 0], sizes = [1000, 8], strides = [1, 1]} : vector<1000x80xf32> to vector<1000x8xf32>
    %slice3A_11 = vector.extract_strided_slice %get3A_4 {offsets = [0, 0], sizes = [1000, 8], strides = [1, 1]} : vector<1000x80xf32> to vector<1000x8xf32>
    %slice3A_12 = vector.extract_strided_slice %get3A_7 {offsets = [0, 0], sizes = [1000, 8], strides = [1, 1]} : vector<1000x80xf32> to vector<1000x8xf32>
    %slice3A_13 = vector.extract_strided_slice %get3A_10 {offsets = [0, 0], sizes = [1000, 8], strides = [1, 1]} : vector<1000x80xf32> to vector<1000x8xf32>
    %concatenate3A = tpu.concatenate %slice3A, %slice3A_11, %slice3A_12, %slice3A_13 in 1 : vector<1000x8xf32>, vector<1000x8xf32>, vector<1000x8xf32>, vector<1000x8xf32> -> vector<1000x32xf32>
    %mul3A = arith.constant 3.54490781 : f32
    %mul3A_14 = vector.broadcast %mul3A : f32 to vector<1000x32xf32>
    %mul3A_15 = arith.mulf %concatenate3A, %mul3A_14 : vector<1000x32xf32>
    %get3A_16 = arith.constant 0 : index
    %get3A_17 = arith.constant 0 : index
    %get3A_18 = memref.load %arg6[%get3A_16, %get3A_17] : memref<4x4xf32, #tpu.memory_space<smem>>
    %mul3A_19 = vector.broadcast %get3A_18 : f32 to vector<1000x80xf32>
    %mul3A_20 = arith.mulf %mul3A_19, %get3A_1 : vector<1000x80xf32>
    %get3A_21 = arith.constant 1 : index
    %get3A_22 = arith.constant 0 : index
    %get3A_23 = memref.load %arg6[%get3A_21, %get3A_22] : memref<4x4xf32, #tpu.memory_space<smem>>
    %mul3A_24 = vector.broadcast %get3A_23 : f32 to vector<1000x80xf32>
    %mul3A_25 = arith.mulf %mul3A_24, %get3A_4 : vector<1000x80xf32>
    %add3A = arith.addf %mul3A_20, %mul3A_25 : vector<1000x80xf32>
    %get3A_26 = arith.constant 2 : index
    %get3A_27 = arith.constant 0 : index
    %get3A_28 = memref.load %arg6[%get3A_26, %get3A_27] : memref<4x4xf32, #tpu.memory_space<smem>>
    %mul3A_29 = vector.broadcast %get3A_28 : f32 to vector<1000x80xf32>
    %mul3A_30 = arith.mulf %mul3A_29, %get3A_7 : vector<1000x80xf32>
    %add3A_31 = arith.addf %add3A, %mul3A_30 : vector<1000x80xf32>
    %get3A_32 = arith.constant 3 : index
    %get3A_33 = arith.constant 0 : index
    %get3A_34 = memref.load %arg6[%get3A_32, %get3A_33] : memref<4x4xf32, #tpu.memory_space<smem>>
    %mul3A_35 = vector.broadcast %get3A_34 : f32 to vector<1000x80xf32>
    %mul3A_36 = arith.mulf %mul3A_35, %get3A_10 : vector<1000x80xf32>
    %add3A_37 = arith.addf %add3A_31, %mul3A_36 : vector<1000x80xf32>
    %get3A_38 = arith.constant 0 : index
    %get3A_39 = arith.constant 1 : index
    %get3A_40 = memref.load %arg6[%get3A_38, %get3A_39] : memref<4x4xf32, #tpu.memory_space<smem>>
    %mul3A_41 = vector.broadcast %get3A_40 : f32 to vector<1000x80xf32>
    %mul3A_42 = arith.mulf %mul3A_41, %get3A_1 : vector<1000x80xf32>
    %get3A_43 = arith.constant 1 : index
    %get3A_44 = arith.constant 1 : index
    %get3A_45 = memref.load %arg6[%get3A_43, %get3A_44] : memref<4x4xf32, #tpu.memory_space<smem>>
    %mul3A_46 = vector.broadcast %get3A_45 : f32 to vector<1000x80xf32>
    %mul3A_47 = arith.mulf %mul3A_46, %get3A_4 : vector<1000x80xf32>
    %add3A_48 = arith.addf %mul3A_42, %mul3A_47 : vector<1000x80xf32>
    %get3A_49 = arith.constant 2 : index
    %get3A_50 = arith.constant 1 : index
    %get3A_51 = memref.load %arg6[%get3A_49, %get3A_50] : memref<4x4xf32, #tpu.memory_space<smem>>
    %mul3A_52 = vector.broadcast %get3A_51 : f32 to vector<1000x80xf32>
    %mul3A_53 = arith.mulf %mul3A_52, %get3A_7 : vector<1000x80xf32>
    %add3A_54 = arith.addf %add3A_48, %mul3A_53 : vector<1000x80xf32>
    %get3A_55 = arith.constant 3 : index
    %get3A_56 = arith.constant 1 : index
    %get3A_57 = memref.load %arg6[%get3A_55, %get3A_56] : memref<4x4xf32, #tpu.memory_space<smem>>
    %mul3A_58 = vector.broadcast %get3A_57 : f32 to vector<1000x80xf32>
    %mul3A_59 = arith.mulf %mul3A_58, %get3A_10 : vector<1000x80xf32>
    %add3A_60 = arith.addf %add3A_54, %mul3A_59 : vector<1000x80xf32>
    %get3A_61 = arith.constant 0 : index
    %get3A_62 = arith.constant 2 : index
    %get3A_63 = memref.load %arg6[%get3A_61, %get3A_62] : memref<4x4xf32, #tpu.memory_space<smem>>
    %mul3A_64 = vector.broadcast %get3A_63 : f32 to vector<1000x80xf32>
    %mul3A_65 = arith.mulf %mul3A_64, %get3A_1 : vector<1000x80xf32>
    %get3A_66 = arith.constant 1 : index
    %get3A_67 = arith.constant 2 : index
    %get3A_68 = memref.load %arg6[%get3A_66, %get3A_67] : memref<4x4xf32, #tpu.memory_space<smem>>
    %mul3A_69 = vector.broadcast %get3A_68 : f32 to vector<1000x80xf32>
    %mul3A_70 = arith.mulf %mul3A_69, %get3A_4 : vector<1000x80xf32>
    %add3A_71 = arith.addf %mul3A_65, %mul3A_70 : vector<1000x80xf32>
    %get3A_72 = arith.constant 2 : index
    %get3A_73 = arith.constant 2 : index
    %get3A_74 = memref.load %arg6[%get3A_72, %get3A_73] : memref<4x4xf32, #tpu.memory_space<smem>>
    %mul3A_75 = vector.broadcast %get3A_74 : f32 to vector<1000x80xf32>
    %mul3A_76 = arith.mulf %mul3A_75, %get3A_7 : vector<1000x80xf32>
    %add3A_77 = arith.addf %add3A_71, %mul3A_76 : vector<1000x80xf32>
    %get3A_78 = arith.constant 3 : index
    %get3A_79 = arith.constant 2 : index
    %get3A_80 = memref.load %arg6[%get3A_78, %get3A_79] : memref<4x4xf32, #tpu.memory_space<smem>>
    %mul3A_81 = vector.broadcast %get3A_80 : f32 to vector<1000x80xf32>
    %mul3A_82 = arith.mulf %mul3A_81, %get3A_10 : vector<1000x80xf32>
    %add3A_83 = arith.addf %add3A_77, %mul3A_82 : vector<1000x80xf32>
    %get3A_84 = arith.constant 0 : index
    %get3A_85 = arith.constant 3 : index
    %get3A_86 = memref.load %arg6[%get3A_84, %get3A_85] : memref<4x4xf32, #tpu.memory_space<smem>>
    %mul3A_87 = vector.broadcast %get3A_86 : f32 to vector<1000x80xf32>
    %mul3A_88 = arith.mulf %mul3A_87, %get3A_1 : vector<1000x80xf32>
    %get3A_89 = arith.constant 1 : index
    %get3A_90 = arith.constant 3 : index
    %get3A_91 = memref.load %arg6[%get3A_89, %get3A_90] : memref<4x4xf32, #tpu.memory_space<smem>>
    %mul3A_92 = vector.broadcast %get3A_91 : f32 to vector<1000x80xf32>
    %mul3A_93 = arith.mulf %mul3A_92, %get3A_4 : vector<1000x80xf32>
    %add3A_94 = arith.addf %mul3A_88, %mul3A_93 : vector<1000x80xf32>
    %get3A_95 = arith.constant 2 : index
    %get3A_96 = arith.constant 3 : index
    %get3A_97 = memref.load %arg6[%get3A_95, %get3A_96] : memref<4x4xf32, #tpu.memory_space<smem>>
    %mul3A_98 = vector.broadcast %get3A_97 : f32 to vector<1000x80xf32>
    %mul3A_99 = arith.mulf %mul3A_98, %get3A_7 : vector<1000x80xf32>
    %add3A_100 = arith.addf %add3A_94, %mul3A_99 : vector<1000x80xf32>
    %get3A_101 = arith.constant 3 : index
    %get3A_102 = arith.constant 3 : index
    %get3A_103 = memref.load %arg6[%get3A_101, %get3A_102] : memref<4x4xf32, #tpu.memory_space<smem>>
    %mul3A_104 = vector.broadcast %get3A_103 : f32 to vector<1000x80xf32>
    %mul3A_105 = arith.mulf %mul3A_104, %get3A_10 : vector<1000x80xf32>
    %add3A_106 = arith.addf %add3A_100, %mul3A_105 : vector<1000x80xf32>
    %get3A_107 = arith.constant 0 : index
    %get3A_108 = arith.constant 0 : index
    %get3A_109 = vector.load %arg9[%get3A_107, %get3A_108] : memref<32x1024xbf16, #tpu.memory_space<vmem>>, vector<32x1024xbf16>
    %get3A_110 = arith.constant 0 : index
    %get3A_111 = arith.constant 0 : index
    %get3A_112 = vector.load %arg10[%get3A_110, %get3A_111] : memref<32x1024xbf16, #tpu.memory_space<vmem>>, vector<32x1024xbf16>
    %slice3A_113 = vector.extract_strided_slice %add3A_37 {offsets = [0, 0], sizes = [1000, 8], strides = [1, 1]} : vector<1000x80xf32> to vector<1000x8xf32>
    %slice3A_114 = vector.extract_strided_slice %add3A_60 {offsets = [0, 0], sizes = [1000, 8], strides = [1, 1]} : vector<1000x80xf32> to vector<1000x8xf32>
    %slice3A_115 = vector.extract_strided_slice %add3A_83 {offsets = [0, 0], sizes = [1000, 8], strides = [1, 1]} : vector<1000x80xf32> to vector<1000x8xf32>
    %slice3A_116 = vector.extract_strided_slice %add3A_106 {offsets = [0, 0], sizes = [1000, 8], strides = [1, 1]} : vector<1000x80xf32> to vector<1000x8xf32>
    %concatenate3A_117 = tpu.concatenate %slice3A_113, %slice3A_114, %slice3A_115, %slice3A_116 in 1 : vector<1000x8xf32>, vector<1000x8xf32>, vector<1000x8xf32>, vector<1000x8xf32> -> vector<1000x32xf32>
    %convert_element_type3A = arith.truncf %concatenate3A_117 : vector<1000x32xf32> to vector<1000x32xbf16>
    %convert_element_type3A_118 = arith.extf %convert_element_type3A : vector<1000x32xbf16> to vector<1000x32xf32>
    %sub3A = arith.subf %concatenate3A_117, %convert_element_type3A_118 : vector<1000x32xf32>
    %convert_element_type3A_119 = arith.truncf %sub3A : vector<1000x32xf32> to vector<1000x32xbf16>
    %dot_general3A = arith.constant dense<0.000000e+00> : vector<1000x1024xf32>
    %dot_general3A_120 = tpu.matmul %convert_element_type3A, %get3A_109, %dot_general3A {dimension_numbers = #tpu.dot_dimension_numbers<[1], [0], [0], [1], [0, 0, 1, 1], [], []>, transpose_lhs_hint = false} : vector<1000x32xbf16>, vector<32x1024xbf16>, vector<1000x1024xf32> -> vector<1000x1024xf32>
    %dot_general3A_121 = arith.constant dense<0.000000e+00> : vector<1000x1024xf32>
    %dot_general3A_122 = tpu.matmul %convert_element_type3A_119, %get3A_109, %dot_general3A_121 {dimension_numbers = #tpu.dot_dimension_numbers<[1], [0], [0], [1], [0, 0, 1, 1], [], []>, transpose_lhs_hint = false} : vector<1000x32xbf16>, vector<32x1024xbf16>, vector<1000x1024xf32> -> vector<1000x1024xf32>
    %add3A_123 = arith.addf %dot_general3A_120, %dot_general3A_122 : vector<1000x1024xf32>
    %dot_general3A_124 = arith.constant dense<0.000000e+00> : vector<1000x1024xf32>
    %dot_general3A_125 = tpu.matmul %convert_element_type3A, %get3A_112, %dot_general3A_124 {dimension_numbers = #tpu.dot_dimension_numbers<[1], [0], [0], [1], [0, 0, 1, 1], [], []>, transpose_lhs_hint = false} : vector<1000x32xbf16>, vector<32x1024xbf16>, vector<1000x1024xf32> -> vector<1000x1024xf32>
    %dot_general3A_126 = arith.constant dense<0.000000e+00> : vector<1000x1024xf32>
    %dot_general3A_127 = tpu.matmul %convert_element_type3A_119, %get3A_112, %dot_general3A_126 {dimension_numbers = #tpu.dot_dimension_numbers<[1], [0], [0], [1], [0, 0, 1, 1], [], []>, transpose_lhs_hint = false} : vector<1000x32xbf16>, vector<32x1024xbf16>, vector<1000x1024xf32> -> vector<1000x1024xf32>
    %add3A_128 = arith.addf %dot_general3A_125, %dot_general3A_127 : vector<1000x1024xf32>
    %mul3A_129 = arith.mulf %add3A_123, %add3A_128 : vector<1000x1024xf32>
    %slice3A_130 = vector.extract_strided_slice %add3A_37 {offsets = [0, 8], sizes = [1000, 8], strides = [1, 1]} : vector<1000x80xf32> to vector<1000x8xf32>
    %slice3A_131 = vector.extract_strided_slice %add3A_60 {offsets = [0, 8], sizes = [1000, 8], strides = [1, 1]} : vector<1000x80xf32> to vector<1000x8xf32>
    %slice3A_132 = vector.extract_strided_slice %add3A_83 {offsets = [0, 8], sizes = [1000, 8], strides = [1, 1]} : vector<1000x80xf32> to vector<1000x8xf32>
    %slice3A_133 = vector.extract_strided_slice %add3A_106 {offsets = [0, 8], sizes = [1000, 8], strides = [1, 1]} : vector<1000x80xf32> to vector<1000x8xf32>
    %concatenate3A_134 = tpu.concatenate %slice3A_130, %slice3A_131, %slice3A_132, %slice3A_133 in 1 : vector<1000x8xf32>, vector<1000x8xf32>, vector<1000x8xf32>, vector<1000x8xf32> -> vector<1000x32xf32>
    %convert_element_type3A_135 = arith.truncf %concatenate3A_134 : vector<1000x32xf32> to vector<1000x32xbf16>
    %convert_element_type3A_136 = arith.extf %convert_element_type3A_135 : vector<1000x32xbf16> to vector<1000x32xf32>
    %sub3A_137 = arith.subf %concatenate3A_134, %convert_element_type3A_136 : vector<1000x32xf32>
    %convert_element_type3A_138 = arith.truncf %sub3A_137 : vector<1000x32xf32> to vector<1000x32xbf16>
    %dot_general3A_139 = arith.constant dense<0.000000e+00> : vector<1000x1024xf32>
    %dot_general3A_140 = tpu.matmul %convert_element_type3A_135, %get3A_109, %dot_general3A_139 {dimension_numbers = #tpu.dot_dimension_numbers<[1], [0], [0], [1], [0, 0, 1, 1], [], []>, transpose_lhs_hint = false} : vector<1000x32xbf16>, vector<32x1024xbf16>, vector<1000x1024xf32> -> vector<1000x1024xf32>
    %dot_general3A_141 = arith.constant dense<0.000000e+00> : vector<1000x1024xf32>
    %dot_general3A_142 = tpu.matmul %convert_element_type3A_138, %get3A_109, %dot_general3A_141 {dimension_numbers = #tpu.dot_dimension_numbers<[1], [0], [0], [1], [0, 0, 1, 1], [], []>, transpose_lhs_hint = false} : vector<1000x32xbf16>, vector<32x1024xbf16>, vector<1000x1024xf32> -> vector<1000x1024xf32>
    %add3A_143 = arith.addf %dot_general3A_140, %dot_general3A_142 : vector<1000x1024xf32>
    %dot_general3A_144 = arith.constant dense<0.000000e+00> : vector<1000x1024xf32>
    %dot_general3A_145 = tpu.matmul %convert_element_type3A_135, %get3A_112, %dot_general3A_144 {dimension_numbers = #tpu.dot_dimension_numbers<[1], [0], [0], [1], [0, 0, 1, 1], [], []>, transpose_lhs_hint = false} : vector<1000x32xbf16>, vector<32x1024xbf16>, vector<1000x1024xf32> -> vector<1000x1024xf32>
    %dot_general3A_146 = arith.constant dense<0.000000e+00> : vector<1000x1024xf32>
    %dot_general3A_147 = tpu.matmul %convert_element_type3A_138, %get3A_112, %dot_general3A_146 {dimension_numbers = #tpu.dot_dimension_numbers<[1], [0], [0], [1], [0, 0, 1, 1], [], []>, transpose_lhs_hint = false} : vector<1000x32xbf16>, vector<32x1024xbf16>, vector<1000x1024xf32> -> vector<1000x1024xf32>
    %add3A_148 = arith.addf %dot_general3A_145, %dot_general3A_147 : vector<1000x1024xf32>
    %mul3A_149 = arith.mulf %add3A_143, %add3A_148 : vector<1000x1024xf32>
    %slice3A_150 = vector.extract_strided_slice %add3A_37 {offsets = [0, 16], sizes = [1000, 8], strides = [1, 1]} : vector<1000x80xf32> to vector<1000x8xf32>
    %slice3A_151 = vector.extract_strided_slice %add3A_60 {offsets = [0, 16], sizes = [1000, 8], strides = [1, 1]} : vector<1000x80xf32> to vector<1000x8xf32>
    %slice3A_152 = vector.extract_strided_slice %add3A_83 {offsets = [0, 16], sizes = [1000, 8], strides = [1, 1]} : vector<1000x80xf32> to vector<1000x8xf32>
    %slice3A_153 = vector.extract_strided_slice %add3A_106 {offsets = [0, 16], sizes = [1000, 8], strides = [1, 1]} : vector<1000x80xf32> to vector<1000x8xf32>
    %concatenate3A_154 = tpu.concatenate %slice3A_150, %slice3A_151, %slice3A_152, %slice3A_153 in 1 : vector<1000x8xf32>, vector<1000x8xf32>, vector<1000x8xf32>, vector<1000x8xf32> -> vector<1000x32xf32>
    %convert_element_type3A_155 = arith.truncf %concatenate3A_154 : vector<1000x32xf32> to vector<1000x32xbf16>
    %convert_element_type3A_156 = arith.extf %convert_element_type3A_155 : vector<1000x32xbf16> to vector<1000x32xf32>
    %sub3A_157 = arith.subf %concatenate3A_154, %convert_element_type3A_156 : vector<1000x32xf32>
    %convert_element_type3A_158 = arith.truncf %sub3A_157 : vector<1000x32xf32> to vector<1000x32xbf16>
    %dot_general3A_159 = arith.constant dense<0.000000e+00> : vector<1000x1024xf32>
    %dot_general3A_160 = tpu.matmul %convert_element_type3A_155, %get3A_109, %dot_general3A_159 {dimension_numbers = #tpu.dot_dimension_numbers<[1], [0], [0], [1], [0, 0, 1, 1], [], []>, transpose_lhs_hint = false} : vector<1000x32xbf16>, vector<32x1024xbf16>, vector<1000x1024xf32> -> vector<1000x1024xf32>
    %dot_general3A_161 = arith.constant dense<0.000000e+00> : vector<1000x1024xf32>
    %dot_general3A_162 = tpu.matmul %convert_element_type3A_158, %get3A_109, %dot_general3A_161 {dimension_numbers = #tpu.dot_dimension_numbers<[1], [0], [0], [1], [0, 0, 1, 1], [], []>, transpose_lhs_hint = false} : vector<1000x32xbf16>, vector<32x1024xbf16>, vector<1000x1024xf32> -> vector<1000x1024xf32>
    %add3A_163 = arith.addf %dot_general3A_160, %dot_general3A_162 : vector<1000x1024xf32>
    %dot_general3A_164 = arith.constant dense<0.000000e+00> : vector<1000x1024xf32>
    %dot_general3A_165 = tpu.matmul %convert_element_type3A_155, %get3A_112, %dot_general3A_164 {dimension_numbers = #tpu.dot_dimension_numbers<[1], [0], [0], [1], [0, 0, 1, 1], [], []>, transpose_lhs_hint = false} : vector<1000x32xbf16>, vector<32x1024xbf16>, vector<1000x1024xf32> -> vector<1000x1024xf32>
    %dot_general3A_166 = arith.constant dense<0.000000e+00> : vector<1000x1024xf32>
    %dot_general3A_167 = tpu.matmul %convert_element_type3A_158, %get3A_112, %dot_general3A_166 {dimension_numbers = #tpu.dot_dimension_numbers<[1], [0], [0], [1], [0, 0, 1, 1], [], []>, transpose_lhs_hint = false} : vector<1000x32xbf16>, vector<32x1024xbf16>, vector<1000x1024xf32> -> vector<1000x1024xf32>
    %add3A_168 = arith.addf %dot_general3A_165, %dot_general3A_167 : vector<1000x1024xf32>
    %mul3A_169 = arith.mulf %add3A_163, %add3A_168 : vector<1000x1024xf32>
    %add3A_170 = arith.addf %mul3A_149, %mul3A_169 : vector<1000x1024xf32>
    %slice3A_171 = vector.extract_strided_slice %add3A_37 {offsets = [0, 24], sizes = [1000, 8], strides = [1, 1]} : vector<1000x80xf32> to vector<1000x8xf32>
    %slice3A_172 = vector.extract_strided_slice %add3A_60 {offsets = [0, 24], sizes = [1000, 8], strides = [1, 1]} : vector<1000x80xf32> to vector<1000x8xf32>
    %slice3A_173 = vector.extract_strided_slice %add3A_83 {offsets = [0, 24], sizes = [1000, 8], strides = [1, 1]} : vector<1000x80xf32> to vector<1000x8xf32>
    %slice3A_174 = vector.extract_strided_slice %add3A_106 {offsets = [0, 24], sizes = [1000, 8], strides = [1, 1]} : vector<1000x80xf32> to vector<1000x8xf32>
    %concatenate3A_175 = tpu.concatenate %slice3A_171, %slice3A_172, %slice3A_173, %slice3A_174 in 1 : vector<1000x8xf32>, vector<1000x8xf32>, vector<1000x8xf32>, vector<1000x8xf32> -> vector<1000x32xf32>
    %convert_element_type3A_176 = arith.truncf %concatenate3A_175 : vector<1000x32xf32> to vector<1000x32xbf16>
    %convert_element_type3A_177 = arith.extf %convert_element_type3A_176 : vector<1000x32xbf16> to vector<1000x32xf32>
    %sub3A_178 = arith.subf %concatenate3A_175, %convert_element_type3A_177 : vector<1000x32xf32>
    %convert_element_type3A_179 = arith.truncf %sub3A_178 : vector<1000x32xf32> to vector<1000x32xbf16>
    %dot_general3A_180 = arith.constant dense<0.000000e+00> : vector<1000x1024xf32>
    %dot_general3A_181 = tpu.matmul %convert_element_type3A_176, %get3A_109, %dot_general3A_180 {dimension_numbers = #tpu.dot_dimension_numbers<[1], [0], [0], [1], [0, 0, 1, 1], [], []>, transpose_lhs_hint = false} : vector<1000x32xbf16>, vector<32x1024xbf16>, vector<1000x1024xf32> -> vector<1000x1024xf32>
    %dot_general3A_182 = arith.constant dense<0.000000e+00> : vector<1000x1024xf32>
    %dot_general3A_183 = tpu.matmul %convert_element_type3A_179, %get3A_109, %dot_general3A_182 {dimension_numbers = #tpu.dot_dimension_numbers<[1], [0], [0], [1], [0, 0, 1, 1], [], []>, transpose_lhs_hint = false} : vector<1000x32xbf16>, vector<32x1024xbf16>, vector<1000x1024xf32> -> vector<1000x1024xf32>
    %add3A_184 = arith.addf %dot_general3A_181, %dot_general3A_183 : vector<1000x1024xf32>
    %dot_general3A_185 = arith.constant dense<0.000000e+00> : vector<1000x1024xf32>
    %dot_general3A_186 = tpu.matmul %convert_element_type3A_176, %get3A_112, %dot_general3A_185 {dimension_numbers = #tpu.dot_dimension_numbers<[1], [0], [0], [1], [0, 0, 1, 1], [], []>, transpose_lhs_hint = false} : vector<1000x32xbf16>, vector<32x1024xbf16>, vector<1000x1024xf32> -> vector<1000x1024xf32>
    %dot_general3A_187 = arith.constant dense<0.000000e+00> : vector<1000x1024xf32>
    %dot_general3A_188 = tpu.matmul %convert_element_type3A_179, %get3A_112, %dot_general3A_187 {dimension_numbers = #tpu.dot_dimension_numbers<[1], [0], [0], [1], [0, 0, 1, 1], [], []>, transpose_lhs_hint = false} : vector<1000x32xbf16>, vector<32x1024xbf16>, vector<1000x1024xf32> -> vector<1000x1024xf32>
    %add3A_189 = arith.addf %dot_general3A_186, %dot_general3A_188 : vector<1000x1024xf32>
    %mul3A_190 = arith.mulf %add3A_184, %add3A_189 : vector<1000x1024xf32>
    %add3A_191 = arith.addf %add3A_170, %mul3A_190 : vector<1000x1024xf32>
    %slice3A_192 = vector.extract_strided_slice %add3A_37 {offsets = [0, 32], sizes = [1000, 8], strides = [1, 1]} : vector<1000x80xf32> to vector<1000x8xf32>
    %slice3A_193 = vector.extract_strided_slice %add3A_60 {offsets = [0, 32], sizes = [1000, 8], strides = [1, 1]} : vector<1000x80xf32> to vector<1000x8xf32>
    %slice3A_194 = vector.extract_strided_slice %add3A_83 {offsets = [0, 32], sizes = [1000, 8], strides = [1, 1]} : vector<1000x80xf32> to vector<1000x8xf32>
    %slice3A_195 = vector.extract_strided_slice %add3A_106 {offsets = [0, 32], sizes = [1000, 8], strides = [1, 1]} : vector<1000x80xf32> to vector<1000x8xf32>
    %concatenate3A_196 = tpu.concatenate %slice3A_192, %slice3A_193, %slice3A_194, %slice3A_195 in 1 : vector<1000x8xf32>, vector<1000x8xf32>, vector<1000x8xf32>, vector<1000x8xf32> -> vector<1000x32xf32>
    %convert_element_type3A_197 = arith.truncf %concatenate3A_196 : vector<1000x32xf32> to vector<1000x32xbf16>
    %convert_element_type3A_198 = arith.extf %convert_element_type3A_197 : vector<1000x32xbf16> to vector<1000x32xf32>
    %sub3A_199 = arith.subf %concatenate3A_196, %convert_element_type3A_198 : vector<1000x32xf32>
    %convert_element_type3A_200 = arith.truncf %sub3A_199 : vector<1000x32xf32> to vector<1000x32xbf16>
    %dot_general3A_201 = arith.constant dense<0.000000e+00> : vector<1000x1024xf32>
    %dot_general3A_202 = tpu.matmul %convert_element_type3A_197, %get3A_109, %dot_general3A_201 {dimension_numbers = #tpu.dot_dimension_numbers<[1], [0], [0], [1], [0, 0, 1, 1], [], []>, transpose_lhs_hint = false} : vector<1000x32xbf16>, vector<32x1024xbf16>, vector<1000x1024xf32> -> vector<1000x1024xf32>
    %dot_general3A_203 = arith.constant dense<0.000000e+00> : vector<1000x1024xf32>
    %dot_general3A_204 = tpu.matmul %convert_element_type3A_200, %get3A_109, %dot_general3A_203 {dimension_numbers = #tpu.dot_dimension_numbers<[1], [0], [0], [1], [0, 0, 1, 1], [], []>, transpose_lhs_hint = false} : vector<1000x32xbf16>, vector<32x1024xbf16>, vector<1000x1024xf32> -> vector<1000x1024xf32>
    %add3A_205 = arith.addf %dot_general3A_202, %dot_general3A_204 : vector<1000x1024xf32>
    %dot_general3A_206 = arith.constant dense<0.000000e+00> : vector<1000x1024xf32>
    %dot_general3A_207 = tpu.matmul %convert_element_type3A_197, %get3A_112, %dot_general3A_206 {dimension_numbers = #tpu.dot_dimension_numbers<[1], [0], [0], [1], [0, 0, 1, 1], [], []>, transpose_lhs_hint = false} : vector<1000x32xbf16>, vector<32x1024xbf16>, vector<1000x1024xf32> -> vector<1000x1024xf32>
    %dot_general3A_208 = arith.constant dense<0.000000e+00> : vector<1000x1024xf32>
    %dot_general3A_209 = tpu.matmul %convert_element_type3A_200, %get3A_112, %dot_general3A_208 {dimension_numbers = #tpu.dot_dimension_numbers<[1], [0], [0], [1], [0, 0, 1, 1], [], []>, transpose_lhs_hint = false} : vector<1000x32xbf16>, vector<32x1024xbf16>, vector<1000x1024xf32> -> vector<1000x1024xf32>
    %add3A_210 = arith.addf %dot_general3A_207, %dot_general3A_209 : vector<1000x1024xf32>
    %mul3A_211 = arith.mulf %add3A_205, %add3A_210 : vector<1000x1024xf32>
    %slice3A_212 = vector.extract_strided_slice %add3A_37 {offsets = [0, 40], sizes = [1000, 8], strides = [1, 1]} : vector<1000x80xf32> to vector<1000x8xf32>
    %slice3A_213 = vector.extract_strided_slice %add3A_60 {offsets = [0, 40], sizes = [1000, 8], strides = [1, 1]} : vector<1000x80xf32> to vector<1000x8xf32>
    %slice3A_214 = vector.extract_strided_slice %add3A_83 {offsets = [0, 40], sizes = [1000, 8], strides = [1, 1]} : vector<1000x80xf32> to vector<1000x8xf32>
    %slice3A_215 = vector.extract_strided_slice %add3A_106 {offsets = [0, 40], sizes = [1000, 8], strides = [1, 1]} : vector<1000x80xf32> to vector<1000x8xf32>
    %concatenate3A_216 = tpu.concatenate %slice3A_212, %slice3A_213, %slice3A_214, %slice3A_215 in 1 : vector<1000x8xf32>, vector<1000x8xf32>, vector<1000x8xf32>, vector<1000x8xf32> -> vector<1000x32xf32>
    %convert_element_type3A_217 = arith.truncf %concatenate3A_216 : vector<1000x32xf32> to vector<1000x32xbf16>
    %convert_element_type3A_218 = arith.extf %convert_element_type3A_217 : vector<1000x32xbf16> to vector<1000x32xf32>
    %sub3A_219 = arith.subf %concatenate3A_216, %convert_element_type3A_218 : vector<1000x32xf32>
    %convert_element_type3A_220 = arith.truncf %sub3A_219 : vector<1000x32xf32> to vector<1000x32xbf16>
    %dot_general3A_221 = arith.constant dense<0.000000e+00> : vector<1000x1024xf32>
    %dot_general3A_222 = tpu.matmul %convert_element_type3A_217, %get3A_109, %dot_general3A_221 {dimension_numbers = #tpu.dot_dimension_numbers<[1], [0], [0], [1], [0, 0, 1, 1], [], []>, transpose_lhs_hint = false} : vector<1000x32xbf16>, vector<32x1024xbf16>, vector<1000x1024xf32> -> vector<1000x1024xf32>
    %dot_general3A_223 = arith.constant dense<0.000000e+00> : vector<1000x1024xf32>
    %dot_general3A_224 = tpu.matmul %convert_element_type3A_220, %get3A_109, %dot_general3A_223 {dimension_numbers = #tpu.dot_dimension_numbers<[1], [0], [0], [1], [0, 0, 1, 1], [], []>, transpose_lhs_hint = false} : vector<1000x32xbf16>, vector<32x1024xbf16>, vector<1000x1024xf32> -> vector<1000x1024xf32>
    %add3A_225 = arith.addf %dot_general3A_222, %dot_general3A_224 : vector<1000x1024xf32>
    %dot_general3A_226 = arith.constant dense<0.000000e+00> : vector<1000x1024xf32>
    %dot_general3A_227 = tpu.matmul %convert_element_type3A_217, %get3A_112, %dot_general3A_226 {dimension_numbers = #tpu.dot_dimension_numbers<[1], [0], [0], [1], [0, 0, 1, 1], [], []>, transpose_lhs_hint = false} : vector<1000x32xbf16>, vector<32x1024xbf16>, vector<1000x1024xf32> -> vector<1000x1024xf32>
    %dot_general3A_228 = arith.constant dense<0.000000e+00> : vector<1000x1024xf32>
    %dot_general3A_229 = tpu.matmul %convert_element_type3A_220, %get3A_112, %dot_general3A_228 {dimension_numbers = #tpu.dot_dimension_numbers<[1], [0], [0], [1], [0, 0, 1, 1], [], []>, transpose_lhs_hint = false} : vector<1000x32xbf16>, vector<32x1024xbf16>, vector<1000x1024xf32> -> vector<1000x1024xf32>
    %add3A_230 = arith.addf %dot_general3A_227, %dot_general3A_229 : vector<1000x1024xf32>
    %mul3A_231 = arith.mulf %add3A_225, %add3A_230 : vector<1000x1024xf32>
    %add3A_232 = arith.addf %mul3A_211, %mul3A_231 : vector<1000x1024xf32>
    %slice3A_233 = vector.extract_strided_slice %add3A_37 {offsets = [0, 48], sizes = [1000, 8], strides = [1, 1]} : vector<1000x80xf32> to vector<1000x8xf32>
    %slice3A_234 = vector.extract_strided_slice %add3A_60 {offsets = [0, 48], sizes = [1000, 8], strides = [1, 1]} : vector<1000x80xf32> to vector<1000x8xf32>
    %slice3A_235 = vector.extract_strided_slice %add3A_83 {offsets = [0, 48], sizes = [1000, 8], strides = [1, 1]} : vector<1000x80xf32> to vector<1000x8xf32>
    %slice3A_236 = vector.extract_strided_slice %add3A_106 {offsets = [0, 48], sizes = [1000, 8], strides = [1, 1]} : vector<1000x80xf32> to vector<1000x8xf32>
    %concatenate3A_237 = tpu.concatenate %slice3A_233, %slice3A_234, %slice3A_235, %slice3A_236 in 1 : vector<1000x8xf32>, vector<1000x8xf32>, vector<1000x8xf32>, vector<1000x8xf32> -> vector<1000x32xf32>
    %convert_element_type3A_238 = arith.truncf %concatenate3A_237 : vector<1000x32xf32> to vector<1000x32xbf16>
    %convert_element_type3A_239 = arith.extf %convert_element_type3A_238 : vector<1000x32xbf16> to vector<1000x32xf32>
    %sub3A_240 = arith.subf %concatenate3A_237, %convert_element_type3A_239 : vector<1000x32xf32>
    %convert_element_type3A_241 = arith.truncf %sub3A_240 : vector<1000x32xf32> to vector<1000x32xbf16>
    %dot_general3A_242 = arith.constant dense<0.000000e+00> : vector<1000x1024xf32>
    %dot_general3A_243 = tpu.matmul %convert_element_type3A_238, %get3A_109, %dot_general3A_242 {dimension_numbers = #tpu.dot_dimension_numbers<[1], [0], [0], [1], [0, 0, 1, 1], [], []>, transpose_lhs_hint = false} : vector<1000x32xbf16>, vector<32x1024xbf16>, vector<1000x1024xf32> -> vector<1000x1024xf32>
    %dot_general3A_244 = arith.constant dense<0.000000e+00> : vector<1000x1024xf32>
    %dot_general3A_245 = tpu.matmul %convert_element_type3A_241, %get3A_109, %dot_general3A_244 {dimension_numbers = #tpu.dot_dimension_numbers<[1], [0], [0], [1], [0, 0, 1, 1], [], []>, transpose_lhs_hint = false} : vector<1000x32xbf16>, vector<32x1024xbf16>, vector<1000x1024xf32> -> vector<1000x1024xf32>
    %add3A_246 = arith.addf %dot_general3A_243, %dot_general3A_245 : vector<1000x1024xf32>
    %dot_general3A_247 = arith.constant dense<0.000000e+00> : vector<1000x1024xf32>
    %dot_general3A_248 = tpu.matmul %convert_element_type3A_238, %get3A_112, %dot_general3A_247 {dimension_numbers = #tpu.dot_dimension_numbers<[1], [0], [0], [1], [0, 0, 1, 1], [], []>, transpose_lhs_hint = false} : vector<1000x32xbf16>, vector<32x1024xbf16>, vector<1000x1024xf32> -> vector<1000x1024xf32>
    %dot_general3A_249 = arith.constant dense<0.000000e+00> : vector<1000x1024xf32>
    %dot_general3A_250 = tpu.matmul %convert_element_type3A_241, %get3A_112, %dot_general3A_249 {dimension_numbers = #tpu.dot_dimension_numbers<[1], [0], [0], [1], [0, 0, 1, 1], [], []>, transpose_lhs_hint = false} : vector<1000x32xbf16>, vector<32x1024xbf16>, vector<1000x1024xf32> -> vector<1000x1024xf32>
    %add3A_251 = arith.addf %dot_general3A_248, %dot_general3A_250 : vector<1000x1024xf32>
    %mul3A_252 = arith.mulf %add3A_246, %add3A_251 : vector<1000x1024xf32>
    %add3A_253 = arith.addf %add3A_232, %mul3A_252 : vector<1000x1024xf32>
    %slice3A_254 = vector.extract_strided_slice %add3A_37 {offsets = [0, 56], sizes = [1000, 8], strides = [1, 1]} : vector<1000x80xf32> to vector<1000x8xf32>
    %slice3A_255 = vector.extract_strided_slice %add3A_60 {offsets = [0, 56], sizes = [1000, 8], strides = [1, 1]} : vector<1000x80xf32> to vector<1000x8xf32>
    %slice3A_256 = vector.extract_strided_slice %add3A_83 {offsets = [0, 56], sizes = [1000, 8], strides = [1, 1]} : vector<1000x80xf32> to vector<1000x8xf32>
    %slice3A_257 = vector.extract_strided_slice %add3A_106 {offsets = [0, 56], sizes = [1000, 8], strides = [1, 1]} : vector<1000x80xf32> to vector<1000x8xf32>
    %concatenate3A_258 = tpu.concatenate %slice3A_254, %slice3A_255, %slice3A_256, %slice3A_257 in 1 : vector<1000x8xf32>, vector<1000x8xf32>, vector<1000x8xf32>, vector<1000x8xf32> -> vector<1000x32xf32>
    %convert_element_type3A_259 = arith.truncf %concatenate3A_258 : vector<1000x32xf32> to vector<1000x32xbf16>
    %convert_element_type3A_260 = arith.extf %convert_element_type3A_259 : vector<1000x32xbf16> to vector<1000x32xf32>
    %sub3A_261 = arith.subf %concatenate3A_258, %convert_element_type3A_260 : vector<1000x32xf32>
    %convert_element_type3A_262 = arith.truncf %sub3A_261 : vector<1000x32xf32> to vector<1000x32xbf16>
    %dot_general3A_263 = arith.constant dense<0.000000e+00> : vector<1000x1024xf32>
    %dot_general3A_264 = tpu.matmul %convert_element_type3A_259, %get3A_109, %dot_general3A_263 {dimension_numbers = #tpu.dot_dimension_numbers<[1], [0], [0], [1], [0, 0, 1, 1], [], []>, transpose_lhs_hint = false} : vector<1000x32xbf16>, vector<32x1024xbf16>, vector<1000x1024xf32> -> vector<1000x1024xf32>
    %dot_general3A_265 = arith.constant dense<0.000000e+00> : vector<1000x1024xf32>
    %dot_general3A_266 = tpu.matmul %convert_element_type3A_262, %get3A_109, %dot_general3A_265 {dimension_numbers = #tpu.dot_dimension_numbers<[1], [0], [0], [1], [0, 0, 1, 1], [], []>, transpose_lhs_hint = false} : vector<1000x32xbf16>, vector<32x1024xbf16>, vector<1000x1024xf32> -> vector<1000x1024xf32>
    %add3A_267 = arith.addf %dot_general3A_264, %dot_general3A_266 : vector<1000x1024xf32>
    %dot_general3A_268 = arith.constant dense<0.000000e+00> : vector<1000x1024xf32>
    %dot_general3A_269 = tpu.matmul %convert_element_type3A_259, %get3A_112, %dot_general3A_268 {dimension_numbers = #tpu.dot_dimension_numbers<[1], [0], [0], [1], [0, 0, 1, 1], [], []>, transpose_lhs_hint = false} : vector<1000x32xbf16>, vector<32x1024xbf16>, vector<1000x1024xf32> -> vector<1000x1024xf32>
    %dot_general3A_270 = arith.constant dense<0.000000e+00> : vector<1000x1024xf32>
    %dot_general3A_271 = tpu.matmul %convert_element_type3A_262, %get3A_112, %dot_general3A_270 {dimension_numbers = #tpu.dot_dimension_numbers<[1], [0], [0], [1], [0, 0, 1, 1], [], []>, transpose_lhs_hint = false} : vector<1000x32xbf16>, vector<32x1024xbf16>, vector<1000x1024xf32> -> vector<1000x1024xf32>
    %add3A_272 = arith.addf %dot_general3A_269, %dot_general3A_271 : vector<1000x1024xf32>
    %mul3A_273 = arith.mulf %add3A_267, %add3A_272 : vector<1000x1024xf32>
    %add3A_274 = arith.addf %add3A_253, %mul3A_273 : vector<1000x1024xf32>
    %slice3A_275 = vector.extract_strided_slice %add3A_37 {offsets = [0, 64], sizes = [1000, 8], strides = [1, 1]} : vector<1000x80xf32> to vector<1000x8xf32>
    %slice3A_276 = vector.extract_strided_slice %add3A_60 {offsets = [0, 64], sizes = [1000, 8], strides = [1, 1]} : vector<1000x80xf32> to vector<1000x8xf32>
    %slice3A_277 = vector.extract_strided_slice %add3A_83 {offsets = [0, 64], sizes = [1000, 8], strides = [1, 1]} : vector<1000x80xf32> to vector<1000x8xf32>
    %slice3A_278 = vector.extract_strided_slice %add3A_106 {offsets = [0, 64], sizes = [1000, 8], strides = [1, 1]} : vector<1000x80xf32> to vector<1000x8xf32>
    %concatenate3A_279 = tpu.concatenate %slice3A_275, %slice3A_276, %slice3A_277, %slice3A_278 in 1 : vector<1000x8xf32>, vector<1000x8xf32>, vector<1000x8xf32>, vector<1000x8xf32> -> vector<1000x32xf32>
    %convert_element_type3A_280 = arith.truncf %concatenate3A_279 : vector<1000x32xf32> to vector<1000x32xbf16>
    %convert_element_type3A_281 = arith.extf %convert_element_type3A_280 : vector<1000x32xbf16> to vector<1000x32xf32>
    %sub3A_282 = arith.subf %concatenate3A_279, %convert_element_type3A_281 : vector<1000x32xf32>
    %convert_element_type3A_283 = arith.truncf %sub3A_282 : vector<1000x32xf32> to vector<1000x32xbf16>
    %dot_general3A_284 = arith.constant dense<0.000000e+00> : vector<1000x1024xf32>
    %dot_general3A_285 = tpu.matmul %convert_element_type3A_280, %get3A_109, %dot_general3A_284 {dimension_numbers = #tpu.dot_dimension_numbers<[1], [0], [0], [1], [0, 0, 1, 1], [], []>, transpose_lhs_hint = false} : vector<1000x32xbf16>, vector<32x1024xbf16>, vector<1000x1024xf32> -> vector<1000x1024xf32>
    %dot_general3A_286 = arith.constant dense<0.000000e+00> : vector<1000x1024xf32>
    %dot_general3A_287 = tpu.matmul %convert_element_type3A_283, %get3A_109, %dot_general3A_286 {dimension_numbers = #tpu.dot_dimension_numbers<[1], [0], [0], [1], [0, 0, 1, 1], [], []>, transpose_lhs_hint = false} : vector<1000x32xbf16>, vector<32x1024xbf16>, vector<1000x1024xf32> -> vector<1000x1024xf32>
    %add3A_288 = arith.addf %dot_general3A_285, %dot_general3A_287 : vector<1000x1024xf32>
    %dot_general3A_289 = arith.constant dense<0.000000e+00> : vector<1000x1024xf32>
    %dot_general3A_290 = tpu.matmul %convert_element_type3A_280, %get3A_112, %dot_general3A_289 {dimension_numbers = #tpu.dot_dimension_numbers<[1], [0], [0], [1], [0, 0, 1, 1], [], []>, transpose_lhs_hint = false} : vector<1000x32xbf16>, vector<32x1024xbf16>, vector<1000x1024xf32> -> vector<1000x1024xf32>
    %dot_general3A_291 = arith.constant dense<0.000000e+00> : vector<1000x1024xf32>
    %dot_general3A_292 = tpu.matmul %convert_element_type3A_283, %get3A_112, %dot_general3A_291 {dimension_numbers = #tpu.dot_dimension_numbers<[1], [0], [0], [1], [0, 0, 1, 1], [], []>, transpose_lhs_hint = false} : vector<1000x32xbf16>, vector<32x1024xbf16>, vector<1000x1024xf32> -> vector<1000x1024xf32>
    %add3A_293 = arith.addf %dot_general3A_290, %dot_general3A_292 : vector<1000x1024xf32>
    %mul3A_294 = arith.mulf %add3A_288, %add3A_293 : vector<1000x1024xf32>
    %add3A_295 = arith.addf %add3A_274, %mul3A_294 : vector<1000x1024xf32>
    %concatenate3A_296 = tpu.concatenate %mul3A_129, %add3A_191, %add3A_295 in 1 : vector<1000x1024xf32>, vector<1000x1024xf32>, vector<1000x1024xf32> -> vector<1000x3072xf32>
    %get3A_297 = arith.constant 0 : index
    %get3A_298 = arith.constant 0 : index
    %get3A_299 = vector.load %arg11[%get3A_297, %get3A_298] : memref<32x8xf32, #tpu.memory_space<vmem>>, vector<32x8xf32>
    %dot_general3A_300 = arith.constant dense<0.000000e+00> : vector<1000x8xf32>
    %dot_general3A_301 = tpu.matmul %mul3A_15, %get3A_299, %dot_general3A_300 {dimension_numbers = #tpu.dot_dimension_numbers<[1], [0], [0], [1], [0, 0, 1, 1], [], []>, transpose_lhs_hint = false} : vector<1000x32xf32>, vector<32x8xf32>, vector<1000x8xf32> -> vector<1000x8xf32>
    %get3A_302 = arith.constant 0 : index
    %get3A_303 = arith.constant 0 : index
    %get3A_304 = vector.load %arg12[%get3A_302, %get3A_303] : memref<3072x8xf32, #tpu.memory_space<vmem>>, vector<3072x8xf32>
    %dot_general3A_305 = arith.constant dense<0.000000e+00> : vector<1000x8xf32>
    %dot_general3A_306 = tpu.matmul %concatenate3A_296, %get3A_304, %dot_general3A_305 {dimension_numbers = #tpu.dot_dimension_numbers<[1], [0], [0], [1], [0, 0, 1, 1], [], []>, transpose_lhs_hint = false} : vector<1000x3072xf32>, vector<3072x8xf32>, vector<1000x8xf32> -> vector<1000x8xf32>
    %add3A_307 = arith.addf %dot_general3A_301, %dot_general3A_306 : vector<1000x8xf32>
    %get3A_308 = arith.constant 0 : index
    %get3A_309 = arith.constant 0 : index
    %get3A_310 = vector.load %arg13[%get3A_308, %get3A_309] : memref<3072x256xf32, #tpu.memory_space<vmem>>, vector<3072x256xf32>
    %dot_general3A_311 = arith.constant dense<0.000000e+00> : vector<1000x256xf32>
    %dot_general3A_312 = tpu.matmul %concatenate3A_296, %get3A_310, %dot_general3A_311 {dimension_numbers = #tpu.dot_dimension_numbers<[1], [0], [0], [1], [0, 0, 1, 1], [], []>, transpose_lhs_hint = false} : vector<1000x3072xf32>, vector<3072x256xf32>, vector<1000x256xf32> -> vector<1000x256xf32>
    %get3A_313 = arith.constant 0 : index
    %get3A_314 = arith.constant 0 : index
    %get3A_315 = vector.load %arg14[%get3A_313, %get3A_314] : memref<1x256xf32, #tpu.memory_space<vmem>>, vector<1x256xf32>
    %add3A_316 = vector.broadcast %get3A_315 : vector<1x256xf32> to vector<1000x256xf32>
    %add3A_317 = arith.addf %dot_general3A_312, %add3A_316 : vector<1000x256xf32>
    %logistic3A = arith.negf %add3A_317 : vector<1000x256xf32>
    %logistic3A_318 = math.exp %logistic3A : vector<1000x256xf32>
    %logistic3A_319 = arith.constant 1.000000e+00 : f32
    %logistic3A_320 = vector.broadcast %logistic3A_319 : f32 to vector<1000x256xf32>
    %logistic3A_321 = arith.addf %logistic3A_320, %logistic3A_318 : vector<1000x256xf32>
    %logistic3A_322 = arith.divf %logistic3A_320, %logistic3A_321 : vector<1000x256xf32>
    %mul3A_323 = arith.mulf %add3A_317, %logistic3A_322 : vector<1000x256xf32>
    %get3A_324 = arith.constant 0 : index
    %get3A_325 = arith.constant 0 : index
    %get3A_326 = vector.load %arg15[%get3A_324, %get3A_325] : memref<256x256xf32, #tpu.memory_space<vmem>>, vector<256x256xf32>
    %dot_general3A_327 = arith.constant dense<0.000000e+00> : vector<1000x256xf32>
    %dot_general3A_328 = tpu.matmul %mul3A_323, %get3A_326, %dot_general3A_327 {dimension_numbers = #tpu.dot_dimension_numbers<[1], [0], [0], [1], [0, 0, 1, 1], [], []>, transpose_lhs_hint = false} : vector<1000x256xf32>, vector<256x256xf32>, vector<1000x256xf32> -> vector<1000x256xf32>
    %get3A_329 = arith.constant 0 : index
    %get3A_330 = arith.constant 0 : index
    %get3A_331 = vector.load %arg16[%get3A_329, %get3A_330] : memref<1x256xf32, #tpu.memory_space<vmem>>, vector<1x256xf32>
    %add3A_332 = vector.broadcast %get3A_331 : vector<1x256xf32> to vector<1000x256xf32>
    %add3A_333 = arith.addf %dot_general3A_328, %add3A_332 : vector<1000x256xf32>
    %logistic3A_334 = arith.negf %add3A_333 : vector<1000x256xf32>
    %logistic3A_335 = math.exp %logistic3A_334 : vector<1000x256xf32>
    %logistic3A_336 = arith.constant 1.000000e+00 : f32
    %logistic3A_337 = vector.broadcast %logistic3A_336 : f32 to vector<1000x256xf32>
    %logistic3A_338 = arith.addf %logistic3A_337, %logistic3A_335 : vector<1000x256xf32>
    %logistic3A_339 = arith.divf %logistic3A_337, %logistic3A_338 : vector<1000x256xf32>
    %mul3A_340 = arith.mulf %add3A_333, %logistic3A_339 : vector<1000x256xf32>
    %get3A_341 = arith.constant 0 : index
    %get3A_342 = arith.constant 0 : index
    %get3A_343 = vector.load %arg17[%get3A_341, %get3A_342] : memref<256x8xf32, #tpu.memory_space<vmem>>, vector<256x8xf32>
    %dot_general3A_344 = arith.constant dense<0.000000e+00> : vector<1000x8xf32>
    %dot_general3A_345 = tpu.matmul %mul3A_340, %get3A_343, %dot_general3A_344 {dimension_numbers = #tpu.dot_dimension_numbers<[1], [0], [0], [1], [0, 0, 1, 1], [], []>, transpose_lhs_hint = false} : vector<1000x256xf32>, vector<256x8xf32>, vector<1000x8xf32> -> vector<1000x8xf32>
    %add3A_346 = arith.addf %add3A_307, %dot_general3A_345 : vector<1000x8xf32>
    %get3A_347 = arith.constant 0 : index
    %get3A_348 = arith.constant 0 : index
    %get3A_349 = vector.load %arg5[%get3A_347, %get3A_348] : memref<1000x1xf32, #tpu.memory_space<vmem>>, vector<1000x1xf32>
    %get3A_350 = arith.constant 0 : index
    %get3A_351 = arith.constant 0 : index
    %get3A_352 = memref.load %arg7[%get3A_350, %get3A_351] : memref<1x4xf32, #tpu.memory_space<smem>>
    %eq3A = arith.constant 0.000000e+00 : f32
    %eq3A_353 = vector.broadcast %eq3A : f32 to vector<1000x1xf32>
    %eq3A_354 = arith.cmpf oeq, %get3A_349, %eq3A_353 : vector<1000x1xf32>
    %convert_element_type3A_355 = arith.extui %eq3A_354 : vector<1000x1xi1> to vector<1000x1xi32>
    %convert_element_type3A_356 = arith.sitofp %convert_element_type3A_355 : vector<1000x1xi32> to vector<1000x1xf32>
    %mul3A_357 = vector.broadcast %get3A_352 : f32 to vector<1000x1xf32>
    %mul3A_358 = arith.mulf %mul3A_357, %convert_element_type3A_356 : vector<1000x1xf32>
    %get3A_359 = arith.constant 0 : index
    %get3A_360 = arith.constant 1 : index
    %get3A_361 = memref.load %arg7[%get3A_359, %get3A_360] : memref<1x4xf32, #tpu.memory_space<smem>>
    %eq3A_362 = arith.constant 1.000000e+00 : f32
    %eq3A_363 = vector.broadcast %eq3A_362 : f32 to vector<1000x1xf32>
    %eq3A_364 = arith.cmpf oeq, %get3A_349, %eq3A_363 : vector<1000x1xf32>
    %convert_element_type3A_365 = arith.extui %eq3A_364 : vector<1000x1xi1> to vector<1000x1xi32>
    %convert_element_type3A_366 = arith.sitofp %convert_element_type3A_365 : vector<1000x1xi32> to vector<1000x1xf32>
    %mul3A_367 = vector.broadcast %get3A_361 : f32 to vector<1000x1xf32>
    %mul3A_368 = arith.mulf %mul3A_367, %convert_element_type3A_366 : vector<1000x1xf32>
    %add3A_369 = arith.addf %mul3A_358, %mul3A_368 : vector<1000x1xf32>
    %get3A_370 = arith.constant 0 : index
    %get3A_371 = arith.constant 2 : index
    %get3A_372 = memref.load %arg7[%get3A_370, %get3A_371] : memref<1x4xf32, #tpu.memory_space<smem>>
    %eq3A_373 = arith.constant 2.000000e+00 : f32
    %eq3A_374 = vector.broadcast %eq3A_373 : f32 to vector<1000x1xf32>
    %eq3A_375 = arith.cmpf oeq, %get3A_349, %eq3A_374 : vector<1000x1xf32>
    %convert_element_type3A_376 = arith.extui %eq3A_375 : vector<1000x1xi1> to vector<1000x1xi32>
    %convert_element_type3A_377 = arith.sitofp %convert_element_type3A_376 : vector<1000x1xi32> to vector<1000x1xf32>
    %mul3A_378 = vector.broadcast %get3A_372 : f32 to vector<1000x1xf32>
    %mul3A_379 = arith.mulf %mul3A_378, %convert_element_type3A_377 : vector<1000x1xf32>
    %add3A_380 = arith.addf %add3A_369, %mul3A_379 : vector<1000x1xf32>
    %get3A_381 = arith.constant 0 : index
    %get3A_382 = arith.constant 3 : index
    %get3A_383 = memref.load %arg7[%get3A_381, %get3A_382] : memref<1x4xf32, #tpu.memory_space<smem>>
    %eq3A_384 = arith.constant 3.000000e+00 : f32
    %eq3A_385 = vector.broadcast %eq3A_384 : f32 to vector<1000x1xf32>
    %eq3A_386 = arith.cmpf oeq, %get3A_349, %eq3A_385 : vector<1000x1xf32>
    %convert_element_type3A_387 = arith.extui %eq3A_386 : vector<1000x1xi1> to vector<1000x1xi32>
    %convert_element_type3A_388 = arith.sitofp %convert_element_type3A_387 : vector<1000x1xi32> to vector<1000x1xf32>
    %mul3A_389 = vector.broadcast %get3A_383 : f32 to vector<1000x1xf32>
    %mul3A_390 = arith.mulf %mul3A_389, %convert_element_type3A_388 : vector<1000x1xf32>
    %add3A_391 = arith.addf %add3A_380, %mul3A_390 : vector<1000x1xf32>
    %add3A_392 = vector.broadcast %add3A_391 : vector<1000x1xf32> to vector<1000x8xf32>
    %add3A_393 = arith.addf %add3A_346, %add3A_392 : vector<1000x8xf32>
    %get3A_394 = arith.constant 0 : index
    %get3A_395 = arith.constant 0 : index
    %get3A_396 = vector.load %arg18[%get3A_394, %get3A_395] : memref<10x1000xf32, #tpu.memory_space<vmem>>, vector<10x1000xf32>
    %dot_general3A_397 = arith.constant dense<0.000000e+00> : vector<10x8xf32>
    %dot_general3A_398 = tpu.matmul %get3A_396, %add3A_393, %dot_general3A_397 {dimension_numbers = #tpu.dot_dimension_numbers<[1], [0], [0], [1], [0, 0, 1, 1], [], []>, transpose_lhs_hint = false} : vector<10x1000xf32>, vector<1000x8xf32>, vector<10x8xf32> -> vector<10x8xf32>
    %get3A_399 = arith.constant 0 : index
    %get3A_400 = arith.constant 3 : index
    %get3A_401 = memref.load %arg8[%get3A_399, %get3A_400] : memref<1x4xf32, #tpu.memory_space<smem>>
    %get3A_402 = arith.constant 0 : index
    %get3A_403 = arith.constant 0 : index
    %get3A_404 = memref.load %arg8[%get3A_402, %get3A_403] : memref<1x4xf32, #tpu.memory_space<smem>>
    %get3A_405 = arith.constant 0 : index
    %get3A_406 = arith.constant 1 : index
    %get3A_407 = memref.load %arg8[%get3A_405, %get3A_406] : memref<1x4xf32, #tpu.memory_space<smem>>
    %add3A_408 = arith.addf %get3A_404, %get3A_407 : f32
    %get3A_409 = arith.constant 0 : index
    %get3A_410 = arith.constant 2 : index
    %get3A_411 = memref.load %arg8[%get3A_409, %get3A_410] : memref<1x4xf32, #tpu.memory_space<smem>>
    %add3A_412 = arith.addf %add3A_408, %get3A_411 : f32
    %mul3A_413 = arith.constant 1.000000e+02 : f32
    %mul3A_414 = arith.mulf %mul3A_413, %add3A_412 : f32
    %add3A_415 = arith.addf %get3A_401, %mul3A_414 : f32
    %add3A_416 = vector.broadcast %add3A_415 : f32 to vector<10x8xf32>
    %add3A_417 = arith.addf %dot_general3A_398, %add3A_416 : vector<10x8xf32>
    %mul3A_418 = arith.constant 10 : i32
    %mul3A_419 = arith.muli %arg0, %mul3A_418 : i32
    %swap3A = arith.index_cast %mul3A_419 : i32 to index
    %swap3A_420 = arith.constant 0 : index
    %swap3A_421 = vector.load %arg19[%swap3A, %swap3A_420] : memref<128x8xf32, #tpu.memory_space<vmem>>, vector<10x8xf32>
    tpu.vector_store %arg19[%swap3A, %swap3A_420], %add3A_417 {strides = array<i32>} : memref<128x8xf32, #tpu.memory_space<vmem>>, vector<10x8xf32>,
    return
  }
  func.func @transform_0(%arg0: i32) -> (i32, i32) {
    %c0_i32 = arith.constant 0 : i32
    %c0_i32_0 = arith.constant 0 : i32
    return %arg0, %c0_i32 : i32, i32
  }
  func.func @transform_1(%arg0: i32) -> (i32, i32) {
    %c0_i32 = arith.constant 0 : i32
    %c0_i32_0 = arith.constant 0 : i32
    return %arg0, %c0_i32 : i32, i32
  }
  func.func @transform_2(%arg0: i32) -> (i32, i32) {
    %c0_i32 = arith.constant 0 : i32
    %c0_i32_0 = arith.constant 0 : i32
    return %arg0, %c0_i32 : i32, i32
  }
  func.func @transform_3(%arg0: i32) -> (i32, i32) {
    %c0_i32 = arith.constant 0 : i32
    %c0_i32_0 = arith.constant 0 : i32
    return %arg0, %c0_i32 : i32, i32
  }
  func.func @transform_4(%arg0: i32) -> (i32, i32) {
    %c0_i32 = arith.constant 0 : i32
    %c0_i32_0 = arith.constant 0 : i32
    return %arg0, %c0_i32 : i32, i32
  }
  func.func @transform_5(%arg0: i32) -> (i32, i32) {
    %c0_i32 = arith.constant 0 : i32
    %c0_i32_0 = arith.constant 0 : i32
    %c0_i32_1 = arith.constant 0 : i32
    return %c0_i32, %c0_i32_0 : i32, i32
  }
  func.func @transform_6(%arg0: i32) -> (i32, i32) {
    %c0_i32 = arith.constant 0 : i32
    %c0_i32_0 = arith.constant 0 : i32
    %c0_i32_1 = arith.constant 0 : i32
    return %c0_i32, %c0_i32_0 : i32, i32
  }
  func.func @transform_7(%arg0: i32) -> (i32, i32) {
    %c0_i32 = arith.constant 0 : i32
    %c0_i32_0 = arith.constant 0 : i32
    %c0_i32_1 = arith.constant 0 : i32
    return %c0_i32, %c0_i32_0 : i32, i32
  }
  func.func @transform_8(%arg0: i32) -> (i32, i32) {
    %c0_i32 = arith.constant 0 : i32
    %c0_i32_0 = arith.constant 0 : i32
    %c0_i32_1 = arith.constant 0 : i32
    return %c0_i32, %c0_i32_0 : i32, i32
  }
  func.func @transform_9(%arg0: i32) -> (i32, i32) {
    %c0_i32 = arith.constant 0 : i32
    %c0_i32_0 = arith.constant 0 : i32
    %c0_i32_1 = arith.constant 0 : i32
    return %c0_i32, %c0_i32_0 : i32, i32
  }
  func.func @transform_10(%arg0: i32) -> (i32, i32) {
    %c0_i32 = arith.constant 0 : i32
    %c0_i32_0 = arith.constant 0 : i32
    %c0_i32_1 = arith.constant 0 : i32
    return %c0_i32, %c0_i32_0 : i32, i32
  }
  func.func @transform_11(%arg0: i32) -> (i32, i32) {
    %c0_i32 = arith.constant 0 : i32
    %c0_i32_0 = arith.constant 0 : i32
    %c0_i32_1 = arith.constant 0 : i32
    return %c0_i32, %c0_i32_0 : i32, i32
  }
  func.func @transform_12(%arg0: i32) -> (i32, i32) {
    %c0_i32 = arith.constant 0 : i32
    %c0_i32_0 = arith.constant 0 : i32
    %c0_i32_1 = arith.constant 0 : i32
    return %c0_i32, %c0_i32_0 : i32, i32
  }
  func.func @transform_13(%arg0: i32) -> (i32, i32) {
    %c0_i32 = arith.constant 0 : i32
    %c0_i32_0 = arith.constant 0 : i32
    %c0_i32_1 = arith.constant 0 : i32
    return %c0_i32, %c0_i32_0 : i32, i32
  }
  func.func @transform_14(%arg0: i32) -> (i32, i32) {
    %c0_i32 = arith.constant 0 : i32
    %c0_i32_0 = arith.constant 0 : i32
    %c0_i32_1 = arith.constant 0 : i32
    return %c0_i32, %c0_i32_0 : i32, i32
  }
  func.func @transform_15(%arg0: i32) -> (i32, i32) {
    %c0_i32 = arith.constant 0 : i32
    %c0_i32_0 = arith.constant 0 : i32
    %c0_i32_1 = arith.constant 0 : i32
    return %c0_i32, %c0_i32_0 : i32, i32
  }
  func.func @transform_16(%arg0: i32) -> (i32, i32) {
    %c0_i32 = arith.constant 0 : i32
    %c0_i32_0 = arith.constant 0 : i32
    %c0_i32_1 = arith.constant 0 : i32
    return %c0_i32, %c0_i32_0 : i32, i32
  }
  func.func @transform_17(%arg0: i32) -> (i32, i32) {
    %c0_i32 = arith.constant 0 : i32
    %c0_i32_0 = arith.constant 0 : i32
    %c0_i32_1 = arith.constant 0 : i32
    return %c0_i32, %c0_i32_0 : i32, i32
  }
  func.func @transform_18(%arg0: i32) -> (i32, i32) {
    %c0_i32 = arith.constant 0 : i32
    %c0_i32_0 = arith.constant 0 : i32
    %c0_i32_1 = arith.constant 0 : i32
    return %c0_i32, %c0_i32_0 : i32, i32
  }
}

</mosaic_0001>

<sc_bundles>
// kernel: kernel.6.cloned.1.call-start
scs
__scs_entry_jumppad:
0x0: {  	(pc) =	sbr.rel $0x88, $3  }
0x1: {  	(tag) =	ssettag $0x0;
	lr =	simm.s32 $0x1  }
0x2: {  	[smem:$0x3F8F] =	sst lr;
	_ =	strace $0xD0000000  }
0x3: {  	_ = 	snop  }
0x4: {  	_ = 	snop  }
0x5: {  	_ = 	snop  }
0x6: {  	_ = 	snop  }
0x7: {  	_ = 	snop  }
__scs_overlays_trampoline_lowered:
0x8: {  	[smem:$0x3F9E] =	sst s0  }
0x9: {  	[smem:$0x3F9F] =	sst s1  }
0xa: {  	[smem:$0x3FA0] =	sst s2  }
0xb: {  	[smem:$0x3FA1] =	sst s3  }
0xc: {  	[smem:$0x3FA2] =	sst s4  }
0xd: {  	[smem:$0x3FA3] =	sst s5  }
0xe: {  	[smem:$0x3FA4] =	sst s6  }
0xf: {  	[smem:$0x3FA5] =	sst s7  }
0x10: {  	[smem:$0x3FA6] =	sst s8  }
0x11: {  	[smem:$0x3FA7] =	sst s9;
	s0 =	simm.s32 @!p0 $0x0  }
0x12: {  	s1 =	sld [smem:$0x3F8D];
	s0 =	simm.s32 @p0 $0x1  }
0x13: {  	[smem:$0x3FA8] =	sst s0;
	s0 =	simm.s32 @!p1 $0x0  }
0x14: {  	s2 =	sld [smem:$0x3F8C];
	s0 =	simm.s32 @p1 $0x1  }
0x15: {  	[smem:$0x3FA9] =	sst s0;
	s0 =	simm.s32 @!p2 $0x0  }
0x16: {  	s3 =	sld [smem:$0x3FDB];
	s0 =	simm.s32 @p2 $0x1  }
0x17: {  	s4 =	simm.s32 $0x1BF5;
	[smem:$0x3FAB] =	sst s0  }
0x18: {  	s0 =	sld [smem:$0x3F8E];
	_ =	swait.ge [sflag:s4], $0x0  }
0x19: {  	s7 =	sld [smem:$0x3F8F]  }
0x1a: {  	s8 =	sadd.s32 $0xFFFFE003, lr  }
0x1b: {  	s9 =	sadd.s32 $0xFFFFFEF7, lr;
	s5 =	simm.s32 $0xFFFFFFFF;
	p2 =	slt.u32 s8, $0xFFFFF086  }
0x1c: {  	p1 =	slt.u32 s9, $0xF7A;
	s5 =	simm.s32 @!p2 $0x0  }
0x1d: {  	s5 =	simm.s32 @p1 $0x1;
	p0 =	seq.s32 s7, s2  }
0x1e: {  	s7 =	smul.u32 @!p0 $0xF7A, s2;
	p2 =	seq.s32 @!p0 s5, $0x0  }
0x1f: {  	s9 =	smul.u32 $0xF7A, s1;
	s8 =	simm.s32 @!p0 $0x1BF5;
	p2 =	por !p2, p0  }
0x20: {  	[sflag:s8] =	ssyncset.s32 @!p0 $0xFFFFF086;
	s6 =	sadd.s32 @!p0 s3, s7;
	s7 =	simm.s32 @!p0 $0x108  }
0x21: {  	s3 =	sadd.s32 s3, s9;
	s6 =	sadd.s32 @!p0 $0x88, s6;
	s7 =	simm.s32 @p2 $0x1082  }
0x22: {  	[simem:s7], [sflag:s8] =	dma.local @!p0 [hbm:s6], $0xF7A  }
0x23: {  	s9 =	sor.u32 $0xD0000000, s2;
	s6 =	simm.s32 $0x108;
	_ =	swait.ge @!p0 [sflag:s8], $0x0  }
0x24: {  	s3 =	sadd.s32 $0x88, s3;
	s6 =	simm.s32 @!p1 $0x1082;
	[sflag:s4] =	ssyncset.s32 $0xFFFFF086  }
0x25: {  	[simem:s6], [sflag:s4] =	dma.local [hbm:s3], $0xF7A  }
0x26: {  	[smem:$0x3F8F] =	sst s1;
	(tag) =	ssettag s2;
	_ =	strace s9  }
0x27: {  	s1 =	sld [smem:$0x3F9F]  }
0x28: {  	s2 =	sld [smem:$0x3FA0]  }
0x29: {  	s4 =	sld [smem:$0x3FA2]  }
0x2a: {  	p0 =	seq.s32 s5, $0x0;
	s5 =	sld [smem:$0x3FA3]  }
0x2b: {  	s6 =	sld [smem:$0x3FA4]  }
0x2c: {  	s7 =	sld [smem:$0x3FA5]  }
0x2d: {  	s3 =	simm.s32 $0x108;
	s8 =	sld [smem:$0x3FA6]  }
0x2e: {  	s3 =	simm.s32 @!p0 $0x1082;
	s9 =	sld [smem:$0x3FA7]  }
0x2f: {  	lr =	sadd.s32 s0, s3;
	s0 =	sld [smem:$0x3F9E]  }
0x30: {  	s3 =	sld [smem:$0x3FA1]  }
0x31: {  	[smem:$0x3FAA] =	sst s10  }
0x32: {  	s10 =	sld [smem:$0x3FA8];
	_ =	sdelay $0x3  }
0x33: {  	p0 =	seq.s32 s10, $0x1;
	s10 =	sld [smem:$0x3FAA];
	_ =	sdelay $0x3  }
0x34: {  	[smem:$0x3FAA] =	sst s10  }
0x35: {  	s10 =	sld [smem:$0x3FA9];
	_ =	sdelay $0x3  }
0x36: {  	p1 =	seq.s32 s10, $0x1;
	s10 =	sld [smem:$0x3FAA];
	_ =	sdelay $0x3  }
0x37: {  	[smem:$0x3FAA] =	sst s10  }
0x38: {  	s10 =	sld [smem:$0x3FAB]  }
0x39: {  	_ = 	snop;
	(pc) =	sbr.ind lr, $3  }
0x3a: {  	_ = 	snop  }
0x3b: {  	_ = 	snop  }
0x3c: {  	p2 =	seq.s32 s10, $0x1;
	s10 =	sld [smem:$0x3FAA]  }
0x3d: {  	_ =	shalt  }
0x3e: {  	_ =	shalt  }
0x3f: {  	_ =	shalt  }
0x40: {  	_ =	shalt  }
0x41: {  	_ =	shalt  }
0x42: {  	_ =	shalt  }
0x43: {  	_ =	shalt  }
0x44: {  	_ =	shalt  }
0x45: {  	_ =	shalt  }
0x46: {  	_ =	shalt  }
0x47: {  	_ =	shalt  }
0x48: {  	_ =	shalt  }
0x49: {  	_ =	shalt  }
0x4a: {  	_ =	shalt  }
0x4b: {  	_ =	shalt  }
0x4c: {  	_ =	shalt  }
0x4d: {  	_ =	shalt  }
0x4e: {  	_ =	shalt  }
0x4f: {  	_ =	shalt  }
0x50: {  	_ =	shalt  }
0x51: {  	_ =	shalt  }
0x52: {  	_ =	shalt  }
0x53: {  	_ =	shalt  }
0x54: {  	_ =	shalt  }
0x55: {  	_ =	shalt  }
0x56: {  	_ =	shalt  }
0x57: {  	_ =	shalt  }
0x58: {  	_ =	shalt  }
0x59: {  	_ =	shalt  }
0x5a: {  	_ =	shalt  }
0x5b: {  	_ =	shalt  }
0x5c: {  	_ =	shalt  }
0x5d: {  	_ =	shalt  }
0x5e: {  	_ =	shalt  }
0x5f: {  	_ =	shalt  }
0x60: {  	_ =	shalt  }
0x61: {  	_ =	shalt  }
0x62: {  	_ =	shalt  }
0x63: {  	_ =	shalt  }
0x64: {  	_ =	shalt  }
0x65: {  	_ =	shalt  }
0x66: {  	_ =	shalt  }
0x67: {  	_ =	shalt  }
0x68: {  	_ =	shalt  }
0x69: {  	_ =	shalt  }
0x6a: {  	_ =	shalt  }
0x6b: {  	_ =	shalt  }
0x6c: {  	_ =	shalt  }
0x6d: {  	_ =	shalt  }
0x6e: {  	_ =	shalt  }
0x6f: {  	_ =	shalt  }
0x70: {  	_ =	shalt  }
0x71: {  	_ =	shalt  }
0x72: {  	_ =	shalt  }
0x73: {  	_ =	shalt  }
0x74: {  	_ =	shalt  }
0x75: {  	_ =	shalt  }
0x76: {  	_ =	shalt  }
0x77: {  	_ =	shalt  }
0x78: {  	_ =	shalt  }
0x79: {  	_ =	shalt  }
0x7a: {  	_ =	shalt  }
0x7b: {  	_ =	shalt  }
0x7c: {  	_ =	shalt  }
0x7d: {  	_ =	shalt  }
0x7e: {  	_ =	shalt  }
0x7f: {  	_ =	shalt  }
0x80: {  	_ =	shalt  }
0x81: {  	_ =	shalt  }
0x82: {  	_ =	shalt  }
0x83: {  	_ =	shalt  }
0x84: {  	_ =	shalt  }
0x85: {  	_ =	shalt  }
0x86: {  	_ =	shalt  }
0x87: {  	_ =	shalt  }
.Lfunc_end0:
.L_simem_size_0:
called_computation_lowered:
.L_overlay_start_0:
0x88: {  	s2 =	sld [smem:$0x3FD9]  }
0x89: {  	s3 =	sld [smem:$0x3FFE];
	_ =	sdelay $0x1  }
0x8a: {  	s1 =	srdreg.scid  }
0x8b: {  	s0 =	sand.u32 $0x1, s1  }
0x8c: {  	s16 =	sshll.u32 s0, $0xA;
	s2 =	sadd.s32 s3, s2  }
0x8d: {  	s2 =	sadd.s32 s2, s16  }
0x8e: {  	[smem:$0x3FB6] =	sst s2  }
0x8f: {  	_ = 	snop  }
0x90: {  	(tm) =	ssettm $0x1  }
0x91: {  	s17 =	sld [smem:$0x3FFB];
	_ =	sdelay $0x3  }
0x92: {  	_ =	strace s17  }
0x93: {  	s2 =	sld [smem:$0x3FFC];
	_ =	sdelay $0x3  }
0x94: {  	_ =	strace s2  }
0x95: {  	s2 =	sld [smem:$0x3FFD];
	_ =	sdelay $0x3  }
0x96: {  	_ =	strace s2  }
0x97: {  	_ =	strace $0x8FFFFFFF  }
0x98: {  	s18 =	sld [smem:$0x3FDB];
	_ =	sdelay $0x1  }
0x99: {  	s19 =	simm.s32 $_scs_section_size  }
0x9a: {  	s4 =	simm.s32 $_size__tile_overlayer_lowered;
	s5 =	simm.s32 $_tile_overlayer_lowered  }
0x9b: {  	s22 =	simm.s32 $0x1BFF;
	s21 =	sshll.u32 s5, $0x1;
	s2 =	sadd.s32 s19, s18  }
0x9c: {  	s6 =	simm.s32 $0x0;
	s20 =	sshll.u32 s4, $0x1;
	s4 =	sadd.s32 s21, s2  }
0x9d: {  	[timem:s6], [sflag:s22] =	dma.local [hbm:s4], s20  }
0x9e: {  	_ =	swait.ge [sflag:s22], s20  }
0x9f: {  	s3 =	ssub.s32 $0x0, s20;
	[sflag:s22] =	ssyncset.done $0x0  }
0xa0: {  	[sflag:s22] =	ssyncadd.s32 s3;
	_ =	sdelay $0x1  }
0xa1: {  	s23 =	simm.s32 $0x1B8B  }
0xa2: {  	_ =	swait.ge [sflag:s23], $0x1  }
0xa3: {  	[sflag:s23] =	ssyncset.done $0x0  }
0xa4: {  	s25 =	simm.s32 $0x1B8E;
	s24 =	sld [smem:$0x3FFE];
	[sflag:s23] =	ssyncadd.s32 $0xFFFFFFFF  }
0xa5: {  	s26 =	simm.s32 $execute0_lowered;
	[smem:$0x3FD2] =	sst s25  }
0xa6: {  	s4 =	sshll.u32 s26, $0x1;
	_ =	strace $0x80000046;
	[dreg:$0x1] =	wrdreg $0xFFFFFFFF  }
0xa7: {  	s28 =	simm.s32 $_size_execute0_lowered;
	s2 =	sadd.s32 s2, s4;
	[dreg:$0x0] =	wrdreg $0x0  }
0xa8: {  	s4 =	sshll.u32 s28, $0x1;
	[dreg:$0x2] =	wrdreg s2  }
0xa9: {  	[dreg:$0x3] =	wrdreg s4  }
0xaa: {  	[dreg:$0x4] =	wrdreg $0xC0  }
0xab: {  	_ =	task [dreg:s6], $0x5FFFF  }
0xac: {  	[dreg:$0x1] =	wrdreg $0xFFFFFFFF  }
0xad: {  	[dreg:$0x0] =	wrdreg $0x60  }
0xae: {  	[dreg:$0x2] =	wrdreg s24  }
0xaf: {  	[dreg:$0x3] =	wrdreg $0x9  }
0xb0: {  	_ =	task.clear_ibuf [dreg:s6], $0x4FFFF;
	_ =	strace $0x90000046  }
0xb1: {  	s29 =	simm.s32 $0x9;
	_ =	strace $0x80000048  }
0xb2: {  	_ =	swait.ge [sflag:s29], $0x1  }
0xb3: {  	[sflag:s29] =	ssyncadd.s32 $0xFFFFFFFF  }
0xb4: {  	_ =	strace $0x90000048  }
0xb5: {  	_ =	sfence  }
0xb6: {  	s30 =	sld [smem:$0x0];
	_ =	sdelay $0x2  }
0xb7: {  	s31 =	sshll.u32 s1, $0xD;
	s1 =	sshrl.u32 s1, $0x2  }
0xb8: {  	s3 =	sand.u32 $0x4000, s31;
	s1 =	sadd.s32 s1, s30  }
0xb9: {  	s0 =	sor.u32 s3, s0;
	s1 =	sshll.u32 s1, $0x11  }
0xba: {  	s0 =	sor.u32 s1, s0  }
0xbb: {  	s0 =	sadd.s32 $0x8F2B, s0  }
0xbc: {  	[sflag:s0] =	ssyncadd.remote.s32 $0x1  }
0xbd: {  	_ =	sfence.sel $0xFFFF  }
0xbe: {  	[dreg:$0x0] =	wrdreg $0xFFFFFFFF;
	(pc) =	sbr.abs _section_cstart, $3  }
0xbf: {  	[dreg:$0x1] =	wrdreg $0xFFFFFFFF  }
0xc0: {  	_ =	task.clear_ibuf [dreg:s6], $0x2FFFF;
	_ =	strace $0x9FFFFFFF  }
0xc1: {  	(tm) =	ssettm $0x7FFFFFFF  }
tec
execute0_lowered:
.L_overlay_start_1:
0x0: {  	(tag) =	ssettag $0x1  }
0x1: {  	s4 =	rddreg [dreg:$0x0];
	s1 =	stileid.u32  }
0x2: {  	s2 =	simm.s32 $0x0;
	s0 =	srdreg.scid;
	s3 =	smul.u32 $0x5000, s1  }
0x3: {  	[smem:$0x7FF] =	sst s2;
	s5 =	sand.u32 $0x1, s0;
	s1 =	smul.u32 $0x2800, s1  }
0x4: {  	s0 =	sadd.s32 $0xDA00, s4;
	s6 =	sadd.s32 $0x67A00, s4;
	s7 =	smul.u32 $0x1400, s5  }
0x5: {  	s8 =	sadd.s32 $0x17A00, s4;
	_ =	strace $0x80000047;
	s9 =	smul.u32 $0x2800, s5  }
0x6: {  	s5 =	ssub.s32 $0x2, s5;
	s10 =	sadd.s32 s3, s6;
	s1 =	sadd.s32 s7, s1  }
0x7: {  	s3 =	sadd.s32 s3, s8;
	s28 =	sadd.s32 s9, s10;
	s29 =	sor.u32 $0x380, s1  }
0x8: {  	s3 =	sadd.s32 s9, s3;
	[dreg:$0x2] =	wrdreg s28;
	s30 =	sshll.u32 s29, $0x1  }
0x9: {  	s7 =	sadd.s32 $0x12A00, s4;
	[dreg:$0x3] =	wrdreg s3;
	s31 =	sadd.s32 s30, s8  }
0xa: {  	s11 =	sshrl.u32 s29, $0x3;
	s9 =	sadd.s32 s30, s6;
	[dreg:$0x4] =	wrdreg s31  }
0xb: {  	s13 =	sor.u32 $0x300, s1;
	s12 =	sadd.s32 s11, s7;
	[dreg:$0x5] =	wrdreg s9  }
0xc: {  	s15 =	sshll.u32 s13, $0x1;
	s14 =	sadd.s32 s11, s0;
	[dreg:$0x6] =	wrdreg s12  }
0xd: {  	s20 =	sor.u32 $0x280, s1;
	s16 =	sadd.s32 s15, s8;
	[dreg:$0x7] =	wrdreg s14  }
0xe: {  	s18 =	sshrl.u32 s13, $0x3;
	s17 =	sadd.s32 s15, s6;
	[dreg:$0x8] =	wrdreg s16  }
0xf: {  	s28 =	sor.u32 $0x200, s1;
	s19 =	sadd.s32 s18, s7;
	[dreg:$0x9] =	wrdreg s17  }
0x10: {  	s22 =	sshll.u32 s20, $0x1;
	s21 =	sadd.s32 s18, s0;
	[dreg:$0xa] =	wrdreg s19  }
0x11: {  	s25 =	sshrl.u32 s20, $0x3;
	s23 =	sadd.s32 s22, s8;
	[dreg:$0xb] =	wrdreg s21  }
0x12: {  	s10 =	sshrl.u32 s28, $0x3;
	s24 =	sadd.s32 s22, s6;
	[dreg:$0xc] =	wrdreg s23  }
0x13: {  	s26 =	sadd.s32 s25, s7;
	s29 =	sadd.s32 s25, s0;
	[dreg:$0xd] =	wrdreg s24  }
0x14: {  	s30 =	sshll.u32 s28, $0x1;
	s11 =	sadd.s32 s10, s7;
	[dreg:$0xe] =	wrdreg s26  }
0x15: {  	s28 =	sshrl.u32 s5, $0x1;
	[dreg:$0xf] =	wrdreg s29;
	s31 =	sadd.s32 s30, s8  }
0x16: {  	s9 =	sadd.s32 s30, s6;
	s12 =	sor.u32 $0x180, s1;
	[dreg:$0x12] =	wrdreg s11  }
0x17: {  	s16 =	sor.u32 $0x100, s1;
	s23 =	sor.u32 $0x80, s1;
	[dreg:$0x10] =	wrdreg s31  }
0x18: {  	s5 =	ssub.s32 s5, s28;
	[dreg:$0x11] =	wrdreg s9;
	s9 =	sadd.s32 s10, s0  }
0x19: {  	s1 =	sshrl.u32 s1, $0x3;
	s5 =	smax.u32 s5, $0x1;
	[dreg:$0x13] =	wrdreg s9  }
0x1a: {  	s11 =	sshll.u32 s12, $0x1;
	s31 =	sadd.s32 s1, s7;
	[smem:$0x7FB] =	sst s5  }
0x1b: {  	s13 =	sadd.s32 s11, s8;
	[smem:$0x7FC] =	sst s31  }
0x1c: {  	s10 =	sshrl.u32 s12, $0x3;
	s14 =	sadd.s32 s11, s6;
	[dreg:$0x14] =	wrdreg s13  }
0x1d: {  	s3 =	sadd.s32 $0x3A00, s4;
	s15 =	sadd.s32 s10, s7;
	[dreg:$0x15] =	wrdreg s14  }
0x1e: {  	s18 =	sshll.u32 s16, $0x1;
	s17 =	sadd.s32 s10, s0;
	[dreg:$0x16] =	wrdreg s15  }
0x1f: {  	s4 =	sadd.s32 $0x8A00, s4;
	s19 =	sadd.s32 s18, s8;
	[dreg:$0x17] =	wrdreg s17  }
0x20: {  	s21 =	sshrl.u32 s16, $0x3;
	s20 =	sadd.s32 s18, s6;
	[dreg:$0x18] =	wrdreg s19  }
0x21: {  	s25 =	sshll.u32 s23, $0x1;
	s22 =	sadd.s32 s21, s7;
	[dreg:$0x19] =	wrdreg s20  }
0x22: {  	s26 =	sshrl.u32 s23, $0x3;
	s24 =	sadd.s32 s21, s0;
	[dreg:$0x1a] =	wrdreg s22  }
0x23: {  	s12 =	simm.s32 $0x3;
	s8 =	sadd.s32 s25, s8;
	[dreg:$0x1b] =	wrdreg s24  }
0x24: {  	s6 =	sadd.s32 s25, s6;
	s29 =	sadd.s32 s26, s7;
	[dreg:$0x1c] =	wrdreg s8  }
0x25: {  	s30 =	sadd.s32 s26, s0;
	s0 =	sadd.s32 s1, s0;
	[dreg:$0x1d] =	wrdreg s6  }
0x26: {  	s7 =	simm.s32 $0x80;
	s21 =	simm.s32 $0x1;
	[dreg:$0x1e] =	wrdreg s29  }
0x27: {  	s10 =	simm.s32 $0x3C00;
	s11 =	simm.s32 $0x8000;
	[dreg:$0x1f] =	wrdreg s30  }
0x28: {  	[smem:$0x7FD] =	sst s0;
	s22 =	simm.s32 $0x2;
	s0 =	simm.s32 $0x0  }
.LBB2_1:
0x29: {  	s13 =	sld [smem:$0x7FD];
	_ =	sdelay $0x1  }
0x2a: {  	s14 =	sld [smem:$0x7FC]  }
0x2b: {  	[smem:$0x7FA] =	sst s0;
	s13 =	sadd.s32 $0x0, s13  }
0x2c: {  	[tilespmem:s2], [sflag:$0x1] =	stream.linear.gather [hbm4b:s13+s2], $0x80, $0x38;
	[tilespmem:$0x8800] =	vst v63  }
0x2d: {  	s15 =	rddreg [dreg:$0x1f];
	s16 =	simm.s32 $0x4400;
	s17 =	sadd.s32 $0x0, s14  }
0x2e: {  	[tilespmem:s16], [sflag:$0x2] =	stream.linear.gather [hbm4b:s17+s2], $0x80, $0x38;
	[tilespmem:$0x8800] =	vst v63  }
0x2f: {  	s18 =	rddreg [dreg:$0x1e];
	s19 =	sadd.s32 $0x0, s15  }
0x30: {  	[tilespmem:s7], [sflag:$0x1] =	stream.linear.gather [hbm4b:s19+s2], $0x80, $0x38;
	[tilespmem:$0x8800] =	vst v63  }
0x31: {  	s20 =	rddreg [dreg:$0x1b];
	s23 =	sadd.s32 $0x0, s18;
	s17 =	simm.s32 $0x4480  }
0x32: {  	[tilespmem:s17], [sflag:$0x2] =	stream.linear.gather [hbm4b:s23+s2], $0x80, $0x38;
	[tilespmem:$0x8800] =	vst v63  }
0x33: {  	s24 =	rddreg [dreg:$0x1a];
	s25 =	sadd.s32 $0x0, s20;
	s18 =	simm.s32 $0x100  }
0x34: {  	[tilespmem:s18], [sflag:$0x1] =	stream.linear.gather [hbm4b:s25+s2], $0x80, $0x38;
	[tilespmem:$0x8800] =	vst v63  }
0x35: {  	s26 =	rddreg [dreg:$0x17];
	s28 =	sadd.s32 $0x0, s24;
	s19 =	simm.s32 $0x4500  }
0x36: {  	[tilespmem:s19], [sflag:$0x2] =	stream.linear.gather [hbm4b:s28+s2], $0x80, $0x38;
	[tilespmem:$0x8800] =	vst v63  }
0x37: {  	s29 =	rddreg [dreg:$0x16];
	s30 =	sadd.s32 $0x0, s26;
	s20 =	simm.s32 $0x180  }
0x38: {  	[tilespmem:s20], [sflag:$0x1] =	stream.linear.gather [hbm4b:s30+s2], $0x80, $0x38;
	[tilespmem:$0x8800] =	vst v63  }
0x39: {  	s31 =	rddreg [dreg:$0x13];
	s0 =	sadd.s32 $0x0, s29;
	s23 =	simm.s32 $0x4580  }
0x3a: {  	[tilespmem:s23], [sflag:$0x2] =	stream.linear.gather [hbm4b:s0+s2], $0x80, $0x38;
	[tilespmem:$0x8800] =	vst v63  }
0x3b: {  	s1 =	rddreg [dreg:$0x12];
	s5 =	sadd.s32 $0x0, s31;
	s24 =	simm.s32 $0x200  }
0x3c: {  	[tilespmem:s24], [sflag:$0x1] =	stream.linear.gather [hbm4b:s5+s2], $0x80, $0x38;
	[tilespmem:$0x8800] =	vst v63  }
0x3d: {  	s6 =	rddreg [dreg:$0xf];
	s8 =	sadd.s32 $0x0, s1;
	s25 =	simm.s32 $0x4600  }
0x3e: {  	[tilespmem:s25], [sflag:$0x2] =	stream.linear.gather [hbm4b:s8+s2], $0x80, $0x38;
	[tilespmem:$0x8800] =	vst v63  }
0x3f: {  	s9 =	rddreg [dreg:$0xe];
	s26 =	simm.s32 $0x280;
	s28 =	sadd.s32 $0x0, s6  }
0x40: {  	[tilespmem:s26], [sflag:$0x1] =	stream.linear.gather [hbm4b:s28+s2], $0x80, $0x38;
	[tilespmem:$0x8800] =	vst v63  }
0x41: {  	s29 =	rddreg [dreg:$0xb];
	s30 =	sadd.s32 $0x0, s9;
	s0 =	simm.s32 $0x4680  }
0x42: {  	[tilespmem:s0], [sflag:$0x2] =	stream.linear.gather [hbm4b:s30+s2], $0x80, $0x38;
	[tilespmem:$0x8800] =	vst v63  }
0x43: {  	s31 =	rddreg [dreg:$0xa];
	s1 =	simm.s32 $0x300;
	s5 =	sadd.s32 $0x0, s29  }
0x44: {  	[tilespmem:s1], [sflag:$0x1] =	stream.linear.gather [hbm4b:s5+s2], $0x80, $0x38;
	[tilespmem:$0x8800] =	vst v63  }
0x45: {  	s6 =	rddreg [dreg:$0x7];
	s8 =	sadd.s32 $0x0, s31;
	s5 =	simm.s32 $0x4700  }
0x46: {  	[tilespmem:s5], [sflag:$0x2] =	stream.linear.gather [hbm4b:s8+s2], $0x80, $0x38;
	[tilespmem:$0x8800] =	vst v63  }
0x47: {  	s9 =	rddreg [dreg:$0x6];
	s29 =	simm.s32 $0x380;
	s28 =	sadd.s32 $0x0, s6  }
0x48: {  	[tilespmem:s29], [sflag:$0x1] =	stream.linear.gather [hbm4b:s28+s2], $0x80, $0x38;
	[tilespmem:$0x8800] =	vst v63  }
0x49: {  	s31 =	simm.s32 $0x4780;
	s30 =	sadd.s32 $0x0, s9  }
0x4a: {  	[tilespmem:s31], [sflag:$0x2] =	stream.linear.gather [hbm4b:s30+s2], $0x80, $0x38;
	[tilespmem:$0x8800] =	vst v63  }
0x4b: {  	_ =	swait.ge [sflag:s21], $0x80  }
0x4c: {  	[sflag:s21] =	ssyncset.done $0x0  }
0x4d: {  	[sflag:s21] =	ssyncadd.s32 $0xFFFFFF80  }
0x4e: {  	_ =	swait.ge [sflag:s22], $0x80  }
0x4f: {  	[sflag:s22] =	ssyncset.done $0x0  }
0x50: {  	[sflag:s22] =	ssyncadd.s32 $0xFFFFFF80  }
0x51: {  	_ =	swait.ge [sflag:s21], $0x80  }
0x52: {  	[sflag:s21] =	ssyncset.done $0x0  }
0x53: {  	[sflag:s21] =	ssyncadd.s32 $0xFFFFFF80  }
0x54: {  	_ =	swait.ge [sflag:s22], $0x80  }
0x55: {  	[sflag:s22] =	ssyncset.done $0x0  }
0x56: {  	[sflag:s22] =	ssyncadd.s32 $0xFFFFFF80  }
0x57: {  	_ =	swait.ge [sflag:s21], $0x80  }
0x58: {  	[sflag:s21] =	ssyncset.done $0x0  }
0x59: {  	[sflag:s21] =	ssyncadd.s32 $0xFFFFFF80  }
0x5a: {  	_ =	swait.ge [sflag:s22], $0x80  }
0x5b: {  	[sflag:s22] =	ssyncset.done $0x0  }
0x5c: {  	[sflag:s22] =	ssyncadd.s32 $0xFFFFFF80  }
0x5d: {  	_ =	swait.ge [sflag:s21], $0x80  }
0x5e: {  	[sflag:s21] =	ssyncset.done $0x0  }
0x5f: {  	[sflag:s21] =	ssyncadd.s32 $0xFFFFFF80  }
0x60: {  	_ =	swait.ge [sflag:s22], $0x80  }
0x61: {  	[sflag:s22] =	ssyncset.done $0x0  }
0x62: {  	[sflag:s22] =	ssyncadd.s32 $0xFFFFFF80  }
0x63: {  	_ =	swait.ge [sflag:s21], $0x80  }
0x64: {  	[sflag:s21] =	ssyncset.done $0x0  }
0x65: {  	[sflag:s21] =	ssyncadd.s32 $0xFFFFFF80  }
0x66: {  	_ =	swait.ge [sflag:s22], $0x80  }
0x67: {  	[sflag:s22] =	ssyncset.done $0x0  }
0x68: {  	[sflag:s22] =	ssyncadd.s32 $0xFFFFFF80  }
0x69: {  	_ =	swait.ge [sflag:s21], $0x80  }
0x6a: {  	[sflag:s21] =	ssyncset.done $0x0  }
0x6b: {  	[sflag:s21] =	ssyncadd.s32 $0xFFFFFF80  }
0x6c: {  	_ =	swait.ge [sflag:s22], $0x80  }
0x6d: {  	[sflag:s22] =	ssyncset.done $0x0  }
0x6e: {  	[sflag:s22] =	ssyncadd.s32 $0xFFFFFF80  }
0x6f: {  	_ =	swait.ge [sflag:s21], $0x80  }
0x70: {  	[sflag:s21] =	ssyncset.done $0x0  }
0x71: {  	[sflag:s21] =	ssyncadd.s32 $0xFFFFFF80  }
0x72: {  	_ =	swait.ge [sflag:s22], $0x80  }
0x73: {  	[sflag:s22] =	ssyncset.done $0x0  }
0x74: {  	[sflag:s22] =	ssyncadd.s32 $0xFFFFFF80  }
0x75: {  	_ =	swait.ge [sflag:s21], $0x80  }
0x76: {  	[sflag:s21] =	ssyncset.done $0x0  }
0x77: {  	[sflag:s21] =	ssyncadd.s32 $0xFFFFFF80  }
0x78: {  	_ =	swait.ge [sflag:s22], $0x80  }
0x79: {  	[sflag:s22] =	ssyncset.done $0x0  }
0x7a: {  	s6 =	simm.s32 $0x400;
	[sflag:s22] =	ssyncadd.s32 $0xFFFFFF80  }
0x7b: {  	[tilespmem:s6], [sflag:$0x1] =	stream.indirect.gather [hbm4b:s3+s7], $0x10, s2, s7, $0xb8;
	[tilespmem:$0x8800] =	vst v63  }
0x7c: {  	s8 =	simm.s32 $0x4800  }
0x7d: {  	[tilespmem:s8], [sflag:$0x2] =	stream.indirect.gather [hbm4b:s4+s7], $0x10, s16, s7, $0xb8;
	[tilespmem:$0x8800] =	vst v63  }
0x7e: {  	s16 =	simm.s32 $0xC00  }
0x7f: {  	[tilespmem:s16], [sflag:$0x1] =	stream.indirect.gather [hbm4b:s3+s7], $0x10, s7, s7, $0xb8;
	[tilespmem:$0x8800] =	vst v63  }
0x80: {  	s9 =	simm.s32 $0x5000  }
0x81: {  	[tilespmem:s9], [sflag:$0x2] =	stream.indirect.gather [hbm4b:s4+s7], $0x10, s17, s7, $0xb8;
	[tilespmem:$0x8800] =	vst v63  }
0x82: {  	s17 =	simm.s32 $0x1400  }
0x83: {  	[tilespmem:s17], [sflag:$0x1] =	stream.indirect.gather [hbm4b:s3+s7], $0x10, s18, s7, $0xb8;
	[tilespmem:$0x8800] =	vst v63  }
0x84: {  	s18 =	simm.s32 $0x5800  }
0x85: {  	[tilespmem:s18], [sflag:$0x2] =	stream.indirect.gather [hbm4b:s4+s7], $0x10, s19, s7, $0xb8;
	[tilespmem:$0x8800] =	vst v63  }
0x86: {  	s19 =	simm.s32 $0x1C00  }
0x87: {  	[tilespmem:s19], [sflag:$0x1] =	stream.indirect.gather [hbm4b:s3+s7], $0x10, s20, s7, $0xb8;
	[tilespmem:$0x8800] =	vst v63  }
0x88: {  	s20 =	simm.s32 $0x6000  }
0x89: {  	[tilespmem:s20], [sflag:$0x2] =	stream.indirect.gather [hbm4b:s4+s7], $0x10, s23, s7, $0xb8;
	[tilespmem:$0x8800] =	vst v63  }
0x8a: {  	s23 =	simm.s32 $0x2400  }
0x8b: {  	[tilespmem:s23], [sflag:$0x1] =	stream.indirect.gather [hbm4b:s3+s7], $0x10, s24, s7, $0xb8;
	[tilespmem:$0x8800] =	vst v63  }
0x8c: {  	s24 =	simm.s32 $0x6800  }
0x8d: {  	[tilespmem:s24], [sflag:$0x2] =	stream.indirect.gather [hbm4b:s4+s7], $0x10, s25, s7, $0xb8;
	[tilespmem:$0x8800] =	vst v63  }
0x8e: {  	s25 =	simm.s32 $0x2C00  }
0x8f: {  	[tilespmem:s25], [sflag:$0x1] =	stream.indirect.gather [hbm4b:s3+s7], $0x10, s26, s7, $0xb8;
	[tilespmem:$0x8800] =	vst v63  }
0x90: {  	s26 =	simm.s32 $0x7000  }
0x91: {  	[tilespmem:s26], [sflag:$0x2] =	stream.indirect.gather [hbm4b:s4+s7], $0x10, s0, s7, $0xb8;
	[tilespmem:$0x8800] =	vst v63  }
0x92: {  	s0 =	simm.s32 $0x3400  }
0x93: {  	[tilespmem:s0], [sflag:$0x1] =	stream.indirect.gather [hbm4b:s3+s7], $0x10, s1, s7, $0xb8;
	[tilespmem:$0x8800] =	vst v63  }
0x94: {  	s1 =	simm.s32 $0x7800  }
0x95: {  	[tilespmem:s1], [sflag:$0x2] =	stream.indirect.gather [hbm4b:s4+s7], $0x10, s5, s7, $0xb8;
	[tilespmem:$0x8800] =	vst v63  }
0x96: {  	_ = 	snop  }
0x97: {  	[tilespmem:s10], [sflag:$0x1] =	stream.indirect.gather [hbm4b:s3+s7], $0x10, s29, s7, $0xb8;
	[tilespmem:$0x8800] =	vst v63  }
0x98: {  	_ = 	snop  }
0x99: {  	[tilespmem:s11], [sflag:$0x2] =	stream.indirect.gather [hbm4b:s4+s7], $0x10, s31, s7, $0xb8;
	[tilespmem:$0x8800] =	vst v63  }
0x9a: {  	_ =	swait.ge [sflag:s21], $0x800  }
0x9b: {  	[sflag:s21] =	ssyncset.done $0x0  }
0x9c: {  	[sflag:s21] =	ssyncadd.s32 $0xFFFFF800  }
0x9d: {  	_ =	swait.ge [sflag:s22], $0x800  }
0x9e: {  	[sflag:s22] =	ssyncset.done $0x0  }
0x9f: {  	[sflag:s22] =	ssyncadd.s32 $0xFFFFF800  }
0xa0: {  	_ =	swait.ge [sflag:s21], $0x800  }
0xa1: {  	[sflag:s21] =	ssyncset.done $0x0  }
0xa2: {  	[sflag:s21] =	ssyncadd.s32 $0xFFFFF800  }
0xa3: {  	_ =	swait.ge [sflag:s22], $0x800  }
0xa4: {  	[sflag:s22] =	ssyncset.done $0x0  }
0xa5: {  	[sflag:s22] =	ssyncadd.s32 $0xFFFFF800  }
0xa6: {  	_ =	swait.ge [sflag:s21], $0x800  }
0xa7: {  	[sflag:s21] =	ssyncset.done $0x0  }
0xa8: {  	[sflag:s21] =	ssyncadd.s32 $0xFFFFF800  }
0xa9: {  	_ =	swait.ge [sflag:s22], $0x800  }
0xaa: {  	[sflag:s22] =	ssyncset.done $0x0  }
0xab: {  	[sflag:s22] =	ssyncadd.s32 $0xFFFFF800  }
0xac: {  	_ =	swait.ge [sflag:s21], $0x800  }
0xad: {  	[sflag:s21] =	ssyncset.done $0x0  }
0xae: {  	[sflag:s21] =	ssyncadd.s32 $0xFFFFF800  }
0xaf: {  	_ =	swait.ge [sflag:s22], $0x800  }
0xb0: {  	[sflag:s22] =	ssyncset.done $0x0  }
0xb1: {  	[sflag:s22] =	ssyncadd.s32 $0xFFFFF800  }
0xb2: {  	_ =	swait.ge [sflag:s21], $0x800  }
0xb3: {  	[sflag:s21] =	ssyncset.done $0x0  }
0xb4: {  	[sflag:s21] =	ssyncadd.s32 $0xFFFFF800  }
0xb5: {  	_ =	swait.ge [sflag:s22], $0x800  }
0xb6: {  	[sflag:s22] =	ssyncset.done $0x0  }
0xb7: {  	[sflag:s22] =	ssyncadd.s32 $0xFFFFF800  }
0xb8: {  	_ =	swait.ge [sflag:s21], $0x800  }
0xb9: {  	[sflag:s21] =	ssyncset.done $0x0  }
0xba: {  	[sflag:s21] =	ssyncadd.s32 $0xFFFFF800  }
0xbb: {  	_ =	swait.ge [sflag:s22], $0x800  }
0xbc: {  	[sflag:s22] =	ssyncset.done $0x0  }
0xbd: {  	[sflag:s22] =	ssyncadd.s32 $0xFFFFF800  }
0xbe: {  	_ =	swait.ge [sflag:s21], $0x800  }
0xbf: {  	[sflag:s21] =	ssyncset.done $0x0  }
0xc0: {  	[sflag:s21] =	ssyncadd.s32 $0xFFFFF800  }
0xc1: {  	_ =	swait.ge [sflag:s22], $0x800  }
0xc2: {  	[sflag:s22] =	ssyncset.done $0x0  }
0xc3: {  	[sflag:s22] =	ssyncadd.s32 $0xFFFFF800  }
0xc4: {  	_ =	swait.ge [sflag:s21], $0x800  }
0xc5: {  	[sflag:s21] =	ssyncset.done $0x0  }
0xc6: {  	[sflag:s21] =	ssyncadd.s32 $0xFFFFF800  }
0xc7: {  	_ =	swait.ge [sflag:s22], $0x800  }
0xc8: {  	s28 =	rddreg [dreg:$0x3];
	[sflag:s22] =	ssyncset.done $0x0  }
0xc9: {  	s29 =	rddreg [dreg:$0x2];
	[sflag:s22] =	ssyncadd.s32 $0xFFFFF800;
	s13 =	sadd.s32 $0x0, s28  }
0xca: {  	[hbm4b:s13+s2] =	stream.linear.scatter [tilespmem:s6], [sflag:$0x3], $0x800, $0x38;
	[tilespmem:$0x8800] =	vst v63  }
0xcb: {  	s30 =	rddreg [dreg:$0x1c];
	s31 =	sadd.s32 $0x0, s29  }
0xcc: {  	[hbm4b:s31+s2] =	stream.linear.scatter [tilespmem:s8], [sflag:$0x3], $0x800, $0x38;
	[tilespmem:$0x8800] =	vst v63  }
0xcd: {  	s5 =	rddreg [dreg:$0x1d];
	s6 =	sadd.s32 $0x0, s30  }
0xce: {  	[hbm4b:s6+s2] =	stream.linear.scatter [tilespmem:s16], [sflag:$0x3], $0x800, $0x38;
	[tilespmem:$0x8800] =	vst v63  }
0xcf: {  	s14 =	sadd.s32 $0x0, s5;
	s8 =	rddreg [dreg:$0x18]  }
0xd0: {  	[hbm4b:s14+s2] =	stream.linear.scatter [tilespmem:s9], [sflag:$0x3], $0x800, $0x38;
	[tilespmem:$0x8800] =	vst v63  }
0xd1: {  	s28 =	sadd.s32 $0x0, s8;
	s16 =	rddreg [dreg:$0x19]  }
0xd2: {  	[hbm4b:s28+s2] =	stream.linear.scatter [tilespmem:s17], [sflag:$0x3], $0x800, $0x38;
	[tilespmem:$0x8800] =	vst v63  }
0xd3: {  	s29 =	rddreg [dreg:$0x14];
	s30 =	sadd.s32 $0x0, s16  }
0xd4: {  	[hbm4b:s30+s2] =	stream.linear.scatter [tilespmem:s18], [sflag:$0x3], $0x800, $0x38;
	[tilespmem:$0x8800] =	vst v63  }
0xd5: {  	s5 =	sadd.s32 $0x0, s29;
	s31 =	rddreg [dreg:$0x15]  }
0xd6: {  	[hbm4b:s5+s2] =	stream.linear.scatter [tilespmem:s19], [sflag:$0x3], $0x800, $0x38;
	[tilespmem:$0x8800] =	vst v63  }
0xd7: {  	s8 =	sadd.s32 $0x0, s31;
	s6 =	rddreg [dreg:$0x10]  }
0xd8: {  	[hbm4b:s8+s2] =	stream.linear.scatter [tilespmem:s20], [sflag:$0x3], $0x800, $0x38;
	[tilespmem:$0x8800] =	vst v63  }
0xd9: {  	s15 =	sadd.s32 $0x0, s6;
	s9 =	rddreg [dreg:$0x11]  }
0xda: {  	[hbm4b:s15+s2] =	stream.linear.scatter [tilespmem:s23], [sflag:$0x3], $0x800, $0x38;
	[tilespmem:$0x8800] =	vst v63  }
0xdb: {  	s16 =	rddreg [dreg:$0xc];
	s17 =	sadd.s32 $0x0, s9  }
0xdc: {  	[hbm4b:s17+s2] =	stream.linear.scatter [tilespmem:s24], [sflag:$0x3], $0x800, $0x38;
	[tilespmem:$0x8800] =	vst v63  }
0xdd: {  	s18 =	rddreg [dreg:$0xd];
	s19 =	sadd.s32 $0x0, s16  }
0xde: {  	[hbm4b:s19+s2] =	stream.linear.scatter [tilespmem:s25], [sflag:$0x3], $0x800, $0x38;
	[tilespmem:$0x8800] =	vst v63  }
0xdf: {  	s20 =	rddreg [dreg:$0x8];
	s23 =	sadd.s32 $0x0, s18  }
0xe0: {  	[hbm4b:s23+s2] =	stream.linear.scatter [tilespmem:s26], [sflag:$0x3], $0x800, $0x38;
	[tilespmem:$0x8800] =	vst v63  }
0xe1: {  	s24 =	rddreg [dreg:$0x9];
	s25 =	sadd.s32 $0x0, s20  }
0xe2: {  	[hbm4b:s25+s2] =	stream.linear.scatter [tilespmem:s0], [sflag:$0x3], $0x800, $0x38;
	[tilespmem:$0x8800] =	vst v63  }
0xe3: {  	s28 =	sadd.s32 $0x0, s24;
	s26 =	rddreg [dreg:$0x4]  }
0xe4: {  	[hbm4b:s28+s2] =	stream.linear.scatter [tilespmem:s1], [sflag:$0x3], $0x800, $0x38;
	[tilespmem:$0x8800] =	vst v63  }
0xe5: {  	s29 =	rddreg [dreg:$0x5];
	s30 =	sadd.s32 $0x0, s26  }
0xe6: {  	[hbm4b:s30+s2] =	stream.linear.scatter [tilespmem:s10], [sflag:$0x3], $0x800, $0x38;
	[tilespmem:$0x8800] =	vst v63  }
0xe7: {  	s31 =	sadd.s32 $0x0, s29  }
0xe8: {  	[hbm4b:s31+s2] =	stream.linear.scatter [tilespmem:s11], [sflag:$0x3], $0x800, $0x38;
	[tilespmem:$0x8800] =	vst v63  }
0xe9: {  	_ =	swait.ge [sflag:s12], $0x800  }
0xea: {  	[sflag:s12] =	ssyncset.done $0x0  }
0xeb: {  	[sflag:s12] =	ssyncadd.s32 $0xFFFFF800  }
0xec: {  	_ =	swait.ge [sflag:s12], $0x800  }
0xed: {  	[sflag:s12] =	ssyncset.done $0x0  }
0xee: {  	[sflag:s12] =	ssyncadd.s32 $0xFFFFF800  }
0xef: {  	_ =	swait.ge [sflag:s12], $0x800  }
0xf0: {  	[sflag:s12] =	ssyncset.done $0x0  }
0xf1: {  	[sflag:s12] =	ssyncadd.s32 $0xFFFFF800  }
0xf2: {  	_ =	swait.ge [sflag:s12], $0x800  }
0xf3: {  	[sflag:s12] =	ssyncset.done $0x0  }
0xf4: {  	[sflag:s12] =	ssyncadd.s32 $0xFFFFF800  }
0xf5: {  	_ =	swait.ge [sflag:s12], $0x800  }
0xf6: {  	[sflag:s12] =	ssyncset.done $0x0  }
0xf7: {  	[sflag:s12] =	ssyncadd.s32 $0xFFFFF800  }
0xf8: {  	_ =	swait.ge [sflag:s12], $0x800  }
0xf9: {  	[sflag:s12] =	ssyncset.done $0x0  }
0xfa: {  	[sflag:s12] =	ssyncadd.s32 $0xFFFFF800  }
0xfb: {  	_ =	swait.ge [sflag:s12], $0x800  }
0xfc: {  	[sflag:s12] =	ssyncset.done $0x0  }
0xfd: {  	[sflag:s12] =	ssyncadd.s32 $0xFFFFF800  }
0xfe: {  	_ =	swait.ge [sflag:s12], $0x800  }
0xff: {  	[sflag:s12] =	ssyncset.done $0x0  }
0x100: {  	[sflag:s12] =	ssyncadd.s32 $0xFFFFF800  }
0x101: {  	_ =	swait.ge [sflag:s12], $0x800  }
0x102: {  	[sflag:s12] =	ssyncset.done $0x0  }
0x103: {  	[sflag:s12] =	ssyncadd.s32 $0xFFFFF800  }
0x104: {  	_ =	swait.ge [sflag:s12], $0x800  }
0x105: {  	[sflag:s12] =	ssyncset.done $0x0  }
0x106: {  	[sflag:s12] =	ssyncadd.s32 $0xFFFFF800  }
0x107: {  	_ =	swait.ge [sflag:s12], $0x800  }
0x108: {  	[sflag:s12] =	ssyncset.done $0x0  }
0x109: {  	[sflag:s12] =	ssyncadd.s32 $0xFFFFF800  }
0x10a: {  	_ =	swait.ge [sflag:s12], $0x800  }
0x10b: {  	[sflag:s12] =	ssyncset.done $0x0  }
0x10c: {  	[sflag:s12] =	ssyncadd.s32 $0xFFFFF800  }
0x10d: {  	_ =	swait.ge [sflag:s12], $0x800  }
0x10e: {  	[sflag:s12] =	ssyncset.done $0x0  }
0x10f: {  	[sflag:s12] =	ssyncadd.s32 $0xFFFFF800  }
0x110: {  	_ =	swait.ge [sflag:s12], $0x800  }
0x111: {  	[sflag:s12] =	ssyncset.done $0x0  }
0x112: {  	[sflag:s12] =	ssyncadd.s32 $0xFFFFF800  }
0x113: {  	_ =	swait.ge [sflag:s12], $0x800  }
0x114: {  	[sflag:s12] =	ssyncset.done $0x0  }
0x115: {  	[sflag:s12] =	ssyncadd.s32 $0xFFFFF800  }
0x116: {  	s13 =	simm.s32 $0x800;
	s14 =	simm.s32 $0x1000;
	_ =	swait.ge [sflag:s12], $0x800  }
0x117: {  	s15 =	simm.s32 $0x0;
	s17 =	sld [smem:$0x7FD];
	[sflag:s12] =	ssyncset.done $0x0  }
.LBB2_2:
0x118: {  	_ = 	snop  }
0x119: {  	s15 =	sadd.s32 $0x80, s15;
	s18 =	sld [smem:$0x7FC]  }
0x11a: {  	[sflag:s12] =	ssyncadd.s32 $0xFFFFF800;
	s17 =	sadd.s32 s15, s17  }
0x11b: {  	[tilespmem:s2], [sflag:$0x1] =	stream.linear.gather [hbm4b:s17+s2], $0x80, $0x38;
	[tilespmem:$0x8800] =	vst v63  }
0x11c: {  	s19 =	rddreg [dreg:$0x1f];
	s20 =	simm.s32 $0x4400;
	s0 =	sadd.s32 s15, s18  }
0x11d: {  	[tilespmem:s20], [sflag:$0x2] =	stream.linear.gather [hbm4b:s0+s2], $0x80, $0x38;
	[tilespmem:$0x8800] =	vst v63  }
0x11e: {  	s1 =	rddreg [dreg:$0x1e];
	s5 =	sadd.s32 s15, s19  }
0x11f: {  	[tilespmem:s7], [sflag:$0x1] =	stream.linear.gather [hbm4b:s5+s2], $0x80, $0x38;
	[tilespmem:$0x8800] =	vst v63  }
0x120: {  	s6 =	rddreg [dreg:$0x1b];
	s23 =	simm.s32 $0x4480;
	s8 =	sadd.s32 s15, s1  }
0x121: {  	[tilespmem:s23], [sflag:$0x2] =	stream.linear.gather [hbm4b:s8+s2], $0x80, $0x38;
	[tilespmem:$0x8800] =	vst v63  }
0x122: {  	s9 =	rddreg [dreg:$0x1a];
	s24 =	simm.s32 $0x100;
	s25 =	sadd.s32 s15, s6  }
0x123: {  	[tilespmem:s24], [sflag:$0x1] =	stream.linear.gather [hbm4b:s25+s2], $0x80, $0x38;
	[tilespmem:$0x8800] =	vst v63  }
0x124: {  	s26 =	rddreg [dreg:$0x17];
	s28 =	sadd.s32 s15, s9;
	s25 =	simm.s32 $0x4500  }
0x125: {  	[tilespmem:s25], [sflag:$0x2] =	stream.linear.gather [hbm4b:s28+s2], $0x80, $0x38;
	[tilespmem:$0x8800] =	vst v63  }
0x126: {  	s29 =	rddreg [dreg:$0x16];
	s30 =	sadd.s32 s15, s26;
	s26 =	simm.s32 $0x180  }
0x127: {  	[tilespmem:s26], [sflag:$0x1] =	stream.linear.gather [hbm4b:s30+s2], $0x80, $0x38;
	[tilespmem:$0x8800] =	vst v63  }
0x128: {  	s31 =	rddreg [dreg:$0x13];
	s0 =	sadd.s32 s15, s29;
	s28 =	simm.s32 $0x4580  }
0x129: {  	[tilespmem:s28], [sflag:$0x2] =	stream.linear.gather [hbm4b:s0+s2], $0x80, $0x38;
	[tilespmem:$0x8800] =	vst v63  }
0x12a: {  	s1 =	rddreg [dreg:$0x12];
	s29 =	simm.s32 $0x200;
	s5 =	sadd.s32 s15, s31  }
0x12b: {  	[tilespmem:s29], [sflag:$0x1] =	stream.linear.gather [hbm4b:s5+s2], $0x80, $0x38;
	[tilespmem:$0x8800] =	vst v63  }
0x12c: {  	s6 =	rddreg [dreg:$0xf];
	s8 =	sadd.s32 s15, s1;
	s30 =	simm.s32 $0x4600  }
0x12d: {  	[tilespmem:s30], [sflag:$0x2] =	stream.linear.gather [hbm4b:s8+s2], $0x80, $0x38;
	[tilespmem:$0x8800] =	vst v63  }
0x12e: {  	s9 =	rddreg [dreg:$0xe];
	s31 =	simm.s32 $0x280;
	s0 =	sadd.s32 s15, s6  }
0x12f: {  	[tilespmem:s31], [sflag:$0x1] =	stream.linear.gather [hbm4b:s0+s2], $0x80, $0x38;
	[tilespmem:$0x8800] =	vst v63  }
0x130: {  	s1 =	rddreg [dreg:$0xb];
	s5 =	sadd.s32 s15, s9;
	s0 =	simm.s32 $0x4680  }
0x131: {  	[tilespmem:s0], [sflag:$0x2] =	stream.linear.gather [hbm4b:s5+s2], $0x80, $0x38;
	[tilespmem:$0x8800] =	vst v63  }
0x132: {  	s6 =	rddreg [dreg:$0xa];
	s8 =	sadd.s32 s15, s1;
	s1 =	simm.s32 $0x300  }
0x133: {  	[tilespmem:s1], [sflag:$0x1] =	stream.linear.gather [hbm4b:s8+s2], $0x80, $0x38;
	[tilespmem:$0x8800] =	vst v63  }
0x134: {  	s18 =	sadd.s32 s15, s6;
	s9 =	rddreg [dreg:$0x7];
	s5 =	simm.s32 $0x4700  }
0x135: {  	[tilespmem:s5], [sflag:$0x2] =	stream.linear.gather [hbm4b:s18+s2], $0x80, $0x38;
	[tilespmem:$0x8800] =	vst v63  }
0x136: {  	s19 =	simm.s32 $0x380;
	s6 =	rddreg [dreg:$0x6];
	s8 =	sadd.s32 s15, s9  }
0x137: {  	[tilespmem:s19], [sflag:$0x1] =	stream.linear.gather [hbm4b:s8+s2], $0x80, $0x38;
	[tilespmem:$0x8800] =	vst v63  }
0x138: {  	s9 =	sadd.s32 s15, s6;
	s18 =	simm.s32 $0x4780  }
0x139: {  	[tilespmem:s18], [sflag:$0x2] =	stream.linear.gather [hbm4b:s9+s2], $0x80, $0x38;
	[tilespmem:$0x8800] =	vst v63  }
0x13a: {  	_ =	swait.ge [sflag:s21], $0x80  }
0x13b: {  	[sflag:s21] =	ssyncset.done $0x0  }
0x13c: {  	[sflag:s21] =	ssyncadd.s32 $0xFFFFFF80  }
0x13d: {  	_ =	swait.ge [sflag:s22], $0x80  }
0x13e: {  	[sflag:s22] =	ssyncset.done $0x0  }
0x13f: {  	[sflag:s22] =	ssyncadd.s32 $0xFFFFFF80  }
0x140: {  	_ =	swait.ge [sflag:s21], $0x80  }
0x141: {  	[sflag:s21] =	ssyncset.done $0x0  }
0x142: {  	[sflag:s21] =	ssyncadd.s32 $0xFFFFFF80  }
0x143: {  	_ =	swait.ge [sflag:s22], $0x80  }
0x144: {  	[sflag:s22] =	ssyncset.done $0x0  }
0x145: {  	[sflag:s22] =	ssyncadd.s32 $0xFFFFFF80  }
0x146: {  	_ =	swait.ge [sflag:s21], $0x80  }
0x147: {  	[sflag:s21] =	ssyncset.done $0x0  }
0x148: {  	[sflag:s21] =	ssyncadd.s32 $0xFFFFFF80  }
0x149: {  	_ =	swait.ge [sflag:s22], $0x80  }
0x14a: {  	[sflag:s22] =	ssyncset.done $0x0  }
0x14b: {  	[sflag:s22] =	ssyncadd.s32 $0xFFFFFF80  }
0x14c: {  	_ =	swait.ge [sflag:s21], $0x80  }
0x14d: {  	[sflag:s21] =	ssyncset.done $0x0  }
0x14e: {  	[sflag:s21] =	ssyncadd.s32 $0xFFFFFF80  }
0x14f: {  	_ =	swait.ge [sflag:s22], $0x80  }
0x150: {  	[sflag:s22] =	ssyncset.done $0x0  }
0x151: {  	[sflag:s22] =	ssyncadd.s32 $0xFFFFFF80  }
0x152: {  	_ =	swait.ge [sflag:s21], $0x80  }
0x153: {  	[sflag:s21] =	ssyncset.done $0x0  }
0x154: {  	[sflag:s21] =	ssyncadd.s32 $0xFFFFFF80  }
0x155: {  	_ =	swait.ge [sflag:s22], $0x80  }
0x156: {  	[sflag:s22] =	ssyncset.done $0x0  }
0x157: {  	[sflag:s22] =	ssyncadd.s32 $0xFFFFFF80  }
0x158: {  	_ =	swait.ge [sflag:s21], $0x80  }
0x159: {  	[sflag:s21] =	ssyncset.done $0x0  }
0x15a: {  	[sflag:s21] =	ssyncadd.s32 $0xFFFFFF80  }
0x15b: {  	_ =	swait.ge [sflag:s22], $0x80  }
0x15c: {  	[sflag:s22] =	ssyncset.done $0x0  }
0x15d: {  	[sflag:s22] =	ssyncadd.s32 $0xFFFFFF80  }
0x15e: {  	_ =	swait.ge [sflag:s21], $0x80  }
0x15f: {  	[sflag:s21] =	ssyncset.done $0x0  }
0x160: {  	[sflag:s21] =	ssyncadd.s32 $0xFFFFFF80  }
0x161: {  	_ =	swait.ge [sflag:s22], $0x80  }
0x162: {  	[sflag:s22] =	ssyncset.done $0x0  }
0x163: {  	[sflag:s22] =	ssyncadd.s32 $0xFFFFFF80  }
0x164: {  	_ =	swait.ge [sflag:s21], $0x80  }
0x165: {  	[sflag:s21] =	ssyncset.done $0x0  }
0x166: {  	[sflag:s21] =	ssyncadd.s32 $0xFFFFFF80  }
0x167: {  	_ =	swait.ge [sflag:s22], $0x80  }
0x168: {  	[sflag:s22] =	ssyncset.done $0x0  }
0x169: {  	s6 =	simm.s32 $0x400;
	[sflag:s22] =	ssyncadd.s32 $0xFFFFFF80  }
0x16a: {  	[tilespmem:s6], [sflag:$0x1] =	stream.indirect.gather [hbm4b:s3+s7], $0x10, s2, s7, $0xb8;
	[tilespmem:$0x8800] =	vst v63  }
0x16b: {  	s8 =	simm.s32 $0x4800  }
0x16c: {  	[tilespmem:s8], [sflag:$0x2] =	stream.indirect.gather [hbm4b:s4+s7], $0x10, s20, s7, $0xb8;
	[tilespmem:$0x8800] =	vst v63  }
0x16d: {  	s20 =	simm.s32 $0xC00  }
0x16e: {  	[tilespmem:s20], [sflag:$0x1] =	stream.indirect.gather [hbm4b:s3+s7], $0x10, s7, s7, $0xb8;
	[tilespmem:$0x8800] =	vst v63  }
0x16f: {  	s9 =	simm.s32 $0x5000  }
0x170: {  	[tilespmem:s9], [sflag:$0x2] =	stream.indirect.gather [hbm4b:s4+s7], $0x10, s23, s7, $0xb8;
	[tilespmem:$0x8800] =	vst v63  }
0x171: {  	s23 =	simm.s32 $0x1400  }
0x172: {  	[tilespmem:s23], [sflag:$0x1] =	stream.indirect.gather [hbm4b:s3+s7], $0x10, s24, s7, $0xb8;
	[tilespmem:$0x8800] =	vst v63  }
0x173: {  	s24 =	simm.s32 $0x5800  }
0x174: {  	[tilespmem:s24], [sflag:$0x2] =	stream.indirect.gather [hbm4b:s4+s7], $0x10, s25, s7, $0xb8;
	[tilespmem:$0x8800] =	vst v63  }
0x175: {  	s25 =	simm.s32 $0x1C00  }
0x176: {  	[tilespmem:s25], [sflag:$0x1] =	stream.indirect.gather [hbm4b:s3+s7], $0x10, s26, s7, $0xb8;
	[tilespmem:$0x8800] =	vst v63  }
0x177: {  	s26 =	simm.s32 $0x6000  }
0x178: {  	[tilespmem:s26], [sflag:$0x2] =	stream.indirect.gather [hbm4b:s4+s7], $0x10, s28, s7, $0xb8;
	[tilespmem:$0x8800] =	vst v63  }
0x179: {  	s28 =	simm.s32 $0x2400  }
0x17a: {  	[tilespmem:s28], [sflag:$0x1] =	stream.indirect.gather [hbm4b:s3+s7], $0x10, s29, s7, $0xb8;
	[tilespmem:$0x8800] =	vst v63  }
0x17b: {  	s29 =	simm.s32 $0x6800  }
0x17c: {  	[tilespmem:s29], [sflag:$0x2] =	stream.indirect.gather [hbm4b:s4+s7], $0x10, s30, s7, $0xb8;
	[tilespmem:$0x8800] =	vst v63  }
0x17d: {  	s30 =	simm.s32 $0x2C00  }
0x17e: {  	[tilespmem:s30], [sflag:$0x1] =	stream.indirect.gather [hbm4b:s3+s7], $0x10, s31, s7, $0xb8;
	[tilespmem:$0x8800] =	vst v63  }
0x17f: {  	s31 =	simm.s32 $0x7000  }
0x180: {  	[tilespmem:s31], [sflag:$0x2] =	stream.indirect.gather [hbm4b:s4+s7], $0x10, s0, s7, $0xb8;
	[tilespmem:$0x8800] =	vst v63  }
0x181: {  	s0 =	simm.s32 $0x3400  }
0x182: {  	[tilespmem:s0], [sflag:$0x1] =	stream.indirect.gather [hbm4b:s3+s7], $0x10, s1, s7, $0xb8;
	[tilespmem:$0x8800] =	vst v63  }
0x183: {  	s1 =	simm.s32 $0x7800  }
0x184: {  	[tilespmem:s1], [sflag:$0x2] =	stream.indirect.gather [hbm4b:s4+s7], $0x10, s5, s7, $0xb8;
	[tilespmem:$0x8800] =	vst v63  }
0x185: {  	_ = 	snop  }
0x186: {  	[tilespmem:s10], [sflag:$0x1] =	stream.indirect.gather [hbm4b:s3+s7], $0x10, s19, s7, $0xb8;
	[tilespmem:$0x8800] =	vst v63  }
0x187: {  	_ = 	snop  }
0x188: {  	[tilespmem:s11], [sflag:$0x2] =	stream.indirect.gather [hbm4b:s4+s7], $0x10, s18, s7, $0xb8;
	[tilespmem:$0x8800] =	vst v63  }
0x189: {  	_ =	swait.ge [sflag:s21], $0x800  }
0x18a: {  	[sflag:s21] =	ssyncset.done $0x0  }
0x18b: {  	[sflag:s21] =	ssyncadd.s32 $0xFFFFF800  }
0x18c: {  	_ =	swait.ge [sflag:s22], $0x800  }
0x18d: {  	[sflag:s22] =	ssyncset.done $0x0  }
0x18e: {  	[sflag:s22] =	ssyncadd.s32 $0xFFFFF800  }
0x18f: {  	_ =	swait.ge [sflag:s21], $0x800  }
0x190: {  	[sflag:s21] =	ssyncset.done $0x0  }
0x191: {  	[sflag:s21] =	ssyncadd.s32 $0xFFFFF800  }
0x192: {  	_ =	swait.ge [sflag:s22], $0x800  }
0x193: {  	[sflag:s22] =	ssyncset.done $0x0  }
0x194: {  	[sflag:s22] =	ssyncadd.s32 $0xFFFFF800  }
0x195: {  	_ =	swait.ge [sflag:s21], $0x800  }
0x196: {  	[sflag:s21] =	ssyncset.done $0x0  }
0x197: {  	[sflag:s21] =	ssyncadd.s32 $0xFFFFF800  }
0x198: {  	_ =	swait.ge [sflag:s22], $0x800  }
0x199: {  	[sflag:s22] =	ssyncset.done $0x0  }
0x19a: {  	[sflag:s22] =	ssyncadd.s32 $0xFFFFF800  }
0x19b: {  	_ =	swait.ge [sflag:s21], $0x800  }
0x19c: {  	[sflag:s21] =	ssyncset.done $0x0  }
0x19d: {  	[sflag:s21] =	ssyncadd.s32 $0xFFFFF800  }
0x19e: {  	_ =	swait.ge [sflag:s22], $0x800  }
0x19f: {  	[sflag:s22] =	ssyncset.done $0x0  }
0x1a0: {  	[sflag:s22] =	ssyncadd.s32 $0xFFFFF800  }
0x1a1: {  	_ =	swait.ge [sflag:s21], $0x800  }
0x1a2: {  	[sflag:s21] =	ssyncset.done $0x0  }
0x1a3: {  	[sflag:s21] =	ssyncadd.s32 $0xFFFFF800  }
0x1a4: {  	_ =	swait.ge [sflag:s22], $0x800  }
0x1a5: {  	[sflag:s22] =	ssyncset.done $0x0  }
0x1a6: {  	[sflag:s22] =	ssyncadd.s32 $0xFFFFF800  }
0x1a7: {  	_ =	swait.ge [sflag:s21], $0x800  }
0x1a8: {  	[sflag:s21] =	ssyncset.done $0x0  }
0x1a9: {  	[sflag:s21] =	ssyncadd.s32 $0xFFFFF800  }
0x1aa: {  	_ =	swait.ge [sflag:s22], $0x800  }
0x1ab: {  	[sflag:s22] =	ssyncset.done $0x0  }
0x1ac: {  	[sflag:s22] =	ssyncadd.s32 $0xFFFFF800  }
0x1ad: {  	_ =	swait.ge [sflag:s21], $0x800  }
0x1ae: {  	[sflag:s21] =	ssyncset.done $0x0  }
0x1af: {  	[sflag:s21] =	ssyncadd.s32 $0xFFFFF800  }
0x1b0: {  	_ =	swait.ge [sflag:s22], $0x800  }
0x1b1: {  	[sflag:s22] =	ssyncset.done $0x0  }
0x1b2: {  	[sflag:s22] =	ssyncadd.s32 $0xFFFFF800  }
0x1b3: {  	_ =	swait.ge [sflag:s21], $0x800  }
0x1b4: {  	[sflag:s21] =	ssyncset.done $0x0  }
0x1b5: {  	[sflag:s21] =	ssyncadd.s32 $0xFFFFF800  }
0x1b6: {  	_ =	swait.ge [sflag:s22], $0x800  }
0x1b7: {  	s19 =	rddreg [dreg:$0x3];
	[sflag:s22] =	ssyncset.done $0x0  }
0x1b8: {  	s5 =	rddreg [dreg:$0x2];
	[sflag:s22] =	ssyncadd.s32 $0xFFFFF800;
	s17 =	sadd.s32 s13, s19  }
0x1b9: {  	[hbm4b:s17+s2] =	stream.linear.scatter [tilespmem:s6], [sflag:$0x3], $0x800, $0x38;
	[tilespmem:$0x8800] =	vst v63  }
0x1ba: {  	s19 =	rddreg [dreg:$0x1c];
	s18 =	sadd.s32 s13, s5  }
0x1bb: {  	[hbm4b:s18+s2] =	stream.linear.scatter [tilespmem:s8], [sflag:$0x3], $0x800, $0x38;
	[tilespmem:$0x8800] =	vst v63  }
0x1bc: {  	s5 =	rddreg [dreg:$0x1d];
	s6 =	sadd.s32 s13, s19  }
0x1bd: {  	[hbm4b:s6+s2] =	stream.linear.scatter [tilespmem:s20], [sflag:$0x3], $0x800, $0x38;
	[tilespmem:$0x8800] =	vst v63  }
0x1be: {  	s8 =	rddreg [dreg:$0x18];
	s18 =	sadd.s32 s13, s5  }
0x1bf: {  	[hbm4b:s18+s2] =	stream.linear.scatter [tilespmem:s9], [sflag:$0x3], $0x800, $0x38;
	[tilespmem:$0x8800] =	vst v63  }
0x1c0: {  	s5 =	sadd.s32 s13, s8;
	s20 =	rddreg [dreg:$0x19]  }
0x1c1: {  	[hbm4b:s5+s2] =	stream.linear.scatter [tilespmem:s23], [sflag:$0x3], $0x800, $0x38;
	[tilespmem:$0x8800] =	vst v63  }
0x1c2: {  	s6 =	rddreg [dreg:$0x14];
	s8 =	sadd.s32 s13, s20  }
0x1c3: {  	[hbm4b:s8+s2] =	stream.linear.scatter [tilespmem:s24], [sflag:$0x3], $0x800, $0x38;
	[tilespmem:$0x8800] =	vst v63  }
0x1c4: {  	s20 =	sadd.s32 s13, s6;
	s9 =	rddreg [dreg:$0x15]  }
0x1c5: {  	[hbm4b:s20+s2] =	stream.linear.scatter [tilespmem:s25], [sflag:$0x3], $0x800, $0x38;
	[tilespmem:$0x8800] =	vst v63  }
0x1c6: {  	s23 =	rddreg [dreg:$0x10];
	s24 =	sadd.s32 s13, s9  }
0x1c7: {  	[hbm4b:s24+s2] =	stream.linear.scatter [tilespmem:s26], [sflag:$0x3], $0x800, $0x38;
	[tilespmem:$0x8800] =	vst v63  }
0x1c8: {  	s5 =	sadd.s32 s13, s23;
	s25 =	rddreg [dreg:$0x11]  }
0x1c9: {  	[hbm4b:s5+s2] =	stream.linear.scatter [tilespmem:s28], [sflag:$0x3], $0x800, $0x38;
	[tilespmem:$0x8800] =	vst v63  }
0x1ca: {  	s6 =	rddreg [dreg:$0xc];
	s8 =	sadd.s32 s13, s25  }
0x1cb: {  	[hbm4b:s8+s2] =	stream.linear.scatter [tilespmem:s29], [sflag:$0x3], $0x800, $0x38;
	[tilespmem:$0x8800] =	vst v63  }
0x1cc: {  	s19 =	sadd.s32 s13, s6;
	s9 =	rddreg [dreg:$0xd]  }
0x1cd: {  	[hbm4b:s19+s2] =	stream.linear.scatter [tilespmem:s30], [sflag:$0x3], $0x800, $0x38;
	[tilespmem:$0x8800] =	vst v63  }
0x1ce: {  	s23 =	sadd.s32 s13, s9;
	s20 =	rddreg [dreg:$0x8]  }
0x1cf: {  	[hbm4b:s23+s2] =	stream.linear.scatter [tilespmem:s31], [sflag:$0x3], $0x800, $0x38;
	[tilespmem:$0x8800] =	vst v63  }
0x1d0: {  	s25 =	sadd.s32 s13, s20;
	s24 =	rddreg [dreg:$0x9]  }
0x1d1: {  	[hbm4b:s25+s2] =	stream.linear.scatter [tilespmem:s0], [sflag:$0x3], $0x800, $0x38;
	[tilespmem:$0x8800] =	vst v63  }
0x1d2: {  	s26 =	rddreg [dreg:$0x4];
	s28 =	sadd.s32 s13, s24  }
0x1d3: {  	[hbm4b:s28+s2] =	stream.linear.scatter [tilespmem:s1], [sflag:$0x3], $0x800, $0x38;
	[tilespmem:$0x8800] =	vst v63  }
0x1d4: {  	s29 =	rddreg [dreg:$0x5];
	s30 =	sadd.s32 s13, s26  }
0x1d5: {  	[hbm4b:s30+s2] =	stream.linear.scatter [tilespmem:s10], [sflag:$0x3], $0x800, $0x38;
	[tilespmem:$0x8800] =	vst v63  }
0x1d6: {  	s31 =	sadd.s32 s13, s29  }
0x1d7: {  	[hbm4b:s31+s2] =	stream.linear.scatter [tilespmem:s11], [sflag:$0x3], $0x800, $0x38;
	[tilespmem:$0x8800] =	vst v63  }
0x1d8: {  	_ =	swait.ge [sflag:s12], $0x800  }
0x1d9: {  	[sflag:s12] =	ssyncset.done $0x0  }
0x1da: {  	[sflag:s12] =	ssyncadd.s32 $0xFFFFF800  }
0x1db: {  	_ =	swait.ge [sflag:s12], $0x800  }
0x1dc: {  	[sflag:s12] =	ssyncset.done $0x0  }
0x1dd: {  	[sflag:s12] =	ssyncadd.s32 $0xFFFFF800  }
0x1de: {  	_ =	swait.ge [sflag:s12], $0x800  }
0x1df: {  	[sflag:s12] =	ssyncset.done $0x0  }
0x1e0: {  	[sflag:s12] =	ssyncadd.s32 $0xFFFFF800  }
0x1e1: {  	_ =	swait.ge [sflag:s12], $0x800  }
0x1e2: {  	[sflag:s12] =	ssyncset.done $0x0  }
0x1e3: {  	[sflag:s12] =	ssyncadd.s32 $0xFFFFF800  }
0x1e4: {  	_ =	swait.ge [sflag:s12], $0x800  }
0x1e5: {  	[sflag:s12] =	ssyncset.done $0x0  }
0x1e6: {  	[sflag:s12] =	ssyncadd.s32 $0xFFFFF800  }
0x1e7: {  	_ =	swait.ge [sflag:s12], $0x800  }
0x1e8: {  	[sflag:s12] =	ssyncset.done $0x0  }
0x1e9: {  	[sflag:s12] =	ssyncadd.s32 $0xFFFFF800  }
0x1ea: {  	_ =	swait.ge [sflag:s12], $0x800  }
0x1eb: {  	[sflag:s12] =	ssyncset.done $0x0  }
0x1ec: {  	[sflag:s12] =	ssyncadd.s32 $0xFFFFF800  }
0x1ed: {  	_ =	swait.ge [sflag:s12], $0x800  }
0x1ee: {  	[sflag:s12] =	ssyncset.done $0x0  }
0x1ef: {  	[sflag:s12] =	ssyncadd.s32 $0xFFFFF800  }
0x1f0: {  	_ =	swait.ge [sflag:s12], $0x800  }
0x1f1: {  	[sflag:s12] =	ssyncset.done $0x0  }
0x1f2: {  	[sflag:s12] =	ssyncadd.s32 $0xFFFFF800  }
0x1f3: {  	_ =	swait.ge [sflag:s12], $0x800  }
0x1f4: {  	[sflag:s12] =	ssyncset.done $0x0  }
0x1f5: {  	[sflag:s12] =	ssyncadd.s32 $0xFFFFF800  }
0x1f6: {  	_ =	swait.ge [sflag:s12], $0x800  }
0x1f7: {  	[sflag:s12] =	ssyncset.done $0x0  }
0x1f8: {  	[sflag:s12] =	ssyncadd.s32 $0xFFFFF800  }
0x1f9: {  	_ =	swait.ge [sflag:s12], $0x800  }
0x1fa: {  	[sflag:s12] =	ssyncset.done $0x0  }
0x1fb: {  	[sflag:s12] =	ssyncadd.s32 $0xFFFFF800  }
0x1fc: {  	_ =	swait.ge [sflag:s12], $0x800  }
0x1fd: {  	[sflag:s12] =	ssyncset.done $0x0  }
0x1fe: {  	[sflag:s12] =	ssyncadd.s32 $0xFFFFF800  }
0x1ff: {  	_ =	swait.ge [sflag:s12], $0x800  }
0x200: {  	[sflag:s12] =	ssyncset.done $0x0  }
0x201: {  	p0 =	sne.s32 s14, $0x2000;
	[sflag:s12] =	ssyncadd.s32 $0xFFFFF800  }
.Ltmp0:
0x202: {  	_ =	swait.ge [sflag:s12], $0x800;
	(pc) =	sbr.rel @p0 .LBB2_2-.Ltmp0, $4  }
0x203: {  	[sflag:s12] =	ssyncset.done $0x0  }
0x204: {  	[sflag:s12] =	ssyncadd.s32 $0xFFFFF800  }
0x205: {  	s16 =	smov.u32 s14;
	s14 =	sadd.s32 $0x800, s14;
	_ =	swait.ge [sflag:s12], $0x800  }
0x206: {  	s13 =	smov.u32 s16;
	s17 =	sld [smem:$0x7FD];
	[sflag:s12] =	ssyncset.done $0x0  }
0x207: {  	_ = 	snop  }
0x208: {  	s14 =	sadd.s32 $0x80, s15;
	s24 =	sld [smem:$0x7FC]  }
0x209: {  	[sflag:s12] =	ssyncadd.s32 $0xFFFFF800;
	s16 =	sadd.s32 s14, s17  }
0x20a: {  	[tilespmem:s2], [sflag:$0x1] =	stream.linear.gather [hbm4b:s16+s2], $0x80, $0x38;
	[tilespmem:$0x8800] =	vst v63  }
0x20b: {  	s25 =	rddreg [dreg:$0x1f];
	s17 =	simm.s32 $0x4400;
	s15 =	sadd.s32 s14, s24  }
0x20c: {  	[tilespmem:s17], [sflag:$0x2] =	stream.linear.gather [hbm4b:s15+s2], $0x80, $0x38;
	[tilespmem:$0x8800] =	vst v63  }
0x20d: {  	s26 =	rddreg [dreg:$0x1e];
	s16 =	sadd.s32 s14, s25  }
0x20e: {  	[tilespmem:s7], [sflag:$0x1] =	stream.linear.gather [hbm4b:s16+s2], $0x80, $0x38;
	[tilespmem:$0x8800] =	vst v63  }
0x20f: {  	s28 =	rddreg [dreg:$0x1b];
	s18 =	simm.s32 $0x4480;
	s15 =	sadd.s32 s14, s26  }
0x210: {  	[tilespmem:s18], [sflag:$0x2] =	stream.linear.gather [hbm4b:s15+s2], $0x80, $0x38;
	[tilespmem:$0x8800] =	vst v63  }
0x211: {  	s29 =	rddreg [dreg:$0x1a];
	s19 =	simm.s32 $0x100;
	s16 =	sadd.s32 s14, s28  }
0x212: {  	[tilespmem:s19], [sflag:$0x1] =	stream.linear.gather [hbm4b:s16+s2], $0x80, $0x38;
	[tilespmem:$0x8800] =	vst v63  }
0x213: {  	s30 =	rddreg [dreg:$0x17];
	s20 =	simm.s32 $0x4500;
	s15 =	sadd.s32 s14, s29  }
0x214: {  	[tilespmem:s20], [sflag:$0x2] =	stream.linear.gather [hbm4b:s15+s2], $0x80, $0x38;
	[tilespmem:$0x8800] =	vst v63  }
0x215: {  	s31 =	rddreg [dreg:$0x16];
	s23 =	simm.s32 $0x180;
	s16 =	sadd.s32 s14, s30  }
0x216: {  	[tilespmem:s23], [sflag:$0x1] =	stream.linear.gather [hbm4b:s16+s2], $0x80, $0x38;
	[tilespmem:$0x8800] =	vst v63  }
0x217: {  	s0 =	rddreg [dreg:$0x13];
	s24 =	simm.s32 $0x4580;
	s15 =	sadd.s32 s14, s31  }
0x218: {  	[tilespmem:s24], [sflag:$0x2] =	stream.linear.gather [hbm4b:s15+s2], $0x80, $0x38;
	[tilespmem:$0x8800] =	vst v63  }
0x219: {  	s1 =	rddreg [dreg:$0x12];
	s25 =	simm.s32 $0x200;
	s16 =	sadd.s32 s14, s0  }
0x21a: {  	[tilespmem:s25], [sflag:$0x1] =	stream.linear.gather [hbm4b:s16+s2], $0x80, $0x38;
	[tilespmem:$0x8800] =	vst v63  }
0x21b: {  	s5 =	rddreg [dreg:$0xf];
	s26 =	simm.s32 $0x4600;
	s15 =	sadd.s32 s14, s1  }
0x21c: {  	[tilespmem:s26], [sflag:$0x2] =	stream.linear.gather [hbm4b:s15+s2], $0x80, $0x38;
	[tilespmem:$0x8800] =	vst v63  }
0x21d: {  	s6 =	rddreg [dreg:$0xe];
	s28 =	simm.s32 $0x280;
	s16 =	sadd.s32 s14, s5  }
0x21e: {  	[tilespmem:s28], [sflag:$0x1] =	stream.linear.gather [hbm4b:s16+s2], $0x80, $0x38;
	[tilespmem:$0x8800] =	vst v63  }
0x21f: {  	s8 =	rddreg [dreg:$0xb];
	s0 =	simm.s32 $0x4680;
	s15 =	sadd.s32 s14, s6  }
0x220: {  	[tilespmem:s0], [sflag:$0x2] =	stream.linear.gather [hbm4b:s15+s2], $0x80, $0x38;
	[tilespmem:$0x8800] =	vst v63  }
0x221: {  	s9 =	rddreg [dreg:$0xa];
	s1 =	simm.s32 $0x300;
	s16 =	sadd.s32 s14, s8  }
0x222: {  	[tilespmem:s1], [sflag:$0x1] =	stream.linear.gather [hbm4b:s16+s2], $0x80, $0x38;
	[tilespmem:$0x8800] =	vst v63  }
0x223: {  	s29 =	rddreg [dreg:$0x7];
	s5 =	simm.s32 $0x4700;
	s15 =	sadd.s32 s14, s9  }
0x224: {  	[tilespmem:s5], [sflag:$0x2] =	stream.linear.gather [hbm4b:s15+s2], $0x80, $0x38;
	[tilespmem:$0x8800] =	vst v63  }
0x225: {  	s30 =	rddreg [dreg:$0x6];
	s16 =	sadd.s32 s14, s29;
	s29 =	simm.s32 $0x380  }
0x226: {  	[tilespmem:s29], [sflag:$0x1] =	stream.linear.gather [hbm4b:s16+s2], $0x80, $0x38;
	[tilespmem:$0x8800] =	vst v63  }
0x227: {  	s31 =	simm.s32 $0x4780;
	s14 =	sadd.s32 s14, s30  }
0x228: {  	[tilespmem:s31], [sflag:$0x2] =	stream.linear.gather [hbm4b:s14+s2], $0x80, $0x38;
	[tilespmem:$0x8800] =	vst v63  }
0x229: {  	_ =	swait.ge [sflag:s21], $0x80  }
0x22a: {  	[sflag:s21] =	ssyncset.done $0x0  }
0x22b: {  	[sflag:s21] =	ssyncadd.s32 $0xFFFFFF80  }
0x22c: {  	_ =	swait.ge [sflag:s22], $0x80  }
0x22d: {  	[sflag:s22] =	ssyncset.done $0x0  }
0x22e: {  	[sflag:s22] =	ssyncadd.s32 $0xFFFFFF80  }
0x22f: {  	_ =	swait.ge [sflag:s21], $0x80  }
0x230: {  	[sflag:s21] =	ssyncset.done $0x0  }
0x231: {  	[sflag:s21] =	ssyncadd.s32 $0xFFFFFF80  }
0x232: {  	_ =	swait.ge [sflag:s22], $0x80  }
0x233: {  	[sflag:s22] =	ssyncset.done $0x0  }
0x234: {  	[sflag:s22] =	ssyncadd.s32 $0xFFFFFF80  }
0x235: {  	_ =	swait.ge [sflag:s21], $0x80  }
0x236: {  	[sflag:s21] =	ssyncset.done $0x0  }
0x237: {  	[sflag:s21] =	ssyncadd.s32 $0xFFFFFF80  }
0x238: {  	_ =	swait.ge [sflag:s22], $0x80  }
0x239: {  	[sflag:s22] =	ssyncset.done $0x0  }
0x23a: {  	[sflag:s22] =	ssyncadd.s32 $0xFFFFFF80  }
0x23b: {  	_ =	swait.ge [sflag:s21], $0x80  }
0x23c: {  	[sflag:s21] =	ssyncset.done $0x0  }
0x23d: {  	[sflag:s21] =	ssyncadd.s32 $0xFFFFFF80  }
0x23e: {  	_ =	swait.ge [sflag:s22], $0x80  }
0x23f: {  	[sflag:s22] =	ssyncset.done $0x0  }
0x240: {  	[sflag:s22] =	ssyncadd.s32 $0xFFFFFF80  }
0x241: {  	_ =	swait.ge [sflag:s21], $0x80  }
0x242: {  	[sflag:s21] =	ssyncset.done $0x0  }
0x243: {  	[sflag:s21] =	ssyncadd.s32 $0xFFFFFF80  }
0x244: {  	_ =	swait.ge [sflag:s22], $0x80  }
0x245: {  	[sflag:s22] =	ssyncset.done $0x0  }
0x246: {  	[sflag:s22] =	ssyncadd.s32 $0xFFFFFF80  }
0x247: {  	_ =	swait.ge [sflag:s21], $0x80  }
0x248: {  	[sflag:s21] =	ssyncset.done $0x0  }
0x249: {  	[sflag:s21] =	ssyncadd.s32 $0xFFFFFF80  }
0x24a: {  	_ =	swait.ge [sflag:s22], $0x80  }
0x24b: {  	[sflag:s22] =	ssyncset.done $0x0  }
0x24c: {  	[sflag:s22] =	ssyncadd.s32 $0xFFFFFF80  }
0x24d: {  	_ =	swait.ge [sflag:s21], $0x80  }
0x24e: {  	[sflag:s21] =	ssyncset.done $0x0  }
0x24f: {  	[sflag:s21] =	ssyncadd.s32 $0xFFFFFF80  }
0x250: {  	_ =	swait.ge [sflag:s22], $0x80  }
0x251: {  	[sflag:s22] =	ssyncset.done $0x0  }
0x252: {  	[sflag:s22] =	ssyncadd.s32 $0xFFFFFF80  }
0x253: {  	_ =	swait.ge [sflag:s21], $0x80  }
0x254: {  	[sflag:s21] =	ssyncset.done $0x0  }
0x255: {  	[sflag:s21] =	ssyncadd.s32 $0xFFFFFF80  }
0x256: {  	_ =	swait.ge [sflag:s22], $0x80  }
0x257: {  	[sflag:s22] =	ssyncset.done $0x0  }
0x258: {  	s6 =	simm.s32 $0x400;
	[sflag:s22] =	ssyncadd.s32 $0xFFFFFF80  }
0x259: {  	[tilespmem:s6], [sflag:$0x1] =	stream.indirect.gather [hbm4b:s3+s7], $0x10, s2, s7, $0xb8;
	[tilespmem:$0x8800] =	vst v63  }
0x25a: {  	s8 =	simm.s32 $0x4800  }
0x25b: {  	[tilespmem:s8], [sflag:$0x2] =	stream.indirect.gather [hbm4b:s4+s7], $0x10, s17, s7, $0xb8;
	[tilespmem:$0x8800] =	vst v63  }
0x25c: {  	s16 =	simm.s32 $0xC00  }
0x25d: {  	[tilespmem:s16], [sflag:$0x1] =	stream.indirect.gather [hbm4b:s3+s7], $0x10, s7, s7, $0xb8;
	[tilespmem:$0x8800] =	vst v63  }
0x25e: {  	s9 =	simm.s32 $0x5000  }
0x25f: {  	[tilespmem:s9], [sflag:$0x2] =	stream.indirect.gather [hbm4b:s4+s7], $0x10, s18, s7, $0xb8;
	[tilespmem:$0x8800] =	vst v63  }
0x260: {  	s17 =	simm.s32 $0x1400  }
0x261: {  	[tilespmem:s17], [sflag:$0x1] =	stream.indirect.gather [hbm4b:s3+s7], $0x10, s19, s7, $0xb8;
	[tilespmem:$0x8800] =	vst v63  }
0x262: {  	s18 =	simm.s32 $0x5800  }
0x263: {  	[tilespmem:s18], [sflag:$0x2] =	stream.indirect.gather [hbm4b:s4+s7], $0x10, s20, s7, $0xb8;
	[tilespmem:$0x8800] =	vst v63  }
0x264: {  	s19 =	simm.s32 $0x1C00  }
0x265: {  	[tilespmem:s19], [sflag:$0x1] =	stream.indirect.gather [hbm4b:s3+s7], $0x10, s23, s7, $0xb8;
	[tilespmem:$0x8800] =	vst v63  }
0x266: {  	s20 =	simm.s32 $0x6000  }
0x267: {  	[tilespmem:s20], [sflag:$0x2] =	stream.indirect.gather [hbm4b:s4+s7], $0x10, s24, s7, $0xb8;
	[tilespmem:$0x8800] =	vst v63  }
0x268: {  	s23 =	simm.s32 $0x2400  }
0x269: {  	[tilespmem:s23], [sflag:$0x1] =	stream.indirect.gather [hbm4b:s3+s7], $0x10, s25, s7, $0xb8;
	[tilespmem:$0x8800] =	vst v63  }
0x26a: {  	s24 =	simm.s32 $0x6800  }
0x26b: {  	[tilespmem:s24], [sflag:$0x2] =	stream.indirect.gather [hbm4b:s4+s7], $0x10, s26, s7, $0xb8;
	[tilespmem:$0x8800] =	vst v63  }
0x26c: {  	s25 =	simm.s32 $0x2C00  }
0x26d: {  	[tilespmem:s25], [sflag:$0x1] =	stream.indirect.gather [hbm4b:s3+s7], $0x10, s28, s7, $0xb8;
	[tilespmem:$0x8800] =	vst v63  }
0x26e: {  	s26 =	simm.s32 $0x7000  }
0x26f: {  	[tilespmem:s26], [sflag:$0x2] =	stream.indirect.gather [hbm4b:s4+s7], $0x10, s0, s7, $0xb8;
	[tilespmem:$0x8800] =	vst v63  }
0x270: {  	s0 =	simm.s32 $0x3400  }
0x271: {  	[tilespmem:s0], [sflag:$0x1] =	stream.indirect.gather [hbm4b:s3+s7], $0x10, s1, s7, $0xb8;
	[tilespmem:$0x8800] =	vst v63  }
0x272: {  	s28 =	simm.s32 $0x7800  }
0x273: {  	[tilespmem:s28], [sflag:$0x2] =	stream.indirect.gather [hbm4b:s4+s7], $0x10, s5, s7, $0xb8;
	[tilespmem:$0x8800] =	vst v63  }
0x274: {  	_ = 	snop  }
0x275: {  	[tilespmem:s10], [sflag:$0x1] =	stream.indirect.gather [hbm4b:s3+s7], $0x10, s29, s7, $0xb8;
	[tilespmem:$0x8800] =	vst v63  }
0x276: {  	_ = 	snop  }
0x277: {  	[tilespmem:s11], [sflag:$0x2] =	stream.indirect.gather [hbm4b:s4+s7], $0x10, s31, s7, $0xb8;
	[tilespmem:$0x8800] =	vst v63  }
0x278: {  	_ =	swait.ge [sflag:s21], $0x800  }
0x279: {  	[sflag:s21] =	ssyncset.done $0x0  }
0x27a: {  	[sflag:s21] =	ssyncadd.s32 $0xFFFFF800  }
0x27b: {  	_ =	swait.ge [sflag:s22], $0x800  }
0x27c: {  	[sflag:s22] =	ssyncset.done $0x0  }
0x27d: {  	[sflag:s22] =	ssyncadd.s32 $0xFFFFF800  }
0x27e: {  	_ =	swait.ge [sflag:s21], $0x800  }
0x27f: {  	[sflag:s21] =	ssyncset.done $0x0  }
0x280: {  	[sflag:s21] =	ssyncadd.s32 $0xFFFFF800  }
0x281: {  	_ =	swait.ge [sflag:s22], $0x800  }
0x282: {  	[sflag:s22] =	ssyncset.done $0x0  }
0x283: {  	[sflag:s22] =	ssyncadd.s32 $0xFFFFF800  }
0x284: {  	_ =	swait.ge [sflag:s21], $0x800  }
0x285: {  	[sflag:s21] =	ssyncset.done $0x0  }
0x286: {  	[sflag:s21] =	ssyncadd.s32 $0xFFFFF800  }
0x287: {  	_ =	swait.ge [sflag:s22], $0x800  }
0x288: {  	[sflag:s22] =	ssyncset.done $0x0  }
0x289: {  	[sflag:s22] =	ssyncadd.s32 $0xFFFFF800  }
0x28a: {  	_ =	swait.ge [sflag:s21], $0x800  }
0x28b: {  	[sflag:s21] =	ssyncset.done $0x0  }
0x28c: {  	[sflag:s21] =	ssyncadd.s32 $0xFFFFF800  }
0x28d: {  	_ =	swait.ge [sflag:s22], $0x800  }
0x28e: {  	[sflag:s22] =	ssyncset.done $0x0  }
0x28f: {  	[sflag:s22] =	ssyncadd.s32 $0xFFFFF800  }
0x290: {  	_ =	swait.ge [sflag:s21], $0x800  }
0x291: {  	[sflag:s21] =	ssyncset.done $0x0  }
0x292: {  	[sflag:s21] =	ssyncadd.s32 $0xFFFFF800  }
0x293: {  	_ =	swait.ge [sflag:s22], $0x800  }
0x294: {  	[sflag:s22] =	ssyncset.done $0x0  }
0x295: {  	[sflag:s22] =	ssyncadd.s32 $0xFFFFF800  }
0x296: {  	_ =	swait.ge [sflag:s21], $0x800  }
0x297: {  	[sflag:s21] =	ssyncset.done $0x0  }
0x298: {  	[sflag:s21] =	ssyncadd.s32 $0xFFFFF800  }
0x299: {  	_ =	swait.ge [sflag:s22], $0x800  }
0x29a: {  	[sflag:s22] =	ssyncset.done $0x0  }
0x29b: {  	[sflag:s22] =	ssyncadd.s32 $0xFFFFF800  }
0x29c: {  	_ =	swait.ge [sflag:s21], $0x800  }
0x29d: {  	[sflag:s21] =	ssyncset.done $0x0  }
0x29e: {  	[sflag:s21] =	ssyncadd.s32 $0xFFFFF800  }
0x29f: {  	_ =	swait.ge [sflag:s22], $0x800  }
0x2a0: {  	[sflag:s22] =	ssyncset.done $0x0  }
0x2a1: {  	[sflag:s22] =	ssyncadd.s32 $0xFFFFF800  }
0x2a2: {  	_ =	swait.ge [sflag:s21], $0x800  }
0x2a3: {  	[sflag:s21] =	ssyncset.done $0x0  }
0x2a4: {  	[sflag:s21] =	ssyncadd.s32 $0xFFFFF800  }
0x2a5: {  	_ =	swait.ge [sflag:s22], $0x800  }
0x2a6: {  	s30 =	rddreg [dreg:$0x3];
	[sflag:s22] =	ssyncset.done $0x0  }
0x2a7: {  	s31 =	rddreg [dreg:$0x2];
	[sflag:s22] =	ssyncadd.s32 $0xFFFFF800;
	s14 =	sadd.s32 s13, s30  }
0x2a8: {  	[hbm4b:s14+s2] =	stream.linear.scatter [tilespmem:s6], [sflag:$0x3], $0x800, $0x38;
	[tilespmem:$0x8800] =	vst v63  }
0x2a9: {  	s5 =	rddreg [dreg:$0x1c];
	s15 =	sadd.s32 s13, s31  }
0x2aa: {  	[hbm4b:s15+s2] =	stream.linear.scatter [tilespmem:s8], [sflag:$0x3], $0x800, $0x38;
	[tilespmem:$0x8800] =	vst v63  }
0x2ab: {  	s6 =	rddreg [dreg:$0x1d];
	s14 =	sadd.s32 s13, s5  }
0x2ac: {  	[hbm4b:s14+s2] =	stream.linear.scatter [tilespmem:s16], [sflag:$0x3], $0x800, $0x38;
	[tilespmem:$0x8800] =	vst v63  }
0x2ad: {  	s8 =	rddreg [dreg:$0x18];
	s15 =	sadd.s32 s13, s6  }
0x2ae: {  	[hbm4b:s15+s2] =	stream.linear.scatter [tilespmem:s9], [sflag:$0x3], $0x800, $0x38;
	[tilespmem:$0x8800] =	vst v63  }
0x2af: {  	s14 =	sadd.s32 s13, s8;
	s9 =	rddreg [dreg:$0x19]  }
0x2b0: {  	[hbm4b:s14+s2] =	stream.linear.scatter [tilespmem:s17], [sflag:$0x3], $0x800, $0x38;
	[tilespmem:$0x8800] =	vst v63  }
0x2b1: {  	s16 =	rddreg [dreg:$0x14];
	s15 =	sadd.s32 s13, s9  }
0x2b2: {  	[hbm4b:s15+s2] =	stream.linear.scatter [tilespmem:s18], [sflag:$0x3], $0x800, $0x38;
	[tilespmem:$0x8800] =	vst v63  }
0x2b3: {  	s17 =	rddreg [dreg:$0x15];
	s14 =	sadd.s32 s13, s16  }
0x2b4: {  	[hbm4b:s14+s2] =	stream.linear.scatter [tilespmem:s19], [sflag:$0x3], $0x800, $0x38;
	[tilespmem:$0x8800] =	vst v63  }
0x2b5: {  	s18 =	rddreg [dreg:$0x10];
	s15 =	sadd.s32 s13, s17  }
0x2b6: {  	[hbm4b:s15+s2] =	stream.linear.scatter [tilespmem:s20], [sflag:$0x3], $0x800, $0x38;
	[tilespmem:$0x8800] =	vst v63  }
0x2b7: {  	s19 =	rddreg [dreg:$0x11];
	s14 =	sadd.s32 s13, s18  }
0x2b8: {  	[hbm4b:s14+s2] =	stream.linear.scatter [tilespmem:s23], [sflag:$0x3], $0x800, $0x38;
	[tilespmem:$0x8800] =	vst v63  }
0x2b9: {  	s20 =	rddreg [dreg:$0xc];
	s15 =	sadd.s32 s13, s19  }
0x2ba: {  	[hbm4b:s15+s2] =	stream.linear.scatter [tilespmem:s24], [sflag:$0x3], $0x800, $0x38;
	[tilespmem:$0x8800] =	vst v63  }
0x2bb: {  	s23 =	rddreg [dreg:$0xd];
	s14 =	sadd.s32 s13, s20  }
0x2bc: {  	[hbm4b:s14+s2] =	stream.linear.scatter [tilespmem:s25], [sflag:$0x3], $0x800, $0x38;
	[tilespmem:$0x8800] =	vst v63  }
0x2bd: {  	s24 =	rddreg [dreg:$0x8];
	s15 =	sadd.s32 s13, s23  }
0x2be: {  	[hbm4b:s15+s2] =	stream.linear.scatter [tilespmem:s26], [sflag:$0x3], $0x800, $0x38;
	[tilespmem:$0x8800] =	vst v63  }
0x2bf: {  	s25 =	rddreg [dreg:$0x9];
	s14 =	sadd.s32 s13, s24  }
0x2c0: {  	[hbm4b:s14+s2] =	stream.linear.scatter [tilespmem:s0], [sflag:$0x3], $0x800, $0x38;
	[tilespmem:$0x8800] =	vst v63  }
0x2c1: {  	s26 =	rddreg [dreg:$0x4];
	s15 =	sadd.s32 s13, s25  }
0x2c2: {  	[hbm4b:s15+s2] =	stream.linear.scatter [tilespmem:s28], [sflag:$0x3], $0x800, $0x38;
	[tilespmem:$0x8800] =	vst v63  }
0x2c3: {  	s14 =	sadd.s32 s13, s26;
	s28 =	rddreg [dreg:$0x5]  }
0x2c4: {  	[hbm4b:s14+s2] =	stream.linear.scatter [tilespmem:s10], [sflag:$0x3], $0x800, $0x38;
	[tilespmem:$0x8800] =	vst v63  }
0x2c5: {  	s29 =	sadd.s32 s13, s28  }
0x2c6: {  	[hbm4b:s29+s2] =	stream.linear.scatter [tilespmem:s11], [sflag:$0x3], $0x800, $0x38;
	[tilespmem:$0x8800] =	vst v63  }
0x2c7: {  	_ =	swait.ge [sflag:s12], $0x800  }
0x2c8: {  	[sflag:s12] =	ssyncset.done $0x0  }
0x2c9: {  	[sflag:s12] =	ssyncadd.s32 $0xFFFFF800  }
0x2ca: {  	_ =	swait.ge [sflag:s12], $0x800  }
0x2cb: {  	[sflag:s12] =	ssyncset.done $0x0  }
0x2cc: {  	[sflag:s12] =	ssyncadd.s32 $0xFFFFF800  }
0x2cd: {  	_ =	swait.ge [sflag:s12], $0x800  }
0x2ce: {  	[sflag:s12] =	ssyncset.done $0x0  }
0x2cf: {  	[sflag:s12] =	ssyncadd.s32 $0xFFFFF800  }
0x2d0: {  	_ =	swait.ge [sflag:s12], $0x800  }
0x2d1: {  	[sflag:s12] =	ssyncset.done $0x0  }
0x2d2: {  	[sflag:s12] =	ssyncadd.s32 $0xFFFFF800  }
0x2d3: {  	_ =	swait.ge [sflag:s12], $0x800  }
0x2d4: {  	[sflag:s12] =	ssyncset.done $0x0  }
0x2d5: {  	[sflag:s12] =	ssyncadd.s32 $0xFFFFF800  }
0x2d6: {  	_ =	swait.ge [sflag:s12], $0x800  }
0x2d7: {  	[sflag:s12] =	ssyncset.done $0x0  }
0x2d8: {  	[sflag:s12] =	ssyncadd.s32 $0xFFFFF800  }
0x2d9: {  	_ =	swait.ge [sflag:s12], $0x800  }
0x2da: {  	[sflag:s12] =	ssyncset.done $0x0  }
0x2db: {  	[sflag:s12] =	ssyncadd.s32 $0xFFFFF800  }
0x2dc: {  	_ =	swait.ge [sflag:s12], $0x800  }
0x2dd: {  	[sflag:s12] =	ssyncset.done $0x0  }
0x2de: {  	[sflag:s12] =	ssyncadd.s32 $0xFFFFF800  }
0x2df: {  	_ =	swait.ge [sflag:s12], $0x800  }
0x2e0: {  	[sflag:s12] =	ssyncset.done $0x0  }
0x2e1: {  	[sflag:s12] =	ssyncadd.s32 $0xFFFFF800  }
0x2e2: {  	_ =	swait.ge [sflag:s12], $0x800  }
0x2e3: {  	[sflag:s12] =	ssyncset.done $0x0  }
0x2e4: {  	[sflag:s12] =	ssyncadd.s32 $0xFFFFF800  }
0x2e5: {  	_ =	swait.ge [sflag:s12], $0x800  }
0x2e6: {  	[sflag:s12] =	ssyncset.done $0x0  }
0x2e7: {  	[sflag:s12] =	ssyncadd.s32 $0xFFFFF800  }
0x2e8: {  	_ =	swait.ge [sflag:s12], $0x800  }
0x2e9: {  	[sflag:s12] =	ssyncset.done $0x0  }
0x2ea: {  	[sflag:s12] =	ssyncadd.s32 $0xFFFFF800  }
0x2eb: {  	_ =	swait.ge [sflag:s12], $0x800  }
0x2ec: {  	[sflag:s12] =	ssyncset.done $0x0  }
0x2ed: {  	[sflag:s12] =	ssyncadd.s32 $0xFFFFF800  }
0x2ee: {  	_ =	swait.ge [sflag:s12], $0x800  }
0x2ef: {  	[sflag:s12] =	ssyncset.done $0x0  }
0x2f0: {  	[sflag:s12] =	ssyncadd.s32 $0xFFFFF800  }
0x2f1: {  	_ =	swait.ge [sflag:s12], $0x800  }
0x2f2: {  	[sflag:s12] =	ssyncset.done $0x0  }
0x2f3: {  	[sflag:s12] =	ssyncadd.s32 $0xFFFFF800  }
0x2f4: {  	_ =	swait.ge [sflag:s12], $0x800  }
0x2f5: {  	s30 =	sld [smem:$0x7FA]  }
0x2f6: {  	s31 =	sld [smem:$0x7FB];
	_ =	sdelay $0x1  }
0x2f7: {  	s0 =	sadd.s32 $0x1, s30  }
0x2f8: {  	p0 =	sne.s32 s0, s31  }
.Ltmp1:
0x2f9: {  	_ = 	snop;
	(pc) =	sbr.rel @p0 .LBB2_1-.Ltmp1, $3  }
0x2fa: {  	_ =	sdelay $0x1  }
0x2fb: {  	[sflag:s12] =	ssyncset.done $0x0  }
0x2fc: {  	[sflag:s12] =	ssyncadd.s32 $0xFFFFF800  }
0x2fd: {  	_ =	sfence.sel $0x180000  }
0x2fe: {  	[bflag:$0x0] =	sbarrier.arrive $0xFFFF  }
0x2ff: {  	_ =	strace $0x90000047  }
0x300: {  	s0 =	stileid.u32;
	[bflag:$0x2] =	sbarrier.arrive $0xFFFF  }
0x301: {  	p0 =	sne.s32 s0, $0x0;
	s0 =	rddreg [dreg:$0x1]  }
0x302: {  	s0 =	sadd.s32 @!p0 $0x100000, s0  }
0x303: {  	[sflag:s0] =	ssyncadd.tile.s32 @!p0 $0x1;
	_ =	shalt  }
.Lfunc_end2:
_tile_overlayer_lowered:
.L_overlay_start_2:
0x304: {  	(tag) =	ssettag $0x2  }
0x305: {  	s0 =	rddreg [dreg:$0x0];
	s2 =	stileid.u32  }
0x306: {  	s1 =	rddreg [dreg:$0x1];
	p0 =	sne.s32 s2, $0x0  }
0x307: {  	s3 =	rddreg [dreg:$0x2];
	[bflag:$0x3] =	sbarrier.arrive $0xFFFF;
	s2 =	simm.s32 @!p0 $0x1C04  }
0x308: {  	[timem:s3], [sflag:s2] =	dma.local @!p0 [hbm:s0], s1  }
0x309: {  	s0 =	simm.s32 @!p0 $0x4  }
0x30a: {  	_ =	swait.ge @!p0 [sflag:s0], s1  }
0x30b: {  	s1 =	ssub.s32 @!p0 $0x0, s1;
	[sflag:s0] =	ssyncset.done @!p0 $0x0  }
0x30c: {  	[sflag:s0] =	ssyncadd.s32 @!p0 s1  }
0x30d: {  	[bflag:$0x3] =	sbarrier.arrive $0xFFFF  }
0x30e: {  	_ =	shalt  }

// kernel: kernel.9.cloned.1.call-start
scs
__scs_entry_jumppad:
0x0: {  	(pc) =	sbr.rel $0x88, $3  }
0x1: {  	(tag) =	ssettag $0x0;
	lr =	simm.s32 $0x1  }
0x2: {  	[smem:$0x3F8F] =	sst lr;
	_ =	strace $0xD0000000  }
0x3: {  	_ = 	snop  }
0x4: {  	_ = 	snop  }
0x5: {  	_ = 	snop  }
0x6: {  	_ = 	snop  }
0x7: {  	_ = 	snop  }
__scs_overlays_trampoline_lowered:
0x8: {  	[smem:$0x3F9E] =	sst s0  }
0x9: {  	[smem:$0x3F9F] =	sst s1  }
0xa: {  	[smem:$0x3FA0] =	sst s2  }
0xb: {  	[smem:$0x3FA1] =	sst s3  }
0xc: {  	[smem:$0x3FA2] =	sst s4  }
0xd: {  	[smem:$0x3FA3] =	sst s5  }
0xe: {  	[smem:$0x3FA4] =	sst s6  }
0xf: {  	[smem:$0x3FA5] =	sst s7  }
0x10: {  	[smem:$0x3FA6] =	sst s8  }
0x11: {  	[smem:$0x3FA7] =	sst s9;
	s0 =	simm.s32 @!p0 $0x0  }
0x12: {  	s1 =	sld [smem:$0x3F8D];
	s0 =	simm.s32 @p0 $0x1  }
0x13: {  	[smem:$0x3FA8] =	sst s0;
	s0 =	simm.s32 @!p1 $0x0  }
0x14: {  	s2 =	sld [smem:$0x3F8C];
	s0 =	simm.s32 @p1 $0x1  }
0x15: {  	[smem:$0x3FA9] =	sst s0;
	s0 =	simm.s32 @!p2 $0x0  }
0x16: {  	s3 =	sld [smem:$0x3FDB];
	s0 =	simm.s32 @p2 $0x1  }
0x17: {  	s4 =	simm.s32 $0x1BF5;
	[smem:$0x3FAB] =	sst s0  }
0x18: {  	s0 =	sld [smem:$0x3F8E];
	_ =	swait.ge [sflag:s4], $0x0  }
0x19: {  	s7 =	sld [smem:$0x3F8F]  }
0x1a: {  	s8 =	sadd.s32 $0xFFFFE003, lr  }
0x1b: {  	s9 =	sadd.s32 $0xFFFFFEF7, lr;
	s5 =	simm.s32 $0xFFFFFFFF;
	p2 =	slt.u32 s8, $0xFFFFF086  }
0x1c: {  	p1 =	slt.u32 s9, $0xF7A;
	s5 =	simm.s32 @!p2 $0x0  }
0x1d: {  	s5 =	simm.s32 @p1 $0x1;
	p0 =	seq.s32 s7, s2  }
0x1e: {  	s7 =	smul.u32 @!p0 $0xF7A, s2;
	p2 =	seq.s32 @!p0 s5, $0x0  }
0x1f: {  	s9 =	smul.u32 $0xF7A, s1;
	s8 =	simm.s32 @!p0 $0x1BF5;
	p2 =	por !p2, p0  }
0x20: {  	[sflag:s8] =	ssyncset.s32 @!p0 $0xFFFFF086;
	s6 =	sadd.s32 @!p0 s3, s7;
	s7 =	simm.s32 @!p0 $0x108  }
0x21: {  	s3 =	sadd.s32 s3, s9;
	s6 =	sadd.s32 @!p0 $0x88, s6;
	s7 =	simm.s32 @p2 $0x1082  }
0x22: {  	[simem:s7], [sflag:s8] =	dma.local @!p0 [hbm:s6], $0xF7A  }
0x23: {  	s9 =	sor.u32 $0xD0000000, s2;
	s6 =	simm.s32 $0x108;
	_ =	swait.ge @!p0 [sflag:s8], $0x0  }
0x24: {  	s3 =	sadd.s32 $0x88, s3;
	s6 =	simm.s32 @!p1 $0x1082;
	[sflag:s4] =	ssyncset.s32 $0xFFFFF086  }
0x25: {  	[simem:s6], [sflag:s4] =	dma.local [hbm:s3], $0xF7A  }
0x26: {  	[smem:$0x3F8F] =	sst s1;
	(tag) =	ssettag s2;
	_ =	strace s9  }
0x27: {  	s1 =	sld [smem:$0x3F9F]  }
0x28: {  	s2 =	sld [smem:$0x3FA0]  }
0x29: {  	s4 =	sld [smem:$0x3FA2]  }
0x2a: {  	p0 =	seq.s32 s5, $0x0;
	s5 =	sld [smem:$0x3FA3]  }
0x2b: {  	s6 =	sld [smem:$0x3FA4]  }
0x2c: {  	s7 =	sld [smem:$0x3FA5]  }
0x2d: {  	s3 =	simm.s32 $0x108;
	s8 =	sld [smem:$0x3FA6]  }
0x2e: {  	s3 =	simm.s32 @!p0 $0x1082;
	s9 =	sld [smem:$0x3FA7]  }
0x2f: {  	lr =	sadd.s32 s0, s3;
	s0 =	sld [smem:$0x3F9E]  }
0x30: {  	s3 =	sld [smem:$0x3FA1]  }
0x31: {  	[smem:$0x3FAA] =	sst s10  }
0x32: {  	s10 =	sld [smem:$0x3FA8];
	_ =	sdelay $0x3  }
0x33: {  	p0 =	seq.s32 s10, $0x1;
	s10 =	sld [smem:$0x3FAA];
	_ =	sdelay $0x3  }
0x34: {  	[smem:$0x3FAA] =	sst s10  }
0x35: {  	s10 =	sld [smem:$0x3FA9];
	_ =	sdelay $0x3  }
0x36: {  	p1 =	seq.s32 s10, $0x1;
	s10 =	sld [smem:$0x3FAA];
	_ =	sdelay $0x3  }
0x37: {  	[smem:$0x3FAA] =	sst s10  }
0x38: {  	s10 =	sld [smem:$0x3FAB]  }
0x39: {  	_ = 	snop;
	(pc) =	sbr.ind lr, $3  }
0x3a: {  	_ = 	snop  }
0x3b: {  	_ = 	snop  }
0x3c: {  	p2 =	seq.s32 s10, $0x1;
	s10 =	sld [smem:$0x3FAA]  }
0x3d: {  	_ =	shalt  }
0x3e: {  	_ =	shalt  }
0x3f: {  	_ =	shalt  }
0x40: {  	_ =	shalt  }
0x41: {  	_ =	shalt  }
0x42: {  	_ =	shalt  }
0x43: {  	_ =	shalt  }
0x44: {  	_ =	shalt  }
0x45: {  	_ =	shalt  }
0x46: {  	_ =	shalt  }
0x47: {  	_ =	shalt  }
0x48: {  	_ =	shalt  }
0x49: {  	_ =	shalt  }
0x4a: {  	_ =	shalt  }
0x4b: {  	_ =	shalt  }
0x4c: {  	_ =	shalt  }
0x4d: {  	_ =	shalt  }
0x4e: {  	_ =	shalt  }
0x4f: {  	_ =	shalt  }
0x50: {  	_ =	shalt  }
0x51: {  	_ =	shalt  }
0x52: {  	_ =	shalt  }
0x53: {  	_ =	shalt  }
0x54: {  	_ =	shalt  }
0x55: {  	_ =	shalt  }
0x56: {  	_ =	shalt  }
0x57: {  	_ =	shalt  }
0x58: {  	_ =	shalt  }
0x59: {  	_ =	shalt  }
0x5a: {  	_ =	shalt  }
0x5b: {  	_ =	shalt  }
0x5c: {  	_ =	shalt  }
0x5d: {  	_ =	shalt  }
0x5e: {  	_ =	shalt  }
0x5f: {  	_ =	shalt  }
0x60: {  	_ =	shalt  }
0x61: {  	_ =	shalt  }
0x62: {  	_ =	shalt  }
0x63: {  	_ =	shalt  }
0x64: {  	_ =	shalt  }
0x65: {  	_ =	shalt  }
0x66: {  	_ =	shalt  }
0x67: {  	_ =	shalt  }
0x68: {  	_ =	shalt  }
0x69: {  	_ =	shalt  }
0x6a: {  	_ =	shalt  }
0x6b: {  	_ =	shalt  }
0x6c: {  	_ =	shalt  }
0x6d: {  	_ =	shalt  }
0x6e: {  	_ =	shalt  }
0x6f: {  	_ =	shalt  }
0x70: {  	_ =	shalt  }
0x71: {  	_ =	shalt  }
0x72: {  	_ =	shalt  }
0x73: {  	_ =	shalt  }
0x74: {  	_ =	shalt  }
0x75: {  	_ =	shalt  }
0x76: {  	_ =	shalt  }
0x77: {  	_ =	shalt  }
0x78: {  	_ =	shalt  }
0x79: {  	_ =	shalt  }
0x7a: {  	_ =	shalt  }
0x7b: {  	_ =	shalt  }
0x7c: {  	_ =	shalt  }
0x7d: {  	_ =	shalt  }
0x7e: {  	_ =	shalt  }
0x7f: {  	_ =	shalt  }
0x80: {  	_ =	shalt  }
0x81: {  	_ =	shalt  }
0x82: {  	_ =	shalt  }
0x83: {  	_ =	shalt  }
0x84: {  	_ =	shalt  }
0x85: {  	_ =	shalt  }
0x86: {  	_ =	shalt  }
0x87: {  	_ =	shalt  }
.Lfunc_end0:
.L_simem_size_0:
called_computation.1_lowered:
.L_overlay_start_0:
0x88: {  	s2 =	sld [smem:$0x3FD9]  }
0x89: {  	s3 =	sld [smem:$0x3FFE];
	_ =	sdelay $0x1  }
0x8a: {  	s1 =	srdreg.scid  }
0x8b: {  	s0 =	sand.u32 $0x1, s1  }
0x8c: {  	s16 =	sshll.u32 s0, $0xA;
	s2 =	sadd.s32 s3, s2  }
0x8d: {  	s2 =	sadd.s32 s2, s16  }
0x8e: {  	[smem:$0x3FB6] =	sst s2  }
0x8f: {  	_ = 	snop  }
0x90: {  	(tm) =	ssettm $0x1  }
0x91: {  	s17 =	sld [smem:$0x3FFB];
	_ =	sdelay $0x3  }
0x92: {  	_ =	strace s17  }
0x93: {  	s2 =	sld [smem:$0x3FFC];
	_ =	sdelay $0x3  }
0x94: {  	_ =	strace s2  }
0x95: {  	s2 =	sld [smem:$0x3FFD];
	_ =	sdelay $0x3  }
0x96: {  	_ =	strace s2  }
0x97: {  	_ =	strace $0x8FFFFFFF  }
0x98: {  	s18 =	sld [smem:$0x3FDB];
	_ =	sdelay $0x1  }
0x99: {  	s19 =	simm.s32 $_scs_section_size  }
0x9a: {  	s4 =	simm.s32 $_size__tile_overlayer_lowered;
	s5 =	simm.s32 $_tile_overlayer_lowered  }
0x9b: {  	s22 =	simm.s32 $0x1BFF;
	s21 =	sshll.u32 s5, $0x1;
	s2 =	sadd.s32 s19, s18  }
0x9c: {  	s6 =	simm.s32 $0x0;
	s20 =	sshll.u32 s4, $0x1;
	s4 =	sadd.s32 s21, s2  }
0x9d: {  	[timem:s6], [sflag:s22] =	dma.local [hbm:s4], s20  }
0x9e: {  	_ =	swait.ge [sflag:s22], s20  }
0x9f: {  	s3 =	ssub.s32 $0x0, s20;
	[sflag:s22] =	ssyncset.done $0x0  }
0xa0: {  	[sflag:s22] =	ssyncadd.s32 s3;
	_ =	sdelay $0x1  }
0xa1: {  	s23 =	simm.s32 $0x1B8B  }
0xa2: {  	_ =	swait.ge [sflag:s23], $0x1  }
0xa3: {  	[sflag:s23] =	ssyncset.done $0x0  }
0xa4: {  	s25 =	simm.s32 $0x1B8E;
	s24 =	sld [smem:$0x3FFE];
	[sflag:s23] =	ssyncadd.s32 $0xFFFFFFFF  }
0xa5: {  	s26 =	simm.s32 $execute0_lowered;
	[smem:$0x3FD2] =	sst s25  }
0xa6: {  	s4 =	sshll.u32 s26, $0x1;
	_ =	strace $0x80000049;
	[dreg:$0x1] =	wrdreg $0xFFFFFFFF  }
0xa7: {  	s28 =	simm.s32 $_size_execute0_lowered;
	s2 =	sadd.s32 s2, s4;
	[dreg:$0x0] =	wrdreg $0x0  }
0xa8: {  	s4 =	sshll.u32 s28, $0x1;
	[dreg:$0x2] =	wrdreg s2  }
0xa9: {  	[dreg:$0x3] =	wrdreg s4  }
0xaa: {  	[dreg:$0x4] =	wrdreg $0xC0  }
0xab: {  	_ =	task [dreg:s6], $0x5FFFF  }
0xac: {  	[dreg:$0x1] =	wrdreg $0xFFFFFFFF  }
0xad: {  	[dreg:$0x0] =	wrdreg $0x60  }
0xae: {  	[dreg:$0x2] =	wrdreg s24  }
0xaf: {  	[dreg:$0x3] =	wrdreg $0x51000  }
0xb0: {  	[dreg:$0x4] =	wrdreg $0x9  }
0xb1: {  	_ =	task.clear_ibuf [dreg:s6], $0x5FFFF;
	_ =	strace $0x90000049  }
0xb2: {  	s29 =	simm.s32 $0x9;
	_ =	strace $0x8000004B  }
0xb3: {  	_ =	swait.ge [sflag:s29], $0x1  }
0xb4: {  	[sflag:s29] =	ssyncadd.s32 $0xFFFFFFFF  }
0xb5: {  	_ =	strace $0x9000004B  }
0xb6: {  	_ =	sfence  }
0xb7: {  	s30 =	sld [smem:$0x0];
	_ =	sdelay $0x2  }
0xb8: {  	s31 =	sshll.u32 s1, $0xD;
	s1 =	sshrl.u32 s1, $0x2  }
0xb9: {  	s3 =	sand.u32 $0x4000, s31;
	s1 =	sadd.s32 s1, s30  }
0xba: {  	s0 =	sor.u32 s3, s0;
	s1 =	sshll.u32 s1, $0x11  }
0xbb: {  	s0 =	sor.u32 s1, s0  }
0xbc: {  	s0 =	sadd.s32 $0x8F2B, s0  }
0xbd: {  	[sflag:s0] =	ssyncadd.remote.s32 $0x1  }
0xbe: {  	_ =	sfence.sel $0xFFFF  }
0xbf: {  	[dreg:$0x0] =	wrdreg $0xFFFFFFFF;
	(pc) =	sbr.abs _section_cstart, $3  }
0xc0: {  	[dreg:$0x1] =	wrdreg $0xFFFFFFFF  }
0xc1: {  	_ =	task.clear_ibuf [dreg:s6], $0x2FFFF;
	_ =	strace $0x9FFFFFFF  }
0xc2: {  	(tm) =	ssettm $0x7FFFFFFF  }
0xc3: {  	_ =	shalt  }
tec
execute0_lowered:
.L_overlay_start_1:
0x0: {  	(tag) =	ssettag $0x1  }
0x1: {  	s11 =	stileid.u32  }
0x2: {  	s0 =	rddreg [dreg:$0x0];
	s1 =	smul.u32 $0x19000, s11  }
0x3: {  	s2 =	rddreg [dreg:$0x1];
	s4 =	smul.u32 $0x500, s11  }
0x4: {  	s3 =	simm.s32 $0x0;
	s5 =	srdreg.scid;
	s6 =	smul.u32 $0x64000, s11  }
0x5: {  	[smem:$0x7FF] =	sst s3;
	s5 =	sand.u32 $0x1, s5;
	s9 =	smul.u32 $0x4E2, s11  }
0x6: {  	s14 =	sshll.u32 s11, $0x6;
	s16 =	smul.u32 $0x61A80, s11;
	_ =	strace $0x8000004A  }
0x7: {  	s8 =	ssub.s32 $0x2, s5;
	s18 =	smul.u32 $0x4E20, s5;
	s1 =	sadd.s32 s1, s0  }
0x8: {  	s7 =	sadd.s32 s4, s0;
	s4 =	sadd.s32 $0x198A00, s0;
	s13 =	sshrl.u32 s8, $0x1  }
0x9: {  	s6 =	sshrl.u32 s6, $0x2;
	s0 =	sadd.s32 $0x199000, s0;
	s10 =	ssub.s32 s8, s13  }
0xa: {  	s5 =	sadd.s32 s6, s2;
	s15 =	sadd.s32 s9, s18;
	s6 =	sor.u32 $0x1C01, s14  }
0xb: {  	s9 =	sshrl.u32 s16, $0x2;
	s19 =	sadd.s32 $0x3A00, s1;
	s12 =	smul.u32 $0x50, s15  }
0xc: {  	s17 =	sadd.s32 $0x2800, s5;
	s8 =	smul.u32 $0xA, s15;
	s29 =	smax.u32 s10, $0x1  }
0xd: {  	s15 =	sadd.s32 $0xA000, s5;
	[dreg:$0xd] =	wrdreg s29;
	s1 =	sshrl.u32 s17, $0x3  }
0xe: {  	v0 =	vmov s18;
	s18 =	simm.s32 $0x2900;
	s10 =	sshrl.u32 s15, $0x3;
	[dreg:$0xe] =	wrdreg s1  }
0xf: {  	s13 =	sadd.s32 $0x5000, s5;
	s8 =	sadd.s32 s0, s8;
	[dreg:$0x11] =	wrdreg s10  }
0x10: {  	s14 =	sadd.s32 $0x7800, s5;
	s12 =	sshrl.u32 s12, $0x3;
	[dreg:$0x3] =	wrdreg s8  }
0x11: {  	s8 =	sadd.s32 s9, s2;
	s0 =	sadd.s32 s0, s12;
	s9 =	sshrl.u32 s14, $0x3  }
0x12: {  	s11 =	sadd.s32 $0xC800, s5;
	s20 =	sadd.s32 $0x4E2, s0;
	[dreg:$0x10] =	wrdreg s9  }
0x13: {  	s16 =	sadd.s32 $0x16800, s5;
	s21 =	sadd.s32 $0x9C4, s0;
	[dreg:$0x4] =	wrdreg s20  }
0x14: {  	s15 =	sadd.s32 $0x14000, s5;
	s22 =	sadd.s32 $0xEA6, s0;
	[dreg:$0x5] =	wrdreg s21  }
0x15: {  	s30 =	sshrl.u32 s16, $0x3;
	s23 =	sadd.s32 $0x1388, s0;
	[dreg:$0x6] =	wrdreg s22  }
0x16: {  	s16 =	simm.s32 $0x2;
	s24 =	sadd.s32 $0x186A, s0;
	[dreg:$0x7] =	wrdreg s23  }
0x17: {  	s12 =	sadd.s32 $0xF000, s5;
	s25 =	sadd.s32 $0x1D4C, s0;
	[dreg:$0x8] =	wrdreg s24  }
0x18: {  	s14 =	sadd.s32 $0x11800, s5;
	s26 =	sadd.s32 $0x222E, s0;
	[dreg:$0x9] =	wrdreg s25  }
0x19: {  	s28 =	sadd.s32 $0x2710, s0;
	s0 =	sadd.s32 $0x2BF2, s0;
	[dreg:$0xa] =	wrdreg s26  }
0x1a: {  	s17 =	sadd.s32 $0x2710, s8;
	s29 =	sadd.s32 $0x15F90, s8;
	[dreg:$0xb] =	wrdreg s28  }
0x1b: {  	[dreg:$0xc] =	wrdreg s0;
	s20 =	sadd.s32 $0x193A00, s7;
	s7 =	sshrl.u32 s13, $0x3  }
0x1c: {  	s0 =	sshrl.u32 s11, $0x3;
	s13 =	sshrl.u32 s12, $0x3;
	s31 =	sshrl.u32 s17, $0x3  }
0x1d: {  	s21 =	sadd.s32 $0x4E20, s8;
	s22 =	sadd.s32 $0x7530, s8;
	s23 =	sadd.s32 $0x9C40, s8  }
0x1e: {  	s24 =	sadd.s32 $0xC350, s8;
	s25 =	sadd.s32 $0xEA60, s8;
	[dreg:$0xf] =	wrdreg s7  }
0x1f: {  	s26 =	sadd.s32 $0x11170, s8;
	s28 =	sadd.s32 $0x13880, s8;
	[dreg:$0x12] =	wrdreg s0  }
0x20: {  	s17 =	simm.s32 $0x80;
	[dreg:$0x13] =	wrdreg s13;
	s0 =	sshrl.u32 s14, $0x3  }
0x21: {  	s1 =	sshrl.u32 s22, $0x3;
	s7 =	sshrl.u32 s23, $0x3;
	s9 =	sshrl.u32 s24, $0x3  }
0x22: {  	s10 =	sshrl.u32 s25, $0x3;
	s11 =	sshrl.u32 s26, $0x3;
	s12 =	sshrl.u32 s28, $0x3  }
0x23: {  	s13 =	sshrl.u32 s29, $0x3;
	s14 =	simm.s32 $0x1;
	s22 =	simm.s32 $0x0  }
0x24: {  	[dreg:$0x14] =	wrdreg s0;
	s0 =	sshrl.u32 s15, $0x3;
	s15 =	simm.s32 $0x100  }
0x25: {  	[dreg:$0x15] =	wrdreg s0;
	s0 =	sshrl.u32 s21, $0x3;
	s21 =	simm.s32 $0x3  }
.LBB2_1:
0x26: {  	s23 =	sshrl.u32 s5, $0x3  }
0x27: {  	[spmem:s23], [sflag:s6] =	dma.local [hbm:s4], $0x500  }
0x28: {  	s23 =	rddreg [dreg:$0xe]  }
0x29: {  	[spmem:s23], [sflag:s6] =	dma.local [hbm:s4], $0x500  }
0x2a: {  	s23 =	rddreg [dreg:$0xf]  }
0x2b: {  	[spmem:s23], [sflag:s6] =	dma.local [hbm:s4], $0x500  }
0x2c: {  	s23 =	rddreg [dreg:$0x10]  }
0x2d: {  	[spmem:s23], [sflag:s6] =	dma.local [hbm:s4], $0x500  }
0x2e: {  	s23 =	rddreg [dreg:$0x11]  }
0x2f: {  	[spmem:s23], [sflag:s6] =	dma.local [hbm:s4], $0x500  }
0x30: {  	s23 =	rddreg [dreg:$0x12]  }
0x31: {  	[spmem:s23], [sflag:s6] =	dma.local [hbm:s4], $0x500  }
0x32: {  	s23 =	rddreg [dreg:$0x13]  }
0x33: {  	[spmem:s23], [sflag:s6] =	dma.local [hbm:s4], $0x500  }
0x34: {  	s23 =	rddreg [dreg:$0x14]  }
0x35: {  	[spmem:s23], [sflag:s6] =	dma.local [hbm:s4], $0x500  }
0x36: {  	s23 =	rddreg [dreg:$0x15]  }
0x37: {  	[spmem:s23], [sflag:s6] =	dma.local [hbm:s4], $0x500  }
0x38: {  	[spmem:s30], [sflag:s6] =	dma.local [hbm:s4], $0x500  }
0x39: {  	_ =	swait.ge [sflag:s14], $0x500  }
0x3a: {  	[sflag:s14] =	ssyncset.done $0x0  }
0x3b: {  	[sflag:s14] =	ssyncadd.s32 $0xFFFFFB00  }
0x3c: {  	_ =	swait.ge [sflag:s14], $0x500  }
0x3d: {  	[sflag:s14] =	ssyncset.done $0x0  }
0x3e: {  	[sflag:s14] =	ssyncadd.s32 $0xFFFFFB00  }
0x3f: {  	_ =	swait.ge [sflag:s14], $0x500  }
0x40: {  	[sflag:s14] =	ssyncset.done $0x0  }
0x41: {  	[sflag:s14] =	ssyncadd.s32 $0xFFFFFB00  }
0x42: {  	_ =	swait.ge [sflag:s14], $0x500  }
0x43: {  	[sflag:s14] =	ssyncset.done $0x0  }
0x44: {  	[sflag:s14] =	ssyncadd.s32 $0xFFFFFB00  }
0x45: {  	_ =	swait.ge [sflag:s14], $0x500  }
0x46: {  	[sflag:s14] =	ssyncset.done $0x0  }
0x47: {  	[sflag:s14] =	ssyncadd.s32 $0xFFFFFB00  }
0x48: {  	_ =	swait.ge [sflag:s14], $0x500  }
0x49: {  	[sflag:s14] =	ssyncset.done $0x0  }
0x4a: {  	[sflag:s14] =	ssyncadd.s32 $0xFFFFFB00  }
0x4b: {  	_ =	swait.ge [sflag:s14], $0x500  }
0x4c: {  	[sflag:s14] =	ssyncset.done $0x0  }
0x4d: {  	[sflag:s14] =	ssyncadd.s32 $0xFFFFFB00  }
0x4e: {  	_ =	swait.ge [sflag:s14], $0x500  }
0x4f: {  	[sflag:s14] =	ssyncset.done $0x0  }
0x50: {  	[sflag:s14] =	ssyncadd.s32 $0xFFFFFB00  }
0x51: {  	_ =	swait.ge [sflag:s14], $0x500  }
0x52: {  	[sflag:s14] =	ssyncset.done $0x0  }
0x53: {  	[sflag:s14] =	ssyncadd.s32 $0xFFFFFB00  }
0x54: {  	_ =	swait.ge [sflag:s14], $0x500  }
0x55: {  	[sflag:s14] =	ssyncset.done $0x0  }
0x56: {  	[sflag:s14] =	ssyncadd.s32 $0xFFFFFB00  }
0x57: {  	s29 =	sadd.s32 $0x0, s20;
	[bflag:$0x0] =	sbarrier.arrive $0xFFFF  }
0x58: {  	[tilespmem:s3], [sflag:$0x1] =	stream.linear.gather [hbm4b:s29+s3], $0x100, $0x38;
	[tilespmem:$0x1E100] =	vst v63  }
0x59: {  	_ = 	snop  }
0x5a: {  	[tilespmem:s15], [sflag:$0x2] =	stream.linear.gather [hbm4b:s19+s3], $0x5000, $0x38;
	[tilespmem:$0x1E100] =	vst v63  }
0x5b: {  	_ =	swait.ge [sflag:s14], $0x100  }
0x5c: {  	[sflag:s14] =	ssyncset.done $0x0  }
0x5d: {  	[sflag:s14] =	ssyncadd.s32 $0xFFFFFF00  }
0x5e: {  	_ =	swait.ge [sflag:s16], $0x5000  }
0x5f: {  	[sflag:s16] =	ssyncset.done $0x0  }
0x60: {  	[sflag:s16] =	ssyncadd.s32 $0xFFFFB000  }
0x61: {  	v1 =	vld [tilespmem:$0xA0]  }
0x62: {  	v2 =	vld [tilespmem:$0xB0]  }
0x63: {  	v5 =	vld [tilespmem:$0xD0]  }
0x64: {  	v6 =	vld [tilespmem:$0xF0]  }
0x65: {  	v8 =	vld [tilespmem:$0x80]  }
0x66: {  	v10 =	vld [tilespmem:$0x20];
	_ =	sdelay $0x1  }
0x67: {  	v7 =	vsub.s32 v1, v0  }
0x68: {  	v3 =	vld [tilespmem:$0x60];
	v4 =	vand.u32 $0xFF, v1;
	v1 =	vsub.s32 v2, v0;
	v11 =	vsub.s32 v5, v0  }
0x69: {  	v12 =	vand.u32 $0xFF, v6;
	v5 =	vand.u32 $0xFF, v5;
	v6 =	vsub.s32 v6, v0  }
0x6a: {  	v14 =	vand.u32 $0xFF, v8;
	v15 =	vsub.s32 v10, v0;
	v10 =	vand.u32 $0xFF, v10  }
0x6b: {  	v8 =	vsub.s32 v8, v0;
	vm1 =	vgt.u32 v7, $0x4E1F;
	v9 =	vadd.s32 $0x4E20, v4  }
0x6c: {  	vm0 =	vgt.u32 v1, $0x4E1F;
	v4 =	vand.u32 $0xFF, v2;
	v7 =	vsel vm1, v9, v7;
	v9 =	vld [tilespmem:$0x40]  }
0x6d: {  	v2 =	vsub.s32 v3, v0;
	v3 =	vand.u32 $0xFF, v3;
	vm2 =	vgt.u32 v11, $0x4E1F  }
0x6e: {  	v13 =	vld [tilespmem:$0x30];
	v5 =	vadd.s32 $0x4E20, v5;
	v12 =	vadd.s32 $0x4E20, v12;
	v14 =	vadd.s32 $0x4E20, v14  }
0x6f: {  	vm4 =	vgt.u32 v8, $0x4E1F;
	v11 =	vsel vm2, v5, v11;
	vm2 =	vgt.u32 v6, $0x4E1F;
	v5 =	vld [tilespmem:$0x0]  }
0x70: {  	v3 =	vadd.s32 $0x4E20, v3;
	vm1 =	vgt.u32 v2, $0x4E1F;
	v12 =	vsel vm2, v12, v6;
	v6 =	vld [tilespmem:$0x90]  }
0x71: {  	vm2 =	vgt.u32 v15, $0x4E1F;
	[tilespmem:$0xA0] =	vst v7;
	v16 =	vsub.s32 v9, v0;
	v9 =	vand.u32 $0xFF, v9  }
0x72: {  	v7 =	vadd.s32 $0x4E20, v10;
	[tilespmem:$0xD0] =	vst v11;
	vm3 =	vgt.u32 v16, $0x4E1F;
	v9 =	vadd.s32 $0x4E20, v9  }
0x73: {  	v10 =	vand.u32 $0xFF, v13;
	v11 =	vsub.s32 v13, v0;
	[tilespmem:$0xF0] =	vst v12;
	v16 =	vsel vm3, v9, v16  }
0x74: {  	s24 =	sadd.s32 $0xA00, s19;
	v12 =	vadd.s32 $0x4E20, v10;
	v9 =	vsel vm4, v14, v8;
	v8 =	vld [tilespmem:$0x10];
	v14 =	vsel vm2, v7, v15;
	[tilespmem:$0x40] =	vst v16  }
0x75: {  	s26 =	simm.s32 $0x40;
	s25 =	smov.u32 s24;
	s23 =	simm.s32 $0x20;
	v10 =	vsub.s32 v5, v0;
	v13 =	vand.u32 $0xFF, v6;
	v7 =	vld [tilespmem:$0x50];
	vm2 =	vgt.u32 v11, $0x4E1F;
	[tilespmem:$0x20] =	vst v14  }
.LBB2_2:
0x76: {  	p0 =	sne.s32 s26, $0x4E0  }
0x77: {  	s24 =	sadd.s32 $0xA00, s24;
	vm3 =	vgt.u32 v10, $0x4E1F;
	v5 =	vand.u32 $0xFF, v5;
	v11 =	vsel vm2, v12, v11;
	[tilespmem:$0x80] =	vst v9;
	s28 =	smov.u32 s26;
	s26 =	sadd.s32 $0x20, s26  }
0x78: {  	v6 =	vsub.s32 v6, v0;
	v5 =	vadd.s32 $0x4E20, v5;
	[tilespmem:$0x30] =	vst v11;
	v9 =	vld [tilespmem:$0x70];
	v11 =	vadd.s32 $0x4E20, v13  }
0x79: {  	vm2 =	vgt.u32 v6, $0x4E1F;
	v5 =	vsel vm3, v5, v10;
	v10 =	vand.u32 $0xFF, v8  }
0x7a: {  	v6 =	vsel vm2, v11, v6;
	[tilespmem:$0x0] =	vst v5;
	v5 =	vsub.s32 v8, v0;
	v8 =	vsub.s32 v7, v0;
	v11 =	vld [tilespmem:$0xE0]  }
0x7b: {  	v10 =	vadd.s32 $0x4E20, v10;
	vm2 =	vgt.u32 v5, $0x4E1F;
	vm3 =	vgt.u32 v8, $0x4E1F;
	[tilespmem:$0x90] =	vst v6;
	v6 =	vld [tilespmem:$0xC0]  }
0x7c: {  	v4 =	vadd.s32 $0x4E20, v4;
	v7 =	vand.u32 $0xFF, v7;
	v5 =	vsel vm2, v10, v5  }
0x7d: {  	v1 =	vsel vm0, v4, v1;
	[tilespmem:$0x10] =	vst v5;
	v5 =	vadd.s32 $0x4E20, v7;
	v7 =	vsub.s32 v9, v0  }
0x7e: {  	v4 =	vsel vm3, v5, v8;
	vm0 =	vgt.u32 v7, $0x4E1F;
	v5 =	vand.u32 $0xFF, v9;
	[tilespmem:$0xB0] =	vst v1  }
0x7f: {  	v1 =	vsel vm1, v3, v2;
	[tilespmem:$0x50] =	vst v4;
	v2 =	vadd.s32 $0x4E20, v5;
	v3 =	vsub.s32 v11, v0  }
0x80: {  	[tilespmem:$0x60] =	vst v1;
	v1 =	vsel vm0, v2, v7;
	vm0 =	vgt.u32 v3, $0x4E1F;
	v2 =	vand.u32 $0xFF, v11  }
0x81: {  	v4 =	vsub.s32 v6, v0;
	v5 =	vand.u32 $0xFF, v6;
	v2 =	vadd.s32 $0x4E20, v2  }
0x82: {  	vm1 =	vgt.u32 v4, $0x4E1F;
	[tilespmem:$0x70] =	vst v1;
	v1 =	vadd.s32 $0x4E20, v5;
	v2 =	vsel vm0, v2, v3  }
0x83: {  	v1 =	vsel vm1, v1, v4;
	[tilespmem:$0xE0] =	vst v2  }
0x84: {  	[tilespmem:$0xC0] =	vst v1  }
0x85: {  	[spmem:s2] =	stream.indirect.scatter.add.f32 [tilespmem:s15], [sflag:$0x3], $0x50, s3, s17, $0xb8;
	[tilespmem:$0x1E100] =	vst v63  }
0x86: {  	_ = 	snop  }
0x87: {  	[spmem:s2] =	stream.indirect.scatter.add.f32 [tilespmem:s18], [sflag:$0x3], $0x50, s17, s17, $0xb8;
	[tilespmem:$0x1E100] =	vst v63  }
0x88: {  	_ =	swait.ge [sflag:s21], $0x2800  }
0x89: {  	[sflag:s21] =	ssyncset.done $0x0  }
0x8a: {  	[sflag:s21] =	ssyncadd.s32 $0xFFFFD800  }
0x8b: {  	_ =	swait.ge [sflag:s21], $0x2800  }
0x8c: {  	[sflag:s21] =	ssyncset.done $0x0  }
0x8d: {  	s29 =	sadd.s32 s23, s20;
	s23 =	smov.u32 s28;
	[sflag:s21] =	ssyncadd.s32 $0xFFFFD800  }
0x8e: {  	[tilespmem:s3], [sflag:$0x1] =	stream.linear.gather [hbm4b:s29+s3], $0x100, $0x38;
	[tilespmem:$0x1E100] =	vst v63  }
0x8f: {  	_ = 	snop  }
0x90: {  	[tilespmem:s15], [sflag:$0x2] =	stream.linear.gather [hbm4b:s25+s3], $0x5000, $0x38;
	[tilespmem:$0x1E100] =	vst v63  }
0x91: {  	s25 =	smov.u32 s24;
	_ =	swait.ge [sflag:s14], $0x100  }
0x92: {  	[sflag:s14] =	ssyncset.done $0x0  }
0x93: {  	[sflag:s14] =	ssyncadd.s32 $0xFFFFFF00  }
0x94: {  	_ =	swait.ge [sflag:s16], $0x5000  }
0x95: {  	[sflag:s16] =	ssyncset.done $0x0  }
0x96: {  	[sflag:s16] =	ssyncadd.s32 $0xFFFFB000  }
0x97: {  	v1 =	vld [tilespmem:$0xA0]  }
0x98: {  	v2 =	vld [tilespmem:$0xB0]  }
0x99: {  	v3 =	vld [tilespmem:$0x60]  }
0x9a: {  	v5 =	vld [tilespmem:$0xD0]  }
0x9b: {  	v6 =	vld [tilespmem:$0xF0]  }
0x9c: {  	v7 =	vsub.s32 v1, v0  }
0x9d: {  	v4 =	vand.u32 $0xFF, v1;
	v8 =	vld [tilespmem:$0x20];
	vm1 =	vgt.u32 v7, $0x4E1F;
	v1 =	vsub.s32 v2, v0  }
0x9e: {  	v10 =	vadd.s32 $0x4E20, v4;
	v4 =	vand.u32 $0xFF, v2;
	v9 =	vld [tilespmem:$0x80];
	vm0 =	vgt.u32 v1, $0x4E1F  }
0x9f: {  	v2 =	vsub.s32 v3, v0;
	v3 =	vand.u32 $0xFF, v3;
	v7 =	vsel vm1, v10, v7;
	v11 =	vld [tilespmem:$0x40]  }
0xa0: {  	v3 =	vadd.s32 $0x4E20, v3;
	v10 =	vsub.s32 v5, v0;
	v12 =	vand.u32 $0xFF, v6  }
0xa1: {  	vm1 =	vgt.u32 v2, $0x4E1F;
	v5 =	vand.u32 $0xFF, v5;
	vm2 =	vgt.u32 v10, $0x4E1F;
	[tilespmem:$0xA0] =	vst v7  }
0xa2: {  	v5 =	vadd.s32 $0x4E20, v5;
	v6 =	vsub.s32 v6, v0;
	v12 =	vadd.s32 $0x4E20, v12;
	v7 =	vld [tilespmem:$0x30]  }
0xa3: {  	v10 =	vsel vm2, v5, v10;
	vm2 =	vgt.u32 v6, $0x4E1F;
	v13 =	vand.u32 $0xFF, v9  }
0xa4: {  	v14 =	vsub.s32 v8, v0;
	v5 =	vld [tilespmem:$0x0];
	v13 =	vadd.s32 $0x4E20, v13;
	[tilespmem:$0xD0] =	vst v10;
	v10 =	vsel vm2, v12, v6  }
0xa5: {  	v8 =	vand.u32 $0xFF, v8;
	vm2 =	vgt.u32 v14, $0x4E1F;
	v12 =	vsub.s32 v11, v0;
	v6 =	vld [tilespmem:$0x90];
	[tilespmem:$0xF0] =	vst v10  }
.Ltmp0:
0xa6: {  	v9 =	vsub.s32 v9, v0;
	v11 =	vand.u32 $0xFF, v11;
	v10 =	vadd.s32 $0x4E20, v8;
	(pc) =	sbr.rel @p0 .LBB2_2-.Ltmp0, $4  }
0xa7: {  	vm4 =	vgt.u32 v9, $0x4E1F;
	vm3 =	vgt.u32 v12, $0x4E1F;
	v11 =	vadd.s32 $0x4E20, v11;
	v8 =	vld [tilespmem:$0x10]  }
0xa8: {  	v9 =	vsel vm4, v13, v9;
	v16 =	vsel vm3, v11, v12;
	v15 =	vand.u32 $0xFF, v7  }
0xa9: {  	v13 =	vsel vm2, v10, v14;
	v11 =	vsub.s32 v7, v0;
	v12 =	vadd.s32 $0x4E20, v15;
	[tilespmem:$0x40] =	vst v16;
	v7 =	vld [tilespmem:$0x50]  }
0xaa: {  	vm2 =	vgt.u32 v11, $0x4E1F;
	v10 =	vsub.s32 v5, v0;
	[tilespmem:$0x20] =	vst v13;
	v13 =	vand.u32 $0xFF, v6  }
0xab: {  	vm3 =	vgt.u32 v10, $0x4E1F;
	v5 =	vand.u32 $0xFF, v5;
	v11 =	vsel vm2, v12, v11  }
0xac: {  	v18 =	vld [tilespmem:$0x70];
	v6 =	vsub.s32 v6, v0;
	v13 =	vadd.s32 $0x4E20, v13;
	v4 =	vadd.s32 $0x4E20, v4  }
0xad: {  	v22 =	vld [tilespmem:$0xE0];
	v5 =	vadd.s32 $0x4E20, v5;
	v19 =	vand.u32 $0xFF, v8;
	vm6 =	vgt.u32 v6, $0x4E1F  }
0xae: {  	[tilespmem:$0x80] =	vst v9;
	v23 =	vld [tilespmem:$0xC0];
	v20 =	vsub.s32 v8, v0;
	v1 =	vsel vm0, v4, v1;
	v5 =	vsel vm3, v5, v10  }
0xaf: {  	[tilespmem:$0x30] =	vst v11;
	v6 =	vsel vm6, v13, v6;
	vm7 =	vgt.u32 v20, $0x4E1F;
	v10 =	vadd.s32 $0x4E20, v19  }
0xb0: {  	[tilespmem:$0xB0] =	vst v1;
	v1 =	vsel vm1, v3, v2;
	v21 =	vsub.s32 v7, v0;
	v24 =	vand.u32 $0xFF, v7  }
0xb1: {  	[tilespmem:$0x0] =	vst v5;
	v8 =	vsel vm7, v10, v20;
	vm8 =	vgt.u32 v21, $0x4E1F;
	v25 =	vadd.s32 $0x4E20, v24  }
0xb2: {  	[tilespmem:$0x90] =	vst v6;
	v26 =	vsub.s32 v18, v0;
	v27 =	vsel vm8, v25, v21;
	v28 =	vand.u32 $0xFF, v18  }
0xb3: {  	[tilespmem:$0x60] =	vst v1;
	v3 =	vsub.s32 v22, v0;
	v29 =	vand.u32 $0xFF, v22;
	v1 =	vsub.s32 v23, v0  }
0xb4: {  	[tilespmem:$0x10] =	vst v8;
	v5 =	vand.u32 $0xFF, v23;
	vm9 =	vgt.u32 v26, $0x4E1F;
	v2 =	vadd.s32 $0x4E20, v28  }
0xb5: {  	[tilespmem:$0x50] =	vst v27;
	vm10 =	vgt.u32 v3, $0x4E1F;
	v4 =	vadd.s32 $0x4E20, v29;
	v2 =	vsel vm9, v2, v26  }
0xb6: {  	vm11 =	vgt.u32 v1, $0x4E1F;
	v3 =	vsel vm10, v4, v3;
	[tilespmem:$0x70] =	vst v2;
	v2 =	vadd.s32 $0x4E20, v5  }
0xb7: {  	[tilespmem:$0xE0] =	vst v3;
	v1 =	vsel vm11, v2, v1  }
0xb8: {  	[tilespmem:$0xC0] =	vst v1  }
0xb9: {  	[spmem:s2] =	stream.indirect.scatter.add.f32 [tilespmem:s15], [sflag:$0x3], $0x50, s3, s17, $0xb8;
	[tilespmem:$0x1E100] =	vst v63  }
0xba: {  	_ = 	snop  }
0xbb: {  	[spmem:s2] =	stream.indirect.scatter.add.f32 [tilespmem:s18], [sflag:$0x3], $0x50, s17, s17, $0xb8;
	[tilespmem:$0x1E100] =	vst v63  }
0xbc: {  	_ =	swait.ge [sflag:s21], $0x2800  }
0xbd: {  	[sflag:s21] =	ssyncset.done $0x0  }
0xbe: {  	[sflag:s21] =	ssyncadd.s32 $0xFFFFD800  }
0xbf: {  	_ =	swait.ge [sflag:s21], $0x2800  }
0xc0: {  	[sflag:s21] =	ssyncset.done $0x0  }
0xc1: {  	s23 =	sadd.s32 s23, s20;
	[sflag:s21] =	ssyncadd.s32 $0xFFFFD800  }
0xc2: {  	[tilespmem:s3], [sflag:$0x1] =	stream.linear.gather [hbm4b:s23+s3], $0x100, $0x38;
	[tilespmem:$0x1E100] =	vst v63  }
0xc3: {  	_ = 	snop  }
0xc4: {  	[tilespmem:s15], [sflag:$0x2] =	stream.linear.gather [hbm4b:s25+s3], $0x5000, $0x38;
	[tilespmem:$0x1E100] =	vst v63  }
0xc5: {  	_ =	swait.ge [sflag:s14], $0x100  }
0xc6: {  	[sflag:s14] =	ssyncset.done $0x0  }
0xc7: {  	[sflag:s14] =	ssyncadd.s32 $0xFFFFFF00  }
0xc8: {  	_ =	swait.ge [sflag:s16], $0x5000  }
0xc9: {  	[sflag:s16] =	ssyncset.done $0x0  }
0xca: {  	[sflag:s16] =	ssyncadd.s32 $0xFFFFB000  }
0xcb: {  	v1 =	vld [tilespmem:$0xA0]  }
0xcc: {  	v2 =	vld [tilespmem:$0xB0]  }
0xcd: {  	v3 =	vld [tilespmem:$0x60]  }
0xce: {  	v30 =	vld [tilespmem:$0xD0]  }
0xcf: {  	v31 =	vld [tilespmem:$0xF0]  }
0xd0: {  	v34 =	vld [tilespmem:$0x80]  }
0xd1: {  	v35 =	vld [tilespmem:$0x20]  }
0xd2: {  	v37 =	vld [tilespmem:$0x40]  }
0xd3: {  	v40 =	vld [tilespmem:$0x30]  }
0xd4: {  	v41 =	vld [tilespmem:$0x0];
	v32 =	vsub.s32 v1, v0  }
0xd5: {  	v16 =	vld [tilespmem:$0x90];
	v1 =	vand.u32 $0xFF, v1;
	v33 =	vsub.s32 v2, v0;
	v2 =	vand.u32 $0xFF, v2  }
0xd6: {  	v43 =	vld [tilespmem:$0x10];
	v36 =	vsub.s32 v3, v0;
	v3 =	vand.u32 $0xFF, v3;
	v38 =	vsub.s32 v30, v0  }
0xd7: {  	v47 =	vld [tilespmem:$0x50];
	v39 =	vand.u32 $0xFF, v31;
	v4 =	vand.u32 $0xFF, v30;
	v5 =	vsub.s32 v31, v0  }
0xd8: {  	v51 =	vld [tilespmem:$0x70];
	v14 =	vand.u32 $0xFF, v34;
	v15 =	vsub.s32 v35, v0;
	v42 =	vsub.s32 v37, v0  }
0xd9: {  	v57 =	vld [tilespmem:$0xE0];
	v6 =	vand.u32 $0xFF, v37;
	v8 =	vsub.s32 v34, v0;
	v9 =	vand.u32 $0xFF, v35  }
0xda: {  	v44 =	vand.u32 $0xFF, v40;
	v45 =	vsub.s32 v40, v0;
	v48 =	vsub.s32 v41, v0  }
0xdb: {  	v49 =	vand.u32 $0xFF, v16;
	v50 =	vand.u32 $0xFF, v41;
	v52 =	vsub.s32 v16, v0  }
0xdc: {  	v54 =	vand.u32 $0xFF, v43;
	v55 =	vsub.s32 v43, v0;
	v56 =	vsub.s32 v47, v0  }
0xdd: {  	v58 =	vand.u32 $0xFF, v47;
	v59 =	vsub.s32 v51, v0;
	v61 =	vand.u32 $0xFF, v51  }
0xde: {  	v62 =	vsub.s32 v57, v0;
	v63 =	vand.u32 $0xFF, v57;
	vm12 =	vgt.u32 v32, $0x4E1F  }
0xdf: {  	v1 =	vadd.s32 $0x4E20, v1;
	vm0 =	vgt.u32 v33, $0x4E1F;
	v3 =	vadd.s32 $0x4E20, v3  }
0xe0: {  	vm13 =	vgt.u32 v38, $0x4E1F;
	v4 =	vadd.s32 $0x4E20, v4;
	v1 =	vsel vm12, v1, v32  }
0xe1: {  	v12 =	vadd.s32 $0x4E20, v39;
	vm14 =	vgt.u32 v5, $0x4E1F;
	v4 =	vsel vm13, v4, v38;
	[tilespmem:$0xA0] =	vst v1  }
0xe2: {  	vm6 =	vgt.u32 v42, $0x4E1F;
	v6 =	vadd.s32 $0x4E20, v6;
	v5 =	vsel vm14, v12, v5;
	[tilespmem:$0xD0] =	vst v4  }
0xe3: {  	v14 =	vadd.s32 $0x4E20, v14;
	vm7 =	vgt.u32 v8, $0x4E1F;
	v6 =	vsel vm6, v6, v42;
	[tilespmem:$0xF0] =	vst v5  }
0xe4: {  	v53 =	vadd.s32 $0x4E20, v49;
	vm10 =	vgt.u32 v52, $0x4E1F;
	v8 =	vsel vm7, v14, v8;
	[tilespmem:$0x40] =	vst v6  }
0xe5: {  	vm15 =	vgt.u32 v15, $0x4E1F;
	v9 =	vadd.s32 $0x4E20, v9;
	v11 =	vsel vm10, v53, v52;
	[tilespmem:$0x80] =	vst v8  }
0xe6: {  	vm9 =	vgt.u32 v48, $0x4E1F;
	v1 =	vsel vm15, v9, v15;
	v5 =	vadd.s32 $0x4E20, v50;
	[tilespmem:$0x90] =	vst v11  }
0xe7: {  	vm1 =	vgt.u32 v36, $0x4E1F;
	v2 =	vadd.s32 $0x4E20, v2;
	[tilespmem:$0x20] =	vst v1;
	v1 =	vsel vm9, v5, v48  }
0xe8: {  	v46 =	vadd.s32 $0x4E20, v44;
	vm8 =	vgt.u32 v45, $0x4E1F;
	v2 =	vsel vm0, v2, v33;
	[tilespmem:$0x0] =	vst v1;
	v1 =	vld [tilespmem:$0xC0]  }
0xe9: {  	vm11 =	vgt.u32 v55, $0x4E1F;
	vm12 =	vgt.u32 v56, $0x4E1F;
	v9 =	vsel vm8, v46, v45;
	[tilespmem:$0xB0] =	vst v2  }
0xea: {  	vm13 =	vgt.u32 v59, $0x4E1F;
	v4 =	vadd.s32 $0x4E20, v54;
	v2 =	vsel vm1, v3, v36;
	[tilespmem:$0x30] =	vst v9  }
0xeb: {  	v3 =	vadd.s32 $0x4E20, v61;
	v4 =	vsel vm11, v4, v55;
	v5 =	vadd.s32 $0x4E20, v58;
	[tilespmem:$0x60] =	vst v2  }
0xec: {  	vm14 =	vgt.u32 v62, $0x4E1F;
	v3 =	vsel vm13, v3, v59;
	[tilespmem:$0x10] =	vst v4;
	v60 =	vsel vm12, v5, v56  }
0xed: {  	v4 =	vadd.s32 $0x4E20, v63;
	[tilespmem:$0x70] =	vst v3;
	v2 =	vsub.s32 v1, v0;
	v1 =	vand.u32 $0xFF, v1  }
0xee: {  	[tilespmem:$0x50] =	vst v60;
	v3 =	vsel vm14, v4, v62;
	vm15 =	vgt.u32 v2, $0x4E1F;
	v1 =	vadd.s32 $0x4E20, v1  }
0xef: {  	[tilespmem:$0xE0] =	vst v3;
	v1 =	vsel vm15, v1, v2  }
0xf0: {  	[tilespmem:$0xC0] =	vst v1  }
0xf1: {  	[spmem:s2] =	stream.indirect.scatter.add.f32 [tilespmem:s15], [sflag:$0x3], $0x50, s3, s17, $0xb8;
	[tilespmem:$0x1E100] =	vst v63  }
0xf2: {  	_ = 	snop  }
0xf3: {  	[spmem:s2] =	stream.indirect.scatter.add.f32 [tilespmem:s18], [sflag:$0x3], $0x50, s17, s17, $0xb8;
	[tilespmem:$0x1E100] =	vst v63  }
0xf4: {  	_ =	swait.ge [sflag:s21], $0x2800  }
0xf5: {  	[sflag:s21] =	ssyncset.done $0x0  }
0xf6: {  	[sflag:s21] =	ssyncadd.s32 $0xFFFFD800  }
0xf7: {  	_ =	swait.ge [sflag:s21], $0x2800  }
0xf8: {  	[sflag:s21] =	ssyncset.done $0x0  }
0xf9: {  	[sflag:s21] =	ssyncadd.s32 $0xFFFFD800  }
0xfa: {  	[bflag:$0x0] =	sbarrier.arrive $0xFFFF  }
0xfb: {  	s28 =	sshrl.u32 s8, $0x3;
	s24 =	rddreg [dreg:$0x3]  }
0xfc: {  	[hbm:s24], [sflag:s6] =	dma.local [spmem:s28], $0x4E2  }
0xfd: {  	s23 =	rddreg [dreg:$0x4]  }
0xfe: {  	[hbm:s23], [sflag:s6] =	dma.local [spmem:s31], $0x4E2  }
0xff: {  	s23 =	rddreg [dreg:$0x5]  }
0x100: {  	[hbm:s23], [sflag:s6] =	dma.local [spmem:s0], $0x4E2  }
0x101: {  	s23 =	rddreg [dreg:$0x6]  }
0x102: {  	[hbm:s23], [sflag:s6] =	dma.local [spmem:s1], $0x4E2  }
0x103: {  	s23 =	rddreg [dreg:$0x7]  }
0x104: {  	[hbm:s23], [sflag:s6] =	dma.local [spmem:s7], $0x4E2  }
0x105: {  	s23 =	rddreg [dreg:$0x8]  }
0x106: {  	[hbm:s23], [sflag:s6] =	dma.local [spmem:s9], $0x4E2  }
0x107: {  	s23 =	rddreg [dreg:$0x9]  }
0x108: {  	[hbm:s23], [sflag:s6] =	dma.local [spmem:s10], $0x4E2  }
0x109: {  	s23 =	rddreg [dreg:$0xa]  }
0x10a: {  	[hbm:s23], [sflag:s6] =	dma.local [spmem:s11], $0x4E2  }
0x10b: {  	s23 =	rddreg [dreg:$0xb]  }
0x10c: {  	[hbm:s23], [sflag:s6] =	dma.local [spmem:s12], $0x4E2  }
0x10d: {  	s23 =	rddreg [dreg:$0xc]  }
0x10e: {  	[hbm:s23], [sflag:s6] =	dma.local [spmem:s13], $0x4E2  }
0x10f: {  	_ =	swait.ge [sflag:s14], $0x4E2  }
0x110: {  	[sflag:s14] =	ssyncset.done $0x0  }
0x111: {  	[sflag:s14] =	ssyncadd.s32 $0xFFFFFB1E  }
0x112: {  	_ =	swait.ge [sflag:s14], $0x4E2  }
0x113: {  	[sflag:s14] =	ssyncset.done $0x0  }
0x114: {  	[sflag:s14] =	ssyncadd.s32 $0xFFFFFB1E  }
0x115: {  	_ =	swait.ge [sflag:s14], $0x4E2  }
0x116: {  	[sflag:s14] =	ssyncset.done $0x0  }
0x117: {  	[sflag:s14] =	ssyncadd.s32 $0xFFFFFB1E  }
0x118: {  	_ =	swait.ge [sflag:s14], $0x4E2  }
0x119: {  	[sflag:s14] =	ssyncset.done $0x0  }
0x11a: {  	[sflag:s14] =	ssyncadd.s32 $0xFFFFFB1E  }
0x11b: {  	_ =	swait.ge [sflag:s14], $0x4E2  }
0x11c: {  	[sflag:s14] =	ssyncset.done $0x0  }
0x11d: {  	[sflag:s14] =	ssyncadd.s32 $0xFFFFFB1E  }
0x11e: {  	_ =	swait.ge [sflag:s14], $0x4E2  }
0x11f: {  	[sflag:s14] =	ssyncset.done $0x0  }
0x120: {  	[sflag:s14] =	ssyncadd.s32 $0xFFFFFB1E  }
0x121: {  	_ =	swait.ge [sflag:s14], $0x4E2  }
0x122: {  	[sflag:s14] =	ssyncset.done $0x0  }
0x123: {  	[sflag:s14] =	ssyncadd.s32 $0xFFFFFB1E  }
0x124: {  	_ =	swait.ge [sflag:s14], $0x4E2  }
0x125: {  	[sflag:s14] =	ssyncset.done $0x0  }
0x126: {  	[sflag:s14] =	ssyncadd.s32 $0xFFFFFB1E  }
0x127: {  	_ =	swait.ge [sflag:s14], $0x4E2  }
0x128: {  	[sflag:s14] =	ssyncset.done $0x0  }
0x129: {  	[sflag:s14] =	ssyncadd.s32 $0xFFFFFB1E  }
0x12a: {  	_ =	swait.ge [sflag:s14], $0x4E2  }
0x12b: {  	s22 =	sadd.s32 $0x1, s22;
	s29 =	rddreg [dreg:$0xd]  }
0x12c: {  	p0 =	sne.s32 s22, s29  }
.Ltmp1:
0x12d: {  	_ = 	snop;
	(pc) =	sbr.rel @p0 .LBB2_1-.Ltmp1, $3  }
0x12e: {  	_ =	sdelay $0x1  }
0x12f: {  	[sflag:s14] =	ssyncset.done $0x0  }
0x130: {  	[sflag:s14] =	ssyncadd.s32 $0xFFFFFB1E  }
0x131: {  	_ =	sfence.sel $0x180000  }
0x132: {  	[bflag:$0x0] =	sbarrier.arrive $0xFFFF  }
0x133: {  	_ =	strace $0x9000004A  }
0x134: {  	s0 =	stileid.u32;
	[bflag:$0x2] =	sbarrier.arrive $0xFFFF  }
0x135: {  	p0 =	sne.s32 s0, $0x0;
	s0 =	rddreg [dreg:$0x2]  }
0x136: {  	s0 =	sadd.s32 @!p0 $0x100000, s0  }
0x137: {  	[sflag:s0] =	ssyncadd.tile.s32 @!p0 $0x1;
	_ =	shalt  }
.Lfunc_end2:
_tile_overlayer_lowered:
.L_overlay_start_2:
0x138: {  	(tag) =	ssettag $0x2  }
0x139: {  	s0 =	rddreg [dreg:$0x0];
	s2 =	stileid.u32  }
0x13a: {  	s1 =	rddreg [dreg:$0x1];
	p0 =	sne.s32 s2, $0x0  }
0x13b: {  	s3 =	rddreg [dreg:$0x2];
	[bflag:$0x3] =	sbarrier.arrive $0xFFFF;
	s2 =	simm.s32 @!p0 $0x1C04  }
0x13c: {  	[timem:s3], [sflag:s2] =	dma.local @!p0 [hbm:s0], s1  }
0x13d: {  	s0 =	simm.s32 @!p0 $0x4  }
0x13e: {  	_ =	swait.ge @!p0 [sflag:s0], s1  }
0x13f: {  	s1 =	ssub.s32 @!p0 $0x0, s1;
	[sflag:s0] =	ssyncset.done @!p0 $0x0  }
0x140: {  	[sflag:s0] =	ssyncadd.s32 @!p0 s1  }
0x141: {  	[bflag:$0x3] =	sbarrier.arrive $0xFFFF  }
0x142: {  	_ =	shalt  }

</sc_bundles>
